<compile_context>
chip_gen: v7x
topology: tpu7x:2x2x1
jax: 0.10.2.dev20260603
libtpu: 0.0.44.dev20260713+nightly
codegen_flags: <defaults>
</compile_context>

<pallas_src>
import functools

import jax
import jax.numpy as jnp
from jax import lax
from jax.experimental import pallas as pl
from jax.experimental.pallas import tpu as pltpu
from jax.experimental.pallas import tpu_sc as plsc

_K = 5
_T = 32
_NC, _NS, _L = 2, 16, 16
_NW = _NC * _NS



def _dist_body(x_blk_ref, cat_ref, dist_ref, cm_ref, *, blk_r, n, d):
    i = pl.program_id(0)
    x_blk = x_blk_ref[...]
    mask_blk = jnp.isnan(x_blk)
    p_blk = (~mask_blk).astype(jnp.float32)
    xz_blk = jnp.where(mask_blk, 0.0, x_blk)
    sq_blk = xz_blk * xz_blk

    cat = cat_ref[...]
    pt = cat_ref[0:d, :]
    xzt = cat_ref[2 * d:3 * d, :]

    cat_blk = jnp.concatenate([sq_blk, p_blk, -2.0 * xz_blk], axis=1)
    s = jnp.dot(cat_blk, cat, preferred_element_type=jnp.float32)
    s = jnp.maximum(s, 0.0)
    overlap = jnp.dot(p_blk, pt, preferred_element_type=jnp.float32)
    inf = jnp.float32(jnp.inf)
    dist = jnp.where(overlap > 0,
                     (jnp.float32(d) / jnp.maximum(overlap, 1.0)) * s,
                     inf)
    row_g = jax.lax.broadcasted_iota(jnp.int32, (blk_r, n), 0) + i * blk_r
    donor = jax.lax.broadcasted_iota(jnp.int32, (blk_r, n), 1)
    dist_ref[...] = jnp.where(row_g == donor, inf, dist)

    @pl.when(i == 0)
    def _():
        col_cnt = jnp.maximum(jnp.sum(pt, axis=1, keepdims=True), 1.0)
        cm_ref[...] = jnp.sum(xzt, axis=1, keepdims=True) / col_cnt


def _distances(x, blk_r=512):
    n, d = x.shape
    mask = jnp.isnan(x)
    xz = jnp.where(mask, 0.0, x)
    cat = jnp.concatenate([(~mask).astype(jnp.float32).T, (xz * xz).T, xz.T],
                          axis=0)
    dist, cm = pl.pallas_call(
        functools.partial(_dist_body, blk_r=blk_r, n=n, d=d),
        grid=(n // blk_r,),
        in_specs=[
            pl.BlockSpec((blk_r, d), lambda i: (i, 0)),
            pl.BlockSpec((3 * d, n), lambda i: (0, 0)),
        ],
        out_specs=[
            pl.BlockSpec((blk_r, n), lambda i: (i, 0)),
            pl.BlockSpec((d, 1), lambda i: (0, 0)),
        ],
        out_shape=[
            jax.ShapeDtypeStruct((n, n), jnp.float32),
            jax.ShapeDtypeStruct((d, 1), jnp.float32),
        ],
    )(x, cat)
    return dist, cm.reshape(d)



def _sc_impute(dist, x, cm):
    n, d = x.shape
    dpad = 128
    xpad = jnp.pad(x, ((0, 0), (0, dpad - d)))
    rows_w = n // _NW
    nchunk = n // _L
    inf = jnp.float32(jnp.inf)

    mesh = plsc.VectorSubcoreMesh(core_axis_name="c", subcore_axis_name="s",
                                  num_cores=_NC, num_subcores=_NS)

    @functools.partial(
        pl.kernel,
        out_type=jax.ShapeDtypeStruct((n, d), jnp.float32),
        mesh=mesh,
        compiler_params=pltpu.CompilerParams(needs_layout_passes=False),
        scratch_types=[
            pltpu.VMEM((n,), jnp.float32),
            pltpu.VMEM((n,), jnp.float32),
            pltpu.VMEM((rows_w, d), jnp.float32),
            pltpu.VMEM((rows_w, d), jnp.float32),
            pltpu.VMEM((_T,), jnp.int32),
            pltpu.VMEM((_T, dpad), jnp.float32),
            pltpu.VMEM((d,), jnp.float32),
            pltpu.VMEM((nchunk,), jnp.float32),
            pltpu.SemaphoreType.DMA,
            pltpu.SemaphoreType.DMA,
            pltpu.SemaphoreType.DMA,
        ],
    )
    def sc_kernel(dist_hbm, x_hbm, xpad_hbm, cm_hbm, out_hbm,
                  dbufA, dbufB, xslab, oslab, idxv, candv, cmv, gbuf,
                  semA, semB, semG):
        wid = lax.axis_index("s") * _NC + lax.axis_index("c")
        base = wid * rows_w
        pltpu.sync_copy(x_hbm.at[pl.ds(base, rows_w)], xslab)
        pltpu.sync_copy(cm_hbm, cmv)

        iota = lax.iota(jnp.int32, _L)

        def fmerge(ak, ai, bk, bi):
            rk = lax.rev(bk, (0,))
            ri = lax.rev(bi, (0,))
            m = ak <= rk
            lok = jnp.where(m, ak, rk)
            loi = jnp.where(m, ai, ri)
            hik = jnp.where(m, rk, ak)
            hii = jnp.where(m, ri, ai)
            lok, loi = plsc.sort_key_val(lok, loi)
            hik, hii = plsc.sort_key_val(hik, hii)
            return lok, loi, hik, hii

        def tmerge(a, b):
            a0k, a0i, a1k, a1i = a
            b0k, b0i, b1k, b1i = b
            rb0k = lax.rev(b1k, (0,))
            rb0i = lax.rev(b1i, (0,))
            rb1k = lax.rev(b0k, (0,))
            rb1i = lax.rev(b0i, (0,))
            m0 = a0k <= rb0k
            l0k = jnp.where(m0, a0k, rb0k)
            l0i = jnp.where(m0, a0i, rb0i)
            m1 = a1k <= rb1k
            l1k = jnp.where(m1, a1k, rb1k)
            l1i = jnp.where(m1, a1i, rb1i)
            m2 = l0k <= l1k
            c0k = jnp.where(m2, l0k, l1k)
            c0i = jnp.where(m2, l0i, l1i)
            c1k = jnp.where(m2, l1k, l0k)
            c1i = jnp.where(m2, l1i, l0i)
            n0k, n0i = plsc.sort_key_val(c0k, c0i)
            n1k, n1i = plsc.sort_key_val(c1k, c1i)
            return n0k, n0i, n1k, n1i

        def top32_tree(group_fns):
            s = [plsc.sort_key_val(*fn()) for fn in group_fns]
            lists = [fmerge(s[2 * p][0], s[2 * p][1],
                            s[2 * p + 1][0], s[2 * p + 1][1])
                     for p in range(len(s) // 2)]
            while len(lists) > 1:
                lists = [tmerge(lists[2 * p], lists[2 * p + 1])
                         for p in range(len(lists) // 2)]
            return lists[0]

        def process(r_local, dref):
            rsplat = jnp.broadcast_to(r_local, (_L,))
            xgs = [plsc.load_gather(xslab, [rsplat, iota + g * _L])
                   for g in range(d // _L)]
            mgs = [xg != xg for xg in xgs]
            ogs = [jnp.where(mg, 0.0, xg) for mg, xg in zip(mgs, xgs)]
            anym = mgs[0]
            for mg in mgs[1:]:
                anym = jnp.logical_or(anym, mg)

            ogs = lax.cond(jnp.any(anym),
                           lambda o: _impute_row(dref, mgs, o),
                           lambda o: o, tuple(ogs))
            for g in range(d // _L):
                plsc.store_scatter(
                    oslab, [rsplat, iota + g * _L], ogs[g])

        def _impute_row(dref, mgs, ogs):
            def blk_min(b, _):
                vs = [dref[pl.ds(b * _L * _L + j * _L, _L)]
                      for j in range(_L)]
                while len(vs) > 1:
                    vs = [jnp.minimum(vs[i], vs[i + 1])
                          for i in range(0, len(vs), 2)]
                gbuf[pl.ds(b * _L, _L)] = vs[0]
                return 0

            lax.fori_loop(0, nchunk // _L, blk_min, 0)

            def min_group(b):
                return lambda: (gbuf[pl.ds(b * _L, _L)], iota + b * _L)

            g0k, g0i, g1k, g1i = top32_tree(
                [min_group(b) for b in range(nchunk // _L)])

            def gather_group(src, k):
                def fn():
                    cid = src[k]
                    base_el = ((cid >> 4) << 8) + (cid & 15)
                    gidx = base_el + iota * _L
                    return plsc.load_gather(dref, [gidx]), gidx
                return fn

            t0k, t0i, t1k, t1i = top32_tree(
                [gather_group(src, k) for src in (g0i, g1i)
                 for k in range(_L)])

            idxv[pl.ds(0, _L)] = t0i
            idxv[pl.ds(_L, _L)] = t1i
            cp = pltpu.async_copy(xpad_hbm.at[idxv], candv, semG)

            k0fin = t0k < inf
            k1fin = t1k < inf
            cp.wait()

            ogs_out = []
            for g in range(d // _L):
                mg = mgs[g]
                og = ogs[g]

                def miss_body(carry):
                    mg, og = carry
                    j_lane = jnp.max(plsc.all_reduce_ffs(mg))
                    j = g * _L + j_lane
                    jv = jnp.broadcast_to(j, (_L,))
                    v0 = plsc.load_gather(candv, [iota, jv])
                    v1 = plsc.load_gather(candv, [iota + _L, jv])
                    valid0 = jnp.logical_and(v0 == v0, k0fin)
                    valid1 = jnp.logical_and(v1 == v1, k1fin)
                    r0 = plsc.cumsum(valid0.astype(jnp.int32))
                    tot0 = jnp.max(r0)
                    r1 = plsc.cumsum(valid1.astype(jnp.int32)) + tot0
                    take0 = jnp.logical_and(valid0, r0 <= _K)
                    take1 = jnp.logical_and(valid1, r1 <= _K)
                    ssum = (jnp.sum(jnp.where(take0, v0, 0.0))
                            + jnp.sum(jnp.where(take1, v1, 0.0)))
                    tot = jnp.max(r1)
                    cnt = jnp.minimum(tot, _K)
                    cmj = plsc.load_gather(cmv, [jv])
                    ssum_v = jnp.broadcast_to(ssum, (_L,))
                    cnt_v = jnp.broadcast_to(cnt, (_L,)).astype(jnp.float32)
                    imp = jnp.where(cnt_v > 0,
                                    ssum_v / jnp.maximum(cnt_v, 1.0),
                                    cmj)
                    lane = iota == j_lane
                    return (jnp.logical_and(mg, jnp.logical_not(lane)),
                            jnp.where(lane, imp, og))

                _, og = lax.while_loop(lambda ca: jnp.any(ca[0]), miss_body,
                                       (mg, og))
                ogs_out.append(og)
            return tuple(ogs_out)

        pltpu.async_copy(dist_hbm.at[base], dbufA, semA)

        def row_pair(q, _):
            r0 = 2 * q
            pltpu.make_async_copy(dist_hbm.at[0], dbufA, semA).wait()
            pltpu.async_copy(dist_hbm.at[base + r0 + 1], dbufB, semB)
            process(r0, dbufA)
            pltpu.make_async_copy(dist_hbm.at[0], dbufB, semB).wait()

            @pl.when(q < rows_w // 2 - 1)
            def _():
                pltpu.async_copy(dist_hbm.at[base + r0 + 2], dbufA, semA)

            process(r0 + 1, dbufB)
            return 0

        lax.fori_loop(0, rows_w // 2, row_pair, 0)
        pltpu.sync_copy(oslab, out_hbm.at[pl.ds(base, rows_w)])

    return sc_kernel(dist, x, xpad, cm)


def kernel(x):
    dist, cm = _distances(x)
    return _sc_impute(dist, x, cm)

# --- scband reference (transcript-rebuilt; emitter-appended) ---
"""Pipeline reference for scband-knnimputation-layer-23742579212946 (READ-ONLY COPY).

The authoritative reference and input builder live on the scoring server;
editing this copy changes nothing except your own understanding.
"""

import jax, jax.numpy as jnp
import numpy as np

N_NEIGHBORS = 5


def setup_inputs(seed: int = 0) -> dict:
    key = jax.random.key(seed)
    k1, k2 = jax.random.split(key)
    N, d = 4096, 64
    x = jax.random.normal(k1, (N, d), dtype=jnp.float32)
    nan_mask = jax.random.bernoulli(k2, 0.05, (N, d))
    x = jnp.where(nan_mask, jnp.nan, x)
    return {"x": x}


def _knn_impute(x, n_neighbors):
    # Faithful port of sklearn KNNImputer(weights='uniform') semantics:
    #  - nan_euclidean pairwise distances: d/overlap * sum_{present both}(xi-yi)^2
    #  - per missing entry (i,j): donors are other rows with feature j present
    #    and finite distance; uniform mean of the n_neighbors nearest donors;
    #    fallback to the column mean of observed values if no valid donor.
    N, d = x.shape
    mask = jnp.isnan(x)
    P = (~mask).astype(x.dtype)          # 1 where observed
    Xz = jnp.where(mask, 0.0, x)         # nan -> 0
    sq = Xz * Xz
    # sum over mutually-present features of (xi - yj)^2, via matmuls
    S = sq @ P.T + P @ sq.T - 2.0 * (Xz @ Xz.T)
    S = jnp.maximum(S, 0.0)
    overlap = P @ P.T
    dist2 = jnp.where(overlap > 0, (jnp.asarray(d, x.dtype) / jnp.maximum(overlap, 1.0)) * S, jnp.inf)
    # exclude self as donor
    ar = jnp.arange(N)
    dist2 = dist2.at[ar, ar].set(jnp.inf)
    col_counts = jnp.maximum(jnp.sum(P, axis=0), 1.0)
    col_means = jnp.sum(Xz, axis=0) / col_counts
    out_cols = []
    for j in range(d):
        donor_ok = P[:, j] > 0
        dj = jnp.where(donor_ok[None, :], dist2, jnp.inf)
        neg_d, idx = jax.lax.top_k(-dj, n_neighbors)   # k smallest distances
        nd = -neg_d                                    # [N, k]
        valid = jnp.isfinite(nd).astype(x.dtype)       # exclude inf (invalid donors)
        vals = Xz[idx, j]                              # donor values [N, k]
        cnt = jnp.sum(valid, axis=1)
        imp = jnp.where(cnt > 0,
                        jnp.sum(vals * valid, axis=1) / jnp.maximum(cnt, 1.0),
                        col_means[j])
        out_cols.append(jnp.where(mask[:, j], imp, Xz[:, j]))
    return jnp.stack(out_cols, axis=1)


def reference(x):
    return _knn_impute(x, N_NEIGHBORS)

if __name__ == "__main__":
    import jax
    _d = setup_inputs()
    print(jax.jit(kernel)(*tuple(_d.values())))

</pallas_src>

<mosaic_0001>
#map = affine_map<(d0, d1) -> (0, 0)>
#map1 = affine_map<(d0, d1) -> (0)>
module attributes {stable_mosaic.version = 14 : i64} {
  func.func @_rewritten_body(%arg0: i32, %arg1: i32, %arg2: memref<4096x4096xf32, #tpu.memory_space<hbm>>, %arg3: memref<4096x64xf32, #tpu.memory_space<hbm>>, %arg4: memref<4096x128xf32, #tpu.memory_space<hbm>>, %arg5: memref<64xf32, #tpu.memory_space<hbm>>, %arg6: memref<1xf32, #tpu.memory_space<hbm>>, %arg7: memref<4096x64xf32, #tpu.memory_space<hbm>>, %arg8: memref<4096xf32, #tpu.memory_space<vmem>>, %arg9: memref<4096xf32, #tpu.memory_space<vmem>>, %arg10: memref<128x64xf32, #tpu.memory_space<vmem>>, %arg11: memref<128x64xf32, #tpu.memory_space<vmem>>, %arg12: memref<32xi32, #tpu.memory_space<vmem>>, %arg13: memref<32x128xf32, #tpu.memory_space<vmem>>, %arg14: memref<64xf32, #tpu.memory_space<vmem>>, %arg15: memref<256xf32, #tpu.memory_space<vmem>>, %arg16: memref<!tpu.dma_semaphore, #tpu.memory_space<semaphore_mem>>, %arg17: memref<!tpu.dma_semaphore, #tpu.memory_space<semaphore_mem>>, %arg18: memref<!tpu.dma_semaphore, #tpu.memory_space<semaphore_mem>>) attributes {dimension_semantics = [#tpu.dimension_semantics<core_parallel>, #tpu.dimension_semantics<subcore_parallel>], iteration_bounds = array<i64: 2, 16>, scalar_prefetch = 0 : i64, scratch_operands = 11 : i64, tpu.core_type = #tpu.core_type<sc_vector_subcore>, window_params = [{transform_indices = #map}, {transform_indices = #map}, {transform_indices = #map}, {transform_indices = #map1}, {transform_indices = #map1}, {transform_indices = #map}]} {
    %empty_ref3A = memref.alloca() : memref<16xf32, #tpu.memory_space<vmem>>
    "tpu.region"() ({
      %run_scoped3A = tpu.sem_alloc : memref<!tpu.dma_semaphore, #tpu.memory_space<semaphore_mem>>
      %dma_start3A_15 = arith.constant 0 : i32
      %dma_start3A_16 = tpu.memref_slice %empty_ref3A[%dma_start3A_15] : memref<16xf32, #tpu.memory_space<vmem>> -> memref<1xf32, #tpu.memory_space<vmem>>
      %dma_start3A_17 = arith.constant 0 : i32
      %dma_start3A_18 = tpu.memref_slice %empty_ref3A[%dma_start3A_17] : memref<16xf32, #tpu.memory_space<vmem>> -> memref<1xf32, #tpu.memory_space<vmem>>
      tpu.enqueue_dma source(%arg6 : memref<1xf32, #tpu.memory_space<hbm>>) target(%dma_start3A_18 : memref<1xf32, #tpu.memory_space<vmem>>) target_semaphore(%run_scoped3A : memref<!tpu.dma_semaphore, #tpu.memory_space<semaphore_mem>>)
      %dma_wait3A = arith.constant 0 : i32
      %dma_wait3A_19 = tpu.memref_slice %empty_ref3A[%dma_wait3A] : memref<16xf32, #tpu.memory_space<vmem>> -> memref<1xf32, #tpu.memory_space<vmem>>
      %dma_wait3A_20 = arith.constant 0 : i32
      %dma_wait3A_21 = tpu.memref_slice %empty_ref3A[%dma_wait3A_20] : memref<16xf32, #tpu.memory_space<vmem>> -> memref<1xf32, #tpu.memory_space<vmem>>
      tpu.wait_dma2 semaphore(%run_scoped3A : memref<!tpu.dma_semaphore, #tpu.memory_space<semaphore_mem>>) src(%arg6 : memref<1xf32, #tpu.memory_space<hbm>>) dst(%dma_wait3A_21 : memref<1xf32, #tpu.memory_space<vmem>>)
      tpu.yield
    }) : () -> ()
    %get3A = arith.constant 0 : index
    %get3A_0 = tpu.vector_load %empty_ref3A[%get3A] {strides = array<i32>} : memref<16xf32, #tpu.memory_space<vmem>>, vector<16xf32>,
    %slice3A = vector.extract_strided_slice %get3A_0 {offsets = [0], sizes = [1], strides = [1]} : vector<16xf32> to vector<1xf32>
    %squeeze3A = vector.extract %slice3A[0] : f32 from vector<1xf32>
    %mul3A = arith.constant 2 : i32
    %mul3A_1 = arith.muli %arg1, %mul3A : i32
    %add3A = arith.addi %mul3A_1, %arg0 : i32
    %mul3A_2 = arith.constant 128 : i32
    %mul3A_3 = arith.muli %add3A, %mul3A_2 : i32
    "tpu.region"() ({
      %run_scoped3A = tpu.sem_alloc : memref<!tpu.dma_semaphore, #tpu.memory_space<semaphore_mem>>
      %dma_start3A_15 = arith.constant 0 : i32
      %dma_start3A_16 = tpu.memref_slice %arg3[%mul3A_3, %dma_start3A_15] : memref<4096x64xf32, #tpu.memory_space<hbm>> -> memref<128x64xf32, #tpu.memory_space<hbm>>
      %dma_start3A_17 = arith.constant 0 : i32
      %dma_start3A_18 = tpu.memref_slice %arg3[%mul3A_3, %dma_start3A_17] : memref<4096x64xf32, #tpu.memory_space<hbm>> -> memref<128x64xf32, #tpu.memory_space<hbm>>
      tpu.enqueue_dma source(%dma_start3A_18 : memref<128x64xf32, #tpu.memory_space<hbm>>) target(%arg10 : memref<128x64xf32, #tpu.memory_space<vmem>>) target_semaphore(%run_scoped3A : memref<!tpu.dma_semaphore, #tpu.memory_space<semaphore_mem>>)
      %dma_wait3A = arith.constant 0 : i32
      %dma_wait3A_19 = tpu.memref_slice %arg3[%mul3A_3, %dma_wait3A] : memref<4096x64xf32, #tpu.memory_space<hbm>> -> memref<128x64xf32, #tpu.memory_space<hbm>>
      %dma_wait3A_20 = arith.constant 0 : i32
      %dma_wait3A_21 = tpu.memref_slice %arg3[%mul3A_3, %dma_wait3A_20] : memref<4096x64xf32, #tpu.memory_space<hbm>> -> memref<128x64xf32, #tpu.memory_space<hbm>>
      tpu.wait_dma2 semaphore(%run_scoped3A : memref<!tpu.dma_semaphore, #tpu.memory_space<semaphore_mem>>) src(%dma_wait3A_21 : memref<128x64xf32, #tpu.memory_space<hbm>>) dst(%arg10 : memref<128x64xf32, #tpu.memory_space<vmem>>)
      tpu.yield
    }) : () -> ()
    "tpu.region"() ({
      %run_scoped3A = tpu.sem_alloc : memref<!tpu.dma_semaphore, #tpu.memory_space<semaphore_mem>>
      tpu.enqueue_dma source(%arg5 : memref<64xf32, #tpu.memory_space<hbm>>) target(%arg14 : memref<64xf32, #tpu.memory_space<vmem>>) target_semaphore(%run_scoped3A : memref<!tpu.dma_semaphore, #tpu.memory_space<semaphore_mem>>)
      tpu.wait_dma2 semaphore(%run_scoped3A : memref<!tpu.dma_semaphore, #tpu.memory_space<semaphore_mem>>) src(%arg5 : memref<64xf32, #tpu.memory_space<hbm>>) dst(%arg14 : memref<64xf32, #tpu.memory_space<vmem>>)
      tpu.yield
    }) : () -> ()
    %iota3A = tpu.iota {dimensions = array<i32: 0>} : vector<16xi32>
    %dma_start3A = arith.constant 0 : i32
    %dma_start3A_4 = tpu.memref_slice %arg2[%mul3A_3, %dma_start3A] : memref<4096x4096xf32, #tpu.memory_space<hbm>> -> memref<1x4096xf32, #tpu.memory_space<hbm>>
    %dma_start3A_5 = tpu.memref_squeeze %dma_start3A_4 : memref<1x4096xf32, #tpu.memory_space<hbm>> -> memref<4096xf32, #tpu.memory_space<hbm>>
    %dma_start3A_6 = arith.constant 0 : i32
    %dma_start3A_7 = tpu.memref_slice %arg2[%mul3A_3, %dma_start3A_6] : memref<4096x4096xf32, #tpu.memory_space<hbm>> -> memref<1x4096xf32, #tpu.memory_space<hbm>>
    %dma_start3A_8 = tpu.memref_squeeze %dma_start3A_7 : memref<1x4096xf32, #tpu.memory_space<hbm>> -> memref<4096xf32, #tpu.memory_space<hbm>>
    tpu.enqueue_dma source(%dma_start3A_8 : memref<4096xf32, #tpu.memory_space<hbm>>) target(%arg8 : memref<4096xf32, #tpu.memory_space<vmem>>) target_semaphore(%arg16 : memref<!tpu.dma_semaphore, #tpu.memory_space<semaphore_mem>>)
    %scan3A = arith.constant 0 : i32
    %scan3A_9 = arith.constant 0 : i32
    %scan3A_10 = arith.constant 64 : i32
    %scan3A_11 = arith.addi %scan3A_9, %scan3A_10 : i32
    %scan3A_12 = arith.constant 1 : i32
    %scan3A_13 = scf.for %scan3A_15 = %scan3A_9 to %scan3A_11 step %scan3A_12 iter_args(%scan3A_16 = %scan3A) -> (i32)  : i32 {
      %mul3A_17 = arith.constant 2 : i32
      %mul3A_18 = arith.muli %mul3A_17, %scan3A_15 : i32
      %dma_wait3A = arith.constant 0 : i32
      %dma_wait3A_19 = arith.constant 0 : i32
      %dma_wait3A_20 = tpu.memref_slice %arg2[%dma_wait3A, %dma_wait3A_19] : memref<4096x4096xf32, #tpu.memory_space<hbm>> -> memref<1x4096xf32, #tpu.memory_space<hbm>>
      %dma_wait3A_21 = tpu.memref_squeeze %dma_wait3A_20 : memref<1x4096xf32, #tpu.memory_space<hbm>> -> memref<4096xf32, #tpu.memory_space<hbm>>
      %dma_wait3A_22 = arith.constant 0 : i32
      %dma_wait3A_23 = tpu.memref_slice %arg2[%dma_wait3A, %dma_wait3A_22] : memref<4096x4096xf32, #tpu.memory_space<hbm>> -> memref<1x4096xf32, #tpu.memory_space<hbm>>
      %dma_wait3A_24 = tpu.memref_squeeze %dma_wait3A_23 : memref<1x4096xf32, #tpu.memory_space<hbm>> -> memref<4096xf32, #tpu.memory_space<hbm>>
      tpu.wait_dma2 semaphore(%arg16 : memref<!tpu.dma_semaphore, #tpu.memory_space<semaphore_mem>>) src(%dma_wait3A_24 : memref<4096xf32, #tpu.memory_space<hbm>>) dst(%arg8 : memref<4096xf32, #tpu.memory_space<vmem>>)
      %add3A_25 = arith.addi %mul3A_3, %mul3A_18 : i32
      %add3A_26 = arith.constant 1 : i32
      %add3A_27 = arith.addi %add3A_25, %add3A_26 : i32
      %dma_start3A_28 = arith.constant 0 : i32
      %dma_start3A_29 = tpu.memref_slice %arg2[%add3A_27, %dma_start3A_28] : memref<4096x4096xf32, #tpu.memory_space<hbm>> -> memref<1x4096xf32, #tpu.memory_space<hbm>>
      %dma_start3A_30 = tpu.memref_squeeze %dma_start3A_29 : memref<1x4096xf32, #tpu.memory_space<hbm>> -> memref<4096xf32, #tpu.memory_space<hbm>>
      %dma_start3A_31 = arith.constant 0 : i32
      %dma_start3A_32 = tpu.memref_slice %arg2[%add3A_27, %dma_start3A_31] : memref<4096x4096xf32, #tpu.memory_space<hbm>> -> memref<1x4096xf32, #tpu.memory_space<hbm>>
      %dma_start3A_33 = tpu.memref_squeeze %dma_start3A_32 : memref<1x4096xf32, #tpu.memory_space<hbm>> -> memref<4096xf32, #tpu.memory_space<hbm>>
      tpu.enqueue_dma source(%dma_start3A_33 : memref<4096xf32, #tpu.memory_space<hbm>>) target(%arg9 : memref<4096xf32, #tpu.memory_space<vmem>>) target_semaphore(%arg17 : memref<!tpu.dma_semaphore, #tpu.memory_space<semaphore_mem>>)
      %broadcast_in_dim3A = vector.broadcast %mul3A_18 : i32 to vector<16xi32>
      %add3A_34 = arith.constant 0 : i32
      %add3A_35 = vector.broadcast %add3A_34 : i32 to vector<16xi32>
      %add3A_36 = arith.addi %iota3A, %add3A_35 : vector<16xi32>
      %gather3A = tpu.vector_load_idx %arg10[%broadcast_in_dim3A, %add3A_36] : memref<128x64xf32, #tpu.memory_space<vmem>>[vector<16xi32>, vector<16xi32>], vector<16xf32>,
      %add3A_37 = arith.constant 16 : i32
      %add3A_38 = vector.broadcast %add3A_37 : i32 to vector<16xi32>
      %add3A_39 = arith.addi %iota3A, %add3A_38 : vector<16xi32>
      %gather3A_40 = tpu.vector_load_idx %arg10[%broadcast_in_dim3A, %add3A_39] : memref<128x64xf32, #tpu.memory_space<vmem>>[vector<16xi32>, vector<16xi32>], vector<16xf32>,
      %add3A_41 = arith.constant 32 : i32
      %add3A_42 = vector.broadcast %add3A_41 : i32 to vector<16xi32>
      %add3A_43 = arith.addi %iota3A, %add3A_42 : vector<16xi32>
      %gather3A_44 = tpu.vector_load_idx %arg10[%broadcast_in_dim3A, %add3A_43] : memref<128x64xf32, #tpu.memory_space<vmem>>[vector<16xi32>, vector<16xi32>], vector<16xf32>,
      %add3A_45 = arith.constant 48 : i32
      %add3A_46 = vector.broadcast %add3A_45 : i32 to vector<16xi32>
      %add3A_47 = arith.addi %iota3A, %add3A_46 : vector<16xi32>
      %gather3A_48 = tpu.vector_load_idx %arg10[%broadcast_in_dim3A, %add3A_47] : memref<128x64xf32, #tpu.memory_space<vmem>>[vector<16xi32>, vector<16xi32>], vector<16xf32>,
      %ne3A = arith.cmpf one, %gather3A, %gather3A : vector<16xf32>
      %ne3A_49 = arith.cmpf one, %gather3A_40, %gather3A_40 : vector<16xf32>
      %ne3A_50 = arith.cmpf one, %gather3A_44, %gather3A_44 : vector<16xf32>
      %ne3A_51 = arith.cmpf one, %gather3A_48, %gather3A_48 : vector<16xf32>
      %jit3A = arith.constant 0.000000e+00 : f32
      %broadcast_in_dim3A_52 = vector.broadcast %jit3A : f32 to vector<16xf32>
      %select_n3A = arith.select %ne3A, %broadcast_in_dim3A_52, %gather3A : vector<16xi1>, vector<16xf32>
      %jit3A_53 = arith.constant 0.000000e+00 : f32
      %broadcast_in_dim3A_54 = vector.broadcast %jit3A_53 : f32 to vector<16xf32>
      %select_n3A_55 = arith.select %ne3A_49, %broadcast_in_dim3A_54, %gather3A_40 : vector<16xi1>, vector<16xf32>
      %jit3A_56 = arith.constant 0.000000e+00 : f32
      %broadcast_in_dim3A_57 = vector.broadcast %jit3A_56 : f32 to vector<16xf32>
      %select_n3A_58 = arith.select %ne3A_50, %broadcast_in_dim3A_57, %gather3A_44 : vector<16xi1>, vector<16xf32>
      %jit3A_59 = arith.constant 0.000000e+00 : f32
      %broadcast_in_dim3A_60 = vector.broadcast %jit3A_59 : f32 to vector<16xf32>
      %select_n3A_61 = arith.select %ne3A_51, %broadcast_in_dim3A_60, %gather3A_48 : vector<16xi1>, vector<16xf32>
      %or3A = arith.ori %ne3A, %ne3A_49 : vector<16xi1>
      %or3A_62 = arith.ori %or3A, %ne3A_50 : vector<16xi1>
      %or3A_63 = arith.ori %or3A_62, %ne3A_51 : vector<16xi1>
      %reduce_or3A = arith.constant 1.000000e+00 : f32
      %reduce_or3A_64 = arith.constant 0.000000e+00 : f32
      %reduce_or3A_65 = vector.broadcast %reduce_or3A : f32 to vector<16xf32>
      %reduce_or3A_66 = vector.broadcast %reduce_or3A_64 : f32 to vector<16xf32>
      %reduce_or3A_67 = arith.select %or3A_63, %reduce_or3A_65, %reduce_or3A_66 : vector<16xi1>, vector<16xf32>
      %reduce_or3A_68 = arith.constant true
      %reduce_or3A_69 = vector.broadcast %reduce_or3A_68 : i1 to vector<16xi1>
      %reduce_or3A_70 = tpu.scan <max>, %reduce_or3A_67 masked %reduce_or3A_69 : vector<16xf32>, vector<16xi1> -> vector<16xf32>
      %reduce_or3A_71 = vector.extract %reduce_or3A_70[15] : f32 from vector<16xf32>
      %reduce_or3A_72 = arith.constant 0.000000e+00 : f32
      %reduce_or3A_73 = arith.cmpf ogt, %reduce_or3A_71, %reduce_or3A_72 : f32
      %convert_element_type3A = arith.extui %reduce_or3A_73 : i1 to i32
      %cond3A = arith.constant 0 : i32
      %cond3A_74 = arith.cmpi ne, %convert_element_type3A, %cond3A : i32
      %cond3A_75:4 = scf.if %cond3A_74 -> (vector<16xf32>, vector<16xf32>, vector<16xf32>, vector<16xf32>) {
        %scan3A_165 = arith.constant 0 : i32
        %scan3A_166 = arith.constant 0 : i32
        %scan3A_167 = arith.constant 16 : i32
        %scan3A_168 = arith.addi %scan3A_166, %scan3A_167 : i32
        %scan3A_169 = arith.constant 1 : i32
        %scan3A_170 = scf.for %scan3A_2344 = %scan3A_166 to %scan3A_168 step %scan3A_169 iter_args(%scan3A_2345 = %scan3A_165) -> (i32)  : i32 {
          %mul3A_2346 = arith.constant 16 : i32
          %mul3A_2347 = arith.muli %scan3A_2344, %mul3A_2346 : i32
          %mul3A_2348 = arith.constant 16 : i32
          %mul3A_2349 = arith.muli %mul3A_2347, %mul3A_2348 : i32
          %add3A_2350 = arith.constant 0 : i32
          %add3A_2351 = arith.addi %mul3A_2349, %add3A_2350 : i32
          %get3A_2352 = arith.index_cast %add3A_2351 : i32 to index
          %get3A_2353 = tpu.vector_load %arg8[%get3A_2352] {strides = array<i32>} : memref<4096xf32, #tpu.memory_space<vmem>>, vector<16xf32>,
          %mul3A_2354 = arith.constant 16 : i32
          %mul3A_2355 = arith.muli %scan3A_2344, %mul3A_2354 : i32
          %mul3A_2356 = arith.constant 16 : i32
          %mul3A_2357 = arith.muli %mul3A_2355, %mul3A_2356 : i32
          %add3A_2358 = arith.constant 16 : i32
          %add3A_2359 = arith.addi %mul3A_2357, %add3A_2358 : i32
          %get3A_2360 = arith.index_cast %add3A_2359 : i32 to index
          %get3A_2361 = tpu.vector_load %arg8[%get3A_2360] {strides = array<i32>} : memref<4096xf32, #tpu.memory_space<vmem>>, vector<16xf32>,
          %mul3A_2362 = arith.constant 16 : i32
          %mul3A_2363 = arith.muli %scan3A_2344, %mul3A_2362 : i32
          %mul3A_2364 = arith.constant 16 : i32
          %mul3A_2365 = arith.muli %mul3A_2363, %mul3A_2364 : i32
          %add3A_2366 = arith.constant 32 : i32
          %add3A_2367 = arith.addi %mul3A_2365, %add3A_2366 : i32
          %get3A_2368 = arith.index_cast %add3A_2367 : i32 to index
          %get3A_2369 = tpu.vector_load %arg8[%get3A_2368] {strides = array<i32>} : memref<4096xf32, #tpu.memory_space<vmem>>, vector<16xf32>,
          %mul3A_2370 = arith.constant 16 : i32
          %mul3A_2371 = arith.muli %scan3A_2344, %mul3A_2370 : i32
          %mul3A_2372 = arith.constant 16 : i32
          %mul3A_2373 = arith.muli %mul3A_2371, %mul3A_2372 : i32
          %add3A_2374 = arith.constant 48 : i32
          %add3A_2375 = arith.addi %mul3A_2373, %add3A_2374 : i32
          %get3A_2376 = arith.index_cast %add3A_2375 : i32 to index
          %get3A_2377 = tpu.vector_load %arg8[%get3A_2376] {strides = array<i32>} : memref<4096xf32, #tpu.memory_space<vmem>>, vector<16xf32>,
          %mul3A_2378 = arith.constant 16 : i32
          %mul3A_2379 = arith.muli %scan3A_2344, %mul3A_2378 : i32
          %mul3A_2380 = arith.constant 16 : i32
          %mul3A_2381 = arith.muli %mul3A_2379, %mul3A_2380 : i32
          %add3A_2382 = arith.constant 64 : i32
          %add3A_2383 = arith.addi %mul3A_2381, %add3A_2382 : i32
          %get3A_2384 = arith.index_cast %add3A_2383 : i32 to index
          %get3A_2385 = tpu.vector_load %arg8[%get3A_2384] {strides = array<i32>} : memref<4096xf32, #tpu.memory_space<vmem>>, vector<16xf32>,
          %mul3A_2386 = arith.constant 16 : i32
          %mul3A_2387 = arith.muli %scan3A_2344, %mul3A_2386 : i32
          %mul3A_2388 = arith.constant 16 : i32
          %mul3A_2389 = arith.muli %mul3A_2387, %mul3A_2388 : i32
          %add3A_2390 = arith.constant 80 : i32
          %add3A_2391 = arith.addi %mul3A_2389, %add3A_2390 : i32
          %get3A_2392 = arith.index_cast %add3A_2391 : i32 to index
          %get3A_2393 = tpu.vector_load %arg8[%get3A_2392] {strides = array<i32>} : memref<4096xf32, #tpu.memory_space<vmem>>, vector<16xf32>,
          %mul3A_2394 = arith.constant 16 : i32
          %mul3A_2395 = arith.muli %scan3A_2344, %mul3A_2394 : i32
          %mul3A_2396 = arith.constant 16 : i32
          %mul3A_2397 = arith.muli %mul3A_2395, %mul3A_2396 : i32
          %add3A_2398 = arith.constant 96 : i32
          %add3A_2399 = arith.addi %mul3A_2397, %add3A_2398 : i32
          %get3A_2400 = arith.index_cast %add3A_2399 : i32 to index
          %get3A_2401 = tpu.vector_load %arg8[%get3A_2400] {strides = array<i32>} : memref<4096xf32, #tpu.memory_space<vmem>>, vector<16xf32>,
          %mul3A_2402 = arith.constant 16 : i32
          %mul3A_2403 = arith.muli %scan3A_2344, %mul3A_2402 : i32
          %mul3A_2404 = arith.constant 16 : i32
          %mul3A_2405 = arith.muli %mul3A_2403, %mul3A_2404 : i32
          %add3A_2406 = arith.constant 112 : i32
          %add3A_2407 = arith.addi %mul3A_2405, %add3A_2406 : i32
          %get3A_2408 = arith.index_cast %add3A_2407 : i32 to index
          %get3A_2409 = tpu.vector_load %arg8[%get3A_2408] {strides = array<i32>} : memref<4096xf32, #tpu.memory_space<vmem>>, vector<16xf32>,
          %mul3A_2410 = arith.constant 16 : i32
          %mul3A_2411 = arith.muli %scan3A_2344, %mul3A_2410 : i32
          %mul3A_2412 = arith.constant 16 : i32
          %mul3A_2413 = arith.muli %mul3A_2411, %mul3A_2412 : i32
          %add3A_2414 = arith.constant 128 : i32
          %add3A_2415 = arith.addi %mul3A_2413, %add3A_2414 : i32
          %get3A_2416 = arith.index_cast %add3A_2415 : i32 to index
          %get3A_2417 = tpu.vector_load %arg8[%get3A_2416] {strides = array<i32>} : memref<4096xf32, #tpu.memory_space<vmem>>, vector<16xf32>,
          %mul3A_2418 = arith.constant 16 : i32
          %mul3A_2419 = arith.muli %scan3A_2344, %mul3A_2418 : i32
          %mul3A_2420 = arith.constant 16 : i32
          %mul3A_2421 = arith.muli %mul3A_2419, %mul3A_2420 : i32
          %add3A_2422 = arith.constant 144 : i32
          %add3A_2423 = arith.addi %mul3A_2421, %add3A_2422 : i32
          %get3A_2424 = arith.index_cast %add3A_2423 : i32 to index
          %get3A_2425 = tpu.vector_load %arg8[%get3A_2424] {strides = array<i32>} : memref<4096xf32, #tpu.memory_space<vmem>>, vector<16xf32>,
          %mul3A_2426 = arith.constant 16 : i32
          %mul3A_2427 = arith.muli %scan3A_2344, %mul3A_2426 : i32
          %mul3A_2428 = arith.constant 16 : i32
          %mul3A_2429 = arith.muli %mul3A_2427, %mul3A_2428 : i32
          %add3A_2430 = arith.constant 160 : i32
          %add3A_2431 = arith.addi %mul3A_2429, %add3A_2430 : i32
          %get3A_2432 = arith.index_cast %add3A_2431 : i32 to index
          %get3A_2433 = tpu.vector_load %arg8[%get3A_2432] {strides = array<i32>} : memref<4096xf32, #tpu.memory_space<vmem>>, vector<16xf32>,
          %mul3A_2434 = arith.constant 16 : i32
          %mul3A_2435 = arith.muli %scan3A_2344, %mul3A_2434 : i32
          %mul3A_2436 = arith.constant 16 : i32
          %mul3A_2437 = arith.muli %mul3A_2435, %mul3A_2436 : i32
          %add3A_2438 = arith.constant 176 : i32
          %add3A_2439 = arith.addi %mul3A_2437, %add3A_2438 : i32
          %get3A_2440 = arith.index_cast %add3A_2439 : i32 to index
          %get3A_2441 = tpu.vector_load %arg8[%get3A_2440] {strides = array<i32>} : memref<4096xf32, #tpu.memory_space<vmem>>, vector<16xf32>,
          %mul3A_2442 = arith.constant 16 : i32
          %mul3A_2443 = arith.muli %scan3A_2344, %mul3A_2442 : i32
          %mul3A_2444 = arith.constant 16 : i32
          %mul3A_2445 = arith.muli %mul3A_2443, %mul3A_2444 : i32
          %add3A_2446 = arith.constant 192 : i32
          %add3A_2447 = arith.addi %mul3A_2445, %add3A_2446 : i32
          %get3A_2448 = arith.index_cast %add3A_2447 : i32 to index
          %get3A_2449 = tpu.vector_load %arg8[%get3A_2448] {strides = array<i32>} : memref<4096xf32, #tpu.memory_space<vmem>>, vector<16xf32>,
          %mul3A_2450 = arith.constant 16 : i32
          %mul3A_2451 = arith.muli %scan3A_2344, %mul3A_2450 : i32
          %mul3A_2452 = arith.constant 16 : i32
          %mul3A_2453 = arith.muli %mul3A_2451, %mul3A_2452 : i32
          %add3A_2454 = arith.constant 208 : i32
          %add3A_2455 = arith.addi %mul3A_2453, %add3A_2454 : i32
          %get3A_2456 = arith.index_cast %add3A_2455 : i32 to index
          %get3A_2457 = tpu.vector_load %arg8[%get3A_2456] {strides = array<i32>} : memref<4096xf32, #tpu.memory_space<vmem>>, vector<16xf32>,
          %mul3A_2458 = arith.constant 16 : i32
          %mul3A_2459 = arith.muli %scan3A_2344, %mul3A_2458 : i32
          %mul3A_2460 = arith.constant 16 : i32
          %mul3A_2461 = arith.muli %mul3A_2459, %mul3A_2460 : i32
          %add3A_2462 = arith.constant 224 : i32
          %add3A_2463 = arith.addi %mul3A_2461, %add3A_2462 : i32
          %get3A_2464 = arith.index_cast %add3A_2463 : i32 to index
          %get3A_2465 = tpu.vector_load %arg8[%get3A_2464] {strides = array<i32>} : memref<4096xf32, #tpu.memory_space<vmem>>, vector<16xf32>,
          %mul3A_2466 = arith.constant 16 : i32
          %mul3A_2467 = arith.muli %scan3A_2344, %mul3A_2466 : i32
          %mul3A_2468 = arith.constant 16 : i32
          %mul3A_2469 = arith.muli %mul3A_2467, %mul3A_2468 : i32
          %add3A_2470 = arith.constant 240 : i32
          %add3A_2471 = arith.addi %mul3A_2469, %add3A_2470 : i32
          %get3A_2472 = arith.index_cast %add3A_2471 : i32 to index
          %get3A_2473 = tpu.vector_load %arg8[%get3A_2472] {strides = array<i32>} : memref<4096xf32, #tpu.memory_space<vmem>>, vector<16xf32>,
          %min3A = arith.minimumf %get3A_2353, %get3A_2361 : vector<16xf32>
          %min3A_2474 = arith.minimumf %get3A_2369, %get3A_2377 : vector<16xf32>
          %min3A_2475 = arith.minimumf %get3A_2385, %get3A_2393 : vector<16xf32>
          %min3A_2476 = arith.minimumf %get3A_2401, %get3A_2409 : vector<16xf32>
          %min3A_2477 = arith.minimumf %get3A_2417, %get3A_2425 : vector<16xf32>
          %min3A_2478 = arith.minimumf %get3A_2433, %get3A_2441 : vector<16xf32>
          %min3A_2479 = arith.minimumf %get3A_2449, %get3A_2457 : vector<16xf32>
          %min3A_2480 = arith.minimumf %get3A_2465, %get3A_2473 : vector<16xf32>
          %min3A_2481 = arith.minimumf %min3A, %min3A_2474 : vector<16xf32>
          %min3A_2482 = arith.minimumf %min3A_2475, %min3A_2476 : vector<16xf32>
          %min3A_2483 = arith.minimumf %min3A_2477, %min3A_2478 : vector<16xf32>
          %min3A_2484 = arith.minimumf %min3A_2479, %min3A_2480 : vector<16xf32>
          %min3A_2485 = arith.minimumf %min3A_2481, %min3A_2482 : vector<16xf32>
          %min3A_2486 = arith.minimumf %min3A_2483, %min3A_2484 : vector<16xf32>
          %min3A_2487 = arith.minimumf %min3A_2485, %min3A_2486 : vector<16xf32>
          %mul3A_2488 = arith.constant 16 : i32
          %mul3A_2489 = arith.muli %scan3A_2344, %mul3A_2488 : i32
          %swap3A_2490 = arith.index_cast %mul3A_2489 : i32 to index
          %swap3A_2491 = tpu.vector_load %arg15[%swap3A_2490] {strides = array<i32>} : memref<256xf32, #tpu.memory_space<vmem>>, vector<16xf32>,
          tpu.vector_store %arg15[%swap3A_2490], %min3A_2487 {strides = array<i32>} : memref<256xf32, #tpu.memory_space<vmem>>, vector<16xf32>,
          %scan3A_2492 = arith.constant 0 : i32
          scf.yield %scan3A_2492 : i32
        }
        %scan3A_171 = arith.constant 16 : i32
        %get3A_172 = arith.constant 0 : index
        %get3A_173 = tpu.vector_load %arg15[%get3A_172] {strides = array<i32>} : memref<256xf32, #tpu.memory_space<vmem>>, vector<16xf32>,
        %add3A_174 = arith.constant 0 : i32
        %add3A_175 = vector.broadcast %add3A_174 : i32 to vector<16xi32>
        %add3A_176 = arith.addi %iota3A, %add3A_175 : vector<16xi32>
        %masked_sort3A = arith.constant dense<true> : vector<16xi1>
        %masked_sort3A_177, %masked_sort3A_178, %masked_sort3A_179 = tpu.sort %get3A_173, %add3A_176 masked %masked_sort3A : (vector<16xf32>, vector<16xi32>, vector<16xi1>) -> (vector<16xi1>, vector<16xf32>, vector<16xi32>)
        %get3A_180 = arith.constant 16 : index
        %get3A_181 = tpu.vector_load %arg15[%get3A_180] {strides = array<i32>} : memref<256xf32, #tpu.memory_space<vmem>>, vector<16xf32>,
        %add3A_182 = arith.constant 16 : i32
        %add3A_183 = vector.broadcast %add3A_182 : i32 to vector<16xi32>
        %add3A_184 = arith.addi %iota3A, %add3A_183 : vector<16xi32>
        %masked_sort3A_185 = arith.constant dense<true> : vector<16xi1>
        %masked_sort3A_186, %masked_sort3A_187, %masked_sort3A_188 = tpu.sort %get3A_181, %add3A_184 masked %masked_sort3A_185 : (vector<16xf32>, vector<16xi32>, vector<16xi1>) -> (vector<16xi1>, vector<16xf32>, vector<16xi32>)
        %get3A_189 = arith.constant 32 : index
        %get3A_190 = tpu.vector_load %arg15[%get3A_189] {strides = array<i32>} : memref<256xf32, #tpu.memory_space<vmem>>, vector<16xf32>,
        %add3A_191 = arith.constant 32 : i32
        %add3A_192 = vector.broadcast %add3A_191 : i32 to vector<16xi32>
        %add3A_193 = arith.addi %iota3A, %add3A_192 : vector<16xi32>
        %masked_sort3A_194 = arith.constant dense<true> : vector<16xi1>
        %masked_sort3A_195, %masked_sort3A_196, %masked_sort3A_197 = tpu.sort %get3A_190, %add3A_193 masked %masked_sort3A_194 : (vector<16xf32>, vector<16xi32>, vector<16xi1>) -> (vector<16xi1>, vector<16xf32>, vector<16xi32>)
        %get3A_198 = arith.constant 48 : index
        %get3A_199 = tpu.vector_load %arg15[%get3A_198] {strides = array<i32>} : memref<256xf32, #tpu.memory_space<vmem>>, vector<16xf32>,
        %add3A_200 = arith.constant 48 : i32
        %add3A_201 = vector.broadcast %add3A_200 : i32 to vector<16xi32>
        %add3A_202 = arith.addi %iota3A, %add3A_201 : vector<16xi32>
        %masked_sort3A_203 = arith.constant dense<true> : vector<16xi1>
        %masked_sort3A_204, %masked_sort3A_205, %masked_sort3A_206 = tpu.sort %get3A_199, %add3A_202 masked %masked_sort3A_203 : (vector<16xf32>, vector<16xi32>, vector<16xi1>) -> (vector<16xi1>, vector<16xf32>, vector<16xi32>)
        %get3A_207 = arith.constant 64 : index
        %get3A_208 = tpu.vector_load %arg15[%get3A_207] {strides = array<i32>} : memref<256xf32, #tpu.memory_space<vmem>>, vector<16xf32>,
        %add3A_209 = arith.constant 64 : i32
        %add3A_210 = vector.broadcast %add3A_209 : i32 to vector<16xi32>
        %add3A_211 = arith.addi %iota3A, %add3A_210 : vector<16xi32>
        %masked_sort3A_212 = arith.constant dense<true> : vector<16xi1>
        %masked_sort3A_213, %masked_sort3A_214, %masked_sort3A_215 = tpu.sort %get3A_208, %add3A_211 masked %masked_sort3A_212 : (vector<16xf32>, vector<16xi32>, vector<16xi1>) -> (vector<16xi1>, vector<16xf32>, vector<16xi32>)
        %get3A_216 = arith.constant 80 : index
        %get3A_217 = tpu.vector_load %arg15[%get3A_216] {strides = array<i32>} : memref<256xf32, #tpu.memory_space<vmem>>, vector<16xf32>,
        %add3A_218 = arith.constant 80 : i32
        %add3A_219 = vector.broadcast %add3A_218 : i32 to vector<16xi32>
        %add3A_220 = arith.addi %iota3A, %add3A_219 : vector<16xi32>
        %masked_sort3A_221 = arith.constant dense<true> : vector<16xi1>
        %masked_sort3A_222, %masked_sort3A_223, %masked_sort3A_224 = tpu.sort %get3A_217, %add3A_220 masked %masked_sort3A_221 : (vector<16xf32>, vector<16xi32>, vector<16xi1>) -> (vector<16xi1>, vector<16xf32>, vector<16xi32>)
        %get3A_225 = arith.constant 96 : index
        %get3A_226 = tpu.vector_load %arg15[%get3A_225] {strides = array<i32>} : memref<256xf32, #tpu.memory_space<vmem>>, vector<16xf32>,
        %add3A_227 = arith.constant 96 : i32
        %add3A_228 = vector.broadcast %add3A_227 : i32 to vector<16xi32>
        %add3A_229 = arith.addi %iota3A, %add3A_228 : vector<16xi32>
        %masked_sort3A_230 = arith.constant dense<true> : vector<16xi1>
        %masked_sort3A_231, %masked_sort3A_232, %masked_sort3A_233 = tpu.sort %get3A_226, %add3A_229 masked %masked_sort3A_230 : (vector<16xf32>, vector<16xi32>, vector<16xi1>) -> (vector<16xi1>, vector<16xf32>, vector<16xi32>)
        %get3A_234 = arith.constant 112 : index
        %get3A_235 = tpu.vector_load %arg15[%get3A_234] {strides = array<i32>} : memref<256xf32, #tpu.memory_space<vmem>>, vector<16xf32>,
        %add3A_236 = arith.constant 112 : i32
        %add3A_237 = vector.broadcast %add3A_236 : i32 to vector<16xi32>
        %add3A_238 = arith.addi %iota3A, %add3A_237 : vector<16xi32>
        %masked_sort3A_239 = arith.constant dense<true> : vector<16xi1>
        %masked_sort3A_240, %masked_sort3A_241, %masked_sort3A_242 = tpu.sort %get3A_235, %add3A_238 masked %masked_sort3A_239 : (vector<16xf32>, vector<16xi32>, vector<16xi1>) -> (vector<16xi1>, vector<16xf32>, vector<16xi32>)
        %get3A_243 = arith.constant 128 : index
        %get3A_244 = tpu.vector_load %arg15[%get3A_243] {strides = array<i32>} : memref<256xf32, #tpu.memory_space<vmem>>, vector<16xf32>,
        %add3A_245 = arith.constant 128 : i32
        %add3A_246 = vector.broadcast %add3A_245 : i32 to vector<16xi32>
        %add3A_247 = arith.addi %iota3A, %add3A_246 : vector<16xi32>
        %masked_sort3A_248 = arith.constant dense<true> : vector<16xi1>
        %masked_sort3A_249, %masked_sort3A_250, %masked_sort3A_251 = tpu.sort %get3A_244, %add3A_247 masked %masked_sort3A_248 : (vector<16xf32>, vector<16xi32>, vector<16xi1>) -> (vector<16xi1>, vector<16xf32>, vector<16xi32>)
        %get3A_252 = arith.constant 144 : index
        %get3A_253 = tpu.vector_load %arg15[%get3A_252] {strides = array<i32>} : memref<256xf32, #tpu.memory_space<vmem>>, vector<16xf32>,
        %add3A_254 = arith.constant 144 : i32
        %add3A_255 = vector.broadcast %add3A_254 : i32 to vector<16xi32>
        %add3A_256 = arith.addi %iota3A, %add3A_255 : vector<16xi32>
        %masked_sort3A_257 = arith.constant dense<true> : vector<16xi1>
        %masked_sort3A_258, %masked_sort3A_259, %masked_sort3A_260 = tpu.sort %get3A_253, %add3A_256 masked %masked_sort3A_257 : (vector<16xf32>, vector<16xi32>, vector<16xi1>) -> (vector<16xi1>, vector<16xf32>, vector<16xi32>)
        %get3A_261 = arith.constant 160 : index
        %get3A_262 = tpu.vector_load %arg15[%get3A_261] {strides = array<i32>} : memref<256xf32, #tpu.memory_space<vmem>>, vector<16xf32>,
        %add3A_263 = arith.constant 160 : i32
        %add3A_264 = vector.broadcast %add3A_263 : i32 to vector<16xi32>
        %add3A_265 = arith.addi %iota3A, %add3A_264 : vector<16xi32>
        %masked_sort3A_266 = arith.constant dense<true> : vector<16xi1>
        %masked_sort3A_267, %masked_sort3A_268, %masked_sort3A_269 = tpu.sort %get3A_262, %add3A_265 masked %masked_sort3A_266 : (vector<16xf32>, vector<16xi32>, vector<16xi1>) -> (vector<16xi1>, vector<16xf32>, vector<16xi32>)
        %get3A_270 = arith.constant 176 : index
        %get3A_271 = tpu.vector_load %arg15[%get3A_270] {strides = array<i32>} : memref<256xf32, #tpu.memory_space<vmem>>, vector<16xf32>,
        %add3A_272 = arith.constant 176 : i32
        %add3A_273 = vector.broadcast %add3A_272 : i32 to vector<16xi32>
        %add3A_274 = arith.addi %iota3A, %add3A_273 : vector<16xi32>
        %masked_sort3A_275 = arith.constant dense<true> : vector<16xi1>
        %masked_sort3A_276, %masked_sort3A_277, %masked_sort3A_278 = tpu.sort %get3A_271, %add3A_274 masked %masked_sort3A_275 : (vector<16xf32>, vector<16xi32>, vector<16xi1>) -> (vector<16xi1>, vector<16xf32>, vector<16xi32>)
        %get3A_279 = arith.constant 192 : index
        %get3A_280 = tpu.vector_load %arg15[%get3A_279] {strides = array<i32>} : memref<256xf32, #tpu.memory_space<vmem>>, vector<16xf32>,
        %add3A_281 = arith.constant 192 : i32
        %add3A_282 = vector.broadcast %add3A_281 : i32 to vector<16xi32>
        %add3A_283 = arith.addi %iota3A, %add3A_282 : vector<16xi32>
        %masked_sort3A_284 = arith.constant dense<true> : vector<16xi1>
        %masked_sort3A_285, %masked_sort3A_286, %masked_sort3A_287 = tpu.sort %get3A_280, %add3A_283 masked %masked_sort3A_284 : (vector<16xf32>, vector<16xi32>, vector<16xi1>) -> (vector<16xi1>, vector<16xf32>, vector<16xi32>)
        %get3A_288 = arith.constant 208 : index
        %get3A_289 = tpu.vector_load %arg15[%get3A_288] {strides = array<i32>} : memref<256xf32, #tpu.memory_space<vmem>>, vector<16xf32>,
        %add3A_290 = arith.constant 208 : i32
        %add3A_291 = vector.broadcast %add3A_290 : i32 to vector<16xi32>
        %add3A_292 = arith.addi %iota3A, %add3A_291 : vector<16xi32>
        %masked_sort3A_293 = arith.constant dense<true> : vector<16xi1>
        %masked_sort3A_294, %masked_sort3A_295, %masked_sort3A_296 = tpu.sort %get3A_289, %add3A_292 masked %masked_sort3A_293 : (vector<16xf32>, vector<16xi32>, vector<16xi1>) -> (vector<16xi1>, vector<16xf32>, vector<16xi32>)
        %get3A_297 = arith.constant 224 : index
        %get3A_298 = tpu.vector_load %arg15[%get3A_297] {strides = array<i32>} : memref<256xf32, #tpu.memory_space<vmem>>, vector<16xf32>,
        %add3A_299 = arith.constant 224 : i32
        %add3A_300 = vector.broadcast %add3A_299 : i32 to vector<16xi32>
        %add3A_301 = arith.addi %iota3A, %add3A_300 : vector<16xi32>
        %masked_sort3A_302 = arith.constant dense<true> : vector<16xi1>
        %masked_sort3A_303, %masked_sort3A_304, %masked_sort3A_305 = tpu.sort %get3A_298, %add3A_301 masked %masked_sort3A_302 : (vector<16xf32>, vector<16xi32>, vector<16xi1>) -> (vector<16xi1>, vector<16xf32>, vector<16xi32>)
        %get3A_306 = arith.constant 240 : index
        %get3A_307 = tpu.vector_load %arg15[%get3A_306] {strides = array<i32>} : memref<256xf32, #tpu.memory_space<vmem>>, vector<16xf32>,
        %add3A_308 = arith.constant 240 : i32
        %add3A_309 = vector.broadcast %add3A_308 : i32 to vector<16xi32>
        %add3A_310 = arith.addi %iota3A, %add3A_309 : vector<16xi32>
        %masked_sort3A_311 = arith.constant dense<true> : vector<16xi1>
        %masked_sort3A_312, %masked_sort3A_313, %masked_sort3A_314 = tpu.sort %get3A_307, %add3A_310 masked %masked_sort3A_311 : (vector<16xf32>, vector<16xi32>, vector<16xi1>) -> (vector<16xi1>, vector<16xf32>, vector<16xi32>)
        %rev3A = arith.constant 15 : i32
        %rev3A_315 = vector.broadcast %rev3A : i32 to vector<16xi32>
        %rev3A_316 = tpu.iota {dimensions = array<i32: 0>} : vector<16xi32>
        %rev3A_317 = arith.subi %rev3A_315, %rev3A_316 : vector<16xi32>
        %rev3A_318 = tpu.dynamic_gather %masked_sort3A_187[%rev3A_317] in [0] : vector<16xf32>, vector<16xi32> -> vector<16xf32>
        %rev3A_319 = arith.constant 15 : i32
        %rev3A_320 = vector.broadcast %rev3A_319 : i32 to vector<16xi32>
        %rev3A_321 = tpu.iota {dimensions = array<i32: 0>} : vector<16xi32>
        %rev3A_322 = arith.subi %rev3A_320, %rev3A_321 : vector<16xi32>
        %rev3A_323 = tpu.dynamic_gather %masked_sort3A_188[%rev3A_322] in [0] : vector<16xi32>, vector<16xi32> -> vector<16xi32>
        %le3A = arith.cmpf ole, %masked_sort3A_178, %rev3A_318 : vector<16xf32>
        %select_n3A_324 = arith.select %le3A, %masked_sort3A_178, %rev3A_318 : vector<16xi1>, vector<16xf32>
        %select_n3A_325 = arith.select %le3A, %masked_sort3A_179, %rev3A_323 : vector<16xi1>, vector<16xi32>
        %select_n3A_326 = arith.select %le3A, %rev3A_318, %masked_sort3A_178 : vector<16xi1>, vector<16xf32>
        %select_n3A_327 = arith.select %le3A, %rev3A_323, %masked_sort3A_179 : vector<16xi1>, vector<16xi32>
        %masked_sort3A_328 = arith.constant dense<true> : vector<16xi1>
        %masked_sort3A_329, %masked_sort3A_330, %masked_sort3A_331 = tpu.sort %select_n3A_324, %select_n3A_325 masked %masked_sort3A_328 : (vector<16xf32>, vector<16xi32>, vector<16xi1>) -> (vector<16xi1>, vector<16xf32>, vector<16xi32>)
        %masked_sort3A_332 = arith.constant dense<true> : vector<16xi1>
        %masked_sort3A_333, %masked_sort3A_334, %masked_sort3A_335 = tpu.sort %select_n3A_326, %select_n3A_327 masked %masked_sort3A_332 : (vector<16xf32>, vector<16xi32>, vector<16xi1>) -> (vector<16xi1>, vector<16xf32>, vector<16xi32>)
        %rev3A_336 = arith.constant 15 : i32
        %rev3A_337 = vector.broadcast %rev3A_336 : i32 to vector<16xi32>
        %rev3A_338 = tpu.iota {dimensions = array<i32: 0>} : vector<16xi32>
        %rev3A_339 = arith.subi %rev3A_337, %rev3A_338 : vector<16xi32>
        %rev3A_340 = tpu.dynamic_gather %masked_sort3A_205[%rev3A_339] in [0] : vector<16xf32>, vector<16xi32> -> vector<16xf32>
        %rev3A_341 = arith.constant 15 : i32
        %rev3A_342 = vector.broadcast %rev3A_341 : i32 to vector<16xi32>
        %rev3A_343 = tpu.iota {dimensions = array<i32: 0>} : vector<16xi32>
        %rev3A_344 = arith.subi %rev3A_342, %rev3A_343 : vector<16xi32>
        %rev3A_345 = tpu.dynamic_gather %masked_sort3A_206[%rev3A_344] in [0] : vector<16xi32>, vector<16xi32> -> vector<16xi32>
        %le3A_346 = arith.cmpf ole, %masked_sort3A_196, %rev3A_340 : vector<16xf32>
        %select_n3A_347 = arith.select %le3A_346, %masked_sort3A_196, %rev3A_340 : vector<16xi1>, vector<16xf32>
        %select_n3A_348 = arith.select %le3A_346, %masked_sort3A_197, %rev3A_345 : vector<16xi1>, vector<16xi32>
        %select_n3A_349 = arith.select %le3A_346, %rev3A_340, %masked_sort3A_196 : vector<16xi1>, vector<16xf32>
        %select_n3A_350 = arith.select %le3A_346, %rev3A_345, %masked_sort3A_197 : vector<16xi1>, vector<16xi32>
        %masked_sort3A_351 = arith.constant dense<true> : vector<16xi1>
        %masked_sort3A_352, %masked_sort3A_353, %masked_sort3A_354 = tpu.sort %select_n3A_347, %select_n3A_348 masked %masked_sort3A_351 : (vector<16xf32>, vector<16xi32>, vector<16xi1>) -> (vector<16xi1>, vector<16xf32>, vector<16xi32>)
        %masked_sort3A_355 = arith.constant dense<true> : vector<16xi1>
        %masked_sort3A_356, %masked_sort3A_357, %masked_sort3A_358 = tpu.sort %select_n3A_349, %select_n3A_350 masked %masked_sort3A_355 : (vector<16xf32>, vector<16xi32>, vector<16xi1>) -> (vector<16xi1>, vector<16xf32>, vector<16xi32>)
        %rev3A_359 = arith.constant 15 : i32
        %rev3A_360 = vector.broadcast %rev3A_359 : i32 to vector<16xi32>
        %rev3A_361 = tpu.iota {dimensions = array<i32: 0>} : vector<16xi32>
        %rev3A_362 = arith.subi %rev3A_360, %rev3A_361 : vector<16xi32>
        %rev3A_363 = tpu.dynamic_gather %masked_sort3A_223[%rev3A_362] in [0] : vector<16xf32>, vector<16xi32> -> vector<16xf32>
        %rev3A_364 = arith.constant 15 : i32
        %rev3A_365 = vector.broadcast %rev3A_364 : i32 to vector<16xi32>
        %rev3A_366 = tpu.iota {dimensions = array<i32: 0>} : vector<16xi32>
        %rev3A_367 = arith.subi %rev3A_365, %rev3A_366 : vector<16xi32>
        %rev3A_368 = tpu.dynamic_gather %masked_sort3A_224[%rev3A_367] in [0] : vector<16xi32>, vector<16xi32> -> vector<16xi32>
        %le3A_369 = arith.cmpf ole, %masked_sort3A_214, %rev3A_363 : vector<16xf32>
        %select_n3A_370 = arith.select %le3A_369, %masked_sort3A_214, %rev3A_363 : vector<16xi1>, vector<16xf32>
        %select_n3A_371 = arith.select %le3A_369, %masked_sort3A_215, %rev3A_368 : vector<16xi1>, vector<16xi32>
        %select_n3A_372 = arith.select %le3A_369, %rev3A_363, %masked_sort3A_214 : vector<16xi1>, vector<16xf32>
        %select_n3A_373 = arith.select %le3A_369, %rev3A_368, %masked_sort3A_215 : vector<16xi1>, vector<16xi32>
        %masked_sort3A_374 = arith.constant dense<true> : vector<16xi1>
        %masked_sort3A_375, %masked_sort3A_376, %masked_sort3A_377 = tpu.sort %select_n3A_370, %select_n3A_371 masked %masked_sort3A_374 : (vector<16xf32>, vector<16xi32>, vector<16xi1>) -> (vector<16xi1>, vector<16xf32>, vector<16xi32>)
        %masked_sort3A_378 = arith.constant dense<true> : vector<16xi1>
        %masked_sort3A_379, %masked_sort3A_380, %masked_sort3A_381 = tpu.sort %select_n3A_372, %select_n3A_373 masked %masked_sort3A_378 : (vector<16xf32>, vector<16xi32>, vector<16xi1>) -> (vector<16xi1>, vector<16xf32>, vector<16xi32>)
        %rev3A_382 = arith.constant 15 : i32
        %rev3A_383 = vector.broadcast %rev3A_382 : i32 to vector<16xi32>
        %rev3A_384 = tpu.iota {dimensions = array<i32: 0>} : vector<16xi32>
        %rev3A_385 = arith.subi %rev3A_383, %rev3A_384 : vector<16xi32>
        %rev3A_386 = tpu.dynamic_gather %masked_sort3A_241[%rev3A_385] in [0] : vector<16xf32>, vector<16xi32> -> vector<16xf32>
        %rev3A_387 = arith.constant 15 : i32
        %rev3A_388 = vector.broadcast %rev3A_387 : i32 to vector<16xi32>
        %rev3A_389 = tpu.iota {dimensions = array<i32: 0>} : vector<16xi32>
        %rev3A_390 = arith.subi %rev3A_388, %rev3A_389 : vector<16xi32>
        %rev3A_391 = tpu.dynamic_gather %masked_sort3A_242[%rev3A_390] in [0] : vector<16xi32>, vector<16xi32> -> vector<16xi32>
        %le3A_392 = arith.cmpf ole, %masked_sort3A_232, %rev3A_386 : vector<16xf32>
        %select_n3A_393 = arith.select %le3A_392, %masked_sort3A_232, %rev3A_386 : vector<16xi1>, vector<16xf32>
        %select_n3A_394 = arith.select %le3A_392, %masked_sort3A_233, %rev3A_391 : vector<16xi1>, vector<16xi32>
        %select_n3A_395 = arith.select %le3A_392, %rev3A_386, %masked_sort3A_232 : vector<16xi1>, vector<16xf32>
        %select_n3A_396 = arith.select %le3A_392, %rev3A_391, %masked_sort3A_233 : vector<16xi1>, vector<16xi32>
        %masked_sort3A_397 = arith.constant dense<true> : vector<16xi1>
        %masked_sort3A_398, %masked_sort3A_399, %masked_sort3A_400 = tpu.sort %select_n3A_393, %select_n3A_394 masked %masked_sort3A_397 : (vector<16xf32>, vector<16xi32>, vector<16xi1>) -> (vector<16xi1>, vector<16xf32>, vector<16xi32>)
        %masked_sort3A_401 = arith.constant dense<true> : vector<16xi1>
        %masked_sort3A_402, %masked_sort3A_403, %masked_sort3A_404 = tpu.sort %select_n3A_395, %select_n3A_396 masked %masked_sort3A_401 : (vector<16xf32>, vector<16xi32>, vector<16xi1>) -> (vector<16xi1>, vector<16xf32>, vector<16xi32>)
        %rev3A_405 = arith.constant 15 : i32
        %rev3A_406 = vector.broadcast %rev3A_405 : i32 to vector<16xi32>
        %rev3A_407 = tpu.iota {dimensions = array<i32: 0>} : vector<16xi32>
        %rev3A_408 = arith.subi %rev3A_406, %rev3A_407 : vector<16xi32>
        %rev3A_409 = tpu.dynamic_gather %masked_sort3A_259[%rev3A_408] in [0] : vector<16xf32>, vector<16xi32> -> vector<16xf32>
        %rev3A_410 = arith.constant 15 : i32
        %rev3A_411 = vector.broadcast %rev3A_410 : i32 to vector<16xi32>
        %rev3A_412 = tpu.iota {dimensions = array<i32: 0>} : vector<16xi32>
        %rev3A_413 = arith.subi %rev3A_411, %rev3A_412 : vector<16xi32>
        %rev3A_414 = tpu.dynamic_gather %masked_sort3A_260[%rev3A_413] in [0] : vector<16xi32>, vector<16xi32> -> vector<16xi32>
        %le3A_415 = arith.cmpf ole, %masked_sort3A_250, %rev3A_409 : vector<16xf32>
        %select_n3A_416 = arith.select %le3A_415, %masked_sort3A_250, %rev3A_409 : vector<16xi1>, vector<16xf32>
        %select_n3A_417 = arith.select %le3A_415, %masked_sort3A_251, %rev3A_414 : vector<16xi1>, vector<16xi32>
        %select_n3A_418 = arith.select %le3A_415, %rev3A_409, %masked_sort3A_250 : vector<16xi1>, vector<16xf32>
        %select_n3A_419 = arith.select %le3A_415, %rev3A_414, %masked_sort3A_251 : vector<16xi1>, vector<16xi32>
        %masked_sort3A_420 = arith.constant dense<true> : vector<16xi1>
        %masked_sort3A_421, %masked_sort3A_422, %masked_sort3A_423 = tpu.sort %select_n3A_416, %select_n3A_417 masked %masked_sort3A_420 : (vector<16xf32>, vector<16xi32>, vector<16xi1>) -> (vector<16xi1>, vector<16xf32>, vector<16xi32>)
        %masked_sort3A_424 = arith.constant dense<true> : vector<16xi1>
        %masked_sort3A_425, %masked_sort3A_426, %masked_sort3A_427 = tpu.sort %select_n3A_418, %select_n3A_419 masked %masked_sort3A_424 : (vector<16xf32>, vector<16xi32>, vector<16xi1>) -> (vector<16xi1>, vector<16xf32>, vector<16xi32>)
        %rev3A_428 = arith.constant 15 : i32
        %rev3A_429 = vector.broadcast %rev3A_428 : i32 to vector<16xi32>
        %rev3A_430 = tpu.iota {dimensions = array<i32: 0>} : vector<16xi32>
        %rev3A_431 = arith.subi %rev3A_429, %rev3A_430 : vector<16xi32>
        %rev3A_432 = tpu.dynamic_gather %masked_sort3A_277[%rev3A_431] in [0] : vector<16xf32>, vector<16xi32> -> vector<16xf32>
        %rev3A_433 = arith.constant 15 : i32
        %rev3A_434 = vector.broadcast %rev3A_433 : i32 to vector<16xi32>
        %rev3A_435 = tpu.iota {dimensions = array<i32: 0>} : vector<16xi32>
        %rev3A_436 = arith.subi %rev3A_434, %rev3A_435 : vector<16xi32>
        %rev3A_437 = tpu.dynamic_gather %masked_sort3A_278[%rev3A_436] in [0] : vector<16xi32>, vector<16xi32> -> vector<16xi32>
        %le3A_438 = arith.cmpf ole, %masked_sort3A_268, %rev3A_432 : vector<16xf32>
        %select_n3A_439 = arith.select %le3A_438, %masked_sort3A_268, %rev3A_432 : vector<16xi1>, vector<16xf32>
        %select_n3A_440 = arith.select %le3A_438, %masked_sort3A_269, %rev3A_437 : vector<16xi1>, vector<16xi32>
        %select_n3A_441 = arith.select %le3A_438, %rev3A_432, %masked_sort3A_268 : vector<16xi1>, vector<16xf32>
        %select_n3A_442 = arith.select %le3A_438, %rev3A_437, %masked_sort3A_269 : vector<16xi1>, vector<16xi32>
        %masked_sort3A_443 = arith.constant dense<true> : vector<16xi1>
        %masked_sort3A_444, %masked_sort3A_445, %masked_sort3A_446 = tpu.sort %select_n3A_439, %select_n3A_440 masked %masked_sort3A_443 : (vector<16xf32>, vector<16xi32>, vector<16xi1>) -> (vector<16xi1>, vector<16xf32>, vector<16xi32>)
        %masked_sort3A_447 = arith.constant dense<true> : vector<16xi1>
        %masked_sort3A_448, %masked_sort3A_449, %masked_sort3A_450 = tpu.sort %select_n3A_441, %select_n3A_442 masked %masked_sort3A_447 : (vector<16xf32>, vector<16xi32>, vector<16xi1>) -> (vector<16xi1>, vector<16xf32>, vector<16xi32>)
        %rev3A_451 = arith.constant 15 : i32
        %rev3A_452 = vector.broadcast %rev3A_451 : i32 to vector<16xi32>
        %rev3A_453 = tpu.iota {dimensions = array<i32: 0>} : vector<16xi32>
        %rev3A_454 = arith.subi %rev3A_452, %rev3A_453 : vector<16xi32>
        %rev3A_455 = tpu.dynamic_gather %masked_sort3A_295[%rev3A_454] in [0] : vector<16xf32>, vector<16xi32> -> vector<16xf32>
        %rev3A_456 = arith.constant 15 : i32
        %rev3A_457 = vector.broadcast %rev3A_456 : i32 to vector<16xi32>
        %rev3A_458 = tpu.iota {dimensions = array<i32: 0>} : vector<16xi32>
        %rev3A_459 = arith.subi %rev3A_457, %rev3A_458 : vector<16xi32>
        %rev3A_460 = tpu.dynamic_gather %masked_sort3A_296[%rev3A_459] in [0] : vector<16xi32>, vector<16xi32> -> vector<16xi32>
        %le3A_461 = arith.cmpf ole, %masked_sort3A_286, %rev3A_455 : vector<16xf32>
        %select_n3A_462 = arith.select %le3A_461, %masked_sort3A_286, %rev3A_455 : vector<16xi1>, vector<16xf32>
        %select_n3A_463 = arith.select %le3A_461, %masked_sort3A_287, %rev3A_460 : vector<16xi1>, vector<16xi32>
        %select_n3A_464 = arith.select %le3A_461, %rev3A_455, %masked_sort3A_286 : vector<16xi1>, vector<16xf32>
        %select_n3A_465 = arith.select %le3A_461, %rev3A_460, %masked_sort3A_287 : vector<16xi1>, vector<16xi32>
        %masked_sort3A_466 = arith.constant dense<true> : vector<16xi1>
        %masked_sort3A_467, %masked_sort3A_468, %masked_sort3A_469 = tpu.sort %select_n3A_462, %select_n3A_463 masked %masked_sort3A_466 : (vector<16xf32>, vector<16xi32>, vector<16xi1>) -> (vector<16xi1>, vector<16xf32>, vector<16xi32>)
        %masked_sort3A_470 = arith.constant dense<true> : vector<16xi1>
        %masked_sort3A_471, %masked_sort3A_472, %masked_sort3A_473 = tpu.sort %select_n3A_464, %select_n3A_465 masked %masked_sort3A_470 : (vector<16xf32>, vector<16xi32>, vector<16xi1>) -> (vector<16xi1>, vector<16xf32>, vector<16xi32>)
        %rev3A_474 = arith.constant 15 : i32
        %rev3A_475 = vector.broadcast %rev3A_474 : i32 to vector<16xi32>
        %rev3A_476 = tpu.iota {dimensions = array<i32: 0>} : vector<16xi32>
        %rev3A_477 = arith.subi %rev3A_475, %rev3A_476 : vector<16xi32>
        %rev3A_478 = tpu.dynamic_gather %masked_sort3A_313[%rev3A_477] in [0] : vector<16xf32>, vector<16xi32> -> vector<16xf32>
        %rev3A_479 = arith.constant 15 : i32
        %rev3A_480 = vector.broadcast %rev3A_479 : i32 to vector<16xi32>
        %rev3A_481 = tpu.iota {dimensions = array<i32: 0>} : vector<16xi32>
        %rev3A_482 = arith.subi %rev3A_480, %rev3A_481 : vector<16xi32>
        %rev3A_483 = tpu.dynamic_gather %masked_sort3A_314[%rev3A_482] in [0] : vector<16xi32>, vector<16xi32> -> vector<16xi32>
        %le3A_484 = arith.cmpf ole, %masked_sort3A_304, %rev3A_478 : vector<16xf32>
        %select_n3A_485 = arith.select %le3A_484, %masked_sort3A_304, %rev3A_478 : vector<16xi1>, vector<16xf32>
        %select_n3A_486 = arith.select %le3A_484, %masked_sort3A_305, %rev3A_483 : vector<16xi1>, vector<16xi32>
        %select_n3A_487 = arith.select %le3A_484, %rev3A_478, %masked_sort3A_304 : vector<16xi1>, vector<16xf32>
        %select_n3A_488 = arith.select %le3A_484, %rev3A_483, %masked_sort3A_305 : vector<16xi1>, vector<16xi32>
        %masked_sort3A_489 = arith.constant dense<true> : vector<16xi1>
        %masked_sort3A_490, %masked_sort3A_491, %masked_sort3A_492 = tpu.sort %select_n3A_485, %select_n3A_486 masked %masked_sort3A_489 : (vector<16xf32>, vector<16xi32>, vector<16xi1>) -> (vector<16xi1>, vector<16xf32>, vector<16xi32>)
        %masked_sort3A_493 = arith.constant dense<true> : vector<16xi1>
        %masked_sort3A_494, %masked_sort3A_495, %masked_sort3A_496 = tpu.sort %select_n3A_487, %select_n3A_488 masked %masked_sort3A_493 : (vector<16xf32>, vector<16xi32>, vector<16xi1>) -> (vector<16xi1>, vector<16xf32>, vector<16xi32>)
        %rev3A_497 = arith.constant 15 : i32
        %rev3A_498 = vector.broadcast %rev3A_497 : i32 to vector<16xi32>
        %rev3A_499 = tpu.iota {dimensions = array<i32: 0>} : vector<16xi32>
        %rev3A_500 = arith.subi %rev3A_498, %rev3A_499 : vector<16xi32>
        %rev3A_501 = tpu.dynamic_gather %masked_sort3A_357[%rev3A_500] in [0] : vector<16xf32>, vector<16xi32> -> vector<16xf32>
        %rev3A_502 = arith.constant 15 : i32
        %rev3A_503 = vector.broadcast %rev3A_502 : i32 to vector<16xi32>
        %rev3A_504 = tpu.iota {dimensions = array<i32: 0>} : vector<16xi32>
        %rev3A_505 = arith.subi %rev3A_503, %rev3A_504 : vector<16xi32>
        %rev3A_506 = tpu.dynamic_gather %masked_sort3A_358[%rev3A_505] in [0] : vector<16xi32>, vector<16xi32> -> vector<16xi32>
        %rev3A_507 = arith.constant 15 : i32
        %rev3A_508 = vector.broadcast %rev3A_507 : i32 to vector<16xi32>
        %rev3A_509 = tpu.iota {dimensions = array<i32: 0>} : vector<16xi32>
        %rev3A_510 = arith.subi %rev3A_508, %rev3A_509 : vector<16xi32>
        %rev3A_511 = tpu.dynamic_gather %masked_sort3A_353[%rev3A_510] in [0] : vector<16xf32>, vector<16xi32> -> vector<16xf32>
        %rev3A_512 = arith.constant 15 : i32
        %rev3A_513 = vector.broadcast %rev3A_512 : i32 to vector<16xi32>
        %rev3A_514 = tpu.iota {dimensions = array<i32: 0>} : vector<16xi32>
        %rev3A_515 = arith.subi %rev3A_513, %rev3A_514 : vector<16xi32>
        %rev3A_516 = tpu.dynamic_gather %masked_sort3A_354[%rev3A_515] in [0] : vector<16xi32>, vector<16xi32> -> vector<16xi32>
        %le3A_517 = arith.cmpf ole, %masked_sort3A_330, %rev3A_501 : vector<16xf32>
        %select_n3A_518 = arith.select %le3A_517, %masked_sort3A_330, %rev3A_501 : vector<16xi1>, vector<16xf32>
        %select_n3A_519 = arith.select %le3A_517, %masked_sort3A_331, %rev3A_506 : vector<16xi1>, vector<16xi32>
        %le3A_520 = arith.cmpf ole, %masked_sort3A_334, %rev3A_511 : vector<16xf32>
        %select_n3A_521 = arith.select %le3A_520, %masked_sort3A_334, %rev3A_511 : vector<16xi1>, vector<16xf32>
        %select_n3A_522 = arith.select %le3A_520, %masked_sort3A_335, %rev3A_516 : vector<16xi1>, vector<16xi32>
        %le3A_523 = arith.cmpf ole, %select_n3A_518, %select_n3A_521 : vector<16xf32>
        %select_n3A_524 = arith.select %le3A_523, %select_n3A_518, %select_n3A_521 : vector<16xi1>, vector<16xf32>
        %select_n3A_525 = arith.select %le3A_523, %select_n3A_519, %select_n3A_522 : vector<16xi1>, vector<16xi32>
        %select_n3A_526 = arith.select %le3A_523, %select_n3A_521, %select_n3A_518 : vector<16xi1>, vector<16xf32>
        %select_n3A_527 = arith.select %le3A_523, %select_n3A_522, %select_n3A_519 : vector<16xi1>, vector<16xi32>
        %masked_sort3A_528 = arith.constant dense<true> : vector<16xi1>
        %masked_sort3A_529, %masked_sort3A_530, %masked_sort3A_531 = tpu.sort %select_n3A_524, %select_n3A_525 masked %masked_sort3A_528 : (vector<16xf32>, vector<16xi32>, vector<16xi1>) -> (vector<16xi1>, vector<16xf32>, vector<16xi32>)
        %masked_sort3A_532 = arith.constant dense<true> : vector<16xi1>
        %masked_sort3A_533, %masked_sort3A_534, %masked_sort3A_535 = tpu.sort %select_n3A_526, %select_n3A_527 masked %masked_sort3A_532 : (vector<16xf32>, vector<16xi32>, vector<16xi1>) -> (vector<16xi1>, vector<16xf32>, vector<16xi32>)
        %rev3A_536 = arith.constant 15 : i32
        %rev3A_537 = vector.broadcast %rev3A_536 : i32 to vector<16xi32>
        %rev3A_538 = tpu.iota {dimensions = array<i32: 0>} : vector<16xi32>
        %rev3A_539 = arith.subi %rev3A_537, %rev3A_538 : vector<16xi32>
        %rev3A_540 = tpu.dynamic_gather %masked_sort3A_403[%rev3A_539] in [0] : vector<16xf32>, vector<16xi32> -> vector<16xf32>
        %rev3A_541 = arith.constant 15 : i32
        %rev3A_542 = vector.broadcast %rev3A_541 : i32 to vector<16xi32>
        %rev3A_543 = tpu.iota {dimensions = array<i32: 0>} : vector<16xi32>
        %rev3A_544 = arith.subi %rev3A_542, %rev3A_543 : vector<16xi32>
        %rev3A_545 = tpu.dynamic_gather %masked_sort3A_404[%rev3A_544] in [0] : vector<16xi32>, vector<16xi32> -> vector<16xi32>
        %rev3A_546 = arith.constant 15 : i32
        %rev3A_547 = vector.broadcast %rev3A_546 : i32 to vector<16xi32>
        %rev3A_548 = tpu.iota {dimensions = array<i32: 0>} : vector<16xi32>
        %rev3A_549 = arith.subi %rev3A_547, %rev3A_548 : vector<16xi32>
        %rev3A_550 = tpu.dynamic_gather %masked_sort3A_399[%rev3A_549] in [0] : vector<16xf32>, vector<16xi32> -> vector<16xf32>
        %rev3A_551 = arith.constant 15 : i32
        %rev3A_552 = vector.broadcast %rev3A_551 : i32 to vector<16xi32>
        %rev3A_553 = tpu.iota {dimensions = array<i32: 0>} : vector<16xi32>
        %rev3A_554 = arith.subi %rev3A_552, %rev3A_553 : vector<16xi32>
        %rev3A_555 = tpu.dynamic_gather %masked_sort3A_400[%rev3A_554] in [0] : vector<16xi32>, vector<16xi32> -> vector<16xi32>
        %le3A_556 = arith.cmpf ole, %masked_sort3A_376, %rev3A_540 : vector<16xf32>
        %select_n3A_557 = arith.select %le3A_556, %masked_sort3A_376, %rev3A_540 : vector<16xi1>, vector<16xf32>
        %select_n3A_558 = arith.select %le3A_556, %masked_sort3A_377, %rev3A_545 : vector<16xi1>, vector<16xi32>
        %le3A_559 = arith.cmpf ole, %masked_sort3A_380, %rev3A_550 : vector<16xf32>
        %select_n3A_560 = arith.select %le3A_559, %masked_sort3A_380, %rev3A_550 : vector<16xi1>, vector<16xf32>
        %select_n3A_561 = arith.select %le3A_559, %masked_sort3A_381, %rev3A_555 : vector<16xi1>, vector<16xi32>
        %le3A_562 = arith.cmpf ole, %select_n3A_557, %select_n3A_560 : vector<16xf32>
        %select_n3A_563 = arith.select %le3A_562, %select_n3A_557, %select_n3A_560 : vector<16xi1>, vector<16xf32>
        %select_n3A_564 = arith.select %le3A_562, %select_n3A_558, %select_n3A_561 : vector<16xi1>, vector<16xi32>
        %select_n3A_565 = arith.select %le3A_562, %select_n3A_560, %select_n3A_557 : vector<16xi1>, vector<16xf32>
        %select_n3A_566 = arith.select %le3A_562, %select_n3A_561, %select_n3A_558 : vector<16xi1>, vector<16xi32>
        %masked_sort3A_567 = arith.constant dense<true> : vector<16xi1>
        %masked_sort3A_568, %masked_sort3A_569, %masked_sort3A_570 = tpu.sort %select_n3A_563, %select_n3A_564 masked %masked_sort3A_567 : (vector<16xf32>, vector<16xi32>, vector<16xi1>) -> (vector<16xi1>, vector<16xf32>, vector<16xi32>)
        %masked_sort3A_571 = arith.constant dense<true> : vector<16xi1>
        %masked_sort3A_572, %masked_sort3A_573, %masked_sort3A_574 = tpu.sort %select_n3A_565, %select_n3A_566 masked %masked_sort3A_571 : (vector<16xf32>, vector<16xi32>, vector<16xi1>) -> (vector<16xi1>, vector<16xf32>, vector<16xi32>)
        %rev3A_575 = arith.constant 15 : i32
        %rev3A_576 = vector.broadcast %rev3A_575 : i32 to vector<16xi32>
        %rev3A_577 = tpu.iota {dimensions = array<i32: 0>} : vector<16xi32>
        %rev3A_578 = arith.subi %rev3A_576, %rev3A_577 : vector<16xi32>
        %rev3A_579 = tpu.dynamic_gather %masked_sort3A_449[%rev3A_578] in [0] : vector<16xf32>, vector<16xi32> -> vector<16xf32>
        %rev3A_580 = arith.constant 15 : i32
        %rev3A_581 = vector.broadcast %rev3A_580 : i32 to vector<16xi32>
        %rev3A_582 = tpu.iota {dimensions = array<i32: 0>} : vector<16xi32>
        %rev3A_583 = arith.subi %rev3A_581, %rev3A_582 : vector<16xi32>
        %rev3A_584 = tpu.dynamic_gather %masked_sort3A_450[%rev3A_583] in [0] : vector<16xi32>, vector<16xi32> -> vector<16xi32>
        %rev3A_585 = arith.constant 15 : i32
        %rev3A_586 = vector.broadcast %rev3A_585 : i32 to vector<16xi32>
        %rev3A_587 = tpu.iota {dimensions = array<i32: 0>} : vector<16xi32>
        %rev3A_588 = arith.subi %rev3A_586, %rev3A_587 : vector<16xi32>
        %rev3A_589 = tpu.dynamic_gather %masked_sort3A_445[%rev3A_588] in [0] : vector<16xf32>, vector<16xi32> -> vector<16xf32>
        %rev3A_590 = arith.constant 15 : i32
        %rev3A_591 = vector.broadcast %rev3A_590 : i32 to vector<16xi32>
        %rev3A_592 = tpu.iota {dimensions = array<i32: 0>} : vector<16xi32>
        %rev3A_593 = arith.subi %rev3A_591, %rev3A_592 : vector<16xi32>
        %rev3A_594 = tpu.dynamic_gather %masked_sort3A_446[%rev3A_593] in [0] : vector<16xi32>, vector<16xi32> -> vector<16xi32>
        %le3A_595 = arith.cmpf ole, %masked_sort3A_422, %rev3A_579 : vector<16xf32>
        %select_n3A_596 = arith.select %le3A_595, %masked_sort3A_422, %rev3A_579 : vector<16xi1>, vector<16xf32>
        %select_n3A_597 = arith.select %le3A_595, %masked_sort3A_423, %rev3A_584 : vector<16xi1>, vector<16xi32>
        %le3A_598 = arith.cmpf ole, %masked_sort3A_426, %rev3A_589 : vector<16xf32>
        %select_n3A_599 = arith.select %le3A_598, %masked_sort3A_426, %rev3A_589 : vector<16xi1>, vector<16xf32>
        %select_n3A_600 = arith.select %le3A_598, %masked_sort3A_427, %rev3A_594 : vector<16xi1>, vector<16xi32>
        %le3A_601 = arith.cmpf ole, %select_n3A_596, %select_n3A_599 : vector<16xf32>
        %select_n3A_602 = arith.select %le3A_601, %select_n3A_596, %select_n3A_599 : vector<16xi1>, vector<16xf32>
        %select_n3A_603 = arith.select %le3A_601, %select_n3A_597, %select_n3A_600 : vector<16xi1>, vector<16xi32>
        %select_n3A_604 = arith.select %le3A_601, %select_n3A_599, %select_n3A_596 : vector<16xi1>, vector<16xf32>
        %select_n3A_605 = arith.select %le3A_601, %select_n3A_600, %select_n3A_597 : vector<16xi1>, vector<16xi32>
        %masked_sort3A_606 = arith.constant dense<true> : vector<16xi1>
        %masked_sort3A_607, %masked_sort3A_608, %masked_sort3A_609 = tpu.sort %select_n3A_602, %select_n3A_603 masked %masked_sort3A_606 : (vector<16xf32>, vector<16xi32>, vector<16xi1>) -> (vector<16xi1>, vector<16xf32>, vector<16xi32>)
        %masked_sort3A_610 = arith.constant dense<true> : vector<16xi1>
        %masked_sort3A_611, %masked_sort3A_612, %masked_sort3A_613 = tpu.sort %select_n3A_604, %select_n3A_605 masked %masked_sort3A_610 : (vector<16xf32>, vector<16xi32>, vector<16xi1>) -> (vector<16xi1>, vector<16xf32>, vector<16xi32>)
        %rev3A_614 = arith.constant 15 : i32
        %rev3A_615 = vector.broadcast %rev3A_614 : i32 to vector<16xi32>
        %rev3A_616 = tpu.iota {dimensions = array<i32: 0>} : vector<16xi32>
        %rev3A_617 = arith.subi %rev3A_615, %rev3A_616 : vector<16xi32>
        %rev3A_618 = tpu.dynamic_gather %masked_sort3A_495[%rev3A_617] in [0] : vector<16xf32>, vector<16xi32> -> vector<16xf32>
        %rev3A_619 = arith.constant 15 : i32
        %rev3A_620 = vector.broadcast %rev3A_619 : i32 to vector<16xi32>
        %rev3A_621 = tpu.iota {dimensions = array<i32: 0>} : vector<16xi32>
        %rev3A_622 = arith.subi %rev3A_620, %rev3A_621 : vector<16xi32>
        %rev3A_623 = tpu.dynamic_gather %masked_sort3A_496[%rev3A_622] in [0] : vector<16xi32>, vector<16xi32> -> vector<16xi32>
        %rev3A_624 = arith.constant 15 : i32
        %rev3A_625 = vector.broadcast %rev3A_624 : i32 to vector<16xi32>
        %rev3A_626 = tpu.iota {dimensions = array<i32: 0>} : vector<16xi32>
        %rev3A_627 = arith.subi %rev3A_625, %rev3A_626 : vector<16xi32>
        %rev3A_628 = tpu.dynamic_gather %masked_sort3A_491[%rev3A_627] in [0] : vector<16xf32>, vector<16xi32> -> vector<16xf32>
        %rev3A_629 = arith.constant 15 : i32
        %rev3A_630 = vector.broadcast %rev3A_629 : i32 to vector<16xi32>
        %rev3A_631 = tpu.iota {dimensions = array<i32: 0>} : vector<16xi32>
        %rev3A_632 = arith.subi %rev3A_630, %rev3A_631 : vector<16xi32>
        %rev3A_633 = tpu.dynamic_gather %masked_sort3A_492[%rev3A_632] in [0] : vector<16xi32>, vector<16xi32> -> vector<16xi32>
        %le3A_634 = arith.cmpf ole, %masked_sort3A_468, %rev3A_618 : vector<16xf32>
        %select_n3A_635 = arith.select %le3A_634, %masked_sort3A_468, %rev3A_618 : vector<16xi1>, vector<16xf32>
        %select_n3A_636 = arith.select %le3A_634, %masked_sort3A_469, %rev3A_623 : vector<16xi1>, vector<16xi32>
        %le3A_637 = arith.cmpf ole, %masked_sort3A_472, %rev3A_628 : vector<16xf32>
        %select_n3A_638 = arith.select %le3A_637, %masked_sort3A_472, %rev3A_628 : vector<16xi1>, vector<16xf32>
        %select_n3A_639 = arith.select %le3A_637, %masked_sort3A_473, %rev3A_633 : vector<16xi1>, vector<16xi32>
        %le3A_640 = arith.cmpf ole, %select_n3A_635, %select_n3A_638 : vector<16xf32>
        %select_n3A_641 = arith.select %le3A_640, %select_n3A_635, %select_n3A_638 : vector<16xi1>, vector<16xf32>
        %select_n3A_642 = arith.select %le3A_640, %select_n3A_636, %select_n3A_639 : vector<16xi1>, vector<16xi32>
        %select_n3A_643 = arith.select %le3A_640, %select_n3A_638, %select_n3A_635 : vector<16xi1>, vector<16xf32>
        %select_n3A_644 = arith.select %le3A_640, %select_n3A_639, %select_n3A_636 : vector<16xi1>, vector<16xi32>
        %masked_sort3A_645 = arith.constant dense<true> : vector<16xi1>
        %masked_sort3A_646, %masked_sort3A_647, %masked_sort3A_648 = tpu.sort %select_n3A_641, %select_n3A_642 masked %masked_sort3A_645 : (vector<16xf32>, vector<16xi32>, vector<16xi1>) -> (vector<16xi1>, vector<16xf32>, vector<16xi32>)
        %masked_sort3A_649 = arith.constant dense<true> : vector<16xi1>
        %masked_sort3A_650, %masked_sort3A_651, %masked_sort3A_652 = tpu.sort %select_n3A_643, %select_n3A_644 masked %masked_sort3A_649 : (vector<16xf32>, vector<16xi32>, vector<16xi1>) -> (vector<16xi1>, vector<16xf32>, vector<16xi32>)
        %rev3A_653 = arith.constant 15 : i32
        %rev3A_654 = vector.broadcast %rev3A_653 : i32 to vector<16xi32>
        %rev3A_655 = tpu.iota {dimensions = array<i32: 0>} : vector<16xi32>
        %rev3A_656 = arith.subi %rev3A_654, %rev3A_655 : vector<16xi32>
        %rev3A_657 = tpu.dynamic_gather %masked_sort3A_573[%rev3A_656] in [0] : vector<16xf32>, vector<16xi32> -> vector<16xf32>
        %rev3A_658 = arith.constant 15 : i32
        %rev3A_659 = vector.broadcast %rev3A_658 : i32 to vector<16xi32>
        %rev3A_660 = tpu.iota {dimensions = array<i32: 0>} : vector<16xi32>
        %rev3A_661 = arith.subi %rev3A_659, %rev3A_660 : vector<16xi32>
        %rev3A_662 = tpu.dynamic_gather %masked_sort3A_574[%rev3A_661] in [0] : vector<16xi32>, vector<16xi32> -> vector<16xi32>
        %rev3A_663 = arith.constant 15 : i32
        %rev3A_664 = vector.broadcast %rev3A_663 : i32 to vector<16xi32>
        %rev3A_665 = tpu.iota {dimensions = array<i32: 0>} : vector<16xi32>
        %rev3A_666 = arith.subi %rev3A_664, %rev3A_665 : vector<16xi32>
        %rev3A_667 = tpu.dynamic_gather %masked_sort3A_569[%rev3A_666] in [0] : vector<16xf32>, vector<16xi32> -> vector<16xf32>
        %rev3A_668 = arith.constant 15 : i32
        %rev3A_669 = vector.broadcast %rev3A_668 : i32 to vector<16xi32>
        %rev3A_670 = tpu.iota {dimensions = array<i32: 0>} : vector<16xi32>
        %rev3A_671 = arith.subi %rev3A_669, %rev3A_670 : vector<16xi32>
        %rev3A_672 = tpu.dynamic_gather %masked_sort3A_570[%rev3A_671] in [0] : vector<16xi32>, vector<16xi32> -> vector<16xi32>
        %le3A_673 = arith.cmpf ole, %masked_sort3A_530, %rev3A_657 : vector<16xf32>
        %select_n3A_674 = arith.select %le3A_673, %masked_sort3A_530, %rev3A_657 : vector<16xi1>, vector<16xf32>
        %select_n3A_675 = arith.select %le3A_673, %masked_sort3A_531, %rev3A_662 : vector<16xi1>, vector<16xi32>
        %le3A_676 = arith.cmpf ole, %masked_sort3A_534, %rev3A_667 : vector<16xf32>
        %select_n3A_677 = arith.select %le3A_676, %masked_sort3A_534, %rev3A_667 : vector<16xi1>, vector<16xf32>
        %select_n3A_678 = arith.select %le3A_676, %masked_sort3A_535, %rev3A_672 : vector<16xi1>, vector<16xi32>
        %le3A_679 = arith.cmpf ole, %select_n3A_674, %select_n3A_677 : vector<16xf32>
        %select_n3A_680 = arith.select %le3A_679, %select_n3A_674, %select_n3A_677 : vector<16xi1>, vector<16xf32>
        %select_n3A_681 = arith.select %le3A_679, %select_n3A_675, %select_n3A_678 : vector<16xi1>, vector<16xi32>
        %select_n3A_682 = arith.select %le3A_679, %select_n3A_677, %select_n3A_674 : vector<16xi1>, vector<16xf32>
        %select_n3A_683 = arith.select %le3A_679, %select_n3A_678, %select_n3A_675 : vector<16xi1>, vector<16xi32>
        %masked_sort3A_684 = arith.constant dense<true> : vector<16xi1>
        %masked_sort3A_685, %masked_sort3A_686, %masked_sort3A_687 = tpu.sort %select_n3A_680, %select_n3A_681 masked %masked_sort3A_684 : (vector<16xf32>, vector<16xi32>, vector<16xi1>) -> (vector<16xi1>, vector<16xf32>, vector<16xi32>)
        %masked_sort3A_688 = arith.constant dense<true> : vector<16xi1>
        %masked_sort3A_689, %masked_sort3A_690, %masked_sort3A_691 = tpu.sort %select_n3A_682, %select_n3A_683 masked %masked_sort3A_688 : (vector<16xf32>, vector<16xi32>, vector<16xi1>) -> (vector<16xi1>, vector<16xf32>, vector<16xi32>)
        %rev3A_692 = arith.constant 15 : i32
        %rev3A_693 = vector.broadcast %rev3A_692 : i32 to vector<16xi32>
        %rev3A_694 = tpu.iota {dimensions = array<i32: 0>} : vector<16xi32>
        %rev3A_695 = arith.subi %rev3A_693, %rev3A_694 : vector<16xi32>
        %rev3A_696 = tpu.dynamic_gather %masked_sort3A_651[%rev3A_695] in [0] : vector<16xf32>, vector<16xi32> -> vector<16xf32>
        %rev3A_697 = arith.constant 15 : i32
        %rev3A_698 = vector.broadcast %rev3A_697 : i32 to vector<16xi32>
        %rev3A_699 = tpu.iota {dimensions = array<i32: 0>} : vector<16xi32>
        %rev3A_700 = arith.subi %rev3A_698, %rev3A_699 : vector<16xi32>
        %rev3A_701 = tpu.dynamic_gather %masked_sort3A_652[%rev3A_700] in [0] : vector<16xi32>, vector<16xi32> -> vector<16xi32>
        %rev3A_702 = arith.constant 15 : i32
        %rev3A_703 = vector.broadcast %rev3A_702 : i32 to vector<16xi32>
        %rev3A_704 = tpu.iota {dimensions = array<i32: 0>} : vector<16xi32>
        %rev3A_705 = arith.subi %rev3A_703, %rev3A_704 : vector<16xi32>
        %rev3A_706 = tpu.dynamic_gather %masked_sort3A_647[%rev3A_705] in [0] : vector<16xf32>, vector<16xi32> -> vector<16xf32>
        %rev3A_707 = arith.constant 15 : i32
        %rev3A_708 = vector.broadcast %rev3A_707 : i32 to vector<16xi32>
        %rev3A_709 = tpu.iota {dimensions = array<i32: 0>} : vector<16xi32>
        %rev3A_710 = arith.subi %rev3A_708, %rev3A_709 : vector<16xi32>
        %rev3A_711 = tpu.dynamic_gather %masked_sort3A_648[%rev3A_710] in [0] : vector<16xi32>, vector<16xi32> -> vector<16xi32>
        %le3A_712 = arith.cmpf ole, %masked_sort3A_608, %rev3A_696 : vector<16xf32>
        %select_n3A_713 = arith.select %le3A_712, %masked_sort3A_608, %rev3A_696 : vector<16xi1>, vector<16xf32>
        %select_n3A_714 = arith.select %le3A_712, %masked_sort3A_609, %rev3A_701 : vector<16xi1>, vector<16xi32>
        %le3A_715 = arith.cmpf ole, %masked_sort3A_612, %rev3A_706 : vector<16xf32>
        %select_n3A_716 = arith.select %le3A_715, %masked_sort3A_612, %rev3A_706 : vector<16xi1>, vector<16xf32>
        %select_n3A_717 = arith.select %le3A_715, %masked_sort3A_613, %rev3A_711 : vector<16xi1>, vector<16xi32>
        %le3A_718 = arith.cmpf ole, %select_n3A_713, %select_n3A_716 : vector<16xf32>
        %select_n3A_719 = arith.select %le3A_718, %select_n3A_713, %select_n3A_716 : vector<16xi1>, vector<16xf32>
        %select_n3A_720 = arith.select %le3A_718, %select_n3A_714, %select_n3A_717 : vector<16xi1>, vector<16xi32>
        %select_n3A_721 = arith.select %le3A_718, %select_n3A_716, %select_n3A_713 : vector<16xi1>, vector<16xf32>
        %select_n3A_722 = arith.select %le3A_718, %select_n3A_717, %select_n3A_714 : vector<16xi1>, vector<16xi32>
        %masked_sort3A_723 = arith.constant dense<true> : vector<16xi1>
        %masked_sort3A_724, %masked_sort3A_725, %masked_sort3A_726 = tpu.sort %select_n3A_719, %select_n3A_720 masked %masked_sort3A_723 : (vector<16xf32>, vector<16xi32>, vector<16xi1>) -> (vector<16xi1>, vector<16xf32>, vector<16xi32>)
        %masked_sort3A_727 = arith.constant dense<true> : vector<16xi1>
        %masked_sort3A_728, %masked_sort3A_729, %masked_sort3A_730 = tpu.sort %select_n3A_721, %select_n3A_722 masked %masked_sort3A_727 : (vector<16xf32>, vector<16xi32>, vector<16xi1>) -> (vector<16xi1>, vector<16xf32>, vector<16xi32>)
        %rev3A_731 = arith.constant 15 : i32
        %rev3A_732 = vector.broadcast %rev3A_731 : i32 to vector<16xi32>
        %rev3A_733 = tpu.iota {dimensions = array<i32: 0>} : vector<16xi32>
        %rev3A_734 = arith.subi %rev3A_732, %rev3A_733 : vector<16xi32>
        %rev3A_735 = tpu.dynamic_gather %masked_sort3A_729[%rev3A_734] in [0] : vector<16xf32>, vector<16xi32> -> vector<16xf32>
        %rev3A_736 = arith.constant 15 : i32
        %rev3A_737 = vector.broadcast %rev3A_736 : i32 to vector<16xi32>
        %rev3A_738 = tpu.iota {dimensions = array<i32: 0>} : vector<16xi32>
        %rev3A_739 = arith.subi %rev3A_737, %rev3A_738 : vector<16xi32>
        %rev3A_740 = tpu.dynamic_gather %masked_sort3A_730[%rev3A_739] in [0] : vector<16xi32>, vector<16xi32> -> vector<16xi32>
        %rev3A_741 = arith.constant 15 : i32
        %rev3A_742 = vector.broadcast %rev3A_741 : i32 to vector<16xi32>
        %rev3A_743 = tpu.iota {dimensions = array<i32: 0>} : vector<16xi32>
        %rev3A_744 = arith.subi %rev3A_742, %rev3A_743 : vector<16xi32>
        %rev3A_745 = tpu.dynamic_gather %masked_sort3A_725[%rev3A_744] in [0] : vector<16xf32>, vector<16xi32> -> vector<16xf32>
        %rev3A_746 = arith.constant 15 : i32
        %rev3A_747 = vector.broadcast %rev3A_746 : i32 to vector<16xi32>
        %rev3A_748 = tpu.iota {dimensions = array<i32: 0>} : vector<16xi32>
        %rev3A_749 = arith.subi %rev3A_747, %rev3A_748 : vector<16xi32>
        %rev3A_750 = tpu.dynamic_gather %masked_sort3A_726[%rev3A_749] in [0] : vector<16xi32>, vector<16xi32> -> vector<16xi32>
        %le3A_751 = arith.cmpf ole, %masked_sort3A_686, %rev3A_735 : vector<16xf32>
        %select_n3A_752 = arith.select %le3A_751, %masked_sort3A_686, %rev3A_735 : vector<16xi1>, vector<16xf32>
        %select_n3A_753 = arith.select %le3A_751, %masked_sort3A_687, %rev3A_740 : vector<16xi1>, vector<16xi32>
        %le3A_754 = arith.cmpf ole, %masked_sort3A_690, %rev3A_745 : vector<16xf32>
        %select_n3A_755 = arith.select %le3A_754, %masked_sort3A_690, %rev3A_745 : vector<16xi1>, vector<16xf32>
        %select_n3A_756 = arith.select %le3A_754, %masked_sort3A_691, %rev3A_750 : vector<16xi1>, vector<16xi32>
        %le3A_757 = arith.cmpf ole, %select_n3A_752, %select_n3A_755 : vector<16xf32>
        %select_n3A_758 = arith.select %le3A_757, %select_n3A_752, %select_n3A_755 : vector<16xi1>, vector<16xf32>
        %select_n3A_759 = arith.select %le3A_757, %select_n3A_753, %select_n3A_756 : vector<16xi1>, vector<16xi32>
        %select_n3A_760 = arith.select %le3A_757, %select_n3A_755, %select_n3A_752 : vector<16xi1>, vector<16xf32>
        %select_n3A_761 = arith.select %le3A_757, %select_n3A_756, %select_n3A_753 : vector<16xi1>, vector<16xi32>
        %masked_sort3A_762 = arith.constant dense<true> : vector<16xi1>
        %masked_sort3A_763, %masked_sort3A_764, %masked_sort3A_765 = tpu.sort %select_n3A_758, %select_n3A_759 masked %masked_sort3A_762 : (vector<16xf32>, vector<16xi32>, vector<16xi1>) -> (vector<16xi1>, vector<16xf32>, vector<16xi32>)
        %masked_sort3A_766 = arith.constant dense<true> : vector<16xi1>
        %masked_sort3A_767, %masked_sort3A_768, %masked_sort3A_769 = tpu.sort %select_n3A_760, %select_n3A_761 masked %masked_sort3A_766 : (vector<16xf32>, vector<16xi32>, vector<16xi1>) -> (vector<16xi1>, vector<16xf32>, vector<16xi32>)
        %slice3A_770 = vector.extract_strided_slice %masked_sort3A_765 {offsets = [0], sizes = [1], strides = [1]} : vector<16xi32> to vector<1xi32>
        %squeeze3A_771 = vector.extract %slice3A_770[0] : i32 from vector<1xi32>
        %shift_right_arithmetic3A = arith.constant 4 : i32
        %shift_right_arithmetic3A_772 = arith.shrsi %squeeze3A_771, %shift_right_arithmetic3A : i32
        %shift_left3A = arith.constant 8 : i32
        %shift_left3A_773 = arith.shli %shift_right_arithmetic3A_772, %shift_left3A : i32
        %and3A = arith.constant 15 : i32
        %and3A_774 = arith.andi %squeeze3A_771, %and3A : i32
        %add3A_775 = arith.addi %shift_left3A_773, %and3A_774 : i32
        %mul3A_776 = arith.constant 16 : i32
        %mul3A_777 = vector.broadcast %mul3A_776 : i32 to vector<16xi32>
        %mul3A_778 = arith.muli %iota3A, %mul3A_777 : vector<16xi32>
        %add3A_779 = vector.broadcast %add3A_775 : i32 to vector<16xi32>
        %add3A_780 = arith.addi %add3A_779, %mul3A_778 : vector<16xi32>
        %gather3A_781 = tpu.vector_load_idx %arg8[%add3A_780] : memref<4096xf32, #tpu.memory_space<vmem>>[vector<16xi32>], vector<16xf32>,
        %masked_sort3A_782 = arith.constant dense<true> : vector<16xi1>
        %masked_sort3A_783, %masked_sort3A_784, %masked_sort3A_785 = tpu.sort %gather3A_781, %add3A_780 masked %masked_sort3A_782 : (vector<16xf32>, vector<16xi32>, vector<16xi1>) -> (vector<16xi1>, vector<16xf32>, vector<16xi32>)
        %slice3A_786 = vector.extract_strided_slice %masked_sort3A_765 {offsets = [1], sizes = [1], strides = [1]} : vector<16xi32> to vector<1xi32>
        %squeeze3A_787 = vector.extract %slice3A_786[0] : i32 from vector<1xi32>
        %shift_right_arithmetic3A_788 = arith.constant 4 : i32
        %shift_right_arithmetic3A_789 = arith.shrsi %squeeze3A_787, %shift_right_arithmetic3A_788 : i32
        %shift_left3A_790 = arith.constant 8 : i32
        %shift_left3A_791 = arith.shli %shift_right_arithmetic3A_789, %shift_left3A_790 : i32
        %and3A_792 = arith.constant 15 : i32
        %and3A_793 = arith.andi %squeeze3A_787, %and3A_792 : i32
        %add3A_794 = arith.addi %shift_left3A_791, %and3A_793 : i32
        %mul3A_795 = arith.constant 16 : i32
        %mul3A_796 = vector.broadcast %mul3A_795 : i32 to vector<16xi32>
        %mul3A_797 = arith.muli %iota3A, %mul3A_796 : vector<16xi32>
        %add3A_798 = vector.broadcast %add3A_794 : i32 to vector<16xi32>
        %add3A_799 = arith.addi %add3A_798, %mul3A_797 : vector<16xi32>
        %gather3A_800 = tpu.vector_load_idx %arg8[%add3A_799] : memref<4096xf32, #tpu.memory_space<vmem>>[vector<16xi32>], vector<16xf32>,
        %masked_sort3A_801 = arith.constant dense<true> : vector<16xi1>
        %masked_sort3A_802, %masked_sort3A_803, %masked_sort3A_804 = tpu.sort %gather3A_800, %add3A_799 masked %masked_sort3A_801 : (vector<16xf32>, vector<16xi32>, vector<16xi1>) -> (vector<16xi1>, vector<16xf32>, vector<16xi32>)
        %slice3A_805 = vector.extract_strided_slice %masked_sort3A_765 {offsets = [2], sizes = [1], strides = [1]} : vector<16xi32> to vector<1xi32>
        %squeeze3A_806 = vector.extract %slice3A_805[0] : i32 from vector<1xi32>
        %shift_right_arithmetic3A_807 = arith.constant 4 : i32
        %shift_right_arithmetic3A_808 = arith.shrsi %squeeze3A_806, %shift_right_arithmetic3A_807 : i32
        %shift_left3A_809 = arith.constant 8 : i32
        %shift_left3A_810 = arith.shli %shift_right_arithmetic3A_808, %shift_left3A_809 : i32
        %and3A_811 = arith.constant 15 : i32
        %and3A_812 = arith.andi %squeeze3A_806, %and3A_811 : i32
        %add3A_813 = arith.addi %shift_left3A_810, %and3A_812 : i32
        %mul3A_814 = arith.constant 16 : i32
        %mul3A_815 = vector.broadcast %mul3A_814 : i32 to vector<16xi32>
        %mul3A_816 = arith.muli %iota3A, %mul3A_815 : vector<16xi32>
        %add3A_817 = vector.broadcast %add3A_813 : i32 to vector<16xi32>
        %add3A_818 = arith.addi %add3A_817, %mul3A_816 : vector<16xi32>
        %gather3A_819 = tpu.vector_load_idx %arg8[%add3A_818] : memref<4096xf32, #tpu.memory_space<vmem>>[vector<16xi32>], vector<16xf32>,
        %masked_sort3A_820 = arith.constant dense<true> : vector<16xi1>
        %masked_sort3A_821, %masked_sort3A_822, %masked_sort3A_823 = tpu.sort %gather3A_819, %add3A_818 masked %masked_sort3A_820 : (vector<16xf32>, vector<16xi32>, vector<16xi1>) -> (vector<16xi1>, vector<16xf32>, vector<16xi32>)
        %slice3A_824 = vector.extract_strided_slice %masked_sort3A_765 {offsets = [3], sizes = [1], strides = [1]} : vector<16xi32> to vector<1xi32>
        %squeeze3A_825 = vector.extract %slice3A_824[0] : i32 from vector<1xi32>
        %shift_right_arithmetic3A_826 = arith.constant 4 : i32
        %shift_right_arithmetic3A_827 = arith.shrsi %squeeze3A_825, %shift_right_arithmetic3A_826 : i32
        %shift_left3A_828 = arith.constant 8 : i32
        %shift_left3A_829 = arith.shli %shift_right_arithmetic3A_827, %shift_left3A_828 : i32
        %and3A_830 = arith.constant 15 : i32
        %and3A_831 = arith.andi %squeeze3A_825, %and3A_830 : i32
        %add3A_832 = arith.addi %shift_left3A_829, %and3A_831 : i32
        %mul3A_833 = arith.constant 16 : i32
        %mul3A_834 = vector.broadcast %mul3A_833 : i32 to vector<16xi32>
        %mul3A_835 = arith.muli %iota3A, %mul3A_834 : vector<16xi32>
        %add3A_836 = vector.broadcast %add3A_832 : i32 to vector<16xi32>
        %add3A_837 = arith.addi %add3A_836, %mul3A_835 : vector<16xi32>
        %gather3A_838 = tpu.vector_load_idx %arg8[%add3A_837] : memref<4096xf32, #tpu.memory_space<vmem>>[vector<16xi32>], vector<16xf32>,
        %masked_sort3A_839 = arith.constant dense<true> : vector<16xi1>
        %masked_sort3A_840, %masked_sort3A_841, %masked_sort3A_842 = tpu.sort %gather3A_838, %add3A_837 masked %masked_sort3A_839 : (vector<16xf32>, vector<16xi32>, vector<16xi1>) -> (vector<16xi1>, vector<16xf32>, vector<16xi32>)
        %slice3A_843 = vector.extract_strided_slice %masked_sort3A_765 {offsets = [4], sizes = [1], strides = [1]} : vector<16xi32> to vector<1xi32>
        %squeeze3A_844 = vector.extract %slice3A_843[0] : i32 from vector<1xi32>
        %shift_right_arithmetic3A_845 = arith.constant 4 : i32
        %shift_right_arithmetic3A_846 = arith.shrsi %squeeze3A_844, %shift_right_arithmetic3A_845 : i32
        %shift_left3A_847 = arith.constant 8 : i32
        %shift_left3A_848 = arith.shli %shift_right_arithmetic3A_846, %shift_left3A_847 : i32
        %and3A_849 = arith.constant 15 : i32
        %and3A_850 = arith.andi %squeeze3A_844, %and3A_849 : i32
        %add3A_851 = arith.addi %shift_left3A_848, %and3A_850 : i32
        %mul3A_852 = arith.constant 16 : i32
        %mul3A_853 = vector.broadcast %mul3A_852 : i32 to vector<16xi32>
        %mul3A_854 = arith.muli %iota3A, %mul3A_853 : vector<16xi32>
        %add3A_855 = vector.broadcast %add3A_851 : i32 to vector<16xi32>
        %add3A_856 = arith.addi %add3A_855, %mul3A_854 : vector<16xi32>
        %gather3A_857 = tpu.vector_load_idx %arg8[%add3A_856] : memref<4096xf32, #tpu.memory_space<vmem>>[vector<16xi32>], vector<16xf32>,
        %masked_sort3A_858 = arith.constant dense<true> : vector<16xi1>
        %masked_sort3A_859, %masked_sort3A_860, %masked_sort3A_861 = tpu.sort %gather3A_857, %add3A_856 masked %masked_sort3A_858 : (vector<16xf32>, vector<16xi32>, vector<16xi1>) -> (vector<16xi1>, vector<16xf32>, vector<16xi32>)
        %slice3A_862 = vector.extract_strided_slice %masked_sort3A_765 {offsets = [5], sizes = [1], strides = [1]} : vector<16xi32> to vector<1xi32>
        %squeeze3A_863 = vector.extract %slice3A_862[0] : i32 from vector<1xi32>
        %shift_right_arithmetic3A_864 = arith.constant 4 : i32
        %shift_right_arithmetic3A_865 = arith.shrsi %squeeze3A_863, %shift_right_arithmetic3A_864 : i32
        %shift_left3A_866 = arith.constant 8 : i32
        %shift_left3A_867 = arith.shli %shift_right_arithmetic3A_865, %shift_left3A_866 : i32
        %and3A_868 = arith.constant 15 : i32
        %and3A_869 = arith.andi %squeeze3A_863, %and3A_868 : i32
        %add3A_870 = arith.addi %shift_left3A_867, %and3A_869 : i32
        %mul3A_871 = arith.constant 16 : i32
        %mul3A_872 = vector.broadcast %mul3A_871 : i32 to vector<16xi32>
        %mul3A_873 = arith.muli %iota3A, %mul3A_872 : vector<16xi32>
        %add3A_874 = vector.broadcast %add3A_870 : i32 to vector<16xi32>
        %add3A_875 = arith.addi %add3A_874, %mul3A_873 : vector<16xi32>
        %gather3A_876 = tpu.vector_load_idx %arg8[%add3A_875] : memref<4096xf32, #tpu.memory_space<vmem>>[vector<16xi32>], vector<16xf32>,
        %masked_sort3A_877 = arith.constant dense<true> : vector<16xi1>
        %masked_sort3A_878, %masked_sort3A_879, %masked_sort3A_880 = tpu.sort %gather3A_876, %add3A_875 masked %masked_sort3A_877 : (vector<16xf32>, vector<16xi32>, vector<16xi1>) -> (vector<16xi1>, vector<16xf32>, vector<16xi32>)
        %slice3A_881 = vector.extract_strided_slice %masked_sort3A_765 {offsets = [6], sizes = [1], strides = [1]} : vector<16xi32> to vector<1xi32>
        %squeeze3A_882 = vector.extract %slice3A_881[0] : i32 from vector<1xi32>
        %shift_right_arithmetic3A_883 = arith.constant 4 : i32
        %shift_right_arithmetic3A_884 = arith.shrsi %squeeze3A_882, %shift_right_arithmetic3A_883 : i32
        %shift_left3A_885 = arith.constant 8 : i32
        %shift_left3A_886 = arith.shli %shift_right_arithmetic3A_884, %shift_left3A_885 : i32
        %and3A_887 = arith.constant 15 : i32
        %and3A_888 = arith.andi %squeeze3A_882, %and3A_887 : i32
        %add3A_889 = arith.addi %shift_left3A_886, %and3A_888 : i32
        %mul3A_890 = arith.constant 16 : i32
        %mul3A_891 = vector.broadcast %mul3A_890 : i32 to vector<16xi32>
        %mul3A_892 = arith.muli %iota3A, %mul3A_891 : vector<16xi32>
        %add3A_893 = vector.broadcast %add3A_889 : i32 to vector<16xi32>
        %add3A_894 = arith.addi %add3A_893, %mul3A_892 : vector<16xi32>
        %gather3A_895 = tpu.vector_load_idx %arg8[%add3A_894] : memref<4096xf32, #tpu.memory_space<vmem>>[vector<16xi32>], vector<16xf32>,
        %masked_sort3A_896 = arith.constant dense<true> : vector<16xi1>
        %masked_sort3A_897, %masked_sort3A_898, %masked_sort3A_899 = tpu.sort %gather3A_895, %add3A_894 masked %masked_sort3A_896 : (vector<16xf32>, vector<16xi32>, vector<16xi1>) -> (vector<16xi1>, vector<16xf32>, vector<16xi32>)
        %slice3A_900 = vector.extract_strided_slice %masked_sort3A_765 {offsets = [7], sizes = [1], strides = [1]} : vector<16xi32> to vector<1xi32>
        %squeeze3A_901 = vector.extract %slice3A_900[0] : i32 from vector<1xi32>
        %shift_right_arithmetic3A_902 = arith.constant 4 : i32
        %shift_right_arithmetic3A_903 = arith.shrsi %squeeze3A_901, %shift_right_arithmetic3A_902 : i32
        %shift_left3A_904 = arith.constant 8 : i32
        %shift_left3A_905 = arith.shli %shift_right_arithmetic3A_903, %shift_left3A_904 : i32
        %and3A_906 = arith.constant 15 : i32
        %and3A_907 = arith.andi %squeeze3A_901, %and3A_906 : i32
        %add3A_908 = arith.addi %shift_left3A_905, %and3A_907 : i32
        %mul3A_909 = arith.constant 16 : i32
        %mul3A_910 = vector.broadcast %mul3A_909 : i32 to vector<16xi32>
        %mul3A_911 = arith.muli %iota3A, %mul3A_910 : vector<16xi32>
        %add3A_912 = vector.broadcast %add3A_908 : i32 to vector<16xi32>
        %add3A_913 = arith.addi %add3A_912, %mul3A_911 : vector<16xi32>
        %gather3A_914 = tpu.vector_load_idx %arg8[%add3A_913] : memref<4096xf32, #tpu.memory_space<vmem>>[vector<16xi32>], vector<16xf32>,
        %masked_sort3A_915 = arith.constant dense<true> : vector<16xi1>
        %masked_sort3A_916, %masked_sort3A_917, %masked_sort3A_918 = tpu.sort %gather3A_914, %add3A_913 masked %masked_sort3A_915 : (vector<16xf32>, vector<16xi32>, vector<16xi1>) -> (vector<16xi1>, vector<16xf32>, vector<16xi32>)
        %slice3A_919 = vector.extract_strided_slice %masked_sort3A_765 {offsets = [8], sizes = [1], strides = [1]} : vector<16xi32> to vector<1xi32>
        %squeeze3A_920 = vector.extract %slice3A_919[0] : i32 from vector<1xi32>
        %shift_right_arithmetic3A_921 = arith.constant 4 : i32
        %shift_right_arithmetic3A_922 = arith.shrsi %squeeze3A_920, %shift_right_arithmetic3A_921 : i32
        %shift_left3A_923 = arith.constant 8 : i32
        %shift_left3A_924 = arith.shli %shift_right_arithmetic3A_922, %shift_left3A_923 : i32
        %and3A_925 = arith.constant 15 : i32
        %and3A_926 = arith.andi %squeeze3A_920, %and3A_925 : i32
        %add3A_927 = arith.addi %shift_left3A_924, %and3A_926 : i32
        %mul3A_928 = arith.constant 16 : i32
        %mul3A_929 = vector.broadcast %mul3A_928 : i32 to vector<16xi32>
        %mul3A_930 = arith.muli %iota3A, %mul3A_929 : vector<16xi32>
        %add3A_931 = vector.broadcast %add3A_927 : i32 to vector<16xi32>
        %add3A_932 = arith.addi %add3A_931, %mul3A_930 : vector<16xi32>
        %gather3A_933 = tpu.vector_load_idx %arg8[%add3A_932] : memref<4096xf32, #tpu.memory_space<vmem>>[vector<16xi32>], vector<16xf32>,
        %masked_sort3A_934 = arith.constant dense<true> : vector<16xi1>
        %masked_sort3A_935, %masked_sort3A_936, %masked_sort3A_937 = tpu.sort %gather3A_933, %add3A_932 masked %masked_sort3A_934 : (vector<16xf32>, vector<16xi32>, vector<16xi1>) -> (vector<16xi1>, vector<16xf32>, vector<16xi32>)
        %slice3A_938 = vector.extract_strided_slice %masked_sort3A_765 {offsets = [9], sizes = [1], strides = [1]} : vector<16xi32> to vector<1xi32>
        %squeeze3A_939 = vector.extract %slice3A_938[0] : i32 from vector<1xi32>
        %shift_right_arithmetic3A_940 = arith.constant 4 : i32
        %shift_right_arithmetic3A_941 = arith.shrsi %squeeze3A_939, %shift_right_arithmetic3A_940 : i32
        %shift_left3A_942 = arith.constant 8 : i32
        %shift_left3A_943 = arith.shli %shift_right_arithmetic3A_941, %shift_left3A_942 : i32
        %and3A_944 = arith.constant 15 : i32
        %and3A_945 = arith.andi %squeeze3A_939, %and3A_944 : i32
        %add3A_946 = arith.addi %shift_left3A_943, %and3A_945 : i32
        %mul3A_947 = arith.constant 16 : i32
        %mul3A_948 = vector.broadcast %mul3A_947 : i32 to vector<16xi32>
        %mul3A_949 = arith.muli %iota3A, %mul3A_948 : vector<16xi32>
        %add3A_950 = vector.broadcast %add3A_946 : i32 to vector<16xi32>
        %add3A_951 = arith.addi %add3A_950, %mul3A_949 : vector<16xi32>
        %gather3A_952 = tpu.vector_load_idx %arg8[%add3A_951] : memref<4096xf32, #tpu.memory_space<vmem>>[vector<16xi32>], vector<16xf32>,
        %masked_sort3A_953 = arith.constant dense<true> : vector<16xi1>
        %masked_sort3A_954, %masked_sort3A_955, %masked_sort3A_956 = tpu.sort %gather3A_952, %add3A_951 masked %masked_sort3A_953 : (vector<16xf32>, vector<16xi32>, vector<16xi1>) -> (vector<16xi1>, vector<16xf32>, vector<16xi32>)
        %slice3A_957 = vector.extract_strided_slice %masked_sort3A_765 {offsets = [10], sizes = [1], strides = [1]} : vector<16xi32> to vector<1xi32>
        %squeeze3A_958 = vector.extract %slice3A_957[0] : i32 from vector<1xi32>
        %shift_right_arithmetic3A_959 = arith.constant 4 : i32
        %shift_right_arithmetic3A_960 = arith.shrsi %squeeze3A_958, %shift_right_arithmetic3A_959 : i32
        %shift_left3A_961 = arith.constant 8 : i32
        %shift_left3A_962 = arith.shli %shift_right_arithmetic3A_960, %shift_left3A_961 : i32
        %and3A_963 = arith.constant 15 : i32
        %and3A_964 = arith.andi %squeeze3A_958, %and3A_963 : i32
        %add3A_965 = arith.addi %shift_left3A_962, %and3A_964 : i32
        %mul3A_966 = arith.constant 16 : i32
        %mul3A_967 = vector.broadcast %mul3A_966 : i32 to vector<16xi32>
        %mul3A_968 = arith.muli %iota3A, %mul3A_967 : vector<16xi32>
        %add3A_969 = vector.broadcast %add3A_965 : i32 to vector<16xi32>
        %add3A_970 = arith.addi %add3A_969, %mul3A_968 : vector<16xi32>
        %gather3A_971 = tpu.vector_load_idx %arg8[%add3A_970] : memref<4096xf32, #tpu.memory_space<vmem>>[vector<16xi32>], vector<16xf32>,
        %masked_sort3A_972 = arith.constant dense<true> : vector<16xi1>
        %masked_sort3A_973, %masked_sort3A_974, %masked_sort3A_975 = tpu.sort %gather3A_971, %add3A_970 masked %masked_sort3A_972 : (vector<16xf32>, vector<16xi32>, vector<16xi1>) -> (vector<16xi1>, vector<16xf32>, vector<16xi32>)
        %slice3A_976 = vector.extract_strided_slice %masked_sort3A_765 {offsets = [11], sizes = [1], strides = [1]} : vector<16xi32> to vector<1xi32>
        %squeeze3A_977 = vector.extract %slice3A_976[0] : i32 from vector<1xi32>
        %shift_right_arithmetic3A_978 = arith.constant 4 : i32
        %shift_right_arithmetic3A_979 = arith.shrsi %squeeze3A_977, %shift_right_arithmetic3A_978 : i32
        %shift_left3A_980 = arith.constant 8 : i32
        %shift_left3A_981 = arith.shli %shift_right_arithmetic3A_979, %shift_left3A_980 : i32
        %and3A_982 = arith.constant 15 : i32
        %and3A_983 = arith.andi %squeeze3A_977, %and3A_982 : i32
        %add3A_984 = arith.addi %shift_left3A_981, %and3A_983 : i32
        %mul3A_985 = arith.constant 16 : i32
        %mul3A_986 = vector.broadcast %mul3A_985 : i32 to vector<16xi32>
        %mul3A_987 = arith.muli %iota3A, %mul3A_986 : vector<16xi32>
        %add3A_988 = vector.broadcast %add3A_984 : i32 to vector<16xi32>
        %add3A_989 = arith.addi %add3A_988, %mul3A_987 : vector<16xi32>
        %gather3A_990 = tpu.vector_load_idx %arg8[%add3A_989] : memref<4096xf32, #tpu.memory_space<vmem>>[vector<16xi32>], vector<16xf32>,
        %masked_sort3A_991 = arith.constant dense<true> : vector<16xi1>
        %masked_sort3A_992, %masked_sort3A_993, %masked_sort3A_994 = tpu.sort %gather3A_990, %add3A_989 masked %masked_sort3A_991 : (vector<16xf32>, vector<16xi32>, vector<16xi1>) -> (vector<16xi1>, vector<16xf32>, vector<16xi32>)
        %slice3A_995 = vector.extract_strided_slice %masked_sort3A_765 {offsets = [12], sizes = [1], strides = [1]} : vector<16xi32> to vector<1xi32>
        %squeeze3A_996 = vector.extract %slice3A_995[0] : i32 from vector<1xi32>
        %shift_right_arithmetic3A_997 = arith.constant 4 : i32
        %shift_right_arithmetic3A_998 = arith.shrsi %squeeze3A_996, %shift_right_arithmetic3A_997 : i32
        %shift_left3A_999 = arith.constant 8 : i32
        %shift_left3A_1000 = arith.shli %shift_right_arithmetic3A_998, %shift_left3A_999 : i32
        %and3A_1001 = arith.constant 15 : i32
        %and3A_1002 = arith.andi %squeeze3A_996, %and3A_1001 : i32
        %add3A_1003 = arith.addi %shift_left3A_1000, %and3A_1002 : i32
        %mul3A_1004 = arith.constant 16 : i32
        %mul3A_1005 = vector.broadcast %mul3A_1004 : i32 to vector<16xi32>
        %mul3A_1006 = arith.muli %iota3A, %mul3A_1005 : vector<16xi32>
        %add3A_1007 = vector.broadcast %add3A_1003 : i32 to vector<16xi32>
        %add3A_1008 = arith.addi %add3A_1007, %mul3A_1006 : vector<16xi32>
        %gather3A_1009 = tpu.vector_load_idx %arg8[%add3A_1008] : memref<4096xf32, #tpu.memory_space<vmem>>[vector<16xi32>], vector<16xf32>,
        %masked_sort3A_1010 = arith.constant dense<true> : vector<16xi1>
        %masked_sort3A_1011, %masked_sort3A_1012, %masked_sort3A_1013 = tpu.sort %gather3A_1009, %add3A_1008 masked %masked_sort3A_1010 : (vector<16xf32>, vector<16xi32>, vector<16xi1>) -> (vector<16xi1>, vector<16xf32>, vector<16xi32>)
        %slice3A_1014 = vector.extract_strided_slice %masked_sort3A_765 {offsets = [13], sizes = [1], strides = [1]} : vector<16xi32> to vector<1xi32>
        %squeeze3A_1015 = vector.extract %slice3A_1014[0] : i32 from vector<1xi32>
        %shift_right_arithmetic3A_1016 = arith.constant 4 : i32
        %shift_right_arithmetic3A_1017 = arith.shrsi %squeeze3A_1015, %shift_right_arithmetic3A_1016 : i32
        %shift_left3A_1018 = arith.constant 8 : i32
        %shift_left3A_1019 = arith.shli %shift_right_arithmetic3A_1017, %shift_left3A_1018 : i32
        %and3A_1020 = arith.constant 15 : i32
        %and3A_1021 = arith.andi %squeeze3A_1015, %and3A_1020 : i32
        %add3A_1022 = arith.addi %shift_left3A_1019, %and3A_1021 : i32
        %mul3A_1023 = arith.constant 16 : i32
        %mul3A_1024 = vector.broadcast %mul3A_1023 : i32 to vector<16xi32>
        %mul3A_1025 = arith.muli %iota3A, %mul3A_1024 : vector<16xi32>
        %add3A_1026 = vector.broadcast %add3A_1022 : i32 to vector<16xi32>
        %add3A_1027 = arith.addi %add3A_1026, %mul3A_1025 : vector<16xi32>
        %gather3A_1028 = tpu.vector_load_idx %arg8[%add3A_1027] : memref<4096xf32, #tpu.memory_space<vmem>>[vector<16xi32>], vector<16xf32>,
        %masked_sort3A_1029 = arith.constant dense<true> : vector<16xi1>
        %masked_sort3A_1030, %masked_sort3A_1031, %masked_sort3A_1032 = tpu.sort %gather3A_1028, %add3A_1027 masked %masked_sort3A_1029 : (vector<16xf32>, vector<16xi32>, vector<16xi1>) -> (vector<16xi1>, vector<16xf32>, vector<16xi32>)
        %slice3A_1033 = vector.extract_strided_slice %masked_sort3A_765 {offsets = [14], sizes = [1], strides = [1]} : vector<16xi32> to vector<1xi32>
        %squeeze3A_1034 = vector.extract %slice3A_1033[0] : i32 from vector<1xi32>
        %shift_right_arithmetic3A_1035 = arith.constant 4 : i32
        %shift_right_arithmetic3A_1036 = arith.shrsi %squeeze3A_1034, %shift_right_arithmetic3A_1035 : i32
        %shift_left3A_1037 = arith.constant 8 : i32
        %shift_left3A_1038 = arith.shli %shift_right_arithmetic3A_1036, %shift_left3A_1037 : i32
        %and3A_1039 = arith.constant 15 : i32
        %and3A_1040 = arith.andi %squeeze3A_1034, %and3A_1039 : i32
        %add3A_1041 = arith.addi %shift_left3A_1038, %and3A_1040 : i32
        %mul3A_1042 = arith.constant 16 : i32
        %mul3A_1043 = vector.broadcast %mul3A_1042 : i32 to vector<16xi32>
        %mul3A_1044 = arith.muli %iota3A, %mul3A_1043 : vector<16xi32>
        %add3A_1045 = vector.broadcast %add3A_1041 : i32 to vector<16xi32>
        %add3A_1046 = arith.addi %add3A_1045, %mul3A_1044 : vector<16xi32>
        %gather3A_1047 = tpu.vector_load_idx %arg8[%add3A_1046] : memref<4096xf32, #tpu.memory_space<vmem>>[vector<16xi32>], vector<16xf32>,
        %masked_sort3A_1048 = arith.constant dense<true> : vector<16xi1>
        %masked_sort3A_1049, %masked_sort3A_1050, %masked_sort3A_1051 = tpu.sort %gather3A_1047, %add3A_1046 masked %masked_sort3A_1048 : (vector<16xf32>, vector<16xi32>, vector<16xi1>) -> (vector<16xi1>, vector<16xf32>, vector<16xi32>)
        %slice3A_1052 = vector.extract_strided_slice %masked_sort3A_765 {offsets = [15], sizes = [1], strides = [1]} : vector<16xi32> to vector<1xi32>
        %squeeze3A_1053 = vector.extract %slice3A_1052[0] : i32 from vector<1xi32>
        %shift_right_arithmetic3A_1054 = arith.constant 4 : i32
        %shift_right_arithmetic3A_1055 = arith.shrsi %squeeze3A_1053, %shift_right_arithmetic3A_1054 : i32
        %shift_left3A_1056 = arith.constant 8 : i32
        %shift_left3A_1057 = arith.shli %shift_right_arithmetic3A_1055, %shift_left3A_1056 : i32
        %and3A_1058 = arith.constant 15 : i32
        %and3A_1059 = arith.andi %squeeze3A_1053, %and3A_1058 : i32
        %add3A_1060 = arith.addi %shift_left3A_1057, %and3A_1059 : i32
        %mul3A_1061 = arith.constant 16 : i32
        %mul3A_1062 = vector.broadcast %mul3A_1061 : i32 to vector<16xi32>
        %mul3A_1063 = arith.muli %iota3A, %mul3A_1062 : vector<16xi32>
        %add3A_1064 = vector.broadcast %add3A_1060 : i32 to vector<16xi32>
        %add3A_1065 = arith.addi %add3A_1064, %mul3A_1063 : vector<16xi32>
        %gather3A_1066 = tpu.vector_load_idx %arg8[%add3A_1065] : memref<4096xf32, #tpu.memory_space<vmem>>[vector<16xi32>], vector<16xf32>,
        %masked_sort3A_1067 = arith.constant dense<true> : vector<16xi1>
        %masked_sort3A_1068, %masked_sort3A_1069, %masked_sort3A_1070 = tpu.sort %gather3A_1066, %add3A_1065 masked %masked_sort3A_1067 : (vector<16xf32>, vector<16xi32>, vector<16xi1>) -> (vector<16xi1>, vector<16xf32>, vector<16xi32>)
        %slice3A_1071 = vector.extract_strided_slice %masked_sort3A_769 {offsets = [0], sizes = [1], strides = [1]} : vector<16xi32> to vector<1xi32>
        %squeeze3A_1072 = vector.extract %slice3A_1071[0] : i32 from vector<1xi32>
        %shift_right_arithmetic3A_1073 = arith.constant 4 : i32
        %shift_right_arithmetic3A_1074 = arith.shrsi %squeeze3A_1072, %shift_right_arithmetic3A_1073 : i32
        %shift_left3A_1075 = arith.constant 8 : i32
        %shift_left3A_1076 = arith.shli %shift_right_arithmetic3A_1074, %shift_left3A_1075 : i32
        %and3A_1077 = arith.constant 15 : i32
        %and3A_1078 = arith.andi %squeeze3A_1072, %and3A_1077 : i32
        %add3A_1079 = arith.addi %shift_left3A_1076, %and3A_1078 : i32
        %mul3A_1080 = arith.constant 16 : i32
        %mul3A_1081 = vector.broadcast %mul3A_1080 : i32 to vector<16xi32>
        %mul3A_1082 = arith.muli %iota3A, %mul3A_1081 : vector<16xi32>
        %add3A_1083 = vector.broadcast %add3A_1079 : i32 to vector<16xi32>
        %add3A_1084 = arith.addi %add3A_1083, %mul3A_1082 : vector<16xi32>
        %gather3A_1085 = tpu.vector_load_idx %arg8[%add3A_1084] : memref<4096xf32, #tpu.memory_space<vmem>>[vector<16xi32>], vector<16xf32>,
        %masked_sort3A_1086 = arith.constant dense<true> : vector<16xi1>
        %masked_sort3A_1087, %masked_sort3A_1088, %masked_sort3A_1089 = tpu.sort %gather3A_1085, %add3A_1084 masked %masked_sort3A_1086 : (vector<16xf32>, vector<16xi32>, vector<16xi1>) -> (vector<16xi1>, vector<16xf32>, vector<16xi32>)
        %slice3A_1090 = vector.extract_strided_slice %masked_sort3A_769 {offsets = [1], sizes = [1], strides = [1]} : vector<16xi32> to vector<1xi32>
        %squeeze3A_1091 = vector.extract %slice3A_1090[0] : i32 from vector<1xi32>
        %shift_right_arithmetic3A_1092 = arith.constant 4 : i32
        %shift_right_arithmetic3A_1093 = arith.shrsi %squeeze3A_1091, %shift_right_arithmetic3A_1092 : i32
        %shift_left3A_1094 = arith.constant 8 : i32
        %shift_left3A_1095 = arith.shli %shift_right_arithmetic3A_1093, %shift_left3A_1094 : i32
        %and3A_1096 = arith.constant 15 : i32
        %and3A_1097 = arith.andi %squeeze3A_1091, %and3A_1096 : i32
        %add3A_1098 = arith.addi %shift_left3A_1095, %and3A_1097 : i32
        %mul3A_1099 = arith.constant 16 : i32
        %mul3A_1100 = vector.broadcast %mul3A_1099 : i32 to vector<16xi32>
        %mul3A_1101 = arith.muli %iota3A, %mul3A_1100 : vector<16xi32>
        %add3A_1102 = vector.broadcast %add3A_1098 : i32 to vector<16xi32>
        %add3A_1103 = arith.addi %add3A_1102, %mul3A_1101 : vector<16xi32>
        %gather3A_1104 = tpu.vector_load_idx %arg8[%add3A_1103] : memref<4096xf32, #tpu.memory_space<vmem>>[vector<16xi32>], vector<16xf32>,
        %masked_sort3A_1105 = arith.constant dense<true> : vector<16xi1>
        %masked_sort3A_1106, %masked_sort3A_1107, %masked_sort3A_1108 = tpu.sort %gather3A_1104, %add3A_1103 masked %masked_sort3A_1105 : (vector<16xf32>, vector<16xi32>, vector<16xi1>) -> (vector<16xi1>, vector<16xf32>, vector<16xi32>)
        %slice3A_1109 = vector.extract_strided_slice %masked_sort3A_769 {offsets = [2], sizes = [1], strides = [1]} : vector<16xi32> to vector<1xi32>
        %squeeze3A_1110 = vector.extract %slice3A_1109[0] : i32 from vector<1xi32>
        %shift_right_arithmetic3A_1111 = arith.constant 4 : i32
        %shift_right_arithmetic3A_1112 = arith.shrsi %squeeze3A_1110, %shift_right_arithmetic3A_1111 : i32
        %shift_left3A_1113 = arith.constant 8 : i32
        %shift_left3A_1114 = arith.shli %shift_right_arithmetic3A_1112, %shift_left3A_1113 : i32
        %and3A_1115 = arith.constant 15 : i32
        %and3A_1116 = arith.andi %squeeze3A_1110, %and3A_1115 : i32
        %add3A_1117 = arith.addi %shift_left3A_1114, %and3A_1116 : i32
        %mul3A_1118 = arith.constant 16 : i32
        %mul3A_1119 = vector.broadcast %mul3A_1118 : i32 to vector<16xi32>
        %mul3A_1120 = arith.muli %iota3A, %mul3A_1119 : vector<16xi32>
        %add3A_1121 = vector.broadcast %add3A_1117 : i32 to vector<16xi32>
        %add3A_1122 = arith.addi %add3A_1121, %mul3A_1120 : vector<16xi32>
        %gather3A_1123 = tpu.vector_load_idx %arg8[%add3A_1122] : memref<4096xf32, #tpu.memory_space<vmem>>[vector<16xi32>], vector<16xf32>,
        %masked_sort3A_1124 = arith.constant dense<true> : vector<16xi1>
        %masked_sort3A_1125, %masked_sort3A_1126, %masked_sort3A_1127 = tpu.sort %gather3A_1123, %add3A_1122 masked %masked_sort3A_1124 : (vector<16xf32>, vector<16xi32>, vector<16xi1>) -> (vector<16xi1>, vector<16xf32>, vector<16xi32>)
        %slice3A_1128 = vector.extract_strided_slice %masked_sort3A_769 {offsets = [3], sizes = [1], strides = [1]} : vector<16xi32> to vector<1xi32>
        %squeeze3A_1129 = vector.extract %slice3A_1128[0] : i32 from vector<1xi32>
        %shift_right_arithmetic3A_1130 = arith.constant 4 : i32
        %shift_right_arithmetic3A_1131 = arith.shrsi %squeeze3A_1129, %shift_right_arithmetic3A_1130 : i32
        %shift_left3A_1132 = arith.constant 8 : i32
        %shift_left3A_1133 = arith.shli %shift_right_arithmetic3A_1131, %shift_left3A_1132 : i32
        %and3A_1134 = arith.constant 15 : i32
        %and3A_1135 = arith.andi %squeeze3A_1129, %and3A_1134 : i32
        %add3A_1136 = arith.addi %shift_left3A_1133, %and3A_1135 : i32
        %mul3A_1137 = arith.constant 16 : i32
        %mul3A_1138 = vector.broadcast %mul3A_1137 : i32 to vector<16xi32>
        %mul3A_1139 = arith.muli %iota3A, %mul3A_1138 : vector<16xi32>
        %add3A_1140 = vector.broadcast %add3A_1136 : i32 to vector<16xi32>
        %add3A_1141 = arith.addi %add3A_1140, %mul3A_1139 : vector<16xi32>
        %gather3A_1142 = tpu.vector_load_idx %arg8[%add3A_1141] : memref<4096xf32, #tpu.memory_space<vmem>>[vector<16xi32>], vector<16xf32>,
        %masked_sort3A_1143 = arith.constant dense<true> : vector<16xi1>
        %masked_sort3A_1144, %masked_sort3A_1145, %masked_sort3A_1146 = tpu.sort %gather3A_1142, %add3A_1141 masked %masked_sort3A_1143 : (vector<16xf32>, vector<16xi32>, vector<16xi1>) -> (vector<16xi1>, vector<16xf32>, vector<16xi32>)
        %slice3A_1147 = vector.extract_strided_slice %masked_sort3A_769 {offsets = [4], sizes = [1], strides = [1]} : vector<16xi32> to vector<1xi32>
        %squeeze3A_1148 = vector.extract %slice3A_1147[0] : i32 from vector<1xi32>
        %shift_right_arithmetic3A_1149 = arith.constant 4 : i32
        %shift_right_arithmetic3A_1150 = arith.shrsi %squeeze3A_1148, %shift_right_arithmetic3A_1149 : i32
        %shift_left3A_1151 = arith.constant 8 : i32
        %shift_left3A_1152 = arith.shli %shift_right_arithmetic3A_1150, %shift_left3A_1151 : i32
        %and3A_1153 = arith.constant 15 : i32
        %and3A_1154 = arith.andi %squeeze3A_1148, %and3A_1153 : i32
        %add3A_1155 = arith.addi %shift_left3A_1152, %and3A_1154 : i32
        %mul3A_1156 = arith.constant 16 : i32
        %mul3A_1157 = vector.broadcast %mul3A_1156 : i32 to vector<16xi32>
        %mul3A_1158 = arith.muli %iota3A, %mul3A_1157 : vector<16xi32>
        %add3A_1159 = vector.broadcast %add3A_1155 : i32 to vector<16xi32>
        %add3A_1160 = arith.addi %add3A_1159, %mul3A_1158 : vector<16xi32>
        %gather3A_1161 = tpu.vector_load_idx %arg8[%add3A_1160] : memref<4096xf32, #tpu.memory_space<vmem>>[vector<16xi32>], vector<16xf32>,
        %masked_sort3A_1162 = arith.constant dense<true> : vector<16xi1>
        %masked_sort3A_1163, %masked_sort3A_1164, %masked_sort3A_1165 = tpu.sort %gather3A_1161, %add3A_1160 masked %masked_sort3A_1162 : (vector<16xf32>, vector<16xi32>, vector<16xi1>) -> (vector<16xi1>, vector<16xf32>, vector<16xi32>)
        %slice3A_1166 = vector.extract_strided_slice %masked_sort3A_769 {offsets = [5], sizes = [1], strides = [1]} : vector<16xi32> to vector<1xi32>
        %squeeze3A_1167 = vector.extract %slice3A_1166[0] : i32 from vector<1xi32>
        %shift_right_arithmetic3A_1168 = arith.constant 4 : i32
        %shift_right_arithmetic3A_1169 = arith.shrsi %squeeze3A_1167, %shift_right_arithmetic3A_1168 : i32
        %shift_left3A_1170 = arith.constant 8 : i32
        %shift_left3A_1171 = arith.shli %shift_right_arithmetic3A_1169, %shift_left3A_1170 : i32
        %and3A_1172 = arith.constant 15 : i32
        %and3A_1173 = arith.andi %squeeze3A_1167, %and3A_1172 : i32
        %add3A_1174 = arith.addi %shift_left3A_1171, %and3A_1173 : i32
        %mul3A_1175 = arith.constant 16 : i32
        %mul3A_1176 = vector.broadcast %mul3A_1175 : i32 to vector<16xi32>
        %mul3A_1177 = arith.muli %iota3A, %mul3A_1176 : vector<16xi32>
        %add3A_1178 = vector.broadcast %add3A_1174 : i32 to vector<16xi32>
        %add3A_1179 = arith.addi %add3A_1178, %mul3A_1177 : vector<16xi32>
        %gather3A_1180 = tpu.vector_load_idx %arg8[%add3A_1179] : memref<4096xf32, #tpu.memory_space<vmem>>[vector<16xi32>], vector<16xf32>,
        %masked_sort3A_1181 = arith.constant dense<true> : vector<16xi1>
        %masked_sort3A_1182, %masked_sort3A_1183, %masked_sort3A_1184 = tpu.sort %gather3A_1180, %add3A_1179 masked %masked_sort3A_1181 : (vector<16xf32>, vector<16xi32>, vector<16xi1>) -> (vector<16xi1>, vector<16xf32>, vector<16xi32>)
        %slice3A_1185 = vector.extract_strided_slice %masked_sort3A_769 {offsets = [6], sizes = [1], strides = [1]} : vector<16xi32> to vector<1xi32>
        %squeeze3A_1186 = vector.extract %slice3A_1185[0] : i32 from vector<1xi32>
        %shift_right_arithmetic3A_1187 = arith.constant 4 : i32
        %shift_right_arithmetic3A_1188 = arith.shrsi %squeeze3A_1186, %shift_right_arithmetic3A_1187 : i32
        %shift_left3A_1189 = arith.constant 8 : i32
        %shift_left3A_1190 = arith.shli %shift_right_arithmetic3A_1188, %shift_left3A_1189 : i32
        %and3A_1191 = arith.constant 15 : i32
        %and3A_1192 = arith.andi %squeeze3A_1186, %and3A_1191 : i32
        %add3A_1193 = arith.addi %shift_left3A_1190, %and3A_1192 : i32
        %mul3A_1194 = arith.constant 16 : i32
        %mul3A_1195 = vector.broadcast %mul3A_1194 : i32 to vector<16xi32>
        %mul3A_1196 = arith.muli %iota3A, %mul3A_1195 : vector<16xi32>
        %add3A_1197 = vector.broadcast %add3A_1193 : i32 to vector<16xi32>
        %add3A_1198 = arith.addi %add3A_1197, %mul3A_1196 : vector<16xi32>
        %gather3A_1199 = tpu.vector_load_idx %arg8[%add3A_1198] : memref<4096xf32, #tpu.memory_space<vmem>>[vector<16xi32>], vector<16xf32>,
        %masked_sort3A_1200 = arith.constant dense<true> : vector<16xi1>
        %masked_sort3A_1201, %masked_sort3A_1202, %masked_sort3A_1203 = tpu.sort %gather3A_1199, %add3A_1198 masked %masked_sort3A_1200 : (vector<16xf32>, vector<16xi32>, vector<16xi1>) -> (vector<16xi1>, vector<16xf32>, vector<16xi32>)
        %slice3A_1204 = vector.extract_strided_slice %masked_sort3A_769 {offsets = [7], sizes = [1], strides = [1]} : vector<16xi32> to vector<1xi32>
        %squeeze3A_1205 = vector.extract %slice3A_1204[0] : i32 from vector<1xi32>
        %shift_right_arithmetic3A_1206 = arith.constant 4 : i32
        %shift_right_arithmetic3A_1207 = arith.shrsi %squeeze3A_1205, %shift_right_arithmetic3A_1206 : i32
        %shift_left3A_1208 = arith.constant 8 : i32
        %shift_left3A_1209 = arith.shli %shift_right_arithmetic3A_1207, %shift_left3A_1208 : i32
        %and3A_1210 = arith.constant 15 : i32
        %and3A_1211 = arith.andi %squeeze3A_1205, %and3A_1210 : i32
        %add3A_1212 = arith.addi %shift_left3A_1209, %and3A_1211 : i32
        %mul3A_1213 = arith.constant 16 : i32
        %mul3A_1214 = vector.broadcast %mul3A_1213 : i32 to vector<16xi32>
        %mul3A_1215 = arith.muli %iota3A, %mul3A_1214 : vector<16xi32>
        %add3A_1216 = vector.broadcast %add3A_1212 : i32 to vector<16xi32>
        %add3A_1217 = arith.addi %add3A_1216, %mul3A_1215 : vector<16xi32>
        %gather3A_1218 = tpu.vector_load_idx %arg8[%add3A_1217] : memref<4096xf32, #tpu.memory_space<vmem>>[vector<16xi32>], vector<16xf32>,
        %masked_sort3A_1219 = arith.constant dense<true> : vector<16xi1>
        %masked_sort3A_1220, %masked_sort3A_1221, %masked_sort3A_1222 = tpu.sort %gather3A_1218, %add3A_1217 masked %masked_sort3A_1219 : (vector<16xf32>, vector<16xi32>, vector<16xi1>) -> (vector<16xi1>, vector<16xf32>, vector<16xi32>)
        %slice3A_1223 = vector.extract_strided_slice %masked_sort3A_769 {offsets = [8], sizes = [1], strides = [1]} : vector<16xi32> to vector<1xi32>
        %squeeze3A_1224 = vector.extract %slice3A_1223[0] : i32 from vector<1xi32>
        %shift_right_arithmetic3A_1225 = arith.constant 4 : i32
        %shift_right_arithmetic3A_1226 = arith.shrsi %squeeze3A_1224, %shift_right_arithmetic3A_1225 : i32
        %shift_left3A_1227 = arith.constant 8 : i32
        %shift_left3A_1228 = arith.shli %shift_right_arithmetic3A_1226, %shift_left3A_1227 : i32
        %and3A_1229 = arith.constant 15 : i32
        %and3A_1230 = arith.andi %squeeze3A_1224, %and3A_1229 : i32
        %add3A_1231 = arith.addi %shift_left3A_1228, %and3A_1230 : i32
        %mul3A_1232 = arith.constant 16 : i32
        %mul3A_1233 = vector.broadcast %mul3A_1232 : i32 to vector<16xi32>
        %mul3A_1234 = arith.muli %iota3A, %mul3A_1233 : vector<16xi32>
        %add3A_1235 = vector.broadcast %add3A_1231 : i32 to vector<16xi32>
        %add3A_1236 = arith.addi %add3A_1235, %mul3A_1234 : vector<16xi32>
        %gather3A_1237 = tpu.vector_load_idx %arg8[%add3A_1236] : memref<4096xf32, #tpu.memory_space<vmem>>[vector<16xi32>], vector<16xf32>,
        %masked_sort3A_1238 = arith.constant dense<true> : vector<16xi1>
        %masked_sort3A_1239, %masked_sort3A_1240, %masked_sort3A_1241 = tpu.sort %gather3A_1237, %add3A_1236 masked %masked_sort3A_1238 : (vector<16xf32>, vector<16xi32>, vector<16xi1>) -> (vector<16xi1>, vector<16xf32>, vector<16xi32>)
        %slice3A_1242 = vector.extract_strided_slice %masked_sort3A_769 {offsets = [9], sizes = [1], strides = [1]} : vector<16xi32> to vector<1xi32>
        %squeeze3A_1243 = vector.extract %slice3A_1242[0] : i32 from vector<1xi32>
        %shift_right_arithmetic3A_1244 = arith.constant 4 : i32
        %shift_right_arithmetic3A_1245 = arith.shrsi %squeeze3A_1243, %shift_right_arithmetic3A_1244 : i32
        %shift_left3A_1246 = arith.constant 8 : i32
        %shift_left3A_1247 = arith.shli %shift_right_arithmetic3A_1245, %shift_left3A_1246 : i32
        %and3A_1248 = arith.constant 15 : i32
        %and3A_1249 = arith.andi %squeeze3A_1243, %and3A_1248 : i32
        %add3A_1250 = arith.addi %shift_left3A_1247, %and3A_1249 : i32
        %mul3A_1251 = arith.constant 16 : i32
        %mul3A_1252 = vector.broadcast %mul3A_1251 : i32 to vector<16xi32>
        %mul3A_1253 = arith.muli %iota3A, %mul3A_1252 : vector<16xi32>
        %add3A_1254 = vector.broadcast %add3A_1250 : i32 to vector<16xi32>
        %add3A_1255 = arith.addi %add3A_1254, %mul3A_1253 : vector<16xi32>
        %gather3A_1256 = tpu.vector_load_idx %arg8[%add3A_1255] : memref<4096xf32, #tpu.memory_space<vmem>>[vector<16xi32>], vector<16xf32>,
        %masked_sort3A_1257 = arith.constant dense<true> : vector<16xi1>
        %masked_sort3A_1258, %masked_sort3A_1259, %masked_sort3A_1260 = tpu.sort %gather3A_1256, %add3A_1255 masked %masked_sort3A_1257 : (vector<16xf32>, vector<16xi32>, vector<16xi1>) -> (vector<16xi1>, vector<16xf32>, vector<16xi32>)
        %slice3A_1261 = vector.extract_strided_slice %masked_sort3A_769 {offsets = [10], sizes = [1], strides = [1]} : vector<16xi32> to vector<1xi32>
        %squeeze3A_1262 = vector.extract %slice3A_1261[0] : i32 from vector<1xi32>
        %shift_right_arithmetic3A_1263 = arith.constant 4 : i32
        %shift_right_arithmetic3A_1264 = arith.shrsi %squeeze3A_1262, %shift_right_arithmetic3A_1263 : i32
        %shift_left3A_1265 = arith.constant 8 : i32
        %shift_left3A_1266 = arith.shli %shift_right_arithmetic3A_1264, %shift_left3A_1265 : i32
        %and3A_1267 = arith.constant 15 : i32
        %and3A_1268 = arith.andi %squeeze3A_1262, %and3A_1267 : i32
        %add3A_1269 = arith.addi %shift_left3A_1266, %and3A_1268 : i32
        %mul3A_1270 = arith.constant 16 : i32
        %mul3A_1271 = vector.broadcast %mul3A_1270 : i32 to vector<16xi32>
        %mul3A_1272 = arith.muli %iota3A, %mul3A_1271 : vector<16xi32>
        %add3A_1273 = vector.broadcast %add3A_1269 : i32 to vector<16xi32>
        %add3A_1274 = arith.addi %add3A_1273, %mul3A_1272 : vector<16xi32>
        %gather3A_1275 = tpu.vector_load_idx %arg8[%add3A_1274] : memref<4096xf32, #tpu.memory_space<vmem>>[vector<16xi32>], vector<16xf32>,
        %masked_sort3A_1276 = arith.constant dense<true> : vector<16xi1>
        %masked_sort3A_1277, %masked_sort3A_1278, %masked_sort3A_1279 = tpu.sort %gather3A_1275, %add3A_1274 masked %masked_sort3A_1276 : (vector<16xf32>, vector<16xi32>, vector<16xi1>) -> (vector<16xi1>, vector<16xf32>, vector<16xi32>)
        %slice3A_1280 = vector.extract_strided_slice %masked_sort3A_769 {offsets = [11], sizes = [1], strides = [1]} : vector<16xi32> to vector<1xi32>
        %squeeze3A_1281 = vector.extract %slice3A_1280[0] : i32 from vector<1xi32>
        %shift_right_arithmetic3A_1282 = arith.constant 4 : i32
        %shift_right_arithmetic3A_1283 = arith.shrsi %squeeze3A_1281, %shift_right_arithmetic3A_1282 : i32
        %shift_left3A_1284 = arith.constant 8 : i32
        %shift_left3A_1285 = arith.shli %shift_right_arithmetic3A_1283, %shift_left3A_1284 : i32
        %and3A_1286 = arith.constant 15 : i32
        %and3A_1287 = arith.andi %squeeze3A_1281, %and3A_1286 : i32
        %add3A_1288 = arith.addi %shift_left3A_1285, %and3A_1287 : i32
        %mul3A_1289 = arith.constant 16 : i32
        %mul3A_1290 = vector.broadcast %mul3A_1289 : i32 to vector<16xi32>
        %mul3A_1291 = arith.muli %iota3A, %mul3A_1290 : vector<16xi32>
        %add3A_1292 = vector.broadcast %add3A_1288 : i32 to vector<16xi32>
        %add3A_1293 = arith.addi %add3A_1292, %mul3A_1291 : vector<16xi32>
        %gather3A_1294 = tpu.vector_load_idx %arg8[%add3A_1293] : memref<4096xf32, #tpu.memory_space<vmem>>[vector<16xi32>], vector<16xf32>,
        %masked_sort3A_1295 = arith.constant dense<true> : vector<16xi1>
        %masked_sort3A_1296, %masked_sort3A_1297, %masked_sort3A_1298 = tpu.sort %gather3A_1294, %add3A_1293 masked %masked_sort3A_1295 : (vector<16xf32>, vector<16xi32>, vector<16xi1>) -> (vector<16xi1>, vector<16xf32>, vector<16xi32>)
        %slice3A_1299 = vector.extract_strided_slice %masked_sort3A_769 {offsets = [12], sizes = [1], strides = [1]} : vector<16xi32> to vector<1xi32>
        %squeeze3A_1300 = vector.extract %slice3A_1299[0] : i32 from vector<1xi32>
        %shift_right_arithmetic3A_1301 = arith.constant 4 : i32
        %shift_right_arithmetic3A_1302 = arith.shrsi %squeeze3A_1300, %shift_right_arithmetic3A_1301 : i32
        %shift_left3A_1303 = arith.constant 8 : i32
        %shift_left3A_1304 = arith.shli %shift_right_arithmetic3A_1302, %shift_left3A_1303 : i32
        %and3A_1305 = arith.constant 15 : i32
        %and3A_1306 = arith.andi %squeeze3A_1300, %and3A_1305 : i32
        %add3A_1307 = arith.addi %shift_left3A_1304, %and3A_1306 : i32
        %mul3A_1308 = arith.constant 16 : i32
        %mul3A_1309 = vector.broadcast %mul3A_1308 : i32 to vector<16xi32>
        %mul3A_1310 = arith.muli %iota3A, %mul3A_1309 : vector<16xi32>
        %add3A_1311 = vector.broadcast %add3A_1307 : i32 to vector<16xi32>
        %add3A_1312 = arith.addi %add3A_1311, %mul3A_1310 : vector<16xi32>
        %gather3A_1313 = tpu.vector_load_idx %arg8[%add3A_1312] : memref<4096xf32, #tpu.memory_space<vmem>>[vector<16xi32>], vector<16xf32>,
        %masked_sort3A_1314 = arith.constant dense<true> : vector<16xi1>
        %masked_sort3A_1315, %masked_sort3A_1316, %masked_sort3A_1317 = tpu.sort %gather3A_1313, %add3A_1312 masked %masked_sort3A_1314 : (vector<16xf32>, vector<16xi32>, vector<16xi1>) -> (vector<16xi1>, vector<16xf32>, vector<16xi32>)
        %slice3A_1318 = vector.extract_strided_slice %masked_sort3A_769 {offsets = [13], sizes = [1], strides = [1]} : vector<16xi32> to vector<1xi32>
        %squeeze3A_1319 = vector.extract %slice3A_1318[0] : i32 from vector<1xi32>
        %shift_right_arithmetic3A_1320 = arith.constant 4 : i32
        %shift_right_arithmetic3A_1321 = arith.shrsi %squeeze3A_1319, %shift_right_arithmetic3A_1320 : i32
        %shift_left3A_1322 = arith.constant 8 : i32
        %shift_left3A_1323 = arith.shli %shift_right_arithmetic3A_1321, %shift_left3A_1322 : i32
        %and3A_1324 = arith.constant 15 : i32
        %and3A_1325 = arith.andi %squeeze3A_1319, %and3A_1324 : i32
        %add3A_1326 = arith.addi %shift_left3A_1323, %and3A_1325 : i32
        %mul3A_1327 = arith.constant 16 : i32
        %mul3A_1328 = vector.broadcast %mul3A_1327 : i32 to vector<16xi32>
        %mul3A_1329 = arith.muli %iota3A, %mul3A_1328 : vector<16xi32>
        %add3A_1330 = vector.broadcast %add3A_1326 : i32 to vector<16xi32>
        %add3A_1331 = arith.addi %add3A_1330, %mul3A_1329 : vector<16xi32>
        %gather3A_1332 = tpu.vector_load_idx %arg8[%add3A_1331] : memref<4096xf32, #tpu.memory_space<vmem>>[vector<16xi32>], vector<16xf32>,
        %masked_sort3A_1333 = arith.constant dense<true> : vector<16xi1>
        %masked_sort3A_1334, %masked_sort3A_1335, %masked_sort3A_1336 = tpu.sort %gather3A_1332, %add3A_1331 masked %masked_sort3A_1333 : (vector<16xf32>, vector<16xi32>, vector<16xi1>) -> (vector<16xi1>, vector<16xf32>, vector<16xi32>)
        %slice3A_1337 = vector.extract_strided_slice %masked_sort3A_769 {offsets = [14], sizes = [1], strides = [1]} : vector<16xi32> to vector<1xi32>
        %squeeze3A_1338 = vector.extract %slice3A_1337[0] : i32 from vector<1xi32>
        %shift_right_arithmetic3A_1339 = arith.constant 4 : i32
        %shift_right_arithmetic3A_1340 = arith.shrsi %squeeze3A_1338, %shift_right_arithmetic3A_1339 : i32
        %shift_left3A_1341 = arith.constant 8 : i32
        %shift_left3A_1342 = arith.shli %shift_right_arithmetic3A_1340, %shift_left3A_1341 : i32
        %and3A_1343 = arith.constant 15 : i32
        %and3A_1344 = arith.andi %squeeze3A_1338, %and3A_1343 : i32
        %add3A_1345 = arith.addi %shift_left3A_1342, %and3A_1344 : i32
        %mul3A_1346 = arith.constant 16 : i32
        %mul3A_1347 = vector.broadcast %mul3A_1346 : i32 to vector<16xi32>
        %mul3A_1348 = arith.muli %iota3A, %mul3A_1347 : vector<16xi32>
        %add3A_1349 = vector.broadcast %add3A_1345 : i32 to vector<16xi32>
        %add3A_1350 = arith.addi %add3A_1349, %mul3A_1348 : vector<16xi32>
        %gather3A_1351 = tpu.vector_load_idx %arg8[%add3A_1350] : memref<4096xf32, #tpu.memory_space<vmem>>[vector<16xi32>], vector<16xf32>,
        %masked_sort3A_1352 = arith.constant dense<true> : vector<16xi1>
        %masked_sort3A_1353, %masked_sort3A_1354, %masked_sort3A_1355 = tpu.sort %gather3A_1351, %add3A_1350 masked %masked_sort3A_1352 : (vector<16xf32>, vector<16xi32>, vector<16xi1>) -> (vector<16xi1>, vector<16xf32>, vector<16xi32>)
        %slice3A_1356 = vector.extract_strided_slice %masked_sort3A_769 {offsets = [15], sizes = [1], strides = [1]} : vector<16xi32> to vector<1xi32>
        %squeeze3A_1357 = vector.extract %slice3A_1356[0] : i32 from vector<1xi32>
        %shift_right_arithmetic3A_1358 = arith.constant 4 : i32
        %shift_right_arithmetic3A_1359 = arith.shrsi %squeeze3A_1357, %shift_right_arithmetic3A_1358 : i32
        %shift_left3A_1360 = arith.constant 8 : i32
        %shift_left3A_1361 = arith.shli %shift_right_arithmetic3A_1359, %shift_left3A_1360 : i32
        %and3A_1362 = arith.constant 15 : i32
        %and3A_1363 = arith.andi %squeeze3A_1357, %and3A_1362 : i32
        %add3A_1364 = arith.addi %shift_left3A_1361, %and3A_1363 : i32
        %mul3A_1365 = arith.constant 16 : i32
        %mul3A_1366 = vector.broadcast %mul3A_1365 : i32 to vector<16xi32>
        %mul3A_1367 = arith.muli %iota3A, %mul3A_1366 : vector<16xi32>
        %add3A_1368 = vector.broadcast %add3A_1364 : i32 to vector<16xi32>
        %add3A_1369 = arith.addi %add3A_1368, %mul3A_1367 : vector<16xi32>
        %gather3A_1370 = tpu.vector_load_idx %arg8[%add3A_1369] : memref<4096xf32, #tpu.memory_space<vmem>>[vector<16xi32>], vector<16xf32>,
        %masked_sort3A_1371 = arith.constant dense<true> : vector<16xi1>
        %masked_sort3A_1372, %masked_sort3A_1373, %masked_sort3A_1374 = tpu.sort %gather3A_1370, %add3A_1369 masked %masked_sort3A_1371 : (vector<16xf32>, vector<16xi32>, vector<16xi1>) -> (vector<16xi1>, vector<16xf32>, vector<16xi32>)
        %rev3A_1375 = arith.constant 15 : i32
        %rev3A_1376 = vector.broadcast %rev3A_1375 : i32 to vector<16xi32>
        %rev3A_1377 = tpu.iota {dimensions = array<i32: 0>} : vector<16xi32>
        %rev3A_1378 = arith.subi %rev3A_1376, %rev3A_1377 : vector<16xi32>
        %rev3A_1379 = tpu.dynamic_gather %masked_sort3A_803[%rev3A_1378] in [0] : vector<16xf32>, vector<16xi32> -> vector<16xf32>
        %rev3A_1380 = arith.constant 15 : i32
        %rev3A_1381 = vector.broadcast %rev3A_1380 : i32 to vector<16xi32>
        %rev3A_1382 = tpu.iota {dimensions = array<i32: 0>} : vector<16xi32>
        %rev3A_1383 = arith.subi %rev3A_1381, %rev3A_1382 : vector<16xi32>
        %rev3A_1384 = tpu.dynamic_gather %masked_sort3A_804[%rev3A_1383] in [0] : vector<16xi32>, vector<16xi32> -> vector<16xi32>
        %le3A_1385 = arith.cmpf ole, %masked_sort3A_784, %rev3A_1379 : vector<16xf32>
        %select_n3A_1386 = arith.select %le3A_1385, %masked_sort3A_784, %rev3A_1379 : vector<16xi1>, vector<16xf32>
        %select_n3A_1387 = arith.select %le3A_1385, %masked_sort3A_785, %rev3A_1384 : vector<16xi1>, vector<16xi32>
        %select_n3A_1388 = arith.select %le3A_1385, %rev3A_1379, %masked_sort3A_784 : vector<16xi1>, vector<16xf32>
        %select_n3A_1389 = arith.select %le3A_1385, %rev3A_1384, %masked_sort3A_785 : vector<16xi1>, vector<16xi32>
        %masked_sort3A_1390 = arith.constant dense<true> : vector<16xi1>
        %masked_sort3A_1391, %masked_sort3A_1392, %masked_sort3A_1393 = tpu.sort %select_n3A_1386, %select_n3A_1387 masked %masked_sort3A_1390 : (vector<16xf32>, vector<16xi32>, vector<16xi1>) -> (vector<16xi1>, vector<16xf32>, vector<16xi32>)
        %masked_sort3A_1394 = arith.constant dense<true> : vector<16xi1>
        %masked_sort3A_1395, %masked_sort3A_1396, %masked_sort3A_1397 = tpu.sort %select_n3A_1388, %select_n3A_1389 masked %masked_sort3A_1394 : (vector<16xf32>, vector<16xi32>, vector<16xi1>) -> (vector<16xi1>, vector<16xf32>, vector<16xi32>)
        %rev3A_1398 = arith.constant 15 : i32
        %rev3A_1399 = vector.broadcast %rev3A_1398 : i32 to vector<16xi32>
        %rev3A_1400 = tpu.iota {dimensions = array<i32: 0>} : vector<16xi32>
        %rev3A_1401 = arith.subi %rev3A_1399, %rev3A_1400 : vector<16xi32>
        %rev3A_1402 = tpu.dynamic_gather %masked_sort3A_841[%rev3A_1401] in [0] : vector<16xf32>, vector<16xi32> -> vector<16xf32>
        %rev3A_1403 = arith.constant 15 : i32
        %rev3A_1404 = vector.broadcast %rev3A_1403 : i32 to vector<16xi32>
        %rev3A_1405 = tpu.iota {dimensions = array<i32: 0>} : vector<16xi32>
        %rev3A_1406 = arith.subi %rev3A_1404, %rev3A_1405 : vector<16xi32>
        %rev3A_1407 = tpu.dynamic_gather %masked_sort3A_842[%rev3A_1406] in [0] : vector<16xi32>, vector<16xi32> -> vector<16xi32>
        %le3A_1408 = arith.cmpf ole, %masked_sort3A_822, %rev3A_1402 : vector<16xf32>
        %select_n3A_1409 = arith.select %le3A_1408, %masked_sort3A_822, %rev3A_1402 : vector<16xi1>, vector<16xf32>
        %select_n3A_1410 = arith.select %le3A_1408, %masked_sort3A_823, %rev3A_1407 : vector<16xi1>, vector<16xi32>
        %select_n3A_1411 = arith.select %le3A_1408, %rev3A_1402, %masked_sort3A_822 : vector<16xi1>, vector<16xf32>
        %select_n3A_1412 = arith.select %le3A_1408, %rev3A_1407, %masked_sort3A_823 : vector<16xi1>, vector<16xi32>
        %masked_sort3A_1413 = arith.constant dense<true> : vector<16xi1>
        %masked_sort3A_1414, %masked_sort3A_1415, %masked_sort3A_1416 = tpu.sort %select_n3A_1409, %select_n3A_1410 masked %masked_sort3A_1413 : (vector<16xf32>, vector<16xi32>, vector<16xi1>) -> (vector<16xi1>, vector<16xf32>, vector<16xi32>)
        %masked_sort3A_1417 = arith.constant dense<true> : vector<16xi1>
        %masked_sort3A_1418, %masked_sort3A_1419, %masked_sort3A_1420 = tpu.sort %select_n3A_1411, %select_n3A_1412 masked %masked_sort3A_1417 : (vector<16xf32>, vector<16xi32>, vector<16xi1>) -> (vector<16xi1>, vector<16xf32>, vector<16xi32>)
        %rev3A_1421 = arith.constant 15 : i32
        %rev3A_1422 = vector.broadcast %rev3A_1421 : i32 to vector<16xi32>
        %rev3A_1423 = tpu.iota {dimensions = array<i32: 0>} : vector<16xi32>
        %rev3A_1424 = arith.subi %rev3A_1422, %rev3A_1423 : vector<16xi32>
        %rev3A_1425 = tpu.dynamic_gather %masked_sort3A_879[%rev3A_1424] in [0] : vector<16xf32>, vector<16xi32> -> vector<16xf32>
        %rev3A_1426 = arith.constant 15 : i32
        %rev3A_1427 = vector.broadcast %rev3A_1426 : i32 to vector<16xi32>
        %rev3A_1428 = tpu.iota {dimensions = array<i32: 0>} : vector<16xi32>
        %rev3A_1429 = arith.subi %rev3A_1427, %rev3A_1428 : vector<16xi32>
        %rev3A_1430 = tpu.dynamic_gather %masked_sort3A_880[%rev3A_1429] in [0] : vector<16xi32>, vector<16xi32> -> vector<16xi32>
        %le3A_1431 = arith.cmpf ole, %masked_sort3A_860, %rev3A_1425 : vector<16xf32>
        %select_n3A_1432 = arith.select %le3A_1431, %masked_sort3A_860, %rev3A_1425 : vector<16xi1>, vector<16xf32>
        %select_n3A_1433 = arith.select %le3A_1431, %masked_sort3A_861, %rev3A_1430 : vector<16xi1>, vector<16xi32>
        %select_n3A_1434 = arith.select %le3A_1431, %rev3A_1425, %masked_sort3A_860 : vector<16xi1>, vector<16xf32>
        %select_n3A_1435 = arith.select %le3A_1431, %rev3A_1430, %masked_sort3A_861 : vector<16xi1>, vector<16xi32>
        %masked_sort3A_1436 = arith.constant dense<true> : vector<16xi1>
        %masked_sort3A_1437, %masked_sort3A_1438, %masked_sort3A_1439 = tpu.sort %select_n3A_1432, %select_n3A_1433 masked %masked_sort3A_1436 : (vector<16xf32>, vector<16xi32>, vector<16xi1>) -> (vector<16xi1>, vector<16xf32>, vector<16xi32>)
        %masked_sort3A_1440 = arith.constant dense<true> : vector<16xi1>
        %masked_sort3A_1441, %masked_sort3A_1442, %masked_sort3A_1443 = tpu.sort %select_n3A_1434, %select_n3A_1435 masked %masked_sort3A_1440 : (vector<16xf32>, vector<16xi32>, vector<16xi1>) -> (vector<16xi1>, vector<16xf32>, vector<16xi32>)
        %rev3A_1444 = arith.constant 15 : i32
        %rev3A_1445 = vector.broadcast %rev3A_1444 : i32 to vector<16xi32>
        %rev3A_1446 = tpu.iota {dimensions = array<i32: 0>} : vector<16xi32>
        %rev3A_1447 = arith.subi %rev3A_1445, %rev3A_1446 : vector<16xi32>
        %rev3A_1448 = tpu.dynamic_gather %masked_sort3A_917[%rev3A_1447] in [0] : vector<16xf32>, vector<16xi32> -> vector<16xf32>
        %rev3A_1449 = arith.constant 15 : i32
        %rev3A_1450 = vector.broadcast %rev3A_1449 : i32 to vector<16xi32>
        %rev3A_1451 = tpu.iota {dimensions = array<i32: 0>} : vector<16xi32>
        %rev3A_1452 = arith.subi %rev3A_1450, %rev3A_1451 : vector<16xi32>
        %rev3A_1453 = tpu.dynamic_gather %masked_sort3A_918[%rev3A_1452] in [0] : vector<16xi32>, vector<16xi32> -> vector<16xi32>
        %le3A_1454 = arith.cmpf ole, %masked_sort3A_898, %rev3A_1448 : vector<16xf32>
        %select_n3A_1455 = arith.select %le3A_1454, %masked_sort3A_898, %rev3A_1448 : vector<16xi1>, vector<16xf32>
        %select_n3A_1456 = arith.select %le3A_1454, %masked_sort3A_899, %rev3A_1453 : vector<16xi1>, vector<16xi32>
        %select_n3A_1457 = arith.select %le3A_1454, %rev3A_1448, %masked_sort3A_898 : vector<16xi1>, vector<16xf32>
        %select_n3A_1458 = arith.select %le3A_1454, %rev3A_1453, %masked_sort3A_899 : vector<16xi1>, vector<16xi32>
        %masked_sort3A_1459 = arith.constant dense<true> : vector<16xi1>
        %masked_sort3A_1460, %masked_sort3A_1461, %masked_sort3A_1462 = tpu.sort %select_n3A_1455, %select_n3A_1456 masked %masked_sort3A_1459 : (vector<16xf32>, vector<16xi32>, vector<16xi1>) -> (vector<16xi1>, vector<16xf32>, vector<16xi32>)
        %masked_sort3A_1463 = arith.constant dense<true> : vector<16xi1>
        %masked_sort3A_1464, %masked_sort3A_1465, %masked_sort3A_1466 = tpu.sort %select_n3A_1457, %select_n3A_1458 masked %masked_sort3A_1463 : (vector<16xf32>, vector<16xi32>, vector<16xi1>) -> (vector<16xi1>, vector<16xf32>, vector<16xi32>)
        %rev3A_1467 = arith.constant 15 : i32
        %rev3A_1468 = vector.broadcast %rev3A_1467 : i32 to vector<16xi32>
        %rev3A_1469 = tpu.iota {dimensions = array<i32: 0>} : vector<16xi32>
        %rev3A_1470 = arith.subi %rev3A_1468, %rev3A_1469 : vector<16xi32>
        %rev3A_1471 = tpu.dynamic_gather %masked_sort3A_955[%rev3A_1470] in [0] : vector<16xf32>, vector<16xi32> -> vector<16xf32>
        %rev3A_1472 = arith.constant 15 : i32
        %rev3A_1473 = vector.broadcast %rev3A_1472 : i32 to vector<16xi32>
        %rev3A_1474 = tpu.iota {dimensions = array<i32: 0>} : vector<16xi32>
        %rev3A_1475 = arith.subi %rev3A_1473, %rev3A_1474 : vector<16xi32>
        %rev3A_1476 = tpu.dynamic_gather %masked_sort3A_956[%rev3A_1475] in [0] : vector<16xi32>, vector<16xi32> -> vector<16xi32>
        %le3A_1477 = arith.cmpf ole, %masked_sort3A_936, %rev3A_1471 : vector<16xf32>
        %select_n3A_1478 = arith.select %le3A_1477, %masked_sort3A_936, %rev3A_1471 : vector<16xi1>, vector<16xf32>
        %select_n3A_1479 = arith.select %le3A_1477, %masked_sort3A_937, %rev3A_1476 : vector<16xi1>, vector<16xi32>
        %select_n3A_1480 = arith.select %le3A_1477, %rev3A_1471, %masked_sort3A_936 : vector<16xi1>, vector<16xf32>
        %select_n3A_1481 = arith.select %le3A_1477, %rev3A_1476, %masked_sort3A_937 : vector<16xi1>, vector<16xi32>
        %masked_sort3A_1482 = arith.constant dense<true> : vector<16xi1>
        %masked_sort3A_1483, %masked_sort3A_1484, %masked_sort3A_1485 = tpu.sort %select_n3A_1478, %select_n3A_1479 masked %masked_sort3A_1482 : (vector<16xf32>, vector<16xi32>, vector<16xi1>) -> (vector<16xi1>, vector<16xf32>, vector<16xi32>)
        %masked_sort3A_1486 = arith.constant dense<true> : vector<16xi1>
        %masked_sort3A_1487, %masked_sort3A_1488, %masked_sort3A_1489 = tpu.sort %select_n3A_1480, %select_n3A_1481 masked %masked_sort3A_1486 : (vector<16xf32>, vector<16xi32>, vector<16xi1>) -> (vector<16xi1>, vector<16xf32>, vector<16xi32>)
        %rev3A_1490 = arith.constant 15 : i32
        %rev3A_1491 = vector.broadcast %rev3A_1490 : i32 to vector<16xi32>
        %rev3A_1492 = tpu.iota {dimensions = array<i32: 0>} : vector<16xi32>
        %rev3A_1493 = arith.subi %rev3A_1491, %rev3A_1492 : vector<16xi32>
        %rev3A_1494 = tpu.dynamic_gather %masked_sort3A_993[%rev3A_1493] in [0] : vector<16xf32>, vector<16xi32> -> vector<16xf32>
        %rev3A_1495 = arith.constant 15 : i32
        %rev3A_1496 = vector.broadcast %rev3A_1495 : i32 to vector<16xi32>
        %rev3A_1497 = tpu.iota {dimensions = array<i32: 0>} : vector<16xi32>
        %rev3A_1498 = arith.subi %rev3A_1496, %rev3A_1497 : vector<16xi32>
        %rev3A_1499 = tpu.dynamic_gather %masked_sort3A_994[%rev3A_1498] in [0] : vector<16xi32>, vector<16xi32> -> vector<16xi32>
        %le3A_1500 = arith.cmpf ole, %masked_sort3A_974, %rev3A_1494 : vector<16xf32>
        %select_n3A_1501 = arith.select %le3A_1500, %masked_sort3A_974, %rev3A_1494 : vector<16xi1>, vector<16xf32>
        %select_n3A_1502 = arith.select %le3A_1500, %masked_sort3A_975, %rev3A_1499 : vector<16xi1>, vector<16xi32>
        %select_n3A_1503 = arith.select %le3A_1500, %rev3A_1494, %masked_sort3A_974 : vector<16xi1>, vector<16xf32>
        %select_n3A_1504 = arith.select %le3A_1500, %rev3A_1499, %masked_sort3A_975 : vector<16xi1>, vector<16xi32>
        %masked_sort3A_1505 = arith.constant dense<true> : vector<16xi1>
        %masked_sort3A_1506, %masked_sort3A_1507, %masked_sort3A_1508 = tpu.sort %select_n3A_1501, %select_n3A_1502 masked %masked_sort3A_1505 : (vector<16xf32>, vector<16xi32>, vector<16xi1>) -> (vector<16xi1>, vector<16xf32>, vector<16xi32>)
        %masked_sort3A_1509 = arith.constant dense<true> : vector<16xi1>
        %masked_sort3A_1510, %masked_sort3A_1511, %masked_sort3A_1512 = tpu.sort %select_n3A_1503, %select_n3A_1504 masked %masked_sort3A_1509 : (vector<16xf32>, vector<16xi32>, vector<16xi1>) -> (vector<16xi1>, vector<16xf32>, vector<16xi32>)
        %rev3A_1513 = arith.constant 15 : i32
        %rev3A_1514 = vector.broadcast %rev3A_1513 : i32 to vector<16xi32>
        %rev3A_1515 = tpu.iota {dimensions = array<i32: 0>} : vector<16xi32>
        %rev3A_1516 = arith.subi %rev3A_1514, %rev3A_1515 : vector<16xi32>
        %rev3A_1517 = tpu.dynamic_gather %masked_sort3A_1031[%rev3A_1516] in [0] : vector<16xf32>, vector<16xi32> -> vector<16xf32>
        %rev3A_1518 = arith.constant 15 : i32
        %rev3A_1519 = vector.broadcast %rev3A_1518 : i32 to vector<16xi32>
        %rev3A_1520 = tpu.iota {dimensions = array<i32: 0>} : vector<16xi32>
        %rev3A_1521 = arith.subi %rev3A_1519, %rev3A_1520 : vector<16xi32>
        %rev3A_1522 = tpu.dynamic_gather %masked_sort3A_1032[%rev3A_1521] in [0] : vector<16xi32>, vector<16xi32> -> vector<16xi32>
        %le3A_1523 = arith.cmpf ole, %masked_sort3A_1012, %rev3A_1517 : vector<16xf32>
        %select_n3A_1524 = arith.select %le3A_1523, %masked_sort3A_1012, %rev3A_1517 : vector<16xi1>, vector<16xf32>
        %select_n3A_1525 = arith.select %le3A_1523, %masked_sort3A_1013, %rev3A_1522 : vector<16xi1>, vector<16xi32>
        %select_n3A_1526 = arith.select %le3A_1523, %rev3A_1517, %masked_sort3A_1012 : vector<16xi1>, vector<16xf32>
        %select_n3A_1527 = arith.select %le3A_1523, %rev3A_1522, %masked_sort3A_1013 : vector<16xi1>, vector<16xi32>
        %masked_sort3A_1528 = arith.constant dense<true> : vector<16xi1>
        %masked_sort3A_1529, %masked_sort3A_1530, %masked_sort3A_1531 = tpu.sort %select_n3A_1524, %select_n3A_1525 masked %masked_sort3A_1528 : (vector<16xf32>, vector<16xi32>, vector<16xi1>) -> (vector<16xi1>, vector<16xf32>, vector<16xi32>)
        %masked_sort3A_1532 = arith.constant dense<true> : vector<16xi1>
        %masked_sort3A_1533, %masked_sort3A_1534, %masked_sort3A_1535 = tpu.sort %select_n3A_1526, %select_n3A_1527 masked %masked_sort3A_1532 : (vector<16xf32>, vector<16xi32>, vector<16xi1>) -> (vector<16xi1>, vector<16xf32>, vector<16xi32>)
        %rev3A_1536 = arith.constant 15 : i32
        %rev3A_1537 = vector.broadcast %rev3A_1536 : i32 to vector<16xi32>
        %rev3A_1538 = tpu.iota {dimensions = array<i32: 0>} : vector<16xi32>
        %rev3A_1539 = arith.subi %rev3A_1537, %rev3A_1538 : vector<16xi32>
        %rev3A_1540 = tpu.dynamic_gather %masked_sort3A_1069[%rev3A_1539] in [0] : vector<16xf32>, vector<16xi32> -> vector<16xf32>
        %rev3A_1541 = arith.constant 15 : i32
        %rev3A_1542 = vector.broadcast %rev3A_1541 : i32 to vector<16xi32>
        %rev3A_1543 = tpu.iota {dimensions = array<i32: 0>} : vector<16xi32>
        %rev3A_1544 = arith.subi %rev3A_1542, %rev3A_1543 : vector<16xi32>
        %rev3A_1545 = tpu.dynamic_gather %masked_sort3A_1070[%rev3A_1544] in [0] : vector<16xi32>, vector<16xi32> -> vector<16xi32>
        %le3A_1546 = arith.cmpf ole, %masked_sort3A_1050, %rev3A_1540 : vector<16xf32>
        %select_n3A_1547 = arith.select %le3A_1546, %masked_sort3A_1050, %rev3A_1540 : vector<16xi1>, vector<16xf32>
        %select_n3A_1548 = arith.select %le3A_1546, %masked_sort3A_1051, %rev3A_1545 : vector<16xi1>, vector<16xi32>
        %select_n3A_1549 = arith.select %le3A_1546, %rev3A_1540, %masked_sort3A_1050 : vector<16xi1>, vector<16xf32>
        %select_n3A_1550 = arith.select %le3A_1546, %rev3A_1545, %masked_sort3A_1051 : vector<16xi1>, vector<16xi32>
        %masked_sort3A_1551 = arith.constant dense<true> : vector<16xi1>
        %masked_sort3A_1552, %masked_sort3A_1553, %masked_sort3A_1554 = tpu.sort %select_n3A_1547, %select_n3A_1548 masked %masked_sort3A_1551 : (vector<16xf32>, vector<16xi32>, vector<16xi1>) -> (vector<16xi1>, vector<16xf32>, vector<16xi32>)
        %masked_sort3A_1555 = arith.constant dense<true> : vector<16xi1>
        %masked_sort3A_1556, %masked_sort3A_1557, %masked_sort3A_1558 = tpu.sort %select_n3A_1549, %select_n3A_1550 masked %masked_sort3A_1555 : (vector<16xf32>, vector<16xi32>, vector<16xi1>) -> (vector<16xi1>, vector<16xf32>, vector<16xi32>)
        %rev3A_1559 = arith.constant 15 : i32
        %rev3A_1560 = vector.broadcast %rev3A_1559 : i32 to vector<16xi32>
        %rev3A_1561 = tpu.iota {dimensions = array<i32: 0>} : vector<16xi32>
        %rev3A_1562 = arith.subi %rev3A_1560, %rev3A_1561 : vector<16xi32>
        %rev3A_1563 = tpu.dynamic_gather %masked_sort3A_1107[%rev3A_1562] in [0] : vector<16xf32>, vector<16xi32> -> vector<16xf32>
        %rev3A_1564 = arith.constant 15 : i32
        %rev3A_1565 = vector.broadcast %rev3A_1564 : i32 to vector<16xi32>
        %rev3A_1566 = tpu.iota {dimensions = array<i32: 0>} : vector<16xi32>
        %rev3A_1567 = arith.subi %rev3A_1565, %rev3A_1566 : vector<16xi32>
        %rev3A_1568 = tpu.dynamic_gather %masked_sort3A_1108[%rev3A_1567] in [0] : vector<16xi32>, vector<16xi32> -> vector<16xi32>
        %le3A_1569 = arith.cmpf ole, %masked_sort3A_1088, %rev3A_1563 : vector<16xf32>
        %select_n3A_1570 = arith.select %le3A_1569, %masked_sort3A_1088, %rev3A_1563 : vector<16xi1>, vector<16xf32>
        %select_n3A_1571 = arith.select %le3A_1569, %masked_sort3A_1089, %rev3A_1568 : vector<16xi1>, vector<16xi32>
        %select_n3A_1572 = arith.select %le3A_1569, %rev3A_1563, %masked_sort3A_1088 : vector<16xi1>, vector<16xf32>
        %select_n3A_1573 = arith.select %le3A_1569, %rev3A_1568, %masked_sort3A_1089 : vector<16xi1>, vector<16xi32>
        %masked_sort3A_1574 = arith.constant dense<true> : vector<16xi1>
        %masked_sort3A_1575, %masked_sort3A_1576, %masked_sort3A_1577 = tpu.sort %select_n3A_1570, %select_n3A_1571 masked %masked_sort3A_1574 : (vector<16xf32>, vector<16xi32>, vector<16xi1>) -> (vector<16xi1>, vector<16xf32>, vector<16xi32>)
        %masked_sort3A_1578 = arith.constant dense<true> : vector<16xi1>
        %masked_sort3A_1579, %masked_sort3A_1580, %masked_sort3A_1581 = tpu.sort %select_n3A_1572, %select_n3A_1573 masked %masked_sort3A_1578 : (vector<16xf32>, vector<16xi32>, vector<16xi1>) -> (vector<16xi1>, vector<16xf32>, vector<16xi32>)
        %rev3A_1582 = arith.constant 15 : i32
        %rev3A_1583 = vector.broadcast %rev3A_1582 : i32 to vector<16xi32>
        %rev3A_1584 = tpu.iota {dimensions = array<i32: 0>} : vector<16xi32>
        %rev3A_1585 = arith.subi %rev3A_1583, %rev3A_1584 : vector<16xi32>
        %rev3A_1586 = tpu.dynamic_gather %masked_sort3A_1145[%rev3A_1585] in [0] : vector<16xf32>, vector<16xi32> -> vector<16xf32>
        %rev3A_1587 = arith.constant 15 : i32
        %rev3A_1588 = vector.broadcast %rev3A_1587 : i32 to vector<16xi32>
        %rev3A_1589 = tpu.iota {dimensions = array<i32: 0>} : vector<16xi32>
        %rev3A_1590 = arith.subi %rev3A_1588, %rev3A_1589 : vector<16xi32>
        %rev3A_1591 = tpu.dynamic_gather %masked_sort3A_1146[%rev3A_1590] in [0] : vector<16xi32>, vector<16xi32> -> vector<16xi32>
        %le3A_1592 = arith.cmpf ole, %masked_sort3A_1126, %rev3A_1586 : vector<16xf32>
        %select_n3A_1593 = arith.select %le3A_1592, %masked_sort3A_1126, %rev3A_1586 : vector<16xi1>, vector<16xf32>
        %select_n3A_1594 = arith.select %le3A_1592, %masked_sort3A_1127, %rev3A_1591 : vector<16xi1>, vector<16xi32>
        %select_n3A_1595 = arith.select %le3A_1592, %rev3A_1586, %masked_sort3A_1126 : vector<16xi1>, vector<16xf32>
        %select_n3A_1596 = arith.select %le3A_1592, %rev3A_1591, %masked_sort3A_1127 : vector<16xi1>, vector<16xi32>
        %masked_sort3A_1597 = arith.constant dense<true> : vector<16xi1>
        %masked_sort3A_1598, %masked_sort3A_1599, %masked_sort3A_1600 = tpu.sort %select_n3A_1593, %select_n3A_1594 masked %masked_sort3A_1597 : (vector<16xf32>, vector<16xi32>, vector<16xi1>) -> (vector<16xi1>, vector<16xf32>, vector<16xi32>)
        %masked_sort3A_1601 = arith.constant dense<true> : vector<16xi1>
        %masked_sort3A_1602, %masked_sort3A_1603, %masked_sort3A_1604 = tpu.sort %select_n3A_1595, %select_n3A_1596 masked %masked_sort3A_1601 : (vector<16xf32>, vector<16xi32>, vector<16xi1>) -> (vector<16xi1>, vector<16xf32>, vector<16xi32>)
        %rev3A_1605 = arith.constant 15 : i32
        %rev3A_1606 = vector.broadcast %rev3A_1605 : i32 to vector<16xi32>
        %rev3A_1607 = tpu.iota {dimensions = array<i32: 0>} : vector<16xi32>
        %rev3A_1608 = arith.subi %rev3A_1606, %rev3A_1607 : vector<16xi32>
        %rev3A_1609 = tpu.dynamic_gather %masked_sort3A_1183[%rev3A_1608] in [0] : vector<16xf32>, vector<16xi32> -> vector<16xf32>
        %rev3A_1610 = arith.constant 15 : i32
        %rev3A_1611 = vector.broadcast %rev3A_1610 : i32 to vector<16xi32>
        %rev3A_1612 = tpu.iota {dimensions = array<i32: 0>} : vector<16xi32>
        %rev3A_1613 = arith.subi %rev3A_1611, %rev3A_1612 : vector<16xi32>
        %rev3A_1614 = tpu.dynamic_gather %masked_sort3A_1184[%rev3A_1613] in [0] : vector<16xi32>, vector<16xi32> -> vector<16xi32>
        %le3A_1615 = arith.cmpf ole, %masked_sort3A_1164, %rev3A_1609 : vector<16xf32>
        %select_n3A_1616 = arith.select %le3A_1615, %masked_sort3A_1164, %rev3A_1609 : vector<16xi1>, vector<16xf32>
        %select_n3A_1617 = arith.select %le3A_1615, %masked_sort3A_1165, %rev3A_1614 : vector<16xi1>, vector<16xi32>
        %select_n3A_1618 = arith.select %le3A_1615, %rev3A_1609, %masked_sort3A_1164 : vector<16xi1>, vector<16xf32>
        %select_n3A_1619 = arith.select %le3A_1615, %rev3A_1614, %masked_sort3A_1165 : vector<16xi1>, vector<16xi32>
        %masked_sort3A_1620 = arith.constant dense<true> : vector<16xi1>
        %masked_sort3A_1621, %masked_sort3A_1622, %masked_sort3A_1623 = tpu.sort %select_n3A_1616, %select_n3A_1617 masked %masked_sort3A_1620 : (vector<16xf32>, vector<16xi32>, vector<16xi1>) -> (vector<16xi1>, vector<16xf32>, vector<16xi32>)
        %masked_sort3A_1624 = arith.constant dense<true> : vector<16xi1>
        %masked_sort3A_1625, %masked_sort3A_1626, %masked_sort3A_1627 = tpu.sort %select_n3A_1618, %select_n3A_1619 masked %masked_sort3A_1624 : (vector<16xf32>, vector<16xi32>, vector<16xi1>) -> (vector<16xi1>, vector<16xf32>, vector<16xi32>)
        %rev3A_1628 = arith.constant 15 : i32
        %rev3A_1629 = vector.broadcast %rev3A_1628 : i32 to vector<16xi32>
        %rev3A_1630 = tpu.iota {dimensions = array<i32: 0>} : vector<16xi32>
        %rev3A_1631 = arith.subi %rev3A_1629, %rev3A_1630 : vector<16xi32>
        %rev3A_1632 = tpu.dynamic_gather %masked_sort3A_1221[%rev3A_1631] in [0] : vector<16xf32>, vector<16xi32> -> vector<16xf32>
        %rev3A_1633 = arith.constant 15 : i32
        %rev3A_1634 = vector.broadcast %rev3A_1633 : i32 to vector<16xi32>
        %rev3A_1635 = tpu.iota {dimensions = array<i32: 0>} : vector<16xi32>
        %rev3A_1636 = arith.subi %rev3A_1634, %rev3A_1635 : vector<16xi32>
        %rev3A_1637 = tpu.dynamic_gather %masked_sort3A_1222[%rev3A_1636] in [0] : vector<16xi32>, vector<16xi32> -> vector<16xi32>
        %le3A_1638 = arith.cmpf ole, %masked_sort3A_1202, %rev3A_1632 : vector<16xf32>
        %select_n3A_1639 = arith.select %le3A_1638, %masked_sort3A_1202, %rev3A_1632 : vector<16xi1>, vector<16xf32>
        %select_n3A_1640 = arith.select %le3A_1638, %masked_sort3A_1203, %rev3A_1637 : vector<16xi1>, vector<16xi32>
        %select_n3A_1641 = arith.select %le3A_1638, %rev3A_1632, %masked_sort3A_1202 : vector<16xi1>, vector<16xf32>
        %select_n3A_1642 = arith.select %le3A_1638, %rev3A_1637, %masked_sort3A_1203 : vector<16xi1>, vector<16xi32>
        %masked_sort3A_1643 = arith.constant dense<true> : vector<16xi1>
        %masked_sort3A_1644, %masked_sort3A_1645, %masked_sort3A_1646 = tpu.sort %select_n3A_1639, %select_n3A_1640 masked %masked_sort3A_1643 : (vector<16xf32>, vector<16xi32>, vector<16xi1>) -> (vector<16xi1>, vector<16xf32>, vector<16xi32>)
        %masked_sort3A_1647 = arith.constant dense<true> : vector<16xi1>
        %masked_sort3A_1648, %masked_sort3A_1649, %masked_sort3A_1650 = tpu.sort %select_n3A_1641, %select_n3A_1642 masked %masked_sort3A_1647 : (vector<16xf32>, vector<16xi32>, vector<16xi1>) -> (vector<16xi1>, vector<16xf32>, vector<16xi32>)
        %rev3A_1651 = arith.constant 15 : i32
        %rev3A_1652 = vector.broadcast %rev3A_1651 : i32 to vector<16xi32>
        %rev3A_1653 = tpu.iota {dimensions = array<i32: 0>} : vector<16xi32>
        %rev3A_1654 = arith.subi %rev3A_1652, %rev3A_1653 : vector<16xi32>
        %rev3A_1655 = tpu.dynamic_gather %masked_sort3A_1259[%rev3A_1654] in [0] : vector<16xf32>, vector<16xi32> -> vector<16xf32>
        %rev3A_1656 = arith.constant 15 : i32
        %rev3A_1657 = vector.broadcast %rev3A_1656 : i32 to vector<16xi32>
        %rev3A_1658 = tpu.iota {dimensions = array<i32: 0>} : vector<16xi32>
        %rev3A_1659 = arith.subi %rev3A_1657, %rev3A_1658 : vector<16xi32>
        %rev3A_1660 = tpu.dynamic_gather %masked_sort3A_1260[%rev3A_1659] in [0] : vector<16xi32>, vector<16xi32> -> vector<16xi32>
        %le3A_1661 = arith.cmpf ole, %masked_sort3A_1240, %rev3A_1655 : vector<16xf32>
        %select_n3A_1662 = arith.select %le3A_1661, %masked_sort3A_1240, %rev3A_1655 : vector<16xi1>, vector<16xf32>
        %select_n3A_1663 = arith.select %le3A_1661, %masked_sort3A_1241, %rev3A_1660 : vector<16xi1>, vector<16xi32>
        %select_n3A_1664 = arith.select %le3A_1661, %rev3A_1655, %masked_sort3A_1240 : vector<16xi1>, vector<16xf32>
        %select_n3A_1665 = arith.select %le3A_1661, %rev3A_1660, %masked_sort3A_1241 : vector<16xi1>, vector<16xi32>
        %masked_sort3A_1666 = arith.constant dense<true> : vector<16xi1>
        %masked_sort3A_1667, %masked_sort3A_1668, %masked_sort3A_1669 = tpu.sort %select_n3A_1662, %select_n3A_1663 masked %masked_sort3A_1666 : (vector<16xf32>, vector<16xi32>, vector<16xi1>) -> (vector<16xi1>, vector<16xf32>, vector<16xi32>)
        %masked_sort3A_1670 = arith.constant dense<true> : vector<16xi1>
        %masked_sort3A_1671, %masked_sort3A_1672, %masked_sort3A_1673 = tpu.sort %select_n3A_1664, %select_n3A_1665 masked %masked_sort3A_1670 : (vector<16xf32>, vector<16xi32>, vector<16xi1>) -> (vector<16xi1>, vector<16xf32>, vector<16xi32>)
        %rev3A_1674 = arith.constant 15 : i32
        %rev3A_1675 = vector.broadcast %rev3A_1674 : i32 to vector<16xi32>
        %rev3A_1676 = tpu.iota {dimensions = array<i32: 0>} : vector<16xi32>
        %rev3A_1677 = arith.subi %rev3A_1675, %rev3A_1676 : vector<16xi32>
        %rev3A_1678 = tpu.dynamic_gather %masked_sort3A_1297[%rev3A_1677] in [0] : vector<16xf32>, vector<16xi32> -> vector<16xf32>
        %rev3A_1679 = arith.constant 15 : i32
        %rev3A_1680 = vector.broadcast %rev3A_1679 : i32 to vector<16xi32>
        %rev3A_1681 = tpu.iota {dimensions = array<i32: 0>} : vector<16xi32>
        %rev3A_1682 = arith.subi %rev3A_1680, %rev3A_1681 : vector<16xi32>
        %rev3A_1683 = tpu.dynamic_gather %masked_sort3A_1298[%rev3A_1682] in [0] : vector<16xi32>, vector<16xi32> -> vector<16xi32>
        %le3A_1684 = arith.cmpf ole, %masked_sort3A_1278, %rev3A_1678 : vector<16xf32>
        %select_n3A_1685 = arith.select %le3A_1684, %masked_sort3A_1278, %rev3A_1678 : vector<16xi1>, vector<16xf32>
        %select_n3A_1686 = arith.select %le3A_1684, %masked_sort3A_1279, %rev3A_1683 : vector<16xi1>, vector<16xi32>
        %select_n3A_1687 = arith.select %le3A_1684, %rev3A_1678, %masked_sort3A_1278 : vector<16xi1>, vector<16xf32>
        %select_n3A_1688 = arith.select %le3A_1684, %rev3A_1683, %masked_sort3A_1279 : vector<16xi1>, vector<16xi32>
        %masked_sort3A_1689 = arith.constant dense<true> : vector<16xi1>
        %masked_sort3A_1690, %masked_sort3A_1691, %masked_sort3A_1692 = tpu.sort %select_n3A_1685, %select_n3A_1686 masked %masked_sort3A_1689 : (vector<16xf32>, vector<16xi32>, vector<16xi1>) -> (vector<16xi1>, vector<16xf32>, vector<16xi32>)
        %masked_sort3A_1693 = arith.constant dense<true> : vector<16xi1>
        %masked_sort3A_1694, %masked_sort3A_1695, %masked_sort3A_1696 = tpu.sort %select_n3A_1687, %select_n3A_1688 masked %masked_sort3A_1693 : (vector<16xf32>, vector<16xi32>, vector<16xi1>) -> (vector<16xi1>, vector<16xf32>, vector<16xi32>)
        %rev3A_1697 = arith.constant 15 : i32
        %rev3A_1698 = vector.broadcast %rev3A_1697 : i32 to vector<16xi32>
        %rev3A_1699 = tpu.iota {dimensions = array<i32: 0>} : vector<16xi32>
        %rev3A_1700 = arith.subi %rev3A_1698, %rev3A_1699 : vector<16xi32>
        %rev3A_1701 = tpu.dynamic_gather %masked_sort3A_1335[%rev3A_1700] in [0] : vector<16xf32>, vector<16xi32> -> vector<16xf32>
        %rev3A_1702 = arith.constant 15 : i32
        %rev3A_1703 = vector.broadcast %rev3A_1702 : i32 to vector<16xi32>
        %rev3A_1704 = tpu.iota {dimensions = array<i32: 0>} : vector<16xi32>
        %rev3A_1705 = arith.subi %rev3A_1703, %rev3A_1704 : vector<16xi32>
        %rev3A_1706 = tpu.dynamic_gather %masked_sort3A_1336[%rev3A_1705] in [0] : vector<16xi32>, vector<16xi32> -> vector<16xi32>
        %le3A_1707 = arith.cmpf ole, %masked_sort3A_1316, %rev3A_1701 : vector<16xf32>
        %select_n3A_1708 = arith.select %le3A_1707, %masked_sort3A_1316, %rev3A_1701 : vector<16xi1>, vector<16xf32>
        %select_n3A_1709 = arith.select %le3A_1707, %masked_sort3A_1317, %rev3A_1706 : vector<16xi1>, vector<16xi32>
        %select_n3A_1710 = arith.select %le3A_1707, %rev3A_1701, %masked_sort3A_1316 : vector<16xi1>, vector<16xf32>
        %select_n3A_1711 = arith.select %le3A_1707, %rev3A_1706, %masked_sort3A_1317 : vector<16xi1>, vector<16xi32>
        %masked_sort3A_1712 = arith.constant dense<true> : vector<16xi1>
        %masked_sort3A_1713, %masked_sort3A_1714, %masked_sort3A_1715 = tpu.sort %select_n3A_1708, %select_n3A_1709 masked %masked_sort3A_1712 : (vector<16xf32>, vector<16xi32>, vector<16xi1>) -> (vector<16xi1>, vector<16xf32>, vector<16xi32>)
        %masked_sort3A_1716 = arith.constant dense<true> : vector<16xi1>
        %masked_sort3A_1717, %masked_sort3A_1718, %masked_sort3A_1719 = tpu.sort %select_n3A_1710, %select_n3A_1711 masked %masked_sort3A_1716 : (vector<16xf32>, vector<16xi32>, vector<16xi1>) -> (vector<16xi1>, vector<16xf32>, vector<16xi32>)
        %rev3A_1720 = arith.constant 15 : i32
        %rev3A_1721 = vector.broadcast %rev3A_1720 : i32 to vector<16xi32>
        %rev3A_1722 = tpu.iota {dimensions = array<i32: 0>} : vector<16xi32>
        %rev3A_1723 = arith.subi %rev3A_1721, %rev3A_1722 : vector<16xi32>
        %rev3A_1724 = tpu.dynamic_gather %masked_sort3A_1373[%rev3A_1723] in [0] : vector<16xf32>, vector<16xi32> -> vector<16xf32>
        %rev3A_1725 = arith.constant 15 : i32
        %rev3A_1726 = vector.broadcast %rev3A_1725 : i32 to vector<16xi32>
        %rev3A_1727 = tpu.iota {dimensions = array<i32: 0>} : vector<16xi32>
        %rev3A_1728 = arith.subi %rev3A_1726, %rev3A_1727 : vector<16xi32>
        %rev3A_1729 = tpu.dynamic_gather %masked_sort3A_1374[%rev3A_1728] in [0] : vector<16xi32>, vector<16xi32> -> vector<16xi32>
        %le3A_1730 = arith.cmpf ole, %masked_sort3A_1354, %rev3A_1724 : vector<16xf32>
        %select_n3A_1731 = arith.select %le3A_1730, %masked_sort3A_1354, %rev3A_1724 : vector<16xi1>, vector<16xf32>
        %select_n3A_1732 = arith.select %le3A_1730, %masked_sort3A_1355, %rev3A_1729 : vector<16xi1>, vector<16xi32>
        %select_n3A_1733 = arith.select %le3A_1730, %rev3A_1724, %masked_sort3A_1354 : vector<16xi1>, vector<16xf32>
        %select_n3A_1734 = arith.select %le3A_1730, %rev3A_1729, %masked_sort3A_1355 : vector<16xi1>, vector<16xi32>
        %masked_sort3A_1735 = arith.constant dense<true> : vector<16xi1>
        %masked_sort3A_1736, %masked_sort3A_1737, %masked_sort3A_1738 = tpu.sort %select_n3A_1731, %select_n3A_1732 masked %masked_sort3A_1735 : (vector<16xf32>, vector<16xi32>, vector<16xi1>) -> (vector<16xi1>, vector<16xf32>, vector<16xi32>)
        %masked_sort3A_1739 = arith.constant dense<true> : vector<16xi1>
        %masked_sort3A_1740, %masked_sort3A_1741, %masked_sort3A_1742 = tpu.sort %select_n3A_1733, %select_n3A_1734 masked %masked_sort3A_1739 : (vector<16xf32>, vector<16xi32>, vector<16xi1>) -> (vector<16xi1>, vector<16xf32>, vector<16xi32>)
        %rev3A_1743 = arith.constant 15 : i32
        %rev3A_1744 = vector.broadcast %rev3A_1743 : i32 to vector<16xi32>
        %rev3A_1745 = tpu.iota {dimensions = array<i32: 0>} : vector<16xi32>
        %rev3A_1746 = arith.subi %rev3A_1744, %rev3A_1745 : vector<16xi32>
        %rev3A_1747 = tpu.dynamic_gather %masked_sort3A_1419[%rev3A_1746] in [0] : vector<16xf32>, vector<16xi32> -> vector<16xf32>
        %rev3A_1748 = arith.constant 15 : i32
        %rev3A_1749 = vector.broadcast %rev3A_1748 : i32 to vector<16xi32>
        %rev3A_1750 = tpu.iota {dimensions = array<i32: 0>} : vector<16xi32>
        %rev3A_1751 = arith.subi %rev3A_1749, %rev3A_1750 : vector<16xi32>
        %rev3A_1752 = tpu.dynamic_gather %masked_sort3A_1420[%rev3A_1751] in [0] : vector<16xi32>, vector<16xi32> -> vector<16xi32>
        %rev3A_1753 = arith.constant 15 : i32
        %rev3A_1754 = vector.broadcast %rev3A_1753 : i32 to vector<16xi32>
        %rev3A_1755 = tpu.iota {dimensions = array<i32: 0>} : vector<16xi32>
        %rev3A_1756 = arith.subi %rev3A_1754, %rev3A_1755 : vector<16xi32>
        %rev3A_1757 = tpu.dynamic_gather %masked_sort3A_1415[%rev3A_1756] in [0] : vector<16xf32>, vector<16xi32> -> vector<16xf32>
        %rev3A_1758 = arith.constant 15 : i32
        %rev3A_1759 = vector.broadcast %rev3A_1758 : i32 to vector<16xi32>
        %rev3A_1760 = tpu.iota {dimensions = array<i32: 0>} : vector<16xi32>
        %rev3A_1761 = arith.subi %rev3A_1759, %rev3A_1760 : vector<16xi32>
        %rev3A_1762 = tpu.dynamic_gather %masked_sort3A_1416[%rev3A_1761] in [0] : vector<16xi32>, vector<16xi32> -> vector<16xi32>
        %le3A_1763 = arith.cmpf ole, %masked_sort3A_1392, %rev3A_1747 : vector<16xf32>
        %select_n3A_1764 = arith.select %le3A_1763, %masked_sort3A_1392, %rev3A_1747 : vector<16xi1>, vector<16xf32>
        %select_n3A_1765 = arith.select %le3A_1763, %masked_sort3A_1393, %rev3A_1752 : vector<16xi1>, vector<16xi32>
        %le3A_1766 = arith.cmpf ole, %masked_sort3A_1396, %rev3A_1757 : vector<16xf32>
        %select_n3A_1767 = arith.select %le3A_1766, %masked_sort3A_1396, %rev3A_1757 : vector<16xi1>, vector<16xf32>
        %select_n3A_1768 = arith.select %le3A_1766, %masked_sort3A_1397, %rev3A_1762 : vector<16xi1>, vector<16xi32>
        %le3A_1769 = arith.cmpf ole, %select_n3A_1764, %select_n3A_1767 : vector<16xf32>
        %select_n3A_1770 = arith.select %le3A_1769, %select_n3A_1764, %select_n3A_1767 : vector<16xi1>, vector<16xf32>
        %select_n3A_1771 = arith.select %le3A_1769, %select_n3A_1765, %select_n3A_1768 : vector<16xi1>, vector<16xi32>
        %select_n3A_1772 = arith.select %le3A_1769, %select_n3A_1767, %select_n3A_1764 : vector<16xi1>, vector<16xf32>
        %select_n3A_1773 = arith.select %le3A_1769, %select_n3A_1768, %select_n3A_1765 : vector<16xi1>, vector<16xi32>
        %masked_sort3A_1774 = arith.constant dense<true> : vector<16xi1>
        %masked_sort3A_1775, %masked_sort3A_1776, %masked_sort3A_1777 = tpu.sort %select_n3A_1770, %select_n3A_1771 masked %masked_sort3A_1774 : (vector<16xf32>, vector<16xi32>, vector<16xi1>) -> (vector<16xi1>, vector<16xf32>, vector<16xi32>)
        %masked_sort3A_1778 = arith.constant dense<true> : vector<16xi1>
        %masked_sort3A_1779, %masked_sort3A_1780, %masked_sort3A_1781 = tpu.sort %select_n3A_1772, %select_n3A_1773 masked %masked_sort3A_1778 : (vector<16xf32>, vector<16xi32>, vector<16xi1>) -> (vector<16xi1>, vector<16xf32>, vector<16xi32>)
        %rev3A_1782 = arith.constant 15 : i32
        %rev3A_1783 = vector.broadcast %rev3A_1782 : i32 to vector<16xi32>
        %rev3A_1784 = tpu.iota {dimensions = array<i32: 0>} : vector<16xi32>
        %rev3A_1785 = arith.subi %rev3A_1783, %rev3A_1784 : vector<16xi32>
        %rev3A_1786 = tpu.dynamic_gather %masked_sort3A_1465[%rev3A_1785] in [0] : vector<16xf32>, vector<16xi32> -> vector<16xf32>
        %rev3A_1787 = arith.constant 15 : i32
        %rev3A_1788 = vector.broadcast %rev3A_1787 : i32 to vector<16xi32>
        %rev3A_1789 = tpu.iota {dimensions = array<i32: 0>} : vector<16xi32>
        %rev3A_1790 = arith.subi %rev3A_1788, %rev3A_1789 : vector<16xi32>
        %rev3A_1791 = tpu.dynamic_gather %masked_sort3A_1466[%rev3A_1790] in [0] : vector<16xi32>, vector<16xi32> -> vector<16xi32>
        %rev3A_1792 = arith.constant 15 : i32
        %rev3A_1793 = vector.broadcast %rev3A_1792 : i32 to vector<16xi32>
        %rev3A_1794 = tpu.iota {dimensions = array<i32: 0>} : vector<16xi32>
        %rev3A_1795 = arith.subi %rev3A_1793, %rev3A_1794 : vector<16xi32>
        %rev3A_1796 = tpu.dynamic_gather %masked_sort3A_1461[%rev3A_1795] in [0] : vector<16xf32>, vector<16xi32> -> vector<16xf32>
        %rev3A_1797 = arith.constant 15 : i32
        %rev3A_1798 = vector.broadcast %rev3A_1797 : i32 to vector<16xi32>
        %rev3A_1799 = tpu.iota {dimensions = array<i32: 0>} : vector<16xi32>
        %rev3A_1800 = arith.subi %rev3A_1798, %rev3A_1799 : vector<16xi32>
        %rev3A_1801 = tpu.dynamic_gather %masked_sort3A_1462[%rev3A_1800] in [0] : vector<16xi32>, vector<16xi32> -> vector<16xi32>
        %le3A_1802 = arith.cmpf ole, %masked_sort3A_1438, %rev3A_1786 : vector<16xf32>
        %select_n3A_1803 = arith.select %le3A_1802, %masked_sort3A_1438, %rev3A_1786 : vector<16xi1>, vector<16xf32>
        %select_n3A_1804 = arith.select %le3A_1802, %masked_sort3A_1439, %rev3A_1791 : vector<16xi1>, vector<16xi32>
        %le3A_1805 = arith.cmpf ole, %masked_sort3A_1442, %rev3A_1796 : vector<16xf32>
        %select_n3A_1806 = arith.select %le3A_1805, %masked_sort3A_1442, %rev3A_1796 : vector<16xi1>, vector<16xf32>
        %select_n3A_1807 = arith.select %le3A_1805, %masked_sort3A_1443, %rev3A_1801 : vector<16xi1>, vector<16xi32>
        %le3A_1808 = arith.cmpf ole, %select_n3A_1803, %select_n3A_1806 : vector<16xf32>
        %select_n3A_1809 = arith.select %le3A_1808, %select_n3A_1803, %select_n3A_1806 : vector<16xi1>, vector<16xf32>
        %select_n3A_1810 = arith.select %le3A_1808, %select_n3A_1804, %select_n3A_1807 : vector<16xi1>, vector<16xi32>
        %select_n3A_1811 = arith.select %le3A_1808, %select_n3A_1806, %select_n3A_1803 : vector<16xi1>, vector<16xf32>
        %select_n3A_1812 = arith.select %le3A_1808, %select_n3A_1807, %select_n3A_1804 : vector<16xi1>, vector<16xi32>
        %masked_sort3A_1813 = arith.constant dense<true> : vector<16xi1>
        %masked_sort3A_1814, %masked_sort3A_1815, %masked_sort3A_1816 = tpu.sort %select_n3A_1809, %select_n3A_1810 masked %masked_sort3A_1813 : (vector<16xf32>, vector<16xi32>, vector<16xi1>) -> (vector<16xi1>, vector<16xf32>, vector<16xi32>)
        %masked_sort3A_1817 = arith.constant dense<true> : vector<16xi1>
        %masked_sort3A_1818, %masked_sort3A_1819, %masked_sort3A_1820 = tpu.sort %select_n3A_1811, %select_n3A_1812 masked %masked_sort3A_1817 : (vector<16xf32>, vector<16xi32>, vector<16xi1>) -> (vector<16xi1>, vector<16xf32>, vector<16xi32>)
        %rev3A_1821 = arith.constant 15 : i32
        %rev3A_1822 = vector.broadcast %rev3A_1821 : i32 to vector<16xi32>
        %rev3A_1823 = tpu.iota {dimensions = array<i32: 0>} : vector<16xi32>
        %rev3A_1824 = arith.subi %rev3A_1822, %rev3A_1823 : vector<16xi32>
        %rev3A_1825 = tpu.dynamic_gather %masked_sort3A_1511[%rev3A_1824] in [0] : vector<16xf32>, vector<16xi32> -> vector<16xf32>
        %rev3A_1826 = arith.constant 15 : i32
        %rev3A_1827 = vector.broadcast %rev3A_1826 : i32 to vector<16xi32>
        %rev3A_1828 = tpu.iota {dimensions = array<i32: 0>} : vector<16xi32>
        %rev3A_1829 = arith.subi %rev3A_1827, %rev3A_1828 : vector<16xi32>
        %rev3A_1830 = tpu.dynamic_gather %masked_sort3A_1512[%rev3A_1829] in [0] : vector<16xi32>, vector<16xi32> -> vector<16xi32>
        %rev3A_1831 = arith.constant 15 : i32
        %rev3A_1832 = vector.broadcast %rev3A_1831 : i32 to vector<16xi32>
        %rev3A_1833 = tpu.iota {dimensions = array<i32: 0>} : vector<16xi32>
        %rev3A_1834 = arith.subi %rev3A_1832, %rev3A_1833 : vector<16xi32>
        %rev3A_1835 = tpu.dynamic_gather %masked_sort3A_1507[%rev3A_1834] in [0] : vector<16xf32>, vector<16xi32> -> vector<16xf32>
        %rev3A_1836 = arith.constant 15 : i32
        %rev3A_1837 = vector.broadcast %rev3A_1836 : i32 to vector<16xi32>
        %rev3A_1838 = tpu.iota {dimensions = array<i32: 0>} : vector<16xi32>
        %rev3A_1839 = arith.subi %rev3A_1837, %rev3A_1838 : vector<16xi32>
        %rev3A_1840 = tpu.dynamic_gather %masked_sort3A_1508[%rev3A_1839] in [0] : vector<16xi32>, vector<16xi32> -> vector<16xi32>
        %le3A_1841 = arith.cmpf ole, %masked_sort3A_1484, %rev3A_1825 : vector<16xf32>
        %select_n3A_1842 = arith.select %le3A_1841, %masked_sort3A_1484, %rev3A_1825 : vector<16xi1>, vector<16xf32>
        %select_n3A_1843 = arith.select %le3A_1841, %masked_sort3A_1485, %rev3A_1830 : vector<16xi1>, vector<16xi32>
        %le3A_1844 = arith.cmpf ole, %masked_sort3A_1488, %rev3A_1835 : vector<16xf32>
        %select_n3A_1845 = arith.select %le3A_1844, %masked_sort3A_1488, %rev3A_1835 : vector<16xi1>, vector<16xf32>
        %select_n3A_1846 = arith.select %le3A_1844, %masked_sort3A_1489, %rev3A_1840 : vector<16xi1>, vector<16xi32>
        %le3A_1847 = arith.cmpf ole, %select_n3A_1842, %select_n3A_1845 : vector<16xf32>
        %select_n3A_1848 = arith.select %le3A_1847, %select_n3A_1842, %select_n3A_1845 : vector<16xi1>, vector<16xf32>
        %select_n3A_1849 = arith.select %le3A_1847, %select_n3A_1843, %select_n3A_1846 : vector<16xi1>, vector<16xi32>
        %select_n3A_1850 = arith.select %le3A_1847, %select_n3A_1845, %select_n3A_1842 : vector<16xi1>, vector<16xf32>
        %select_n3A_1851 = arith.select %le3A_1847, %select_n3A_1846, %select_n3A_1843 : vector<16xi1>, vector<16xi32>
        %masked_sort3A_1852 = arith.constant dense<true> : vector<16xi1>
        %masked_sort3A_1853, %masked_sort3A_1854, %masked_sort3A_1855 = tpu.sort %select_n3A_1848, %select_n3A_1849 masked %masked_sort3A_1852 : (vector<16xf32>, vector<16xi32>, vector<16xi1>) -> (vector<16xi1>, vector<16xf32>, vector<16xi32>)
        %masked_sort3A_1856 = arith.constant dense<true> : vector<16xi1>
        %masked_sort3A_1857, %masked_sort3A_1858, %masked_sort3A_1859 = tpu.sort %select_n3A_1850, %select_n3A_1851 masked %masked_sort3A_1856 : (vector<16xf32>, vector<16xi32>, vector<16xi1>) -> (vector<16xi1>, vector<16xf32>, vector<16xi32>)
        %rev3A_1860 = arith.constant 15 : i32
        %rev3A_1861 = vector.broadcast %rev3A_1860 : i32 to vector<16xi32>
        %rev3A_1862 = tpu.iota {dimensions = array<i32: 0>} : vector<16xi32>
        %rev3A_1863 = arith.subi %rev3A_1861, %rev3A_1862 : vector<16xi32>
        %rev3A_1864 = tpu.dynamic_gather %masked_sort3A_1557[%rev3A_1863] in [0] : vector<16xf32>, vector<16xi32> -> vector<16xf32>
        %rev3A_1865 = arith.constant 15 : i32
        %rev3A_1866 = vector.broadcast %rev3A_1865 : i32 to vector<16xi32>
        %rev3A_1867 = tpu.iota {dimensions = array<i32: 0>} : vector<16xi32>
        %rev3A_1868 = arith.subi %rev3A_1866, %rev3A_1867 : vector<16xi32>
        %rev3A_1869 = tpu.dynamic_gather %masked_sort3A_1558[%rev3A_1868] in [0] : vector<16xi32>, vector<16xi32> -> vector<16xi32>
        %rev3A_1870 = arith.constant 15 : i32
        %rev3A_1871 = vector.broadcast %rev3A_1870 : i32 to vector<16xi32>
        %rev3A_1872 = tpu.iota {dimensions = array<i32: 0>} : vector<16xi32>
        %rev3A_1873 = arith.subi %rev3A_1871, %rev3A_1872 : vector<16xi32>
        %rev3A_1874 = tpu.dynamic_gather %masked_sort3A_1553[%rev3A_1873] in [0] : vector<16xf32>, vector<16xi32> -> vector<16xf32>
        %rev3A_1875 = arith.constant 15 : i32
        %rev3A_1876 = vector.broadcast %rev3A_1875 : i32 to vector<16xi32>
        %rev3A_1877 = tpu.iota {dimensions = array<i32: 0>} : vector<16xi32>
        %rev3A_1878 = arith.subi %rev3A_1876, %rev3A_1877 : vector<16xi32>
        %rev3A_1879 = tpu.dynamic_gather %masked_sort3A_1554[%rev3A_1878] in [0] : vector<16xi32>, vector<16xi32> -> vector<16xi32>
        %le3A_1880 = arith.cmpf ole, %masked_sort3A_1530, %rev3A_1864 : vector<16xf32>
        %select_n3A_1881 = arith.select %le3A_1880, %masked_sort3A_1530, %rev3A_1864 : vector<16xi1>, vector<16xf32>
        %select_n3A_1882 = arith.select %le3A_1880, %masked_sort3A_1531, %rev3A_1869 : vector<16xi1>, vector<16xi32>
        %le3A_1883 = arith.cmpf ole, %masked_sort3A_1534, %rev3A_1874 : vector<16xf32>
        %select_n3A_1884 = arith.select %le3A_1883, %masked_sort3A_1534, %rev3A_1874 : vector<16xi1>, vector<16xf32>
        %select_n3A_1885 = arith.select %le3A_1883, %masked_sort3A_1535, %rev3A_1879 : vector<16xi1>, vector<16xi32>
        %le3A_1886 = arith.cmpf ole, %select_n3A_1881, %select_n3A_1884 : vector<16xf32>
        %select_n3A_1887 = arith.select %le3A_1886, %select_n3A_1881, %select_n3A_1884 : vector<16xi1>, vector<16xf32>
        %select_n3A_1888 = arith.select %le3A_1886, %select_n3A_1882, %select_n3A_1885 : vector<16xi1>, vector<16xi32>
        %select_n3A_1889 = arith.select %le3A_1886, %select_n3A_1884, %select_n3A_1881 : vector<16xi1>, vector<16xf32>
        %select_n3A_1890 = arith.select %le3A_1886, %select_n3A_1885, %select_n3A_1882 : vector<16xi1>, vector<16xi32>
        %masked_sort3A_1891 = arith.constant dense<true> : vector<16xi1>
        %masked_sort3A_1892, %masked_sort3A_1893, %masked_sort3A_1894 = tpu.sort %select_n3A_1887, %select_n3A_1888 masked %masked_sort3A_1891 : (vector<16xf32>, vector<16xi32>, vector<16xi1>) -> (vector<16xi1>, vector<16xf32>, vector<16xi32>)
        %masked_sort3A_1895 = arith.constant dense<true> : vector<16xi1>
        %masked_sort3A_1896, %masked_sort3A_1897, %masked_sort3A_1898 = tpu.sort %select_n3A_1889, %select_n3A_1890 masked %masked_sort3A_1895 : (vector<16xf32>, vector<16xi32>, vector<16xi1>) -> (vector<16xi1>, vector<16xf32>, vector<16xi32>)
        %rev3A_1899 = arith.constant 15 : i32
        %rev3A_1900 = vector.broadcast %rev3A_1899 : i32 to vector<16xi32>
        %rev3A_1901 = tpu.iota {dimensions = array<i32: 0>} : vector<16xi32>
        %rev3A_1902 = arith.subi %rev3A_1900, %rev3A_1901 : vector<16xi32>
        %rev3A_1903 = tpu.dynamic_gather %masked_sort3A_1603[%rev3A_1902] in [0] : vector<16xf32>, vector<16xi32> -> vector<16xf32>
        %rev3A_1904 = arith.constant 15 : i32
        %rev3A_1905 = vector.broadcast %rev3A_1904 : i32 to vector<16xi32>
        %rev3A_1906 = tpu.iota {dimensions = array<i32: 0>} : vector<16xi32>
        %rev3A_1907 = arith.subi %rev3A_1905, %rev3A_1906 : vector<16xi32>
        %rev3A_1908 = tpu.dynamic_gather %masked_sort3A_1604[%rev3A_1907] in [0] : vector<16xi32>, vector<16xi32> -> vector<16xi32>
        %rev3A_1909 = arith.constant 15 : i32
        %rev3A_1910 = vector.broadcast %rev3A_1909 : i32 to vector<16xi32>
        %rev3A_1911 = tpu.iota {dimensions = array<i32: 0>} : vector<16xi32>
        %rev3A_1912 = arith.subi %rev3A_1910, %rev3A_1911 : vector<16xi32>
        %rev3A_1913 = tpu.dynamic_gather %masked_sort3A_1599[%rev3A_1912] in [0] : vector<16xf32>, vector<16xi32> -> vector<16xf32>
        %rev3A_1914 = arith.constant 15 : i32
        %rev3A_1915 = vector.broadcast %rev3A_1914 : i32 to vector<16xi32>
        %rev3A_1916 = tpu.iota {dimensions = array<i32: 0>} : vector<16xi32>
        %rev3A_1917 = arith.subi %rev3A_1915, %rev3A_1916 : vector<16xi32>
        %rev3A_1918 = tpu.dynamic_gather %masked_sort3A_1600[%rev3A_1917] in [0] : vector<16xi32>, vector<16xi32> -> vector<16xi32>
        %le3A_1919 = arith.cmpf ole, %masked_sort3A_1576, %rev3A_1903 : vector<16xf32>
        %select_n3A_1920 = arith.select %le3A_1919, %masked_sort3A_1576, %rev3A_1903 : vector<16xi1>, vector<16xf32>
        %select_n3A_1921 = arith.select %le3A_1919, %masked_sort3A_1577, %rev3A_1908 : vector<16xi1>, vector<16xi32>
        %le3A_1922 = arith.cmpf ole, %masked_sort3A_1580, %rev3A_1913 : vector<16xf32>
        %select_n3A_1923 = arith.select %le3A_1922, %masked_sort3A_1580, %rev3A_1913 : vector<16xi1>, vector<16xf32>
        %select_n3A_1924 = arith.select %le3A_1922, %masked_sort3A_1581, %rev3A_1918 : vector<16xi1>, vector<16xi32>
        %le3A_1925 = arith.cmpf ole, %select_n3A_1920, %select_n3A_1923 : vector<16xf32>
        %select_n3A_1926 = arith.select %le3A_1925, %select_n3A_1920, %select_n3A_1923 : vector<16xi1>, vector<16xf32>
        %select_n3A_1927 = arith.select %le3A_1925, %select_n3A_1921, %select_n3A_1924 : vector<16xi1>, vector<16xi32>
        %select_n3A_1928 = arith.select %le3A_1925, %select_n3A_1923, %select_n3A_1920 : vector<16xi1>, vector<16xf32>
        %select_n3A_1929 = arith.select %le3A_1925, %select_n3A_1924, %select_n3A_1921 : vector<16xi1>, vector<16xi32>
        %masked_sort3A_1930 = arith.constant dense<true> : vector<16xi1>
        %masked_sort3A_1931, %masked_sort3A_1932, %masked_sort3A_1933 = tpu.sort %select_n3A_1926, %select_n3A_1927 masked %masked_sort3A_1930 : (vector<16xf32>, vector<16xi32>, vector<16xi1>) -> (vector<16xi1>, vector<16xf32>, vector<16xi32>)
        %masked_sort3A_1934 = arith.constant dense<true> : vector<16xi1>
        %masked_sort3A_1935, %masked_sort3A_1936, %masked_sort3A_1937 = tpu.sort %select_n3A_1928, %select_n3A_1929 masked %masked_sort3A_1934 : (vector<16xf32>, vector<16xi32>, vector<16xi1>) -> (vector<16xi1>, vector<16xf32>, vector<16xi32>)
        %rev3A_1938 = arith.constant 15 : i32
        %rev3A_1939 = vector.broadcast %rev3A_1938 : i32 to vector<16xi32>
        %rev3A_1940 = tpu.iota {dimensions = array<i32: 0>} : vector<16xi32>
        %rev3A_1941 = arith.subi %rev3A_1939, %rev3A_1940 : vector<16xi32>
        %rev3A_1942 = tpu.dynamic_gather %masked_sort3A_1649[%rev3A_1941] in [0] : vector<16xf32>, vector<16xi32> -> vector<16xf32>
        %rev3A_1943 = arith.constant 15 : i32
        %rev3A_1944 = vector.broadcast %rev3A_1943 : i32 to vector<16xi32>
        %rev3A_1945 = tpu.iota {dimensions = array<i32: 0>} : vector<16xi32>
        %rev3A_1946 = arith.subi %rev3A_1944, %rev3A_1945 : vector<16xi32>
        %rev3A_1947 = tpu.dynamic_gather %masked_sort3A_1650[%rev3A_1946] in [0] : vector<16xi32>, vector<16xi32> -> vector<16xi32>
        %rev3A_1948 = arith.constant 15 : i32
        %rev3A_1949 = vector.broadcast %rev3A_1948 : i32 to vector<16xi32>
        %rev3A_1950 = tpu.iota {dimensions = array<i32: 0>} : vector<16xi32>
        %rev3A_1951 = arith.subi %rev3A_1949, %rev3A_1950 : vector<16xi32>
        %rev3A_1952 = tpu.dynamic_gather %masked_sort3A_1645[%rev3A_1951] in [0] : vector<16xf32>, vector<16xi32> -> vector<16xf32>
        %rev3A_1953 = arith.constant 15 : i32
        %rev3A_1954 = vector.broadcast %rev3A_1953 : i32 to vector<16xi32>
        %rev3A_1955 = tpu.iota {dimensions = array<i32: 0>} : vector<16xi32>
        %rev3A_1956 = arith.subi %rev3A_1954, %rev3A_1955 : vector<16xi32>
        %rev3A_1957 = tpu.dynamic_gather %masked_sort3A_1646[%rev3A_1956] in [0] : vector<16xi32>, vector<16xi32> -> vector<16xi32>
        %le3A_1958 = arith.cmpf ole, %masked_sort3A_1622, %rev3A_1942 : vector<16xf32>
        %select_n3A_1959 = arith.select %le3A_1958, %masked_sort3A_1622, %rev3A_1942 : vector<16xi1>, vector<16xf32>
        %select_n3A_1960 = arith.select %le3A_1958, %masked_sort3A_1623, %rev3A_1947 : vector<16xi1>, vector<16xi32>
        %le3A_1961 = arith.cmpf ole, %masked_sort3A_1626, %rev3A_1952 : vector<16xf32>
        %select_n3A_1962 = arith.select %le3A_1961, %masked_sort3A_1626, %rev3A_1952 : vector<16xi1>, vector<16xf32>
        %select_n3A_1963 = arith.select %le3A_1961, %masked_sort3A_1627, %rev3A_1957 : vector<16xi1>, vector<16xi32>
        %le3A_1964 = arith.cmpf ole, %select_n3A_1959, %select_n3A_1962 : vector<16xf32>
        %select_n3A_1965 = arith.select %le3A_1964, %select_n3A_1959, %select_n3A_1962 : vector<16xi1>, vector<16xf32>
        %select_n3A_1966 = arith.select %le3A_1964, %select_n3A_1960, %select_n3A_1963 : vector<16xi1>, vector<16xi32>
        %select_n3A_1967 = arith.select %le3A_1964, %select_n3A_1962, %select_n3A_1959 : vector<16xi1>, vector<16xf32>
        %select_n3A_1968 = arith.select %le3A_1964, %select_n3A_1963, %select_n3A_1960 : vector<16xi1>, vector<16xi32>
        %masked_sort3A_1969 = arith.constant dense<true> : vector<16xi1>
        %masked_sort3A_1970, %masked_sort3A_1971, %masked_sort3A_1972 = tpu.sort %select_n3A_1965, %select_n3A_1966 masked %masked_sort3A_1969 : (vector<16xf32>, vector<16xi32>, vector<16xi1>) -> (vector<16xi1>, vector<16xf32>, vector<16xi32>)
        %masked_sort3A_1973 = arith.constant dense<true> : vector<16xi1>
        %masked_sort3A_1974, %masked_sort3A_1975, %masked_sort3A_1976 = tpu.sort %select_n3A_1967, %select_n3A_1968 masked %masked_sort3A_1973 : (vector<16xf32>, vector<16xi32>, vector<16xi1>) -> (vector<16xi1>, vector<16xf32>, vector<16xi32>)
        %rev3A_1977 = arith.constant 15 : i32
        %rev3A_1978 = vector.broadcast %rev3A_1977 : i32 to vector<16xi32>
        %rev3A_1979 = tpu.iota {dimensions = array<i32: 0>} : vector<16xi32>
        %rev3A_1980 = arith.subi %rev3A_1978, %rev3A_1979 : vector<16xi32>
        %rev3A_1981 = tpu.dynamic_gather %masked_sort3A_1695[%rev3A_1980] in [0] : vector<16xf32>, vector<16xi32> -> vector<16xf32>
        %rev3A_1982 = arith.constant 15 : i32
        %rev3A_1983 = vector.broadcast %rev3A_1982 : i32 to vector<16xi32>
        %rev3A_1984 = tpu.iota {dimensions = array<i32: 0>} : vector<16xi32>
        %rev3A_1985 = arith.subi %rev3A_1983, %rev3A_1984 : vector<16xi32>
        %rev3A_1986 = tpu.dynamic_gather %masked_sort3A_1696[%rev3A_1985] in [0] : vector<16xi32>, vector<16xi32> -> vector<16xi32>
        %rev3A_1987 = arith.constant 15 : i32
        %rev3A_1988 = vector.broadcast %rev3A_1987 : i32 to vector<16xi32>
        %rev3A_1989 = tpu.iota {dimensions = array<i32: 0>} : vector<16xi32>
        %rev3A_1990 = arith.subi %rev3A_1988, %rev3A_1989 : vector<16xi32>
        %rev3A_1991 = tpu.dynamic_gather %masked_sort3A_1691[%rev3A_1990] in [0] : vector<16xf32>, vector<16xi32> -> vector<16xf32>
        %rev3A_1992 = arith.constant 15 : i32
        %rev3A_1993 = vector.broadcast %rev3A_1992 : i32 to vector<16xi32>
        %rev3A_1994 = tpu.iota {dimensions = array<i32: 0>} : vector<16xi32>
        %rev3A_1995 = arith.subi %rev3A_1993, %rev3A_1994 : vector<16xi32>
        %rev3A_1996 = tpu.dynamic_gather %masked_sort3A_1692[%rev3A_1995] in [0] : vector<16xi32>, vector<16xi32> -> vector<16xi32>
        %le3A_1997 = arith.cmpf ole, %masked_sort3A_1668, %rev3A_1981 : vector<16xf32>
        %select_n3A_1998 = arith.select %le3A_1997, %masked_sort3A_1668, %rev3A_1981 : vector<16xi1>, vector<16xf32>
        %select_n3A_1999 = arith.select %le3A_1997, %masked_sort3A_1669, %rev3A_1986 : vector<16xi1>, vector<16xi32>
        %le3A_2000 = arith.cmpf ole, %masked_sort3A_1672, %rev3A_1991 : vector<16xf32>
        %select_n3A_2001 = arith.select %le3A_2000, %masked_sort3A_1672, %rev3A_1991 : vector<16xi1>, vector<16xf32>
        %select_n3A_2002 = arith.select %le3A_2000, %masked_sort3A_1673, %rev3A_1996 : vector<16xi1>, vector<16xi32>
        %le3A_2003 = arith.cmpf ole, %select_n3A_1998, %select_n3A_2001 : vector<16xf32>
        %select_n3A_2004 = arith.select %le3A_2003, %select_n3A_1998, %select_n3A_2001 : vector<16xi1>, vector<16xf32>
        %select_n3A_2005 = arith.select %le3A_2003, %select_n3A_1999, %select_n3A_2002 : vector<16xi1>, vector<16xi32>
        %select_n3A_2006 = arith.select %le3A_2003, %select_n3A_2001, %select_n3A_1998 : vector<16xi1>, vector<16xf32>
        %select_n3A_2007 = arith.select %le3A_2003, %select_n3A_2002, %select_n3A_1999 : vector<16xi1>, vector<16xi32>
        %masked_sort3A_2008 = arith.constant dense<true> : vector<16xi1>
        %masked_sort3A_2009, %masked_sort3A_2010, %masked_sort3A_2011 = tpu.sort %select_n3A_2004, %select_n3A_2005 masked %masked_sort3A_2008 : (vector<16xf32>, vector<16xi32>, vector<16xi1>) -> (vector<16xi1>, vector<16xf32>, vector<16xi32>)
        %masked_sort3A_2012 = arith.constant dense<true> : vector<16xi1>
        %masked_sort3A_2013, %masked_sort3A_2014, %masked_sort3A_2015 = tpu.sort %select_n3A_2006, %select_n3A_2007 masked %masked_sort3A_2012 : (vector<16xf32>, vector<16xi32>, vector<16xi1>) -> (vector<16xi1>, vector<16xf32>, vector<16xi32>)
        %rev3A_2016 = arith.constant 15 : i32
        %rev3A_2017 = vector.broadcast %rev3A_2016 : i32 to vector<16xi32>
        %rev3A_2018 = tpu.iota {dimensions = array<i32: 0>} : vector<16xi32>
        %rev3A_2019 = arith.subi %rev3A_2017, %rev3A_2018 : vector<16xi32>
        %rev3A_2020 = tpu.dynamic_gather %masked_sort3A_1741[%rev3A_2019] in [0] : vector<16xf32>, vector<16xi32> -> vector<16xf32>
        %rev3A_2021 = arith.constant 15 : i32
        %rev3A_2022 = vector.broadcast %rev3A_2021 : i32 to vector<16xi32>
        %rev3A_2023 = tpu.iota {dimensions = array<i32: 0>} : vector<16xi32>
        %rev3A_2024 = arith.subi %rev3A_2022, %rev3A_2023 : vector<16xi32>
        %rev3A_2025 = tpu.dynamic_gather %masked_sort3A_1742[%rev3A_2024] in [0] : vector<16xi32>, vector<16xi32> -> vector<16xi32>
        %rev3A_2026 = arith.constant 15 : i32
        %rev3A_2027 = vector.broadcast %rev3A_2026 : i32 to vector<16xi32>
        %rev3A_2028 = tpu.iota {dimensions = array<i32: 0>} : vector<16xi32>
        %rev3A_2029 = arith.subi %rev3A_2027, %rev3A_2028 : vector<16xi32>
        %rev3A_2030 = tpu.dynamic_gather %masked_sort3A_1737[%rev3A_2029] in [0] : vector<16xf32>, vector<16xi32> -> vector<16xf32>
        %rev3A_2031 = arith.constant 15 : i32
        %rev3A_2032 = vector.broadcast %rev3A_2031 : i32 to vector<16xi32>
        %rev3A_2033 = tpu.iota {dimensions = array<i32: 0>} : vector<16xi32>
        %rev3A_2034 = arith.subi %rev3A_2032, %rev3A_2033 : vector<16xi32>
        %rev3A_2035 = tpu.dynamic_gather %masked_sort3A_1738[%rev3A_2034] in [0] : vector<16xi32>, vector<16xi32> -> vector<16xi32>
        %le3A_2036 = arith.cmpf ole, %masked_sort3A_1714, %rev3A_2020 : vector<16xf32>
        %select_n3A_2037 = arith.select %le3A_2036, %masked_sort3A_1714, %rev3A_2020 : vector<16xi1>, vector<16xf32>
        %select_n3A_2038 = arith.select %le3A_2036, %masked_sort3A_1715, %rev3A_2025 : vector<16xi1>, vector<16xi32>
        %le3A_2039 = arith.cmpf ole, %masked_sort3A_1718, %rev3A_2030 : vector<16xf32>
        %select_n3A_2040 = arith.select %le3A_2039, %masked_sort3A_1718, %rev3A_2030 : vector<16xi1>, vector<16xf32>
        %select_n3A_2041 = arith.select %le3A_2039, %masked_sort3A_1719, %rev3A_2035 : vector<16xi1>, vector<16xi32>
        %le3A_2042 = arith.cmpf ole, %select_n3A_2037, %select_n3A_2040 : vector<16xf32>
        %select_n3A_2043 = arith.select %le3A_2042, %select_n3A_2037, %select_n3A_2040 : vector<16xi1>, vector<16xf32>
        %select_n3A_2044 = arith.select %le3A_2042, %select_n3A_2038, %select_n3A_2041 : vector<16xi1>, vector<16xi32>
        %select_n3A_2045 = arith.select %le3A_2042, %select_n3A_2040, %select_n3A_2037 : vector<16xi1>, vector<16xf32>
        %select_n3A_2046 = arith.select %le3A_2042, %select_n3A_2041, %select_n3A_2038 : vector<16xi1>, vector<16xi32>
        %masked_sort3A_2047 = arith.constant dense<true> : vector<16xi1>
        %masked_sort3A_2048, %masked_sort3A_2049, %masked_sort3A_2050 = tpu.sort %select_n3A_2043, %select_n3A_2044 masked %masked_sort3A_2047 : (vector<16xf32>, vector<16xi32>, vector<16xi1>) -> (vector<16xi1>, vector<16xf32>, vector<16xi32>)
        %masked_sort3A_2051 = arith.constant dense<true> : vector<16xi1>
        %masked_sort3A_2052, %masked_sort3A_2053, %masked_sort3A_2054 = tpu.sort %select_n3A_2045, %select_n3A_2046 masked %masked_sort3A_2051 : (vector<16xf32>, vector<16xi32>, vector<16xi1>) -> (vector<16xi1>, vector<16xf32>, vector<16xi32>)
        %rev3A_2055 = arith.constant 15 : i32
        %rev3A_2056 = vector.broadcast %rev3A_2055 : i32 to vector<16xi32>
        %rev3A_2057 = tpu.iota {dimensions = array<i32: 0>} : vector<16xi32>
        %rev3A_2058 = arith.subi %rev3A_2056, %rev3A_2057 : vector<16xi32>
        %rev3A_2059 = tpu.dynamic_gather %masked_sort3A_1819[%rev3A_2058] in [0] : vector<16xf32>, vector<16xi32> -> vector<16xf32>
        %rev3A_2060 = arith.constant 15 : i32
        %rev3A_2061 = vector.broadcast %rev3A_2060 : i32 to vector<16xi32>
        %rev3A_2062 = tpu.iota {dimensions = array<i32: 0>} : vector<16xi32>
        %rev3A_2063 = arith.subi %rev3A_2061, %rev3A_2062 : vector<16xi32>
        %rev3A_2064 = tpu.dynamic_gather %masked_sort3A_1820[%rev3A_2063] in [0] : vector<16xi32>, vector<16xi32> -> vector<16xi32>
        %rev3A_2065 = arith.constant 15 : i32
        %rev3A_2066 = vector.broadcast %rev3A_2065 : i32 to vector<16xi32>
        %rev3A_2067 = tpu.iota {dimensions = array<i32: 0>} : vector<16xi32>
        %rev3A_2068 = arith.subi %rev3A_2066, %rev3A_2067 : vector<16xi32>
        %rev3A_2069 = tpu.dynamic_gather %masked_sort3A_1815[%rev3A_2068] in [0] : vector<16xf32>, vector<16xi32> -> vector<16xf32>
        %rev3A_2070 = arith.constant 15 : i32
        %rev3A_2071 = vector.broadcast %rev3A_2070 : i32 to vector<16xi32>
        %rev3A_2072 = tpu.iota {dimensions = array<i32: 0>} : vector<16xi32>
        %rev3A_2073 = arith.subi %rev3A_2071, %rev3A_2072 : vector<16xi32>
        %rev3A_2074 = tpu.dynamic_gather %masked_sort3A_1816[%rev3A_2073] in [0] : vector<16xi32>, vector<16xi32> -> vector<16xi32>
        %le3A_2075 = arith.cmpf ole, %masked_sort3A_1776, %rev3A_2059 : vector<16xf32>
        %select_n3A_2076 = arith.select %le3A_2075, %masked_sort3A_1776, %rev3A_2059 : vector<16xi1>, vector<16xf32>
        %select_n3A_2077 = arith.select %le3A_2075, %masked_sort3A_1777, %rev3A_2064 : vector<16xi1>, vector<16xi32>
        %le3A_2078 = arith.cmpf ole, %masked_sort3A_1780, %rev3A_2069 : vector<16xf32>
        %select_n3A_2079 = arith.select %le3A_2078, %masked_sort3A_1780, %rev3A_2069 : vector<16xi1>, vector<16xf32>
        %select_n3A_2080 = arith.select %le3A_2078, %masked_sort3A_1781, %rev3A_2074 : vector<16xi1>, vector<16xi32>
        %le3A_2081 = arith.cmpf ole, %select_n3A_2076, %select_n3A_2079 : vector<16xf32>
        %select_n3A_2082 = arith.select %le3A_2081, %select_n3A_2076, %select_n3A_2079 : vector<16xi1>, vector<16xf32>
        %select_n3A_2083 = arith.select %le3A_2081, %select_n3A_2077, %select_n3A_2080 : vector<16xi1>, vector<16xi32>
        %select_n3A_2084 = arith.select %le3A_2081, %select_n3A_2079, %select_n3A_2076 : vector<16xi1>, vector<16xf32>
        %select_n3A_2085 = arith.select %le3A_2081, %select_n3A_2080, %select_n3A_2077 : vector<16xi1>, vector<16xi32>
        %masked_sort3A_2086 = arith.constant dense<true> : vector<16xi1>
        %masked_sort3A_2087, %masked_sort3A_2088, %masked_sort3A_2089 = tpu.sort %select_n3A_2082, %select_n3A_2083 masked %masked_sort3A_2086 : (vector<16xf32>, vector<16xi32>, vector<16xi1>) -> (vector<16xi1>, vector<16xf32>, vector<16xi32>)
        %masked_sort3A_2090 = arith.constant dense<true> : vector<16xi1>
        %masked_sort3A_2091, %masked_sort3A_2092, %masked_sort3A_2093 = tpu.sort %select_n3A_2084, %select_n3A_2085 masked %masked_sort3A_2090 : (vector<16xf32>, vector<16xi32>, vector<16xi1>) -> (vector<16xi1>, vector<16xf32>, vector<16xi32>)
        %rev3A_2094 = arith.constant 15 : i32
        %rev3A_2095 = vector.broadcast %rev3A_2094 : i32 to vector<16xi32>
        %rev3A_2096 = tpu.iota {dimensions = array<i32: 0>} : vector<16xi32>
        %rev3A_2097 = arith.subi %rev3A_2095, %rev3A_2096 : vector<16xi32>
        %rev3A_2098 = tpu.dynamic_gather %masked_sort3A_1897[%rev3A_2097] in [0] : vector<16xf32>, vector<16xi32> -> vector<16xf32>
        %rev3A_2099 = arith.constant 15 : i32
        %rev3A_2100 = vector.broadcast %rev3A_2099 : i32 to vector<16xi32>
        %rev3A_2101 = tpu.iota {dimensions = array<i32: 0>} : vector<16xi32>
        %rev3A_2102 = arith.subi %rev3A_2100, %rev3A_2101 : vector<16xi32>
        %rev3A_2103 = tpu.dynamic_gather %masked_sort3A_1898[%rev3A_2102] in [0] : vector<16xi32>, vector<16xi32> -> vector<16xi32>
        %rev3A_2104 = arith.constant 15 : i32
        %rev3A_2105 = vector.broadcast %rev3A_2104 : i32 to vector<16xi32>
        %rev3A_2106 = tpu.iota {dimensions = array<i32: 0>} : vector<16xi32>
        %rev3A_2107 = arith.subi %rev3A_2105, %rev3A_2106 : vector<16xi32>
        %rev3A_2108 = tpu.dynamic_gather %masked_sort3A_1893[%rev3A_2107] in [0] : vector<16xf32>, vector<16xi32> -> vector<16xf32>
        %rev3A_2109 = arith.constant 15 : i32
        %rev3A_2110 = vector.broadcast %rev3A_2109 : i32 to vector<16xi32>
        %rev3A_2111 = tpu.iota {dimensions = array<i32: 0>} : vector<16xi32>
        %rev3A_2112 = arith.subi %rev3A_2110, %rev3A_2111 : vector<16xi32>
        %rev3A_2113 = tpu.dynamic_gather %masked_sort3A_1894[%rev3A_2112] in [0] : vector<16xi32>, vector<16xi32> -> vector<16xi32>
        %le3A_2114 = arith.cmpf ole, %masked_sort3A_1854, %rev3A_2098 : vector<16xf32>
        %select_n3A_2115 = arith.select %le3A_2114, %masked_sort3A_1854, %rev3A_2098 : vector<16xi1>, vector<16xf32>
        %select_n3A_2116 = arith.select %le3A_2114, %masked_sort3A_1855, %rev3A_2103 : vector<16xi1>, vector<16xi32>
        %le3A_2117 = arith.cmpf ole, %masked_sort3A_1858, %rev3A_2108 : vector<16xf32>
        %select_n3A_2118 = arith.select %le3A_2117, %masked_sort3A_1858, %rev3A_2108 : vector<16xi1>, vector<16xf32>
        %select_n3A_2119 = arith.select %le3A_2117, %masked_sort3A_1859, %rev3A_2113 : vector<16xi1>, vector<16xi32>
        %le3A_2120 = arith.cmpf ole, %select_n3A_2115, %select_n3A_2118 : vector<16xf32>
        %select_n3A_2121 = arith.select %le3A_2120, %select_n3A_2115, %select_n3A_2118 : vector<16xi1>, vector<16xf32>
        %select_n3A_2122 = arith.select %le3A_2120, %select_n3A_2116, %select_n3A_2119 : vector<16xi1>, vector<16xi32>
        %select_n3A_2123 = arith.select %le3A_2120, %select_n3A_2118, %select_n3A_2115 : vector<16xi1>, vector<16xf32>
        %select_n3A_2124 = arith.select %le3A_2120, %select_n3A_2119, %select_n3A_2116 : vector<16xi1>, vector<16xi32>
        %masked_sort3A_2125 = arith.constant dense<true> : vector<16xi1>
        %masked_sort3A_2126, %masked_sort3A_2127, %masked_sort3A_2128 = tpu.sort %select_n3A_2121, %select_n3A_2122 masked %masked_sort3A_2125 : (vector<16xf32>, vector<16xi32>, vector<16xi1>) -> (vector<16xi1>, vector<16xf32>, vector<16xi32>)
        %masked_sort3A_2129 = arith.constant dense<true> : vector<16xi1>
        %masked_sort3A_2130, %masked_sort3A_2131, %masked_sort3A_2132 = tpu.sort %select_n3A_2123, %select_n3A_2124 masked %masked_sort3A_2129 : (vector<16xf32>, vector<16xi32>, vector<16xi1>) -> (vector<16xi1>, vector<16xf32>, vector<16xi32>)
        %rev3A_2133 = arith.constant 15 : i32
        %rev3A_2134 = vector.broadcast %rev3A_2133 : i32 to vector<16xi32>
        %rev3A_2135 = tpu.iota {dimensions = array<i32: 0>} : vector<16xi32>
        %rev3A_2136 = arith.subi %rev3A_2134, %rev3A_2135 : vector<16xi32>
        %rev3A_2137 = tpu.dynamic_gather %masked_sort3A_1975[%rev3A_2136] in [0] : vector<16xf32>, vector<16xi32> -> vector<16xf32>
        %rev3A_2138 = arith.constant 15 : i32
        %rev3A_2139 = vector.broadcast %rev3A_2138 : i32 to vector<16xi32>
        %rev3A_2140 = tpu.iota {dimensions = array<i32: 0>} : vector<16xi32>
        %rev3A_2141 = arith.subi %rev3A_2139, %rev3A_2140 : vector<16xi32>
        %rev3A_2142 = tpu.dynamic_gather %masked_sort3A_1976[%rev3A_2141] in [0] : vector<16xi32>, vector<16xi32> -> vector<16xi32>
        %rev3A_2143 = arith.constant 15 : i32
        %rev3A_2144 = vector.broadcast %rev3A_2143 : i32 to vector<16xi32>
        %rev3A_2145 = tpu.iota {dimensions = array<i32: 0>} : vector<16xi32>
        %rev3A_2146 = arith.subi %rev3A_2144, %rev3A_2145 : vector<16xi32>
        %rev3A_2147 = tpu.dynamic_gather %masked_sort3A_1971[%rev3A_2146] in [0] : vector<16xf32>, vector<16xi32> -> vector<16xf32>
        %rev3A_2148 = arith.constant 15 : i32
        %rev3A_2149 = vector.broadcast %rev3A_2148 : i32 to vector<16xi32>
        %rev3A_2150 = tpu.iota {dimensions = array<i32: 0>} : vector<16xi32>
        %rev3A_2151 = arith.subi %rev3A_2149, %rev3A_2150 : vector<16xi32>
        %rev3A_2152 = tpu.dynamic_gather %masked_sort3A_1972[%rev3A_2151] in [0] : vector<16xi32>, vector<16xi32> -> vector<16xi32>
        %le3A_2153 = arith.cmpf ole, %masked_sort3A_1932, %rev3A_2137 : vector<16xf32>
        %select_n3A_2154 = arith.select %le3A_2153, %masked_sort3A_1932, %rev3A_2137 : vector<16xi1>, vector<16xf32>
        %select_n3A_2155 = arith.select %le3A_2153, %masked_sort3A_1933, %rev3A_2142 : vector<16xi1>, vector<16xi32>
        %le3A_2156 = arith.cmpf ole, %masked_sort3A_1936, %rev3A_2147 : vector<16xf32>
        %select_n3A_2157 = arith.select %le3A_2156, %masked_sort3A_1936, %rev3A_2147 : vector<16xi1>, vector<16xf32>
        %select_n3A_2158 = arith.select %le3A_2156, %masked_sort3A_1937, %rev3A_2152 : vector<16xi1>, vector<16xi32>
        %le3A_2159 = arith.cmpf ole, %select_n3A_2154, %select_n3A_2157 : vector<16xf32>
        %select_n3A_2160 = arith.select %le3A_2159, %select_n3A_2154, %select_n3A_2157 : vector<16xi1>, vector<16xf32>
        %select_n3A_2161 = arith.select %le3A_2159, %select_n3A_2155, %select_n3A_2158 : vector<16xi1>, vector<16xi32>
        %select_n3A_2162 = arith.select %le3A_2159, %select_n3A_2157, %select_n3A_2154 : vector<16xi1>, vector<16xf32>
        %select_n3A_2163 = arith.select %le3A_2159, %select_n3A_2158, %select_n3A_2155 : vector<16xi1>, vector<16xi32>
        %masked_sort3A_2164 = arith.constant dense<true> : vector<16xi1>
        %masked_sort3A_2165, %masked_sort3A_2166, %masked_sort3A_2167 = tpu.sort %select_n3A_2160, %select_n3A_2161 masked %masked_sort3A_2164 : (vector<16xf32>, vector<16xi32>, vector<16xi1>) -> (vector<16xi1>, vector<16xf32>, vector<16xi32>)
        %masked_sort3A_2168 = arith.constant dense<true> : vector<16xi1>
        %masked_sort3A_2169, %masked_sort3A_2170, %masked_sort3A_2171 = tpu.sort %select_n3A_2162, %select_n3A_2163 masked %masked_sort3A_2168 : (vector<16xf32>, vector<16xi32>, vector<16xi1>) -> (vector<16xi1>, vector<16xf32>, vector<16xi32>)
        %rev3A_2172 = arith.constant 15 : i32
        %rev3A_2173 = vector.broadcast %rev3A_2172 : i32 to vector<16xi32>
        %rev3A_2174 = tpu.iota {dimensions = array<i32: 0>} : vector<16xi32>
        %rev3A_2175 = arith.subi %rev3A_2173, %rev3A_2174 : vector<16xi32>
        %rev3A_2176 = tpu.dynamic_gather %masked_sort3A_2053[%rev3A_2175] in [0] : vector<16xf32>, vector<16xi32> -> vector<16xf32>
        %rev3A_2177 = arith.constant 15 : i32
        %rev3A_2178 = vector.broadcast %rev3A_2177 : i32 to vector<16xi32>
        %rev3A_2179 = tpu.iota {dimensions = array<i32: 0>} : vector<16xi32>
        %rev3A_2180 = arith.subi %rev3A_2178, %rev3A_2179 : vector<16xi32>
        %rev3A_2181 = tpu.dynamic_gather %masked_sort3A_2054[%rev3A_2180] in [0] : vector<16xi32>, vector<16xi32> -> vector<16xi32>
        %rev3A_2182 = arith.constant 15 : i32
        %rev3A_2183 = vector.broadcast %rev3A_2182 : i32 to vector<16xi32>
        %rev3A_2184 = tpu.iota {dimensions = array<i32: 0>} : vector<16xi32>
        %rev3A_2185 = arith.subi %rev3A_2183, %rev3A_2184 : vector<16xi32>
        %rev3A_2186 = tpu.dynamic_gather %masked_sort3A_2049[%rev3A_2185] in [0] : vector<16xf32>, vector<16xi32> -> vector<16xf32>
        %rev3A_2187 = arith.constant 15 : i32
        %rev3A_2188 = vector.broadcast %rev3A_2187 : i32 to vector<16xi32>
        %rev3A_2189 = tpu.iota {dimensions = array<i32: 0>} : vector<16xi32>
        %rev3A_2190 = arith.subi %rev3A_2188, %rev3A_2189 : vector<16xi32>
        %rev3A_2191 = tpu.dynamic_gather %masked_sort3A_2050[%rev3A_2190] in [0] : vector<16xi32>, vector<16xi32> -> vector<16xi32>
        %le3A_2192 = arith.cmpf ole, %masked_sort3A_2010, %rev3A_2176 : vector<16xf32>
        %select_n3A_2193 = arith.select %le3A_2192, %masked_sort3A_2010, %rev3A_2176 : vector<16xi1>, vector<16xf32>
        %select_n3A_2194 = arith.select %le3A_2192, %masked_sort3A_2011, %rev3A_2181 : vector<16xi1>, vector<16xi32>
        %le3A_2195 = arith.cmpf ole, %masked_sort3A_2014, %rev3A_2186 : vector<16xf32>
        %select_n3A_2196 = arith.select %le3A_2195, %masked_sort3A_2014, %rev3A_2186 : vector<16xi1>, vector<16xf32>
        %select_n3A_2197 = arith.select %le3A_2195, %masked_sort3A_2015, %rev3A_2191 : vector<16xi1>, vector<16xi32>
        %le3A_2198 = arith.cmpf ole, %select_n3A_2193, %select_n3A_2196 : vector<16xf32>
        %select_n3A_2199 = arith.select %le3A_2198, %select_n3A_2193, %select_n3A_2196 : vector<16xi1>, vector<16xf32>
        %select_n3A_2200 = arith.select %le3A_2198, %select_n3A_2194, %select_n3A_2197 : vector<16xi1>, vector<16xi32>
        %select_n3A_2201 = arith.select %le3A_2198, %select_n3A_2196, %select_n3A_2193 : vector<16xi1>, vector<16xf32>
        %select_n3A_2202 = arith.select %le3A_2198, %select_n3A_2197, %select_n3A_2194 : vector<16xi1>, vector<16xi32>
        %masked_sort3A_2203 = arith.constant dense<true> : vector<16xi1>
        %masked_sort3A_2204, %masked_sort3A_2205, %masked_sort3A_2206 = tpu.sort %select_n3A_2199, %select_n3A_2200 masked %masked_sort3A_2203 : (vector<16xf32>, vector<16xi32>, vector<16xi1>) -> (vector<16xi1>, vector<16xf32>, vector<16xi32>)
        %masked_sort3A_2207 = arith.constant dense<true> : vector<16xi1>
        %masked_sort3A_2208, %masked_sort3A_2209, %masked_sort3A_2210 = tpu.sort %select_n3A_2201, %select_n3A_2202 masked %masked_sort3A_2207 : (vector<16xf32>, vector<16xi32>, vector<16xi1>) -> (vector<16xi1>, vector<16xf32>, vector<16xi32>)
        %rev3A_2211 = arith.constant 15 : i32
        %rev3A_2212 = vector.broadcast %rev3A_2211 : i32 to vector<16xi32>
        %rev3A_2213 = tpu.iota {dimensions = array<i32: 0>} : vector<16xi32>
        %rev3A_2214 = arith.subi %rev3A_2212, %rev3A_2213 : vector<16xi32>
        %rev3A_2215 = tpu.dynamic_gather %masked_sort3A_2131[%rev3A_2214] in [0] : vector<16xf32>, vector<16xi32> -> vector<16xf32>
        %rev3A_2216 = arith.constant 15 : i32
        %rev3A_2217 = vector.broadcast %rev3A_2216 : i32 to vector<16xi32>
        %rev3A_2218 = tpu.iota {dimensions = array<i32: 0>} : vector<16xi32>
        %rev3A_2219 = arith.subi %rev3A_2217, %rev3A_2218 : vector<16xi32>
        %rev3A_2220 = tpu.dynamic_gather %masked_sort3A_2132[%rev3A_2219] in [0] : vector<16xi32>, vector<16xi32> -> vector<16xi32>
        %rev3A_2221 = arith.constant 15 : i32
        %rev3A_2222 = vector.broadcast %rev3A_2221 : i32 to vector<16xi32>
        %rev3A_2223 = tpu.iota {dimensions = array<i32: 0>} : vector<16xi32>
        %rev3A_2224 = arith.subi %rev3A_2222, %rev3A_2223 : vector<16xi32>
        %rev3A_2225 = tpu.dynamic_gather %masked_sort3A_2127[%rev3A_2224] in [0] : vector<16xf32>, vector<16xi32> -> vector<16xf32>
        %rev3A_2226 = arith.constant 15 : i32
        %rev3A_2227 = vector.broadcast %rev3A_2226 : i32 to vector<16xi32>
        %rev3A_2228 = tpu.iota {dimensions = array<i32: 0>} : vector<16xi32>
        %rev3A_2229 = arith.subi %rev3A_2227, %rev3A_2228 : vector<16xi32>
        %rev3A_2230 = tpu.dynamic_gather %masked_sort3A_2128[%rev3A_2229] in [0] : vector<16xi32>, vector<16xi32> -> vector<16xi32>
        %le3A_2231 = arith.cmpf ole, %masked_sort3A_2088, %rev3A_2215 : vector<16xf32>
        %select_n3A_2232 = arith.select %le3A_2231, %masked_sort3A_2088, %rev3A_2215 : vector<16xi1>, vector<16xf32>
        %select_n3A_2233 = arith.select %le3A_2231, %masked_sort3A_2089, %rev3A_2220 : vector<16xi1>, vector<16xi32>
        %le3A_2234 = arith.cmpf ole, %masked_sort3A_2092, %rev3A_2225 : vector<16xf32>
        %select_n3A_2235 = arith.select %le3A_2234, %masked_sort3A_2092, %rev3A_2225 : vector<16xi1>, vector<16xf32>
        %select_n3A_2236 = arith.select %le3A_2234, %masked_sort3A_2093, %rev3A_2230 : vector<16xi1>, vector<16xi32>
        %le3A_2237 = arith.cmpf ole, %select_n3A_2232, %select_n3A_2235 : vector<16xf32>
        %select_n3A_2238 = arith.select %le3A_2237, %select_n3A_2232, %select_n3A_2235 : vector<16xi1>, vector<16xf32>
        %select_n3A_2239 = arith.select %le3A_2237, %select_n3A_2233, %select_n3A_2236 : vector<16xi1>, vector<16xi32>
        %select_n3A_2240 = arith.select %le3A_2237, %select_n3A_2235, %select_n3A_2232 : vector<16xi1>, vector<16xf32>
        %select_n3A_2241 = arith.select %le3A_2237, %select_n3A_2236, %select_n3A_2233 : vector<16xi1>, vector<16xi32>
        %masked_sort3A_2242 = arith.constant dense<true> : vector<16xi1>
        %masked_sort3A_2243, %masked_sort3A_2244, %masked_sort3A_2245 = tpu.sort %select_n3A_2238, %select_n3A_2239 masked %masked_sort3A_2242 : (vector<16xf32>, vector<16xi32>, vector<16xi1>) -> (vector<16xi1>, vector<16xf32>, vector<16xi32>)
        %masked_sort3A_2246 = arith.constant dense<true> : vector<16xi1>
        %masked_sort3A_2247, %masked_sort3A_2248, %masked_sort3A_2249 = tpu.sort %select_n3A_2240, %select_n3A_2241 masked %masked_sort3A_2246 : (vector<16xf32>, vector<16xi32>, vector<16xi1>) -> (vector<16xi1>, vector<16xf32>, vector<16xi32>)
        %rev3A_2250 = arith.constant 15 : i32
        %rev3A_2251 = vector.broadcast %rev3A_2250 : i32 to vector<16xi32>
        %rev3A_2252 = tpu.iota {dimensions = array<i32: 0>} : vector<16xi32>
        %rev3A_2253 = arith.subi %rev3A_2251, %rev3A_2252 : vector<16xi32>
        %rev3A_2254 = tpu.dynamic_gather %masked_sort3A_2209[%rev3A_2253] in [0] : vector<16xf32>, vector<16xi32> -> vector<16xf32>
        %rev3A_2255 = arith.constant 15 : i32
        %rev3A_2256 = vector.broadcast %rev3A_2255 : i32 to vector<16xi32>
        %rev3A_2257 = tpu.iota {dimensions = array<i32: 0>} : vector<16xi32>
        %rev3A_2258 = arith.subi %rev3A_2256, %rev3A_2257 : vector<16xi32>
        %rev3A_2259 = tpu.dynamic_gather %masked_sort3A_2210[%rev3A_2258] in [0] : vector<16xi32>, vector<16xi32> -> vector<16xi32>
        %rev3A_2260 = arith.constant 15 : i32
        %rev3A_2261 = vector.broadcast %rev3A_2260 : i32 to vector<16xi32>
        %rev3A_2262 = tpu.iota {dimensions = array<i32: 0>} : vector<16xi32>
        %rev3A_2263 = arith.subi %rev3A_2261, %rev3A_2262 : vector<16xi32>
        %rev3A_2264 = tpu.dynamic_gather %masked_sort3A_2205[%rev3A_2263] in [0] : vector<16xf32>, vector<16xi32> -> vector<16xf32>
        %rev3A_2265 = arith.constant 15 : i32
        %rev3A_2266 = vector.broadcast %rev3A_2265 : i32 to vector<16xi32>
        %rev3A_2267 = tpu.iota {dimensions = array<i32: 0>} : vector<16xi32>
        %rev3A_2268 = arith.subi %rev3A_2266, %rev3A_2267 : vector<16xi32>
        %rev3A_2269 = tpu.dynamic_gather %masked_sort3A_2206[%rev3A_2268] in [0] : vector<16xi32>, vector<16xi32> -> vector<16xi32>
        %le3A_2270 = arith.cmpf ole, %masked_sort3A_2166, %rev3A_2254 : vector<16xf32>
        %select_n3A_2271 = arith.select %le3A_2270, %masked_sort3A_2166, %rev3A_2254 : vector<16xi1>, vector<16xf32>
        %select_n3A_2272 = arith.select %le3A_2270, %masked_sort3A_2167, %rev3A_2259 : vector<16xi1>, vector<16xi32>
        %le3A_2273 = arith.cmpf ole, %masked_sort3A_2170, %rev3A_2264 : vector<16xf32>
        %select_n3A_2274 = arith.select %le3A_2273, %masked_sort3A_2170, %rev3A_2264 : vector<16xi1>, vector<16xf32>
        %select_n3A_2275 = arith.select %le3A_2273, %masked_sort3A_2171, %rev3A_2269 : vector<16xi1>, vector<16xi32>
        %le3A_2276 = arith.cmpf ole, %select_n3A_2271, %select_n3A_2274 : vector<16xf32>
        %select_n3A_2277 = arith.select %le3A_2276, %select_n3A_2271, %select_n3A_2274 : vector<16xi1>, vector<16xf32>
        %select_n3A_2278 = arith.select %le3A_2276, %select_n3A_2272, %select_n3A_2275 : vector<16xi1>, vector<16xi32>
        %select_n3A_2279 = arith.select %le3A_2276, %select_n3A_2274, %select_n3A_2271 : vector<16xi1>, vector<16xf32>
        %select_n3A_2280 = arith.select %le3A_2276, %select_n3A_2275, %select_n3A_2272 : vector<16xi1>, vector<16xi32>
        %masked_sort3A_2281 = arith.constant dense<true> : vector<16xi1>
        %masked_sort3A_2282, %masked_sort3A_2283, %masked_sort3A_2284 = tpu.sort %select_n3A_2277, %select_n3A_2278 masked %masked_sort3A_2281 : (vector<16xf32>, vector<16xi32>, vector<16xi1>) -> (vector<16xi1>, vector<16xf32>, vector<16xi32>)
        %masked_sort3A_2285 = arith.constant dense<true> : vector<16xi1>
        %masked_sort3A_2286, %masked_sort3A_2287, %masked_sort3A_2288 = tpu.sort %select_n3A_2279, %select_n3A_2280 masked %masked_sort3A_2285 : (vector<16xf32>, vector<16xi32>, vector<16xi1>) -> (vector<16xi1>, vector<16xf32>, vector<16xi32>)
        %rev3A_2289 = arith.constant 15 : i32
        %rev3A_2290 = vector.broadcast %rev3A_2289 : i32 to vector<16xi32>
        %rev3A_2291 = tpu.iota {dimensions = array<i32: 0>} : vector<16xi32>
        %rev3A_2292 = arith.subi %rev3A_2290, %rev3A_2291 : vector<16xi32>
        %rev3A_2293 = tpu.dynamic_gather %masked_sort3A_2287[%rev3A_2292] in [0] : vector<16xf32>, vector<16xi32> -> vector<16xf32>
        %rev3A_2294 = arith.constant 15 : i32
        %rev3A_2295 = vector.broadcast %rev3A_2294 : i32 to vector<16xi32>
        %rev3A_2296 = tpu.iota {dimensions = array<i32: 0>} : vector<16xi32>
        %rev3A_2297 = arith.subi %rev3A_2295, %rev3A_2296 : vector<16xi32>
        %rev3A_2298 = tpu.dynamic_gather %masked_sort3A_2288[%rev3A_2297] in [0] : vector<16xi32>, vector<16xi32> -> vector<16xi32>
        %rev3A_2299 = arith.constant 15 : i32
        %rev3A_2300 = vector.broadcast %rev3A_2299 : i32 to vector<16xi32>
        %rev3A_2301 = tpu.iota {dimensions = array<i32: 0>} : vector<16xi32>
        %rev3A_2302 = arith.subi %rev3A_2300, %rev3A_2301 : vector<16xi32>
        %rev3A_2303 = tpu.dynamic_gather %masked_sort3A_2283[%rev3A_2302] in [0] : vector<16xf32>, vector<16xi32> -> vector<16xf32>
        %rev3A_2304 = arith.constant 15 : i32
        %rev3A_2305 = vector.broadcast %rev3A_2304 : i32 to vector<16xi32>
        %rev3A_2306 = tpu.iota {dimensions = array<i32: 0>} : vector<16xi32>
        %rev3A_2307 = arith.subi %rev3A_2305, %rev3A_2306 : vector<16xi32>
        %rev3A_2308 = tpu.dynamic_gather %masked_sort3A_2284[%rev3A_2307] in [0] : vector<16xi32>, vector<16xi32> -> vector<16xi32>
        %le3A_2309 = arith.cmpf ole, %masked_sort3A_2244, %rev3A_2293 : vector<16xf32>
        %select_n3A_2310 = arith.select %le3A_2309, %masked_sort3A_2244, %rev3A_2293 : vector<16xi1>, vector<16xf32>
        %select_n3A_2311 = arith.select %le3A_2309, %masked_sort3A_2245, %rev3A_2298 : vector<16xi1>, vector<16xi32>
        %le3A_2312 = arith.cmpf ole, %masked_sort3A_2248, %rev3A_2303 : vector<16xf32>
        %select_n3A_2313 = arith.select %le3A_2312, %masked_sort3A_2248, %rev3A_2303 : vector<16xi1>, vector<16xf32>
        %select_n3A_2314 = arith.select %le3A_2312, %masked_sort3A_2249, %rev3A_2308 : vector<16xi1>, vector<16xi32>
        %le3A_2315 = arith.cmpf ole, %select_n3A_2310, %select_n3A_2313 : vector<16xf32>
        %select_n3A_2316 = arith.select %le3A_2315, %select_n3A_2310, %select_n3A_2313 : vector<16xi1>, vector<16xf32>
        %select_n3A_2317 = arith.select %le3A_2315, %select_n3A_2311, %select_n3A_2314 : vector<16xi1>, vector<16xi32>
        %select_n3A_2318 = arith.select %le3A_2315, %select_n3A_2313, %select_n3A_2310 : vector<16xi1>, vector<16xf32>
        %select_n3A_2319 = arith.select %le3A_2315, %select_n3A_2314, %select_n3A_2311 : vector<16xi1>, vector<16xi32>
        %masked_sort3A_2320 = arith.constant dense<true> : vector<16xi1>
        %masked_sort3A_2321, %masked_sort3A_2322, %masked_sort3A_2323 = tpu.sort %select_n3A_2316, %select_n3A_2317 masked %masked_sort3A_2320 : (vector<16xf32>, vector<16xi32>, vector<16xi1>) -> (vector<16xi1>, vector<16xf32>, vector<16xi32>)
        %masked_sort3A_2324 = arith.constant dense<true> : vector<16xi1>
        %masked_sort3A_2325, %masked_sort3A_2326, %masked_sort3A_2327 = tpu.sort %select_n3A_2318, %select_n3A_2319 masked %masked_sort3A_2324 : (vector<16xf32>, vector<16xi32>, vector<16xi1>) -> (vector<16xi1>, vector<16xf32>, vector<16xi32>)
        %swap3A = arith.constant 0 : index
        %swap3A_2328 = tpu.vector_load %arg12[%swap3A] {strides = array<i32>} : memref<32xi32, #tpu.memory_space<vmem>>, vector<16xi32>,
        tpu.vector_store %arg12[%swap3A], %masked_sort3A_2323 {strides = array<i32>} : memref<32xi32, #tpu.memory_space<vmem>>, vector<16xi32>,
        %swap3A_2329 = arith.constant 16 : index
        %swap3A_2330 = tpu.vector_load %arg12[%swap3A_2329] {strides = array<i32>} : memref<32xi32, #tpu.memory_space<vmem>>, vector<16xi32>,
        tpu.vector_store %arg12[%swap3A_2329], %masked_sort3A_2327 {strides = array<i32>} : memref<32xi32, #tpu.memory_space<vmem>>, vector<16xi32>,
        %dma_start3A_2331 = arith.constant 0 : i32
        %dma_start3A_2332 = arith.constant 0 : i32
        %dma_start3A_2333 = tpu.memref_slice %arg4[%dma_start3A_2331, %dma_start3A_2332] : memref<4096x128xf32, #tpu.memory_space<hbm>> -> memref<4096x128xf32, #tpu.memory_space<hbm>>
        tpu.enqueue_indirect_dma source(%dma_start3A_2333 : memref<4096x128xf32, #tpu.memory_space<hbm>>) target(%arg13 : memref<32x128xf32, #tpu.memory_space<vmem>>) offsets(%arg12 : memref<32xi32, #tpu.memory_space<vmem>>) semaphore(%arg18 : memref<!tpu.dma_semaphore, #tpu.memory_space<semaphore_mem>>)
        %lt3A_2334 = vector.broadcast %squeeze3A : f32 to vector<16xf32>
        %lt3A_2335 = arith.cmpf olt, %masked_sort3A_2322, %lt3A_2334 : vector<16xf32>
        %lt3A_2336 = vector.broadcast %squeeze3A : f32 to vector<16xf32>
        %lt3A_2337 = arith.cmpf olt, %masked_sort3A_2326, %lt3A_2336 : vector<16xf32>
        %dma_wait3A_2338 = arith.constant 0 : i32
        %dma_wait3A_2339 = arith.constant 0 : i32
        %dma_wait3A_2340 = tpu.memref_slice %arg4[%dma_wait3A_2338, %dma_wait3A_2339] : memref<4096x128xf32, #tpu.memory_space<hbm>> -> memref<4096x128xf32, #tpu.memory_space<hbm>>
        tpu.wait_indirect_dma semaphore(%arg18 : memref<!tpu.dma_semaphore, #tpu.memory_space<semaphore_mem>>) src(%dma_wait3A_2340 : memref<4096x128xf32, #tpu.memory_space<hbm>>) dst(%arg13 : memref<32x128xf32, #tpu.memory_space<vmem>>)
        %while3A:2 = scf.while (%while3A_2344 = %ne3A, %while3A_2345 = %select_n3A) : (vector<16xi1>, vector<16xf32>) -> (vector<16xi1>, vector<16xf32>) {
          %reduce_or3A_2346 = arith.constant 1.000000e+00 : f32
          %reduce_or3A_2347 = arith.constant 0.000000e+00 : f32
          %reduce_or3A_2348 = vector.broadcast %reduce_or3A_2346 : f32 to vector<16xf32>
          %reduce_or3A_2349 = vector.broadcast %reduce_or3A_2347 : f32 to vector<16xf32>
          %reduce_or3A_2350 = arith.select %while3A_2344, %reduce_or3A_2348, %reduce_or3A_2349 : vector<16xi1>, vector<16xf32>
          %reduce_or3A_2351 = arith.constant true
          %reduce_or3A_2352 = vector.broadcast %reduce_or3A_2351 : i1 to vector<16xi1>
          %reduce_or3A_2353 = tpu.scan <max>, %reduce_or3A_2350 masked %reduce_or3A_2352 : vector<16xf32>, vector<16xi1> -> vector<16xf32>
          %reduce_or3A_2354 = vector.extract %reduce_or3A_2353[15] : f32 from vector<16xf32>
          %reduce_or3A_2355 = arith.constant 0.000000e+00 : f32
          %reduce_or3A_2356 = arith.cmpf ogt, %reduce_or3A_2354, %reduce_or3A_2355 : f32
          scf.condition(%reduce_or3A_2356) %while3A_2344, %while3A_2345 : vector<16xi1>, vector<16xf32>
        } do {
        ^bb0(%while3A_2344: vector<16xi1>, %while3A_2345: vector<16xf32>):
          %all_reduce_ffs3A = tpu.all_reduce %while3A_2344 {dim = 0 : i64, kind = #tpu.reduction_kind<find_first_set>} : vector<16xi1> -> vector<16xi32>
          %reduce_max3A = arith.constant true
          %reduce_max3A_2346 = vector.broadcast %reduce_max3A : i1 to vector<16xi1>
          %reduce_max3A_2347 = arith.constant -2147483648 : i32
          %reduce_max3A_2348 = vector.broadcast %reduce_max3A_2347 : i32 to vector<16xi32>
          %reduce_max3A_2349 = arith.xori %all_reduce_ffs3A, %reduce_max3A_2348 : vector<16xi32>
          %reduce_max3A_2350 = tpu.scan <max>, %reduce_max3A_2349 masked %reduce_max3A_2346 : vector<16xi32>, vector<16xi1> -> vector<16xi32>
          %reduce_max3A_2351 = arith.xori %reduce_max3A_2350, %reduce_max3A_2348 : vector<16xi32>
          %reduce_max3A_2352 = vector.extract %reduce_max3A_2351[15] : i32 from vector<16xi32>
          %add3A_2353 = arith.constant 0 : i32
          %add3A_2354 = arith.addi %add3A_2353, %reduce_max3A_2352 : i32
          %broadcast_in_dim3A_2355 = vector.broadcast %add3A_2354 : i32 to vector<16xi32>
          %gather3A_2356 = tpu.vector_load_idx %arg13[%iota3A, %broadcast_in_dim3A_2355] : memref<32x128xf32, #tpu.memory_space<vmem>>[vector<16xi32>, vector<16xi32>], vector<16xf32>,
          %add3A_2357 = arith.constant 16 : i32
          %add3A_2358 = vector.broadcast %add3A_2357 : i32 to vector<16xi32>
          %add3A_2359 = arith.addi %iota3A, %add3A_2358 : vector<16xi32>
          %gather3A_2360 = tpu.vector_load_idx %arg13[%add3A_2359, %broadcast_in_dim3A_2355] : memref<32x128xf32, #tpu.memory_space<vmem>>[vector<16xi32>, vector<16xi32>], vector<16xf32>,
          %eq3A = arith.cmpf oeq, %gather3A_2356, %gather3A_2356 : vector<16xf32>
          %and3A_2361 = arith.andi %eq3A, %lt3A_2335 : vector<16xi1>
          %eq3A_2362 = arith.cmpf oeq, %gather3A_2360, %gather3A_2360 : vector<16xf32>
          %and3A_2363 = arith.andi %eq3A_2362, %lt3A_2337 : vector<16xi1>
          %convert_element_type3A_2364 = arith.extui %and3A_2361 : vector<16xi1> to vector<16xi32>
          %broadcast_in_dim3A_2365 = arith.constant true
          %broadcast_in_dim3A_2366 = vector.broadcast %broadcast_in_dim3A_2365 : i1 to vector<16xi1>
          %masked_cumsum3A = tpu.scan <sum>, %convert_element_type3A_2364 masked %broadcast_in_dim3A_2366 : vector<16xi32>, vector<16xi1> -> vector<16xi32>
          %reduce_max3A_2367 = arith.constant true
          %reduce_max3A_2368 = vector.broadcast %reduce_max3A_2367 : i1 to vector<16xi1>
          %reduce_max3A_2369 = arith.constant -2147483648 : i32
          %reduce_max3A_2370 = vector.broadcast %reduce_max3A_2369 : i32 to vector<16xi32>
          %reduce_max3A_2371 = arith.xori %masked_cumsum3A, %reduce_max3A_2370 : vector<16xi32>
          %reduce_max3A_2372 = tpu.scan <max>, %reduce_max3A_2371 masked %reduce_max3A_2368 : vector<16xi32>, vector<16xi1> -> vector<16xi32>
          %reduce_max3A_2373 = arith.xori %reduce_max3A_2372, %reduce_max3A_2370 : vector<16xi32>
          %reduce_max3A_2374 = vector.extract %reduce_max3A_2373[15] : i32 from vector<16xi32>
          %convert_element_type3A_2375 = arith.extui %and3A_2363 : vector<16xi1> to vector<16xi32>
          %broadcast_in_dim3A_2376 = arith.constant true
          %broadcast_in_dim3A_2377 = vector.broadcast %broadcast_in_dim3A_2376 : i1 to vector<16xi1>
          %masked_cumsum3A_2378 = tpu.scan <sum>, %convert_element_type3A_2375 masked %broadcast_in_dim3A_2377 : vector<16xi32>, vector<16xi1> -> vector<16xi32>
          %add3A_2379 = vector.broadcast %reduce_max3A_2374 : i32 to vector<16xi32>
          %add3A_2380 = arith.addi %masked_cumsum3A_2378, %add3A_2379 : vector<16xi32>
          %le3A_2381 = arith.constant 5 : i32
          %le3A_2382 = vector.broadcast %le3A_2381 : i32 to vector<16xi32>
          %le3A_2383 = arith.cmpi sle, %masked_cumsum3A, %le3A_2382 : vector<16xi32>
          %and3A_2384 = arith.andi %and3A_2361, %le3A_2383 : vector<16xi1>
          %le3A_2385 = arith.constant 5 : i32
          %le3A_2386 = vector.broadcast %le3A_2385 : i32 to vector<16xi32>
          %le3A_2387 = arith.cmpi sle, %add3A_2380, %le3A_2386 : vector<16xi32>
          %and3A_2388 = arith.andi %and3A_2363, %le3A_2387 : vector<16xi1>
          %jit3A_2389 = arith.constant 0.000000e+00 : f32
          %broadcast_in_dim3A_2390 = vector.broadcast %jit3A_2389 : f32 to vector<16xf32>
          %select_n3A_2391 = arith.select %and3A_2384, %gather3A_2356, %broadcast_in_dim3A_2390 : vector<16xi1>, vector<16xf32>
          %reduce_sum3A = arith.constant true
          %reduce_sum3A_2392 = vector.broadcast %reduce_sum3A : i1 to vector<16xi1>
          %reduce_sum3A_2393 = tpu.scan <sum>, %select_n3A_2391 masked %reduce_sum3A_2392 : vector<16xf32>, vector<16xi1> -> vector<16xf32>
          %reduce_sum3A_2394 = vector.extract %reduce_sum3A_2393[15] : f32 from vector<16xf32>
          %jit3A_2395 = arith.constant 0.000000e+00 : f32
          %broadcast_in_dim3A_2396 = vector.broadcast %jit3A_2395 : f32 to vector<16xf32>
          %select_n3A_2397 = arith.select %and3A_2388, %gather3A_2360, %broadcast_in_dim3A_2396 : vector<16xi1>, vector<16xf32>
          %reduce_sum3A_2398 = arith.constant true
          %reduce_sum3A_2399 = vector.broadcast %reduce_sum3A_2398 : i1 to vector<16xi1>
          %reduce_sum3A_2400 = tpu.scan <sum>, %select_n3A_2397 masked %reduce_sum3A_2399 : vector<16xf32>, vector<16xi1> -> vector<16xf32>
          %reduce_sum3A_2401 = vector.extract %reduce_sum3A_2400[15] : f32 from vector<16xf32>
          %add3A_2402 = arith.addf %reduce_sum3A_2394, %reduce_sum3A_2401 : f32
          %reduce_max3A_2403 = arith.constant true
          %reduce_max3A_2404 = vector.broadcast %reduce_max3A_2403 : i1 to vector<16xi1>
          %reduce_max3A_2405 = arith.constant -2147483648 : i32
          %reduce_max3A_2406 = vector.broadcast %reduce_max3A_2405 : i32 to vector<16xi32>
          %reduce_max3A_2407 = arith.xori %add3A_2380, %reduce_max3A_2406 : vector<16xi32>
          %reduce_max3A_2408 = tpu.scan <max>, %reduce_max3A_2407 masked %reduce_max3A_2404 : vector<16xi32>, vector<16xi1> -> vector<16xi32>
          %reduce_max3A_2409 = arith.xori %reduce_max3A_2408, %reduce_max3A_2406 : vector<16xi32>
          %reduce_max3A_2410 = vector.extract %reduce_max3A_2409[15] : i32 from vector<16xi32>
          %min3A = arith.constant 5 : i32
          %min3A_2411 = arith.minsi %reduce_max3A_2410, %min3A : i32
          %gather3A_2412 = tpu.vector_load_idx %arg14[%broadcast_in_dim3A_2355] : memref<64xf32, #tpu.memory_space<vmem>>[vector<16xi32>], vector<16xf32>,
          %broadcast_in_dim3A_2413 = vector.broadcast %add3A_2402 : f32 to vector<16xf32>
          %broadcast_in_dim3A_2414 = vector.broadcast %min3A_2411 : i32 to vector<16xi32>
          %convert_element_type3A_2415 = arith.sitofp %broadcast_in_dim3A_2414 : vector<16xi32> to vector<16xf32>
          %gt3A = arith.constant 0.000000e+00 : f32
          %gt3A_2416 = vector.broadcast %gt3A : f32 to vector<16xf32>
          %gt3A_2417 = arith.cmpf ogt, %convert_element_type3A_2415, %gt3A_2416 : vector<16xf32>
          %max3A = arith.constant 1.000000e+00 : f32
          %max3A_2418 = vector.broadcast %max3A : f32 to vector<16xf32>
          %max3A_2419 = arith.maximumf %convert_element_type3A_2415, %max3A_2418 : vector<16xf32>
          %div3A = arith.divf %broadcast_in_dim3A_2413, %max3A_2419 : vector<16xf32>
          %select_n3A_2420 = arith.select %gt3A_2417, %div3A, %gather3A_2412 : vector<16xi1>, vector<16xf32>
          %eq3A_2421 = vector.broadcast %reduce_max3A_2352 : i32 to vector<16xi32>
          %eq3A_2422 = arith.cmpi eq, %iota3A, %eq3A_2421 : vector<16xi32>
          %not3A = arith.constant dense<true> : vector<16xi1>
          %not3A_2423 = arith.xori %eq3A_2422, %not3A : vector<16xi1>
          %and3A_2424 = arith.andi %while3A_2344, %not3A_2423 : vector<16xi1>
          %select_n3A_2425 = arith.select %eq3A_2422, %select_n3A_2420, %while3A_2345 : vector<16xi1>, vector<16xf32>
          scf.yield %and3A_2424, %select_n3A_2425 : vector<16xi1>, vector<16xf32>
        }
        %while3A_2341:2 = scf.while (%while3A_2344 = %ne3A_49, %while3A_2345 = %select_n3A_55) : (vector<16xi1>, vector<16xf32>) -> (vector<16xi1>, vector<16xf32>) {
          %reduce_or3A_2346 = arith.constant 1.000000e+00 : f32
          %reduce_or3A_2347 = arith.constant 0.000000e+00 : f32
          %reduce_or3A_2348 = vector.broadcast %reduce_or3A_2346 : f32 to vector<16xf32>
          %reduce_or3A_2349 = vector.broadcast %reduce_or3A_2347 : f32 to vector<16xf32>
          %reduce_or3A_2350 = arith.select %while3A_2344, %reduce_or3A_2348, %reduce_or3A_2349 : vector<16xi1>, vector<16xf32>
          %reduce_or3A_2351 = arith.constant true
          %reduce_or3A_2352 = vector.broadcast %reduce_or3A_2351 : i1 to vector<16xi1>
          %reduce_or3A_2353 = tpu.scan <max>, %reduce_or3A_2350 masked %reduce_or3A_2352 : vector<16xf32>, vector<16xi1> -> vector<16xf32>
          %reduce_or3A_2354 = vector.extract %reduce_or3A_2353[15] : f32 from vector<16xf32>
          %reduce_or3A_2355 = arith.constant 0.000000e+00 : f32
          %reduce_or3A_2356 = arith.cmpf ogt, %reduce_or3A_2354, %reduce_or3A_2355 : f32
          scf.condition(%reduce_or3A_2356) %while3A_2344, %while3A_2345 : vector<16xi1>, vector<16xf32>
        } do {
        ^bb0(%while3A_2344: vector<16xi1>, %while3A_2345: vector<16xf32>):
          %all_reduce_ffs3A = tpu.all_reduce %while3A_2344 {dim = 0 : i64, kind = #tpu.reduction_kind<find_first_set>} : vector<16xi1> -> vector<16xi32>
          %reduce_max3A = arith.constant true
          %reduce_max3A_2346 = vector.broadcast %reduce_max3A : i1 to vector<16xi1>
          %reduce_max3A_2347 = arith.constant -2147483648 : i32
          %reduce_max3A_2348 = vector.broadcast %reduce_max3A_2347 : i32 to vector<16xi32>
          %reduce_max3A_2349 = arith.xori %all_reduce_ffs3A, %reduce_max3A_2348 : vector<16xi32>
          %reduce_max3A_2350 = tpu.scan <max>, %reduce_max3A_2349 masked %reduce_max3A_2346 : vector<16xi32>, vector<16xi1> -> vector<16xi32>
          %reduce_max3A_2351 = arith.xori %reduce_max3A_2350, %reduce_max3A_2348 : vector<16xi32>
          %reduce_max3A_2352 = vector.extract %reduce_max3A_2351[15] : i32 from vector<16xi32>
          %add3A_2353 = arith.constant 16 : i32
          %add3A_2354 = arith.addi %add3A_2353, %reduce_max3A_2352 : i32
          %broadcast_in_dim3A_2355 = vector.broadcast %add3A_2354 : i32 to vector<16xi32>
          %gather3A_2356 = tpu.vector_load_idx %arg13[%iota3A, %broadcast_in_dim3A_2355] : memref<32x128xf32, #tpu.memory_space<vmem>>[vector<16xi32>, vector<16xi32>], vector<16xf32>,
          %add3A_2357 = arith.constant 16 : i32
          %add3A_2358 = vector.broadcast %add3A_2357 : i32 to vector<16xi32>
          %add3A_2359 = arith.addi %iota3A, %add3A_2358 : vector<16xi32>
          %gather3A_2360 = tpu.vector_load_idx %arg13[%add3A_2359, %broadcast_in_dim3A_2355] : memref<32x128xf32, #tpu.memory_space<vmem>>[vector<16xi32>, vector<16xi32>], vector<16xf32>,
          %eq3A = arith.cmpf oeq, %gather3A_2356, %gather3A_2356 : vector<16xf32>
          %and3A_2361 = arith.andi %eq3A, %lt3A_2335 : vector<16xi1>
          %eq3A_2362 = arith.cmpf oeq, %gather3A_2360, %gather3A_2360 : vector<16xf32>
          %and3A_2363 = arith.andi %eq3A_2362, %lt3A_2337 : vector<16xi1>
          %convert_element_type3A_2364 = arith.extui %and3A_2361 : vector<16xi1> to vector<16xi32>
          %broadcast_in_dim3A_2365 = arith.constant true
          %broadcast_in_dim3A_2366 = vector.broadcast %broadcast_in_dim3A_2365 : i1 to vector<16xi1>
          %masked_cumsum3A = tpu.scan <sum>, %convert_element_type3A_2364 masked %broadcast_in_dim3A_2366 : vector<16xi32>, vector<16xi1> -> vector<16xi32>
          %reduce_max3A_2367 = arith.constant true
          %reduce_max3A_2368 = vector.broadcast %reduce_max3A_2367 : i1 to vector<16xi1>
          %reduce_max3A_2369 = arith.constant -2147483648 : i32
          %reduce_max3A_2370 = vector.broadcast %reduce_max3A_2369 : i32 to vector<16xi32>
          %reduce_max3A_2371 = arith.xori %masked_cumsum3A, %reduce_max3A_2370 : vector<16xi32>
          %reduce_max3A_2372 = tpu.scan <max>, %reduce_max3A_2371 masked %reduce_max3A_2368 : vector<16xi32>, vector<16xi1> -> vector<16xi32>
          %reduce_max3A_2373 = arith.xori %reduce_max3A_2372, %reduce_max3A_2370 : vector<16xi32>
          %reduce_max3A_2374 = vector.extract %reduce_max3A_2373[15] : i32 from vector<16xi32>
          %convert_element_type3A_2375 = arith.extui %and3A_2363 : vector<16xi1> to vector<16xi32>
          %broadcast_in_dim3A_2376 = arith.constant true
          %broadcast_in_dim3A_2377 = vector.broadcast %broadcast_in_dim3A_2376 : i1 to vector<16xi1>
          %masked_cumsum3A_2378 = tpu.scan <sum>, %convert_element_type3A_2375 masked %broadcast_in_dim3A_2377 : vector<16xi32>, vector<16xi1> -> vector<16xi32>
          %add3A_2379 = vector.broadcast %reduce_max3A_2374 : i32 to vector<16xi32>
          %add3A_2380 = arith.addi %masked_cumsum3A_2378, %add3A_2379 : vector<16xi32>
          %le3A_2381 = arith.constant 5 : i32
          %le3A_2382 = vector.broadcast %le3A_2381 : i32 to vector<16xi32>
          %le3A_2383 = arith.cmpi sle, %masked_cumsum3A, %le3A_2382 : vector<16xi32>
          %and3A_2384 = arith.andi %and3A_2361, %le3A_2383 : vector<16xi1>
          %le3A_2385 = arith.constant 5 : i32
          %le3A_2386 = vector.broadcast %le3A_2385 : i32 to vector<16xi32>
          %le3A_2387 = arith.cmpi sle, %add3A_2380, %le3A_2386 : vector<16xi32>
          %and3A_2388 = arith.andi %and3A_2363, %le3A_2387 : vector<16xi1>
          %jit3A_2389 = arith.constant 0.000000e+00 : f32
          %broadcast_in_dim3A_2390 = vector.broadcast %jit3A_2389 : f32 to vector<16xf32>
          %select_n3A_2391 = arith.select %and3A_2384, %gather3A_2356, %broadcast_in_dim3A_2390 : vector<16xi1>, vector<16xf32>
          %reduce_sum3A = arith.constant true
          %reduce_sum3A_2392 = vector.broadcast %reduce_sum3A : i1 to vector<16xi1>
          %reduce_sum3A_2393 = tpu.scan <sum>, %select_n3A_2391 masked %reduce_sum3A_2392 : vector<16xf32>, vector<16xi1> -> vector<16xf32>
          %reduce_sum3A_2394 = vector.extract %reduce_sum3A_2393[15] : f32 from vector<16xf32>
          %jit3A_2395 = arith.constant 0.000000e+00 : f32
          %broadcast_in_dim3A_2396 = vector.broadcast %jit3A_2395 : f32 to vector<16xf32>
          %select_n3A_2397 = arith.select %and3A_2388, %gather3A_2360, %broadcast_in_dim3A_2396 : vector<16xi1>, vector<16xf32>
          %reduce_sum3A_2398 = arith.constant true
          %reduce_sum3A_2399 = vector.broadcast %reduce_sum3A_2398 : i1 to vector<16xi1>
          %reduce_sum3A_2400 = tpu.scan <sum>, %select_n3A_2397 masked %reduce_sum3A_2399 : vector<16xf32>, vector<16xi1> -> vector<16xf32>
          %reduce_sum3A_2401 = vector.extract %reduce_sum3A_2400[15] : f32 from vector<16xf32>
          %add3A_2402 = arith.addf %reduce_sum3A_2394, %reduce_sum3A_2401 : f32
          %reduce_max3A_2403 = arith.constant true
          %reduce_max3A_2404 = vector.broadcast %reduce_max3A_2403 : i1 to vector<16xi1>
          %reduce_max3A_2405 = arith.constant -2147483648 : i32
          %reduce_max3A_2406 = vector.broadcast %reduce_max3A_2405 : i32 to vector<16xi32>
          %reduce_max3A_2407 = arith.xori %add3A_2380, %reduce_max3A_2406 : vector<16xi32>
          %reduce_max3A_2408 = tpu.scan <max>, %reduce_max3A_2407 masked %reduce_max3A_2404 : vector<16xi32>, vector<16xi1> -> vector<16xi32>
          %reduce_max3A_2409 = arith.xori %reduce_max3A_2408, %reduce_max3A_2406 : vector<16xi32>
          %reduce_max3A_2410 = vector.extract %reduce_max3A_2409[15] : i32 from vector<16xi32>
          %min3A = arith.constant 5 : i32
          %min3A_2411 = arith.minsi %reduce_max3A_2410, %min3A : i32
          %gather3A_2412 = tpu.vector_load_idx %arg14[%broadcast_in_dim3A_2355] : memref<64xf32, #tpu.memory_space<vmem>>[vector<16xi32>], vector<16xf32>,
          %broadcast_in_dim3A_2413 = vector.broadcast %add3A_2402 : f32 to vector<16xf32>
          %broadcast_in_dim3A_2414 = vector.broadcast %min3A_2411 : i32 to vector<16xi32>
          %convert_element_type3A_2415 = arith.sitofp %broadcast_in_dim3A_2414 : vector<16xi32> to vector<16xf32>
          %gt3A = arith.constant 0.000000e+00 : f32
          %gt3A_2416 = vector.broadcast %gt3A : f32 to vector<16xf32>
          %gt3A_2417 = arith.cmpf ogt, %convert_element_type3A_2415, %gt3A_2416 : vector<16xf32>
          %max3A = arith.constant 1.000000e+00 : f32
          %max3A_2418 = vector.broadcast %max3A : f32 to vector<16xf32>
          %max3A_2419 = arith.maximumf %convert_element_type3A_2415, %max3A_2418 : vector<16xf32>
          %div3A = arith.divf %broadcast_in_dim3A_2413, %max3A_2419 : vector<16xf32>
          %select_n3A_2420 = arith.select %gt3A_2417, %div3A, %gather3A_2412 : vector<16xi1>, vector<16xf32>
          %eq3A_2421 = vector.broadcast %reduce_max3A_2352 : i32 to vector<16xi32>
          %eq3A_2422 = arith.cmpi eq, %iota3A, %eq3A_2421 : vector<16xi32>
          %not3A = arith.constant dense<true> : vector<16xi1>
          %not3A_2423 = arith.xori %eq3A_2422, %not3A : vector<16xi1>
          %and3A_2424 = arith.andi %while3A_2344, %not3A_2423 : vector<16xi1>
          %select_n3A_2425 = arith.select %eq3A_2422, %select_n3A_2420, %while3A_2345 : vector<16xi1>, vector<16xf32>
          scf.yield %and3A_2424, %select_n3A_2425 : vector<16xi1>, vector<16xf32>
        }
        %while3A_2342:2 = scf.while (%while3A_2344 = %ne3A_50, %while3A_2345 = %select_n3A_58) : (vector<16xi1>, vector<16xf32>) -> (vector<16xi1>, vector<16xf32>) {
          %reduce_or3A_2346 = arith.constant 1.000000e+00 : f32
          %reduce_or3A_2347 = arith.constant 0.000000e+00 : f32
          %reduce_or3A_2348 = vector.broadcast %reduce_or3A_2346 : f32 to vector<16xf32>
          %reduce_or3A_2349 = vector.broadcast %reduce_or3A_2347 : f32 to vector<16xf32>
          %reduce_or3A_2350 = arith.select %while3A_2344, %reduce_or3A_2348, %reduce_or3A_2349 : vector<16xi1>, vector<16xf32>
          %reduce_or3A_2351 = arith.constant true
          %reduce_or3A_2352 = vector.broadcast %reduce_or3A_2351 : i1 to vector<16xi1>
          %reduce_or3A_2353 = tpu.scan <max>, %reduce_or3A_2350 masked %reduce_or3A_2352 : vector<16xf32>, vector<16xi1> -> vector<16xf32>
          %reduce_or3A_2354 = vector.extract %reduce_or3A_2353[15] : f32 from vector<16xf32>
          %reduce_or3A_2355 = arith.constant 0.000000e+00 : f32
          %reduce_or3A_2356 = arith.cmpf ogt, %reduce_or3A_2354, %reduce_or3A_2355 : f32
          scf.condition(%reduce_or3A_2356) %while3A_2344, %while3A_2345 : vector<16xi1>, vector<16xf32>
        } do {
        ^bb0(%while3A_2344: vector<16xi1>, %while3A_2345: vector<16xf32>):
          %all_reduce_ffs3A = tpu.all_reduce %while3A_2344 {dim = 0 : i64, kind = #tpu.reduction_kind<find_first_set>} : vector<16xi1> -> vector<16xi32>
          %reduce_max3A = arith.constant true
          %reduce_max3A_2346 = vector.broadcast %reduce_max3A : i1 to vector<16xi1>
          %reduce_max3A_2347 = arith.constant -2147483648 : i32
          %reduce_max3A_2348 = vector.broadcast %reduce_max3A_2347 : i32 to vector<16xi32>
          %reduce_max3A_2349 = arith.xori %all_reduce_ffs3A, %reduce_max3A_2348 : vector<16xi32>
          %reduce_max3A_2350 = tpu.scan <max>, %reduce_max3A_2349 masked %reduce_max3A_2346 : vector<16xi32>, vector<16xi1> -> vector<16xi32>
          %reduce_max3A_2351 = arith.xori %reduce_max3A_2350, %reduce_max3A_2348 : vector<16xi32>
          %reduce_max3A_2352 = vector.extract %reduce_max3A_2351[15] : i32 from vector<16xi32>
          %add3A_2353 = arith.constant 32 : i32
          %add3A_2354 = arith.addi %add3A_2353, %reduce_max3A_2352 : i32
          %broadcast_in_dim3A_2355 = vector.broadcast %add3A_2354 : i32 to vector<16xi32>
          %gather3A_2356 = tpu.vector_load_idx %arg13[%iota3A, %broadcast_in_dim3A_2355] : memref<32x128xf32, #tpu.memory_space<vmem>>[vector<16xi32>, vector<16xi32>], vector<16xf32>,
          %add3A_2357 = arith.constant 16 : i32
          %add3A_2358 = vector.broadcast %add3A_2357 : i32 to vector<16xi32>
          %add3A_2359 = arith.addi %iota3A, %add3A_2358 : vector<16xi32>
          %gather3A_2360 = tpu.vector_load_idx %arg13[%add3A_2359, %broadcast_in_dim3A_2355] : memref<32x128xf32, #tpu.memory_space<vmem>>[vector<16xi32>, vector<16xi32>], vector<16xf32>,
          %eq3A = arith.cmpf oeq, %gather3A_2356, %gather3A_2356 : vector<16xf32>
          %and3A_2361 = arith.andi %eq3A, %lt3A_2335 : vector<16xi1>
          %eq3A_2362 = arith.cmpf oeq, %gather3A_2360, %gather3A_2360 : vector<16xf32>
          %and3A_2363 = arith.andi %eq3A_2362, %lt3A_2337 : vector<16xi1>
          %convert_element_type3A_2364 = arith.extui %and3A_2361 : vector<16xi1> to vector<16xi32>
          %broadcast_in_dim3A_2365 = arith.constant true
          %broadcast_in_dim3A_2366 = vector.broadcast %broadcast_in_dim3A_2365 : i1 to vector<16xi1>
          %masked_cumsum3A = tpu.scan <sum>, %convert_element_type3A_2364 masked %broadcast_in_dim3A_2366 : vector<16xi32>, vector<16xi1> -> vector<16xi32>
          %reduce_max3A_2367 = arith.constant true
          %reduce_max3A_2368 = vector.broadcast %reduce_max3A_2367 : i1 to vector<16xi1>
          %reduce_max3A_2369 = arith.constant -2147483648 : i32
          %reduce_max3A_2370 = vector.broadcast %reduce_max3A_2369 : i32 to vector<16xi32>
          %reduce_max3A_2371 = arith.xori %masked_cumsum3A, %reduce_max3A_2370 : vector<16xi32>
          %reduce_max3A_2372 = tpu.scan <max>, %reduce_max3A_2371 masked %reduce_max3A_2368 : vector<16xi32>, vector<16xi1> -> vector<16xi32>
          %reduce_max3A_2373 = arith.xori %reduce_max3A_2372, %reduce_max3A_2370 : vector<16xi32>
          %reduce_max3A_2374 = vector.extract %reduce_max3A_2373[15] : i32 from vector<16xi32>
          %convert_element_type3A_2375 = arith.extui %and3A_2363 : vector<16xi1> to vector<16xi32>
          %broadcast_in_dim3A_2376 = arith.constant true
          %broadcast_in_dim3A_2377 = vector.broadcast %broadcast_in_dim3A_2376 : i1 to vector<16xi1>
          %masked_cumsum3A_2378 = tpu.scan <sum>, %convert_element_type3A_2375 masked %broadcast_in_dim3A_2377 : vector<16xi32>, vector<16xi1> -> vector<16xi32>
          %add3A_2379 = vector.broadcast %reduce_max3A_2374 : i32 to vector<16xi32>
          %add3A_2380 = arith.addi %masked_cumsum3A_2378, %add3A_2379 : vector<16xi32>
          %le3A_2381 = arith.constant 5 : i32
          %le3A_2382 = vector.broadcast %le3A_2381 : i32 to vector<16xi32>
          %le3A_2383 = arith.cmpi sle, %masked_cumsum3A, %le3A_2382 : vector<16xi32>
          %and3A_2384 = arith.andi %and3A_2361, %le3A_2383 : vector<16xi1>
          %le3A_2385 = arith.constant 5 : i32
          %le3A_2386 = vector.broadcast %le3A_2385 : i32 to vector<16xi32>
          %le3A_2387 = arith.cmpi sle, %add3A_2380, %le3A_2386 : vector<16xi32>
          %and3A_2388 = arith.andi %and3A_2363, %le3A_2387 : vector<16xi1>
          %jit3A_2389 = arith.constant 0.000000e+00 : f32
          %broadcast_in_dim3A_2390 = vector.broadcast %jit3A_2389 : f32 to vector<16xf32>
          %select_n3A_2391 = arith.select %and3A_2384, %gather3A_2356, %broadcast_in_dim3A_2390 : vector<16xi1>, vector<16xf32>
          %reduce_sum3A = arith.constant true
          %reduce_sum3A_2392 = vector.broadcast %reduce_sum3A : i1 to vector<16xi1>
          %reduce_sum3A_2393 = tpu.scan <sum>, %select_n3A_2391 masked %reduce_sum3A_2392 : vector<16xf32>, vector<16xi1> -> vector<16xf32>
          %reduce_sum3A_2394 = vector.extract %reduce_sum3A_2393[15] : f32 from vector<16xf32>
          %jit3A_2395 = arith.constant 0.000000e+00 : f32
          %broadcast_in_dim3A_2396 = vector.broadcast %jit3A_2395 : f32 to vector<16xf32>
          %select_n3A_2397 = arith.select %and3A_2388, %gather3A_2360, %broadcast_in_dim3A_2396 : vector<16xi1>, vector<16xf32>
          %reduce_sum3A_2398 = arith.constant true
          %reduce_sum3A_2399 = vector.broadcast %reduce_sum3A_2398 : i1 to vector<16xi1>
          %reduce_sum3A_2400 = tpu.scan <sum>, %select_n3A_2397 masked %reduce_sum3A_2399 : vector<16xf32>, vector<16xi1> -> vector<16xf32>
          %reduce_sum3A_2401 = vector.extract %reduce_sum3A_2400[15] : f32 from vector<16xf32>
          %add3A_2402 = arith.addf %reduce_sum3A_2394, %reduce_sum3A_2401 : f32
          %reduce_max3A_2403 = arith.constant true
          %reduce_max3A_2404 = vector.broadcast %reduce_max3A_2403 : i1 to vector<16xi1>
          %reduce_max3A_2405 = arith.constant -2147483648 : i32
          %reduce_max3A_2406 = vector.broadcast %reduce_max3A_2405 : i32 to vector<16xi32>
          %reduce_max3A_2407 = arith.xori %add3A_2380, %reduce_max3A_2406 : vector<16xi32>
          %reduce_max3A_2408 = tpu.scan <max>, %reduce_max3A_2407 masked %reduce_max3A_2404 : vector<16xi32>, vector<16xi1> -> vector<16xi32>
          %reduce_max3A_2409 = arith.xori %reduce_max3A_2408, %reduce_max3A_2406 : vector<16xi32>
          %reduce_max3A_2410 = vector.extract %reduce_max3A_2409[15] : i32 from vector<16xi32>
          %min3A = arith.constant 5 : i32
          %min3A_2411 = arith.minsi %reduce_max3A_2410, %min3A : i32
          %gather3A_2412 = tpu.vector_load_idx %arg14[%broadcast_in_dim3A_2355] : memref<64xf32, #tpu.memory_space<vmem>>[vector<16xi32>], vector<16xf32>,
          %broadcast_in_dim3A_2413 = vector.broadcast %add3A_2402 : f32 to vector<16xf32>
          %broadcast_in_dim3A_2414 = vector.broadcast %min3A_2411 : i32 to vector<16xi32>
          %convert_element_type3A_2415 = arith.sitofp %broadcast_in_dim3A_2414 : vector<16xi32> to vector<16xf32>
          %gt3A = arith.constant 0.000000e+00 : f32
          %gt3A_2416 = vector.broadcast %gt3A : f32 to vector<16xf32>
          %gt3A_2417 = arith.cmpf ogt, %convert_element_type3A_2415, %gt3A_2416 : vector<16xf32>
          %max3A = arith.constant 1.000000e+00 : f32
          %max3A_2418 = vector.broadcast %max3A : f32 to vector<16xf32>
          %max3A_2419 = arith.maximumf %convert_element_type3A_2415, %max3A_2418 : vector<16xf32>
          %div3A = arith.divf %broadcast_in_dim3A_2413, %max3A_2419 : vector<16xf32>
          %select_n3A_2420 = arith.select %gt3A_2417, %div3A, %gather3A_2412 : vector<16xi1>, vector<16xf32>
          %eq3A_2421 = vector.broadcast %reduce_max3A_2352 : i32 to vector<16xi32>
          %eq3A_2422 = arith.cmpi eq, %iota3A, %eq3A_2421 : vector<16xi32>
          %not3A = arith.constant dense<true> : vector<16xi1>
          %not3A_2423 = arith.xori %eq3A_2422, %not3A : vector<16xi1>
          %and3A_2424 = arith.andi %while3A_2344, %not3A_2423 : vector<16xi1>
          %select_n3A_2425 = arith.select %eq3A_2422, %select_n3A_2420, %while3A_2345 : vector<16xi1>, vector<16xf32>
          scf.yield %and3A_2424, %select_n3A_2425 : vector<16xi1>, vector<16xf32>
        }
        %while3A_2343:2 = scf.while (%while3A_2344 = %ne3A_51, %while3A_2345 = %select_n3A_61) : (vector<16xi1>, vector<16xf32>) -> (vector<16xi1>, vector<16xf32>) {
          %reduce_or3A_2346 = arith.constant 1.000000e+00 : f32
          %reduce_or3A_2347 = arith.constant 0.000000e+00 : f32
          %reduce_or3A_2348 = vector.broadcast %reduce_or3A_2346 : f32 to vector<16xf32>
          %reduce_or3A_2349 = vector.broadcast %reduce_or3A_2347 : f32 to vector<16xf32>
          %reduce_or3A_2350 = arith.select %while3A_2344, %reduce_or3A_2348, %reduce_or3A_2349 : vector<16xi1>, vector<16xf32>
          %reduce_or3A_2351 = arith.constant true
          %reduce_or3A_2352 = vector.broadcast %reduce_or3A_2351 : i1 to vector<16xi1>
          %reduce_or3A_2353 = tpu.scan <max>, %reduce_or3A_2350 masked %reduce_or3A_2352 : vector<16xf32>, vector<16xi1> -> vector<16xf32>
          %reduce_or3A_2354 = vector.extract %reduce_or3A_2353[15] : f32 from vector<16xf32>
          %reduce_or3A_2355 = arith.constant 0.000000e+00 : f32
          %reduce_or3A_2356 = arith.cmpf ogt, %reduce_or3A_2354, %reduce_or3A_2355 : f32
          scf.condition(%reduce_or3A_2356) %while3A_2344, %while3A_2345 : vector<16xi1>, vector<16xf32>
        } do {
        ^bb0(%while3A_2344: vector<16xi1>, %while3A_2345: vector<16xf32>):
          %all_reduce_ffs3A = tpu.all_reduce %while3A_2344 {dim = 0 : i64, kind = #tpu.reduction_kind<find_first_set>} : vector<16xi1> -> vector<16xi32>
          %reduce_max3A = arith.constant true
          %reduce_max3A_2346 = vector.broadcast %reduce_max3A : i1 to vector<16xi1>
          %reduce_max3A_2347 = arith.constant -2147483648 : i32
          %reduce_max3A_2348 = vector.broadcast %reduce_max3A_2347 : i32 to vector<16xi32>
          %reduce_max3A_2349 = arith.xori %all_reduce_ffs3A, %reduce_max3A_2348 : vector<16xi32>
          %reduce_max3A_2350 = tpu.scan <max>, %reduce_max3A_2349 masked %reduce_max3A_2346 : vector<16xi32>, vector<16xi1> -> vector<16xi32>
          %reduce_max3A_2351 = arith.xori %reduce_max3A_2350, %reduce_max3A_2348 : vector<16xi32>
          %reduce_max3A_2352 = vector.extract %reduce_max3A_2351[15] : i32 from vector<16xi32>
          %add3A_2353 = arith.constant 48 : i32
          %add3A_2354 = arith.addi %add3A_2353, %reduce_max3A_2352 : i32
          %broadcast_in_dim3A_2355 = vector.broadcast %add3A_2354 : i32 to vector<16xi32>
          %gather3A_2356 = tpu.vector_load_idx %arg13[%iota3A, %broadcast_in_dim3A_2355] : memref<32x128xf32, #tpu.memory_space<vmem>>[vector<16xi32>, vector<16xi32>], vector<16xf32>,
          %add3A_2357 = arith.constant 16 : i32
          %add3A_2358 = vector.broadcast %add3A_2357 : i32 to vector<16xi32>
          %add3A_2359 = arith.addi %iota3A, %add3A_2358 : vector<16xi32>
          %gather3A_2360 = tpu.vector_load_idx %arg13[%add3A_2359, %broadcast_in_dim3A_2355] : memref<32x128xf32, #tpu.memory_space<vmem>>[vector<16xi32>, vector<16xi32>], vector<16xf32>,
          %eq3A = arith.cmpf oeq, %gather3A_2356, %gather3A_2356 : vector<16xf32>
          %and3A_2361 = arith.andi %eq3A, %lt3A_2335 : vector<16xi1>
          %eq3A_2362 = arith.cmpf oeq, %gather3A_2360, %gather3A_2360 : vector<16xf32>
          %and3A_2363 = arith.andi %eq3A_2362, %lt3A_2337 : vector<16xi1>
          %convert_element_type3A_2364 = arith.extui %and3A_2361 : vector<16xi1> to vector<16xi32>
          %broadcast_in_dim3A_2365 = arith.constant true
          %broadcast_in_dim3A_2366 = vector.broadcast %broadcast_in_dim3A_2365 : i1 to vector<16xi1>
          %masked_cumsum3A = tpu.scan <sum>, %convert_element_type3A_2364 masked %broadcast_in_dim3A_2366 : vector<16xi32>, vector<16xi1> -> vector<16xi32>
          %reduce_max3A_2367 = arith.constant true
          %reduce_max3A_2368 = vector.broadcast %reduce_max3A_2367 : i1 to vector<16xi1>
          %reduce_max3A_2369 = arith.constant -2147483648 : i32
          %reduce_max3A_2370 = vector.broadcast %reduce_max3A_2369 : i32 to vector<16xi32>
          %reduce_max3A_2371 = arith.xori %masked_cumsum3A, %reduce_max3A_2370 : vector<16xi32>
          %reduce_max3A_2372 = tpu.scan <max>, %reduce_max3A_2371 masked %reduce_max3A_2368 : vector<16xi32>, vector<16xi1> -> vector<16xi32>
          %reduce_max3A_2373 = arith.xori %reduce_max3A_2372, %reduce_max3A_2370 : vector<16xi32>
          %reduce_max3A_2374 = vector.extract %reduce_max3A_2373[15] : i32 from vector<16xi32>
          %convert_element_type3A_2375 = arith.extui %and3A_2363 : vector<16xi1> to vector<16xi32>
          %broadcast_in_dim3A_2376 = arith.constant true
          %broadcast_in_dim3A_2377 = vector.broadcast %broadcast_in_dim3A_2376 : i1 to vector<16xi1>
          %masked_cumsum3A_2378 = tpu.scan <sum>, %convert_element_type3A_2375 masked %broadcast_in_dim3A_2377 : vector<16xi32>, vector<16xi1> -> vector<16xi32>
          %add3A_2379 = vector.broadcast %reduce_max3A_2374 : i32 to vector<16xi32>
          %add3A_2380 = arith.addi %masked_cumsum3A_2378, %add3A_2379 : vector<16xi32>
          %le3A_2381 = arith.constant 5 : i32
          %le3A_2382 = vector.broadcast %le3A_2381 : i32 to vector<16xi32>
          %le3A_2383 = arith.cmpi sle, %masked_cumsum3A, %le3A_2382 : vector<16xi32>
          %and3A_2384 = arith.andi %and3A_2361, %le3A_2383 : vector<16xi1>
          %le3A_2385 = arith.constant 5 : i32
          %le3A_2386 = vector.broadcast %le3A_2385 : i32 to vector<16xi32>
          %le3A_2387 = arith.cmpi sle, %add3A_2380, %le3A_2386 : vector<16xi32>
          %and3A_2388 = arith.andi %and3A_2363, %le3A_2387 : vector<16xi1>
          %jit3A_2389 = arith.constant 0.000000e+00 : f32
          %broadcast_in_dim3A_2390 = vector.broadcast %jit3A_2389 : f32 to vector<16xf32>
          %select_n3A_2391 = arith.select %and3A_2384, %gather3A_2356, %broadcast_in_dim3A_2390 : vector<16xi1>, vector<16xf32>
          %reduce_sum3A = arith.constant true
          %reduce_sum3A_2392 = vector.broadcast %reduce_sum3A : i1 to vector<16xi1>
          %reduce_sum3A_2393 = tpu.scan <sum>, %select_n3A_2391 masked %reduce_sum3A_2392 : vector<16xf32>, vector<16xi1> -> vector<16xf32>
          %reduce_sum3A_2394 = vector.extract %reduce_sum3A_2393[15] : f32 from vector<16xf32>
          %jit3A_2395 = arith.constant 0.000000e+00 : f32
          %broadcast_in_dim3A_2396 = vector.broadcast %jit3A_2395 : f32 to vector<16xf32>
          %select_n3A_2397 = arith.select %and3A_2388, %gather3A_2360, %broadcast_in_dim3A_2396 : vector<16xi1>, vector<16xf32>
          %reduce_sum3A_2398 = arith.constant true
          %reduce_sum3A_2399 = vector.broadcast %reduce_sum3A_2398 : i1 to vector<16xi1>
          %reduce_sum3A_2400 = tpu.scan <sum>, %select_n3A_2397 masked %reduce_sum3A_2399 : vector<16xf32>, vector<16xi1> -> vector<16xf32>
          %reduce_sum3A_2401 = vector.extract %reduce_sum3A_2400[15] : f32 from vector<16xf32>
          %add3A_2402 = arith.addf %reduce_sum3A_2394, %reduce_sum3A_2401 : f32
          %reduce_max3A_2403 = arith.constant true
          %reduce_max3A_2404 = vector.broadcast %reduce_max3A_2403 : i1 to vector<16xi1>
          %reduce_max3A_2405 = arith.constant -2147483648 : i32
          %reduce_max3A_2406 = vector.broadcast %reduce_max3A_2405 : i32 to vector<16xi32>
          %reduce_max3A_2407 = arith.xori %add3A_2380, %reduce_max3A_2406 : vector<16xi32>
          %reduce_max3A_2408 = tpu.scan <max>, %reduce_max3A_2407 masked %reduce_max3A_2404 : vector<16xi32>, vector<16xi1> -> vector<16xi32>
          %reduce_max3A_2409 = arith.xori %reduce_max3A_2408, %reduce_max3A_2406 : vector<16xi32>
          %reduce_max3A_2410 = vector.extract %reduce_max3A_2409[15] : i32 from vector<16xi32>
          %min3A = arith.constant 5 : i32
          %min3A_2411 = arith.minsi %reduce_max3A_2410, %min3A : i32
          %gather3A_2412 = tpu.vector_load_idx %arg14[%broadcast_in_dim3A_2355] : memref<64xf32, #tpu.memory_space<vmem>>[vector<16xi32>], vector<16xf32>,
          %broadcast_in_dim3A_2413 = vector.broadcast %add3A_2402 : f32 to vector<16xf32>
          %broadcast_in_dim3A_2414 = vector.broadcast %min3A_2411 : i32 to vector<16xi32>
          %convert_element_type3A_2415 = arith.sitofp %broadcast_in_dim3A_2414 : vector<16xi32> to vector<16xf32>
          %gt3A = arith.constant 0.000000e+00 : f32
          %gt3A_2416 = vector.broadcast %gt3A : f32 to vector<16xf32>
          %gt3A_2417 = arith.cmpf ogt, %convert_element_type3A_2415, %gt3A_2416 : vector<16xf32>
          %max3A = arith.constant 1.000000e+00 : f32
          %max3A_2418 = vector.broadcast %max3A : f32 to vector<16xf32>
          %max3A_2419 = arith.maximumf %convert_element_type3A_2415, %max3A_2418 : vector<16xf32>
          %div3A = arith.divf %broadcast_in_dim3A_2413, %max3A_2419 : vector<16xf32>
          %select_n3A_2420 = arith.select %gt3A_2417, %div3A, %gather3A_2412 : vector<16xi1>, vector<16xf32>
          %eq3A_2421 = vector.broadcast %reduce_max3A_2352 : i32 to vector<16xi32>
          %eq3A_2422 = arith.cmpi eq, %iota3A, %eq3A_2421 : vector<16xi32>
          %not3A = arith.constant dense<true> : vector<16xi1>
          %not3A_2423 = arith.xori %eq3A_2422, %not3A : vector<16xi1>
          %and3A_2424 = arith.andi %while3A_2344, %not3A_2423 : vector<16xi1>
          %select_n3A_2425 = arith.select %eq3A_2422, %select_n3A_2420, %while3A_2345 : vector<16xi1>, vector<16xf32>
          scf.yield %and3A_2424, %select_n3A_2425 : vector<16xi1>, vector<16xf32>
        }
        scf.yield %while3A#1, %while3A_2341#1, %while3A_2342#1, %while3A_2343#1 : vector<16xf32>, vector<16xf32>, vector<16xf32>, vector<16xf32>
      } else {
        scf.yield %select_n3A, %select_n3A_55, %select_n3A_58, %select_n3A_61 : vector<16xf32>, vector<16xf32>, vector<16xf32>, vector<16xf32>
      }
      %add3A_76 = arith.constant 0 : i32
      %add3A_77 = vector.broadcast %add3A_76 : i32 to vector<16xi32>
      %add3A_78 = arith.addi %iota3A, %add3A_77 : vector<16xi32>
      tpu.vector_store_idx %arg11[%broadcast_in_dim3A, %add3A_78], %cond3A_75#0 : memref<128x64xf32, #tpu.memory_space<vmem>>[vector<16xi32>, vector<16xi32>], vector<16xf32>,
      %add3A_79 = arith.constant 16 : i32
      %add3A_80 = vector.broadcast %add3A_79 : i32 to vector<16xi32>
      %add3A_81 = arith.addi %iota3A, %add3A_80 : vector<16xi32>
      tpu.vector_store_idx %arg11[%broadcast_in_dim3A, %add3A_81], %cond3A_75#1 : memref<128x64xf32, #tpu.memory_space<vmem>>[vector<16xi32>, vector<16xi32>], vector<16xf32>,
      %add3A_82 = arith.constant 32 : i32
      %add3A_83 = vector.broadcast %add3A_82 : i32 to vector<16xi32>
      %add3A_84 = arith.addi %iota3A, %add3A_83 : vector<16xi32>
      tpu.vector_store_idx %arg11[%broadcast_in_dim3A, %add3A_84], %cond3A_75#2 : memref<128x64xf32, #tpu.memory_space<vmem>>[vector<16xi32>, vector<16xi32>], vector<16xf32>,
      %add3A_85 = arith.constant 48 : i32
      %add3A_86 = vector.broadcast %add3A_85 : i32 to vector<16xi32>
      %add3A_87 = arith.addi %iota3A, %add3A_86 : vector<16xi32>
      tpu.vector_store_idx %arg11[%broadcast_in_dim3A, %add3A_87], %cond3A_75#3 : memref<128x64xf32, #tpu.memory_space<vmem>>[vector<16xi32>, vector<16xi32>], vector<16xf32>,
      %dma_wait3A_88 = arith.constant 0 : i32
      %dma_wait3A_89 = arith.constant 0 : i32
      %dma_wait3A_90 = tpu.memref_slice %arg2[%dma_wait3A_88, %dma_wait3A_89] : memref<4096x4096xf32, #tpu.memory_space<hbm>> -> memref<1x4096xf32, #tpu.memory_space<hbm>>
      %dma_wait3A_91 = tpu.memref_squeeze %dma_wait3A_90 : memref<1x4096xf32, #tpu.memory_space<hbm>> -> memref<4096xf32, #tpu.memory_space<hbm>>
      %dma_wait3A_92 = arith.constant 0 : i32
      %dma_wait3A_93 = tpu.memref_slice %arg2[%dma_wait3A_88, %dma_wait3A_92] : memref<4096x4096xf32, #tpu.memory_space<hbm>> -> memref<1x4096xf32, #tpu.memory_space<hbm>>
      %dma_wait3A_94 = tpu.memref_squeeze %dma_wait3A_93 : memref<1x4096xf32, #tpu.memory_space<hbm>> -> memref<4096xf32, #tpu.memory_space<hbm>>
      tpu.wait_dma2 semaphore(%arg17 : memref<!tpu.dma_semaphore, #tpu.memory_space<semaphore_mem>>) src(%dma_wait3A_94 : memref<4096xf32, #tpu.memory_space<hbm>>) dst(%arg9 : memref<4096xf32, #tpu.memory_space<vmem>>)
      %lt3A = arith.constant 63 : i32
      %lt3A_95 = arith.cmpi slt, %scan3A_15, %lt3A : i32
      %convert_element_type3A_96 = arith.extui %lt3A_95 : i1 to i32
      %cond3A_97 = arith.constant 0 : i32
      %cond3A_98 = arith.cmpi ne, %convert_element_type3A_96, %cond3A_97 : i32
      scf.if %cond3A_98 {
        %add3A_165 = arith.addi %mul3A_3, %mul3A_18 : i32
        %add3A_166 = arith.constant 2 : i32
        %add3A_167 = arith.addi %add3A_165, %add3A_166 : i32
        %dma_start3A_168 = arith.constant 0 : i32
        %dma_start3A_169 = tpu.memref_slice %arg2[%add3A_167, %dma_start3A_168] : memref<4096x4096xf32, #tpu.memory_space<hbm>> -> memref<1x4096xf32, #tpu.memory_space<hbm>>
        %dma_start3A_170 = tpu.memref_squeeze %dma_start3A_169 : memref<1x4096xf32, #tpu.memory_space<hbm>> -> memref<4096xf32, #tpu.memory_space<hbm>>
        %dma_start3A_171 = arith.constant 0 : i32
        %dma_start3A_172 = tpu.memref_slice %arg2[%add3A_167, %dma_start3A_171] : memref<4096x4096xf32, #tpu.memory_space<hbm>> -> memref<1x4096xf32, #tpu.memory_space<hbm>>
        %dma_start3A_173 = tpu.memref_squeeze %dma_start3A_172 : memref<1x4096xf32, #tpu.memory_space<hbm>> -> memref<4096xf32, #tpu.memory_space<hbm>>
        tpu.enqueue_dma source(%dma_start3A_173 : memref<4096xf32, #tpu.memory_space<hbm>>) target(%arg8 : memref<4096xf32, #tpu.memory_space<vmem>>) target_semaphore(%arg16 : memref<!tpu.dma_semaphore, #tpu.memory_space<semaphore_mem>>)
      } else {
      }
      %add3A_99 = arith.constant 1 : i32
      %add3A_100 = arith.addi %mul3A_18, %add3A_99 : i32
      %broadcast_in_dim3A_101 = vector.broadcast %add3A_100 : i32 to vector<16xi32>
      %add3A_102 = arith.constant 0 : i32
      %add3A_103 = vector.broadcast %add3A_102 : i32 to vector<16xi32>
      %add3A_104 = arith.addi %iota3A, %add3A_103 : vector<16xi32>
      %gather3A_105 = tpu.vector_load_idx %arg10[%broadcast_in_dim3A_101, %add3A_104] : memref<128x64xf32, #tpu.memory_space<vmem>>[vector<16xi32>, vector<16xi32>], vector<16xf32>,
      %add3A_106 = arith.constant 16 : i32
      %add3A_107 = vector.broadcast %add3A_106 : i32 to vector<16xi32>
      %add3A_108 = arith.addi %iota3A, %add3A_107 : vector<16xi32>
      %gather3A_109 = tpu.vector_load_idx %arg10[%broadcast_in_dim3A_101, %add3A_108] : memref<128x64xf32, #tpu.memory_space<vmem>>[vector<16xi32>, vector<16xi32>], vector<16xf32>,
      %add3A_110 = arith.constant 32 : i32
      %add3A_111 = vector.broadcast %add3A_110 : i32 to vector<16xi32>
      %add3A_112 = arith.addi %iota3A, %add3A_111 : vector<16xi32>
      %gather3A_113 = tpu.vector_load_idx %arg10[%broadcast_in_dim3A_101, %add3A_112] : memref<128x64xf32, #tpu.memory_space<vmem>>[vector<16xi32>, vector<16xi32>], vector<16xf32>,
      %add3A_114 = arith.constant 48 : i32
      %add3A_115 = vector.broadcast %add3A_114 : i32 to vector<16xi32>
      %add3A_116 = arith.addi %iota3A, %add3A_115 : vector<16xi32>
      %gather3A_117 = tpu.vector_load_idx %arg10[%broadcast_in_dim3A_101, %add3A_116] : memref<128x64xf32, #tpu.memory_space<vmem>>[vector<16xi32>, vector<16xi32>], vector<16xf32>,
      %ne3A_118 = arith.cmpf one, %gather3A_105, %gather3A_105 : vector<16xf32>
      %ne3A_119 = arith.cmpf one, %gather3A_109, %gather3A_109 : vector<16xf32>
      %ne3A_120 = arith.cmpf one, %gather3A_113, %gather3A_113 : vector<16xf32>
      %ne3A_121 = arith.cmpf one, %gather3A_117, %gather3A_117 : vector<16xf32>
      %jit3A_122 = arith.constant 0.000000e+00 : f32
      %broadcast_in_dim3A_123 = vector.broadcast %jit3A_122 : f32 to vector<16xf32>
      %select_n3A_124 = arith.select %ne3A_118, %broadcast_in_dim3A_123, %gather3A_105 : vector<16xi1>, vector<16xf32>
      %jit3A_125 = arith.constant 0.000000e+00 : f32
      %broadcast_in_dim3A_126 = vector.broadcast %jit3A_125 : f32 to vector<16xf32>
      %select_n3A_127 = arith.select %ne3A_119, %broadcast_in_dim3A_126, %gather3A_109 : vector<16xi1>, vector<16xf32>
      %jit3A_128 = arith.constant 0.000000e+00 : f32
      %broadcast_in_dim3A_129 = vector.broadcast %jit3A_128 : f32 to vector<16xf32>
      %select_n3A_130 = arith.select %ne3A_120, %broadcast_in_dim3A_129, %gather3A_113 : vector<16xi1>, vector<16xf32>
      %jit3A_131 = arith.constant 0.000000e+00 : f32
      %broadcast_in_dim3A_132 = vector.broadcast %jit3A_131 : f32 to vector<16xf32>
      %select_n3A_133 = arith.select %ne3A_121, %broadcast_in_dim3A_132, %gather3A_117 : vector<16xi1>, vector<16xf32>
      %or3A_134 = arith.ori %ne3A_118, %ne3A_119 : vector<16xi1>
      %or3A_135 = arith.ori %or3A_134, %ne3A_120 : vector<16xi1>
      %or3A_136 = arith.ori %or3A_135, %ne3A_121 : vector<16xi1>
      %reduce_or3A_137 = arith.constant 1.000000e+00 : f32
      %reduce_or3A_138 = arith.constant 0.000000e+00 : f32
      %reduce_or3A_139 = vector.broadcast %reduce_or3A_137 : f32 to vector<16xf32>
      %reduce_or3A_140 = vector.broadcast %reduce_or3A_138 : f32 to vector<16xf32>
      %reduce_or3A_141 = arith.select %or3A_136, %reduce_or3A_139, %reduce_or3A_140 : vector<16xi1>, vector<16xf32>
      %reduce_or3A_142 = arith.constant true
      %reduce_or3A_143 = vector.broadcast %reduce_or3A_142 : i1 to vector<16xi1>
      %reduce_or3A_144 = tpu.scan <max>, %reduce_or3A_141 masked %reduce_or3A_143 : vector<16xf32>, vector<16xi1> -> vector<16xf32>
      %reduce_or3A_145 = vector.extract %reduce_or3A_144[15] : f32 from vector<16xf32>
      %reduce_or3A_146 = arith.constant 0.000000e+00 : f32
      %reduce_or3A_147 = arith.cmpf ogt, %reduce_or3A_145, %reduce_or3A_146 : f32
      %convert_element_type3A_148 = arith.extui %reduce_or3A_147 : i1 to i32
      %cond3A_149 = arith.constant 0 : i32
      %cond3A_150 = arith.cmpi ne, %convert_element_type3A_148, %cond3A_149 : i32
      %cond3A_151:4 = scf.if %cond3A_150 -> (vector<16xf32>, vector<16xf32>, vector<16xf32>, vector<16xf32>) {
        %scan3A_165 = arith.constant 0 : i32
        %scan3A_166 = arith.constant 0 : i32
        %scan3A_167 = arith.constant 16 : i32
        %scan3A_168 = arith.addi %scan3A_166, %scan3A_167 : i32
        %scan3A_169 = arith.constant 1 : i32
        %scan3A_170 = scf.for %scan3A_2344 = %scan3A_166 to %scan3A_168 step %scan3A_169 iter_args(%scan3A_2345 = %scan3A_165) -> (i32)  : i32 {
          %mul3A_2346 = arith.constant 16 : i32
          %mul3A_2347 = arith.muli %scan3A_2344, %mul3A_2346 : i32
          %mul3A_2348 = arith.constant 16 : i32
          %mul3A_2349 = arith.muli %mul3A_2347, %mul3A_2348 : i32
          %add3A_2350 = arith.constant 0 : i32
          %add3A_2351 = arith.addi %mul3A_2349, %add3A_2350 : i32
          %get3A_2352 = arith.index_cast %add3A_2351 : i32 to index
          %get3A_2353 = tpu.vector_load %arg9[%get3A_2352] {strides = array<i32>} : memref<4096xf32, #tpu.memory_space<vmem>>, vector<16xf32>,
          %mul3A_2354 = arith.constant 16 : i32
          %mul3A_2355 = arith.muli %scan3A_2344, %mul3A_2354 : i32
          %mul3A_2356 = arith.constant 16 : i32
          %mul3A_2357 = arith.muli %mul3A_2355, %mul3A_2356 : i32
          %add3A_2358 = arith.constant 16 : i32
          %add3A_2359 = arith.addi %mul3A_2357, %add3A_2358 : i32
          %get3A_2360 = arith.index_cast %add3A_2359 : i32 to index
          %get3A_2361 = tpu.vector_load %arg9[%get3A_2360] {strides = array<i32>} : memref<4096xf32, #tpu.memory_space<vmem>>, vector<16xf32>,
          %mul3A_2362 = arith.constant 16 : i32
          %mul3A_2363 = arith.muli %scan3A_2344, %mul3A_2362 : i32
          %mul3A_2364 = arith.constant 16 : i32
          %mul3A_2365 = arith.muli %mul3A_2363, %mul3A_2364 : i32
          %add3A_2366 = arith.constant 32 : i32
          %add3A_2367 = arith.addi %mul3A_2365, %add3A_2366 : i32
          %get3A_2368 = arith.index_cast %add3A_2367 : i32 to index
          %get3A_2369 = tpu.vector_load %arg9[%get3A_2368] {strides = array<i32>} : memref<4096xf32, #tpu.memory_space<vmem>>, vector<16xf32>,
          %mul3A_2370 = arith.constant 16 : i32
          %mul3A_2371 = arith.muli %scan3A_2344, %mul3A_2370 : i32
          %mul3A_2372 = arith.constant 16 : i32
          %mul3A_2373 = arith.muli %mul3A_2371, %mul3A_2372 : i32
          %add3A_2374 = arith.constant 48 : i32
          %add3A_2375 = arith.addi %mul3A_2373, %add3A_2374 : i32
          %get3A_2376 = arith.index_cast %add3A_2375 : i32 to index
          %get3A_2377 = tpu.vector_load %arg9[%get3A_2376] {strides = array<i32>} : memref<4096xf32, #tpu.memory_space<vmem>>, vector<16xf32>,
          %mul3A_2378 = arith.constant 16 : i32
          %mul3A_2379 = arith.muli %scan3A_2344, %mul3A_2378 : i32
          %mul3A_2380 = arith.constant 16 : i32
          %mul3A_2381 = arith.muli %mul3A_2379, %mul3A_2380 : i32
          %add3A_2382 = arith.constant 64 : i32
          %add3A_2383 = arith.addi %mul3A_2381, %add3A_2382 : i32
          %get3A_2384 = arith.index_cast %add3A_2383 : i32 to index
          %get3A_2385 = tpu.vector_load %arg9[%get3A_2384] {strides = array<i32>} : memref<4096xf32, #tpu.memory_space<vmem>>, vector<16xf32>,
          %mul3A_2386 = arith.constant 16 : i32
          %mul3A_2387 = arith.muli %scan3A_2344, %mul3A_2386 : i32
          %mul3A_2388 = arith.constant 16 : i32
          %mul3A_2389 = arith.muli %mul3A_2387, %mul3A_2388 : i32
          %add3A_2390 = arith.constant 80 : i32
          %add3A_2391 = arith.addi %mul3A_2389, %add3A_2390 : i32
          %get3A_2392 = arith.index_cast %add3A_2391 : i32 to index
          %get3A_2393 = tpu.vector_load %arg9[%get3A_2392] {strides = array<i32>} : memref<4096xf32, #tpu.memory_space<vmem>>, vector<16xf32>,
          %mul3A_2394 = arith.constant 16 : i32
          %mul3A_2395 = arith.muli %scan3A_2344, %mul3A_2394 : i32
          %mul3A_2396 = arith.constant 16 : i32
          %mul3A_2397 = arith.muli %mul3A_2395, %mul3A_2396 : i32
          %add3A_2398 = arith.constant 96 : i32
          %add3A_2399 = arith.addi %mul3A_2397, %add3A_2398 : i32
          %get3A_2400 = arith.index_cast %add3A_2399 : i32 to index
          %get3A_2401 = tpu.vector_load %arg9[%get3A_2400] {strides = array<i32>} : memref<4096xf32, #tpu.memory_space<vmem>>, vector<16xf32>,
          %mul3A_2402 = arith.constant 16 : i32
          %mul3A_2403 = arith.muli %scan3A_2344, %mul3A_2402 : i32
          %mul3A_2404 = arith.constant 16 : i32
          %mul3A_2405 = arith.muli %mul3A_2403, %mul3A_2404 : i32
          %add3A_2406 = arith.constant 112 : i32
          %add3A_2407 = arith.addi %mul3A_2405, %add3A_2406 : i32
          %get3A_2408 = arith.index_cast %add3A_2407 : i32 to index
          %get3A_2409 = tpu.vector_load %arg9[%get3A_2408] {strides = array<i32>} : memref<4096xf32, #tpu.memory_space<vmem>>, vector<16xf32>,
          %mul3A_2410 = arith.constant 16 : i32
          %mul3A_2411 = arith.muli %scan3A_2344, %mul3A_2410 : i32
          %mul3A_2412 = arith.constant 16 : i32
          %mul3A_2413 = arith.muli %mul3A_2411, %mul3A_2412 : i32
          %add3A_2414 = arith.constant 128 : i32
          %add3A_2415 = arith.addi %mul3A_2413, %add3A_2414 : i32
          %get3A_2416 = arith.index_cast %add3A_2415 : i32 to index
          %get3A_2417 = tpu.vector_load %arg9[%get3A_2416] {strides = array<i32>} : memref<4096xf32, #tpu.memory_space<vmem>>, vector<16xf32>,
          %mul3A_2418 = arith.constant 16 : i32
          %mul3A_2419 = arith.muli %scan3A_2344, %mul3A_2418 : i32
          %mul3A_2420 = arith.constant 16 : i32
          %mul3A_2421 = arith.muli %mul3A_2419, %mul3A_2420 : i32
          %add3A_2422 = arith.constant 144 : i32
          %add3A_2423 = arith.addi %mul3A_2421, %add3A_2422 : i32
          %get3A_2424 = arith.index_cast %add3A_2423 : i32 to index
          %get3A_2425 = tpu.vector_load %arg9[%get3A_2424] {strides = array<i32>} : memref<4096xf32, #tpu.memory_space<vmem>>, vector<16xf32>,
          %mul3A_2426 = arith.constant 16 : i32
          %mul3A_2427 = arith.muli %scan3A_2344, %mul3A_2426 : i32
          %mul3A_2428 = arith.constant 16 : i32
          %mul3A_2429 = arith.muli %mul3A_2427, %mul3A_2428 : i32
          %add3A_2430 = arith.constant 160 : i32
          %add3A_2431 = arith.addi %mul3A_2429, %add3A_2430 : i32
          %get3A_2432 = arith.index_cast %add3A_2431 : i32 to index
          %get3A_2433 = tpu.vector_load %arg9[%get3A_2432] {strides = array<i32>} : memref<4096xf32, #tpu.memory_space<vmem>>, vector<16xf32>,
          %mul3A_2434 = arith.constant 16 : i32
          %mul3A_2435 = arith.muli %scan3A_2344, %mul3A_2434 : i32
          %mul3A_2436 = arith.constant 16 : i32
          %mul3A_2437 = arith.muli %mul3A_2435, %mul3A_2436 : i32
          %add3A_2438 = arith.constant 176 : i32
          %add3A_2439 = arith.addi %mul3A_2437, %add3A_2438 : i32
          %get3A_2440 = arith.index_cast %add3A_2439 : i32 to index
          %get3A_2441 = tpu.vector_load %arg9[%get3A_2440] {strides = array<i32>} : memref<4096xf32, #tpu.memory_space<vmem>>, vector<16xf32>,
          %mul3A_2442 = arith.constant 16 : i32
          %mul3A_2443 = arith.muli %scan3A_2344, %mul3A_2442 : i32
          %mul3A_2444 = arith.constant 16 : i32
          %mul3A_2445 = arith.muli %mul3A_2443, %mul3A_2444 : i32
          %add3A_2446 = arith.constant 192 : i32
          %add3A_2447 = arith.addi %mul3A_2445, %add3A_2446 : i32
          %get3A_2448 = arith.index_cast %add3A_2447 : i32 to index
          %get3A_2449 = tpu.vector_load %arg9[%get3A_2448] {strides = array<i32>} : memref<4096xf32, #tpu.memory_space<vmem>>, vector<16xf32>,
          %mul3A_2450 = arith.constant 16 : i32
          %mul3A_2451 = arith.muli %scan3A_2344, %mul3A_2450 : i32
          %mul3A_2452 = arith.constant 16 : i32
          %mul3A_2453 = arith.muli %mul3A_2451, %mul3A_2452 : i32
          %add3A_2454 = arith.constant 208 : i32
          %add3A_2455 = arith.addi %mul3A_2453, %add3A_2454 : i32
          %get3A_2456 = arith.index_cast %add3A_2455 : i32 to index
          %get3A_2457 = tpu.vector_load %arg9[%get3A_2456] {strides = array<i32>} : memref<4096xf32, #tpu.memory_space<vmem>>, vector<16xf32>,
          %mul3A_2458 = arith.constant 16 : i32
          %mul3A_2459 = arith.muli %scan3A_2344, %mul3A_2458 : i32
          %mul3A_2460 = arith.constant 16 : i32
          %mul3A_2461 = arith.muli %mul3A_2459, %mul3A_2460 : i32
          %add3A_2462 = arith.constant 224 : i32
          %add3A_2463 = arith.addi %mul3A_2461, %add3A_2462 : i32
          %get3A_2464 = arith.index_cast %add3A_2463 : i32 to index
          %get3A_2465 = tpu.vector_load %arg9[%get3A_2464] {strides = array<i32>} : memref<4096xf32, #tpu.memory_space<vmem>>, vector<16xf32>,
          %mul3A_2466 = arith.constant 16 : i32
          %mul3A_2467 = arith.muli %scan3A_2344, %mul3A_2466 : i32
          %mul3A_2468 = arith.constant 16 : i32
          %mul3A_2469 = arith.muli %mul3A_2467, %mul3A_2468 : i32
          %add3A_2470 = arith.constant 240 : i32
          %add3A_2471 = arith.addi %mul3A_2469, %add3A_2470 : i32
          %get3A_2472 = arith.index_cast %add3A_2471 : i32 to index
          %get3A_2473 = tpu.vector_load %arg9[%get3A_2472] {strides = array<i32>} : memref<4096xf32, #tpu.memory_space<vmem>>, vector<16xf32>,
          %min3A = arith.minimumf %get3A_2353, %get3A_2361 : vector<16xf32>
          %min3A_2474 = arith.minimumf %get3A_2369, %get3A_2377 : vector<16xf32>
          %min3A_2475 = arith.minimumf %get3A_2385, %get3A_2393 : vector<16xf32>
          %min3A_2476 = arith.minimumf %get3A_2401, %get3A_2409 : vector<16xf32>
          %min3A_2477 = arith.minimumf %get3A_2417, %get3A_2425 : vector<16xf32>
          %min3A_2478 = arith.minimumf %get3A_2433, %get3A_2441 : vector<16xf32>
          %min3A_2479 = arith.minimumf %get3A_2449, %get3A_2457 : vector<16xf32>
          %min3A_2480 = arith.minimumf %get3A_2465, %get3A_2473 : vector<16xf32>
          %min3A_2481 = arith.minimumf %min3A, %min3A_2474 : vector<16xf32>
          %min3A_2482 = arith.minimumf %min3A_2475, %min3A_2476 : vector<16xf32>
          %min3A_2483 = arith.minimumf %min3A_2477, %min3A_2478 : vector<16xf32>
          %min3A_2484 = arith.minimumf %min3A_2479, %min3A_2480 : vector<16xf32>
          %min3A_2485 = arith.minimumf %min3A_2481, %min3A_2482 : vector<16xf32>
          %min3A_2486 = arith.minimumf %min3A_2483, %min3A_2484 : vector<16xf32>
          %min3A_2487 = arith.minimumf %min3A_2485, %min3A_2486 : vector<16xf32>
          %mul3A_2488 = arith.constant 16 : i32
          %mul3A_2489 = arith.muli %scan3A_2344, %mul3A_2488 : i32
          %swap3A_2490 = arith.index_cast %mul3A_2489 : i32 to index
          %swap3A_2491 = tpu.vector_load %arg15[%swap3A_2490] {strides = array<i32>} : memref<256xf32, #tpu.memory_space<vmem>>, vector<16xf32>,
          tpu.vector_store %arg15[%swap3A_2490], %min3A_2487 {strides = array<i32>} : memref<256xf32, #tpu.memory_space<vmem>>, vector<16xf32>,
          %scan3A_2492 = arith.constant 0 : i32
          scf.yield %scan3A_2492 : i32
        }
        %scan3A_171 = arith.constant 16 : i32
        %get3A_172 = arith.constant 0 : index
        %get3A_173 = tpu.vector_load %arg15[%get3A_172] {strides = array<i32>} : memref<256xf32, #tpu.memory_space<vmem>>, vector<16xf32>,
        %add3A_174 = arith.constant 0 : i32
        %add3A_175 = vector.broadcast %add3A_174 : i32 to vector<16xi32>
        %add3A_176 = arith.addi %iota3A, %add3A_175 : vector<16xi32>
        %masked_sort3A = arith.constant dense<true> : vector<16xi1>
        %masked_sort3A_177, %masked_sort3A_178, %masked_sort3A_179 = tpu.sort %get3A_173, %add3A_176 masked %masked_sort3A : (vector<16xf32>, vector<16xi32>, vector<16xi1>) -> (vector<16xi1>, vector<16xf32>, vector<16xi32>)
        %get3A_180 = arith.constant 16 : index
        %get3A_181 = tpu.vector_load %arg15[%get3A_180] {strides = array<i32>} : memref<256xf32, #tpu.memory_space<vmem>>, vector<16xf32>,
        %add3A_182 = arith.constant 16 : i32
        %add3A_183 = vector.broadcast %add3A_182 : i32 to vector<16xi32>
        %add3A_184 = arith.addi %iota3A, %add3A_183 : vector<16xi32>
        %masked_sort3A_185 = arith.constant dense<true> : vector<16xi1>
        %masked_sort3A_186, %masked_sort3A_187, %masked_sort3A_188 = tpu.sort %get3A_181, %add3A_184 masked %masked_sort3A_185 : (vector<16xf32>, vector<16xi32>, vector<16xi1>) -> (vector<16xi1>, vector<16xf32>, vector<16xi32>)
        %get3A_189 = arith.constant 32 : index
        %get3A_190 = tpu.vector_load %arg15[%get3A_189] {strides = array<i32>} : memref<256xf32, #tpu.memory_space<vmem>>, vector<16xf32>,
        %add3A_191 = arith.constant 32 : i32
        %add3A_192 = vector.broadcast %add3A_191 : i32 to vector<16xi32>
        %add3A_193 = arith.addi %iota3A, %add3A_192 : vector<16xi32>
        %masked_sort3A_194 = arith.constant dense<true> : vector<16xi1>
        %masked_sort3A_195, %masked_sort3A_196, %masked_sort3A_197 = tpu.sort %get3A_190, %add3A_193 masked %masked_sort3A_194 : (vector<16xf32>, vector<16xi32>, vector<16xi1>) -> (vector<16xi1>, vector<16xf32>, vector<16xi32>)
        %get3A_198 = arith.constant 48 : index
        %get3A_199 = tpu.vector_load %arg15[%get3A_198] {strides = array<i32>} : memref<256xf32, #tpu.memory_space<vmem>>, vector<16xf32>,
        %add3A_200 = arith.constant 48 : i32
        %add3A_201 = vector.broadcast %add3A_200 : i32 to vector<16xi32>
        %add3A_202 = arith.addi %iota3A, %add3A_201 : vector<16xi32>
        %masked_sort3A_203 = arith.constant dense<true> : vector<16xi1>
        %masked_sort3A_204, %masked_sort3A_205, %masked_sort3A_206 = tpu.sort %get3A_199, %add3A_202 masked %masked_sort3A_203 : (vector<16xf32>, vector<16xi32>, vector<16xi1>) -> (vector<16xi1>, vector<16xf32>, vector<16xi32>)
        %get3A_207 = arith.constant 64 : index
        %get3A_208 = tpu.vector_load %arg15[%get3A_207] {strides = array<i32>} : memref<256xf32, #tpu.memory_space<vmem>>, vector<16xf32>,
        %add3A_209 = arith.constant 64 : i32
        %add3A_210 = vector.broadcast %add3A_209 : i32 to vector<16xi32>
        %add3A_211 = arith.addi %iota3A, %add3A_210 : vector<16xi32>
        %masked_sort3A_212 = arith.constant dense<true> : vector<16xi1>
        %masked_sort3A_213, %masked_sort3A_214, %masked_sort3A_215 = tpu.sort %get3A_208, %add3A_211 masked %masked_sort3A_212 : (vector<16xf32>, vector<16xi32>, vector<16xi1>) -> (vector<16xi1>, vector<16xf32>, vector<16xi32>)
        %get3A_216 = arith.constant 80 : index
        %get3A_217 = tpu.vector_load %arg15[%get3A_216] {strides = array<i32>} : memref<256xf32, #tpu.memory_space<vmem>>, vector<16xf32>,
        %add3A_218 = arith.constant 80 : i32
        %add3A_219 = vector.broadcast %add3A_218 : i32 to vector<16xi32>
        %add3A_220 = arith.addi %iota3A, %add3A_219 : vector<16xi32>
        %masked_sort3A_221 = arith.constant dense<true> : vector<16xi1>
        %masked_sort3A_222, %masked_sort3A_223, %masked_sort3A_224 = tpu.sort %get3A_217, %add3A_220 masked %masked_sort3A_221 : (vector<16xf32>, vector<16xi32>, vector<16xi1>) -> (vector<16xi1>, vector<16xf32>, vector<16xi32>)
        %get3A_225 = arith.constant 96 : index
        %get3A_226 = tpu.vector_load %arg15[%get3A_225] {strides = array<i32>} : memref<256xf32, #tpu.memory_space<vmem>>, vector<16xf32>,
        %add3A_227 = arith.constant 96 : i32
        %add3A_228 = vector.broadcast %add3A_227 : i32 to vector<16xi32>
        %add3A_229 = arith.addi %iota3A, %add3A_228 : vector<16xi32>
        %masked_sort3A_230 = arith.constant dense<true> : vector<16xi1>
        %masked_sort3A_231, %masked_sort3A_232, %masked_sort3A_233 = tpu.sort %get3A_226, %add3A_229 masked %masked_sort3A_230 : (vector<16xf32>, vector<16xi32>, vector<16xi1>) -> (vector<16xi1>, vector<16xf32>, vector<16xi32>)
        %get3A_234 = arith.constant 112 : index
        %get3A_235 = tpu.vector_load %arg15[%get3A_234] {strides = array<i32>} : memref<256xf32, #tpu.memory_space<vmem>>, vector<16xf32>,
        %add3A_236 = arith.constant 112 : i32
        %add3A_237 = vector.broadcast %add3A_236 : i32 to vector<16xi32>
        %add3A_238 = arith.addi %iota3A, %add3A_237 : vector<16xi32>
        %masked_sort3A_239 = arith.constant dense<true> : vector<16xi1>
        %masked_sort3A_240, %masked_sort3A_241, %masked_sort3A_242 = tpu.sort %get3A_235, %add3A_238 masked %masked_sort3A_239 : (vector<16xf32>, vector<16xi32>, vector<16xi1>) -> (vector<16xi1>, vector<16xf32>, vector<16xi32>)
        %get3A_243 = arith.constant 128 : index
        %get3A_244 = tpu.vector_load %arg15[%get3A_243] {strides = array<i32>} : memref<256xf32, #tpu.memory_space<vmem>>, vector<16xf32>,
        %add3A_245 = arith.constant 128 : i32
        %add3A_246 = vector.broadcast %add3A_245 : i32 to vector<16xi32>
        %add3A_247 = arith.addi %iota3A, %add3A_246 : vector<16xi32>
        %masked_sort3A_248 = arith.constant dense<true> : vector<16xi1>
        %masked_sort3A_249, %masked_sort3A_250, %masked_sort3A_251 = tpu.sort %get3A_244, %add3A_247 masked %masked_sort3A_248 : (vector<16xf32>, vector<16xi32>, vector<16xi1>) -> (vector<16xi1>, vector<16xf32>, vector<16xi32>)
        %get3A_252 = arith.constant 144 : index
        %get3A_253 = tpu.vector_load %arg15[%get3A_252] {strides = array<i32>} : memref<256xf32, #tpu.memory_space<vmem>>, vector<16xf32>,
        %add3A_254 = arith.constant 144 : i32
        %add3A_255 = vector.broadcast %add3A_254 : i32 to vector<16xi32>
        %add3A_256 = arith.addi %iota3A, %add3A_255 : vector<16xi32>
        %masked_sort3A_257 = arith.constant dense<true> : vector<16xi1>
        %masked_sort3A_258, %masked_sort3A_259, %masked_sort3A_260 = tpu.sort %get3A_253, %add3A_256 masked %masked_sort3A_257 : (vector<16xf32>, vector<16xi32>, vector<16xi1>) -> (vector<16xi1>, vector<16xf32>, vector<16xi32>)
        %get3A_261 = arith.constant 160 : index
        %get3A_262 = tpu.vector_load %arg15[%get3A_261] {strides = array<i32>} : memref<256xf32, #tpu.memory_space<vmem>>, vector<16xf32>,
        %add3A_263 = arith.constant 160 : i32
        %add3A_264 = vector.broadcast %add3A_263 : i32 to vector<16xi32>
        %add3A_265 = arith.addi %iota3A, %add3A_264 : vector<16xi32>
        %masked_sort3A_266 = arith.constant dense<true> : vector<16xi1>
        %masked_sort3A_267, %masked_sort3A_268, %masked_sort3A_269 = tpu.sort %get3A_262, %add3A_265 masked %masked_sort3A_266 : (vector<16xf32>, vector<16xi32>, vector<16xi1>) -> (vector<16xi1>, vector<16xf32>, vector<16xi32>)
        %get3A_270 = arith.constant 176 : index
        %get3A_271 = tpu.vector_load %arg15[%get3A_270] {strides = array<i32>} : memref<256xf32, #tpu.memory_space<vmem>>, vector<16xf32>,
        %add3A_272 = arith.constant 176 : i32
        %add3A_273 = vector.broadcast %add3A_272 : i32 to vector<16xi32>
        %add3A_274 = arith.addi %iota3A, %add3A_273 : vector<16xi32>
        %masked_sort3A_275 = arith.constant dense<true> : vector<16xi1>
        %masked_sort3A_276, %masked_sort3A_277, %masked_sort3A_278 = tpu.sort %get3A_271, %add3A_274 masked %masked_sort3A_275 : (vector<16xf32>, vector<16xi32>, vector<16xi1>) -> (vector<16xi1>, vector<16xf32>, vector<16xi32>)
        %get3A_279 = arith.constant 192 : index
        %get3A_280 = tpu.vector_load %arg15[%get3A_279] {strides = array<i32>} : memref<256xf32, #tpu.memory_space<vmem>>, vector<16xf32>,
        %add3A_281 = arith.constant 192 : i32
        %add3A_282 = vector.broadcast %add3A_281 : i32 to vector<16xi32>
        %add3A_283 = arith.addi %iota3A, %add3A_282 : vector<16xi32>
        %masked_sort3A_284 = arith.constant dense<true> : vector<16xi1>
        %masked_sort3A_285, %masked_sort3A_286, %masked_sort3A_287 = tpu.sort %get3A_280, %add3A_283 masked %masked_sort3A_284 : (vector<16xf32>, vector<16xi32>, vector<16xi1>) -> (vector<16xi1>, vector<16xf32>, vector<16xi32>)
        %get3A_288 = arith.constant 208 : index
        %get3A_289 = tpu.vector_load %arg15[%get3A_288] {strides = array<i32>} : memref<256xf32, #tpu.memory_space<vmem>>, vector<16xf32>,
        %add3A_290 = arith.constant 208 : i32
        %add3A_291 = vector.broadcast %add3A_290 : i32 to vector<16xi32>
        %add3A_292 = arith.addi %iota3A, %add3A_291 : vector<16xi32>
        %masked_sort3A_293 = arith.constant dense<true> : vector<16xi1>
        %masked_sort3A_294, %masked_sort3A_295, %masked_sort3A_296 = tpu.sort %get3A_289, %add3A_292 masked %masked_sort3A_293 : (vector<16xf32>, vector<16xi32>, vector<16xi1>) -> (vector<16xi1>, vector<16xf32>, vector<16xi32>)
        %get3A_297 = arith.constant 224 : index
        %get3A_298 = tpu.vector_load %arg15[%get3A_297] {strides = array<i32>} : memref<256xf32, #tpu.memory_space<vmem>>, vector<16xf32>,
        %add3A_299 = arith.constant 224 : i32
        %add3A_300 = vector.broadcast %add3A_299 : i32 to vector<16xi32>
        %add3A_301 = arith.addi %iota3A, %add3A_300 : vector<16xi32>
        %masked_sort3A_302 = arith.constant dense<true> : vector<16xi1>
        %masked_sort3A_303, %masked_sort3A_304, %masked_sort3A_305 = tpu.sort %get3A_298, %add3A_301 masked %masked_sort3A_302 : (vector<16xf32>, vector<16xi32>, vector<16xi1>) -> (vector<16xi1>, vector<16xf32>, vector<16xi32>)
        %get3A_306 = arith.constant 240 : index
        %get3A_307 = tpu.vector_load %arg15[%get3A_306] {strides = array<i32>} : memref<256xf32, #tpu.memory_space<vmem>>, vector<16xf32>,
        %add3A_308 = arith.constant 240 : i32
        %add3A_309 = vector.broadcast %add3A_308 : i32 to vector<16xi32>
        %add3A_310 = arith.addi %iota3A, %add3A_309 : vector<16xi32>
        %masked_sort3A_311 = arith.constant dense<true> : vector<16xi1>
        %masked_sort3A_312, %masked_sort3A_313, %masked_sort3A_314 = tpu.sort %get3A_307, %add3A_310 masked %masked_sort3A_311 : (vector<16xf32>, vector<16xi32>, vector<16xi1>) -> (vector<16xi1>, vector<16xf32>, vector<16xi32>)
        %rev3A = arith.constant 15 : i32
        %rev3A_315 = vector.broadcast %rev3A : i32 to vector<16xi32>
        %rev3A_316 = tpu.iota {dimensions = array<i32: 0>} : vector<16xi32>
        %rev3A_317 = arith.subi %rev3A_315, %rev3A_316 : vector<16xi32>
        %rev3A_318 = tpu.dynamic_gather %masked_sort3A_187[%rev3A_317] in [0] : vector<16xf32>, vector<16xi32> -> vector<16xf32>
        %rev3A_319 = arith.constant 15 : i32
        %rev3A_320 = vector.broadcast %rev3A_319 : i32 to vector<16xi32>
        %rev3A_321 = tpu.iota {dimensions = array<i32: 0>} : vector<16xi32>
        %rev3A_322 = arith.subi %rev3A_320, %rev3A_321 : vector<16xi32>
        %rev3A_323 = tpu.dynamic_gather %masked_sort3A_188[%rev3A_322] in [0] : vector<16xi32>, vector<16xi32> -> vector<16xi32>
        %le3A = arith.cmpf ole, %masked_sort3A_178, %rev3A_318 : vector<16xf32>
        %select_n3A_324 = arith.select %le3A, %masked_sort3A_178, %rev3A_318 : vector<16xi1>, vector<16xf32>
        %select_n3A_325 = arith.select %le3A, %masked_sort3A_179, %rev3A_323 : vector<16xi1>, vector<16xi32>
        %select_n3A_326 = arith.select %le3A, %rev3A_318, %masked_sort3A_178 : vector<16xi1>, vector<16xf32>
        %select_n3A_327 = arith.select %le3A, %rev3A_323, %masked_sort3A_179 : vector<16xi1>, vector<16xi32>
        %masked_sort3A_328 = arith.constant dense<true> : vector<16xi1>
        %masked_sort3A_329, %masked_sort3A_330, %masked_sort3A_331 = tpu.sort %select_n3A_324, %select_n3A_325 masked %masked_sort3A_328 : (vector<16xf32>, vector<16xi32>, vector<16xi1>) -> (vector<16xi1>, vector<16xf32>, vector<16xi32>)
        %masked_sort3A_332 = arith.constant dense<true> : vector<16xi1>
        %masked_sort3A_333, %masked_sort3A_334, %masked_sort3A_335 = tpu.sort %select_n3A_326, %select_n3A_327 masked %masked_sort3A_332 : (vector<16xf32>, vector<16xi32>, vector<16xi1>) -> (vector<16xi1>, vector<16xf32>, vector<16xi32>)
        %rev3A_336 = arith.constant 15 : i32
        %rev3A_337 = vector.broadcast %rev3A_336 : i32 to vector<16xi32>
        %rev3A_338 = tpu.iota {dimensions = array<i32: 0>} : vector<16xi32>
        %rev3A_339 = arith.subi %rev3A_337, %rev3A_338 : vector<16xi32>
        %rev3A_340 = tpu.dynamic_gather %masked_sort3A_205[%rev3A_339] in [0] : vector<16xf32>, vector<16xi32> -> vector<16xf32>
        %rev3A_341 = arith.constant 15 : i32
        %rev3A_342 = vector.broadcast %rev3A_341 : i32 to vector<16xi32>
        %rev3A_343 = tpu.iota {dimensions = array<i32: 0>} : vector<16xi32>
        %rev3A_344 = arith.subi %rev3A_342, %rev3A_343 : vector<16xi32>
        %rev3A_345 = tpu.dynamic_gather %masked_sort3A_206[%rev3A_344] in [0] : vector<16xi32>, vector<16xi32> -> vector<16xi32>
        %le3A_346 = arith.cmpf ole, %masked_sort3A_196, %rev3A_340 : vector<16xf32>
        %select_n3A_347 = arith.select %le3A_346, %masked_sort3A_196, %rev3A_340 : vector<16xi1>, vector<16xf32>
        %select_n3A_348 = arith.select %le3A_346, %masked_sort3A_197, %rev3A_345 : vector<16xi1>, vector<16xi32>
        %select_n3A_349 = arith.select %le3A_346, %rev3A_340, %masked_sort3A_196 : vector<16xi1>, vector<16xf32>
        %select_n3A_350 = arith.select %le3A_346, %rev3A_345, %masked_sort3A_197 : vector<16xi1>, vector<16xi32>
        %masked_sort3A_351 = arith.constant dense<true> : vector<16xi1>
        %masked_sort3A_352, %masked_sort3A_353, %masked_sort3A_354 = tpu.sort %select_n3A_347, %select_n3A_348 masked %masked_sort3A_351 : (vector<16xf32>, vector<16xi32>, vector<16xi1>) -> (vector<16xi1>, vector<16xf32>, vector<16xi32>)
        %masked_sort3A_355 = arith.constant dense<true> : vector<16xi1>
        %masked_sort3A_356, %masked_sort3A_357, %masked_sort3A_358 = tpu.sort %select_n3A_349, %select_n3A_350 masked %masked_sort3A_355 : (vector<16xf32>, vector<16xi32>, vector<16xi1>) -> (vector<16xi1>, vector<16xf32>, vector<16xi32>)
        %rev3A_359 = arith.constant 15 : i32
        %rev3A_360 = vector.broadcast %rev3A_359 : i32 to vector<16xi32>
        %rev3A_361 = tpu.iota {dimensions = array<i32: 0>} : vector<16xi32>
        %rev3A_362 = arith.subi %rev3A_360, %rev3A_361 : vector<16xi32>
        %rev3A_363 = tpu.dynamic_gather %masked_sort3A_223[%rev3A_362] in [0] : vector<16xf32>, vector<16xi32> -> vector<16xf32>
        %rev3A_364 = arith.constant 15 : i32
        %rev3A_365 = vector.broadcast %rev3A_364 : i32 to vector<16xi32>
        %rev3A_366 = tpu.iota {dimensions = array<i32: 0>} : vector<16xi32>
        %rev3A_367 = arith.subi %rev3A_365, %rev3A_366 : vector<16xi32>
        %rev3A_368 = tpu.dynamic_gather %masked_sort3A_224[%rev3A_367] in [0] : vector<16xi32>, vector<16xi32> -> vector<16xi32>
        %le3A_369 = arith.cmpf ole, %masked_sort3A_214, %rev3A_363 : vector<16xf32>
        %select_n3A_370 = arith.select %le3A_369, %masked_sort3A_214, %rev3A_363 : vector<16xi1>, vector<16xf32>
        %select_n3A_371 = arith.select %le3A_369, %masked_sort3A_215, %rev3A_368 : vector<16xi1>, vector<16xi32>
        %select_n3A_372 = arith.select %le3A_369, %rev3A_363, %masked_sort3A_214 : vector<16xi1>, vector<16xf32>
        %select_n3A_373 = arith.select %le3A_369, %rev3A_368, %masked_sort3A_215 : vector<16xi1>, vector<16xi32>
        %masked_sort3A_374 = arith.constant dense<true> : vector<16xi1>
        %masked_sort3A_375, %masked_sort3A_376, %masked_sort3A_377 = tpu.sort %select_n3A_370, %select_n3A_371 masked %masked_sort3A_374 : (vector<16xf32>, vector<16xi32>, vector<16xi1>) -> (vector<16xi1>, vector<16xf32>, vector<16xi32>)
        %masked_sort3A_378 = arith.constant dense<true> : vector<16xi1>
        %masked_sort3A_379, %masked_sort3A_380, %masked_sort3A_381 = tpu.sort %select_n3A_372, %select_n3A_373 masked %masked_sort3A_378 : (vector<16xf32>, vector<16xi32>, vector<16xi1>) -> (vector<16xi1>, vector<16xf32>, vector<16xi32>)
        %rev3A_382 = arith.constant 15 : i32
        %rev3A_383 = vector.broadcast %rev3A_382 : i32 to vector<16xi32>
        %rev3A_384 = tpu.iota {dimensions = array<i32: 0>} : vector<16xi32>
        %rev3A_385 = arith.subi %rev3A_383, %rev3A_384 : vector<16xi32>
        %rev3A_386 = tpu.dynamic_gather %masked_sort3A_241[%rev3A_385] in [0] : vector<16xf32>, vector<16xi32> -> vector<16xf32>
        %rev3A_387 = arith.constant 15 : i32
        %rev3A_388 = vector.broadcast %rev3A_387 : i32 to vector<16xi32>
        %rev3A_389 = tpu.iota {dimensions = array<i32: 0>} : vector<16xi32>
        %rev3A_390 = arith.subi %rev3A_388, %rev3A_389 : vector<16xi32>
        %rev3A_391 = tpu.dynamic_gather %masked_sort3A_242[%rev3A_390] in [0] : vector<16xi32>, vector<16xi32> -> vector<16xi32>
        %le3A_392 = arith.cmpf ole, %masked_sort3A_232, %rev3A_386 : vector<16xf32>
        %select_n3A_393 = arith.select %le3A_392, %masked_sort3A_232, %rev3A_386 : vector<16xi1>, vector<16xf32>
        %select_n3A_394 = arith.select %le3A_392, %masked_sort3A_233, %rev3A_391 : vector<16xi1>, vector<16xi32>
        %select_n3A_395 = arith.select %le3A_392, %rev3A_386, %masked_sort3A_232 : vector<16xi1>, vector<16xf32>
        %select_n3A_396 = arith.select %le3A_392, %rev3A_391, %masked_sort3A_233 : vector<16xi1>, vector<16xi32>
        %masked_sort3A_397 = arith.constant dense<true> : vector<16xi1>
        %masked_sort3A_398, %masked_sort3A_399, %masked_sort3A_400 = tpu.sort %select_n3A_393, %select_n3A_394 masked %masked_sort3A_397 : (vector<16xf32>, vector<16xi32>, vector<16xi1>) -> (vector<16xi1>, vector<16xf32>, vector<16xi32>)
        %masked_sort3A_401 = arith.constant dense<true> : vector<16xi1>
        %masked_sort3A_402, %masked_sort3A_403, %masked_sort3A_404 = tpu.sort %select_n3A_395, %select_n3A_396 masked %masked_sort3A_401 : (vector<16xf32>, vector<16xi32>, vector<16xi1>) -> (vector<16xi1>, vector<16xf32>, vector<16xi32>)
        %rev3A_405 = arith.constant 15 : i32
        %rev3A_406 = vector.broadcast %rev3A_405 : i32 to vector<16xi32>
        %rev3A_407 = tpu.iota {dimensions = array<i32: 0>} : vector<16xi32>
        %rev3A_408 = arith.subi %rev3A_406, %rev3A_407 : vector<16xi32>
        %rev3A_409 = tpu.dynamic_gather %masked_sort3A_259[%rev3A_408] in [0] : vector<16xf32>, vector<16xi32> -> vector<16xf32>
        %rev3A_410 = arith.constant 15 : i32
        %rev3A_411 = vector.broadcast %rev3A_410 : i32 to vector<16xi32>
        %rev3A_412 = tpu.iota {dimensions = array<i32: 0>} : vector<16xi32>
        %rev3A_413 = arith.subi %rev3A_411, %rev3A_412 : vector<16xi32>
        %rev3A_414 = tpu.dynamic_gather %masked_sort3A_260[%rev3A_413] in [0] : vector<16xi32>, vector<16xi32> -> vector<16xi32>
        %le3A_415 = arith.cmpf ole, %masked_sort3A_250, %rev3A_409 : vector<16xf32>
        %select_n3A_416 = arith.select %le3A_415, %masked_sort3A_250, %rev3A_409 : vector<16xi1>, vector<16xf32>
        %select_n3A_417 = arith.select %le3A_415, %masked_sort3A_251, %rev3A_414 : vector<16xi1>, vector<16xi32>
        %select_n3A_418 = arith.select %le3A_415, %rev3A_409, %masked_sort3A_250 : vector<16xi1>, vector<16xf32>
        %select_n3A_419 = arith.select %le3A_415, %rev3A_414, %masked_sort3A_251 : vector<16xi1>, vector<16xi32>
        %masked_sort3A_420 = arith.constant dense<true> : vector<16xi1>
        %masked_sort3A_421, %masked_sort3A_422, %masked_sort3A_423 = tpu.sort %select_n3A_416, %select_n3A_417 masked %masked_sort3A_420 : (vector<16xf32>, vector<16xi32>, vector<16xi1>) -> (vector<16xi1>, vector<16xf32>, vector<16xi32>)
        %masked_sort3A_424 = arith.constant dense<true> : vector<16xi1>
        %masked_sort3A_425, %masked_sort3A_426, %masked_sort3A_427 = tpu.sort %select_n3A_418, %select_n3A_419 masked %masked_sort3A_424 : (vector<16xf32>, vector<16xi32>, vector<16xi1>) -> (vector<16xi1>, vector<16xf32>, vector<16xi32>)
        %rev3A_428 = arith.constant 15 : i32
        %rev3A_429 = vector.broadcast %rev3A_428 : i32 to vector<16xi32>
        %rev3A_430 = tpu.iota {dimensions = array<i32: 0>} : vector<16xi32>
        %rev3A_431 = arith.subi %rev3A_429, %rev3A_430 : vector<16xi32>
        %rev3A_432 = tpu.dynamic_gather %masked_sort3A_277[%rev3A_431] in [0] : vector<16xf32>, vector<16xi32> -> vector<16xf32>
        %rev3A_433 = arith.constant 15 : i32
        %rev3A_434 = vector.broadcast %rev3A_433 : i32 to vector<16xi32>
        %rev3A_435 = tpu.iota {dimensions = array<i32: 0>} : vector<16xi32>
        %rev3A_436 = arith.subi %rev3A_434, %rev3A_435 : vector<16xi32>
        %rev3A_437 = tpu.dynamic_gather %masked_sort3A_278[%rev3A_436] in [0] : vector<16xi32>, vector<16xi32> -> vector<16xi32>
        %le3A_438 = arith.cmpf ole, %masked_sort3A_268, %rev3A_432 : vector<16xf32>
        %select_n3A_439 = arith.select %le3A_438, %masked_sort3A_268, %rev3A_432 : vector<16xi1>, vector<16xf32>
        %select_n3A_440 = arith.select %le3A_438, %masked_sort3A_269, %rev3A_437 : vector<16xi1>, vector<16xi32>
        %select_n3A_441 = arith.select %le3A_438, %rev3A_432, %masked_sort3A_268 : vector<16xi1>, vector<16xf32>
        %select_n3A_442 = arith.select %le3A_438, %rev3A_437, %masked_sort3A_269 : vector<16xi1>, vector<16xi32>
        %masked_sort3A_443 = arith.constant dense<true> : vector<16xi1>
        %masked_sort3A_444, %masked_sort3A_445, %masked_sort3A_446 = tpu.sort %select_n3A_439, %select_n3A_440 masked %masked_sort3A_443 : (vector<16xf32>, vector<16xi32>, vector<16xi1>) -> (vector<16xi1>, vector<16xf32>, vector<16xi32>)
        %masked_sort3A_447 = arith.constant dense<true> : vector<16xi1>
        %masked_sort3A_448, %masked_sort3A_449, %masked_sort3A_450 = tpu.sort %select_n3A_441, %select_n3A_442 masked %masked_sort3A_447 : (vector<16xf32>, vector<16xi32>, vector<16xi1>) -> (vector<16xi1>, vector<16xf32>, vector<16xi32>)
        %rev3A_451 = arith.constant 15 : i32
        %rev3A_452 = vector.broadcast %rev3A_451 : i32 to vector<16xi32>
        %rev3A_453 = tpu.iota {dimensions = array<i32: 0>} : vector<16xi32>
        %rev3A_454 = arith.subi %rev3A_452, %rev3A_453 : vector<16xi32>
        %rev3A_455 = tpu.dynamic_gather %masked_sort3A_295[%rev3A_454] in [0] : vector<16xf32>, vector<16xi32> -> vector<16xf32>
        %rev3A_456 = arith.constant 15 : i32
        %rev3A_457 = vector.broadcast %rev3A_456 : i32 to vector<16xi32>
        %rev3A_458 = tpu.iota {dimensions = array<i32: 0>} : vector<16xi32>
        %rev3A_459 = arith.subi %rev3A_457, %rev3A_458 : vector<16xi32>
        %rev3A_460 = tpu.dynamic_gather %masked_sort3A_296[%rev3A_459] in [0] : vector<16xi32>, vector<16xi32> -> vector<16xi32>
        %le3A_461 = arith.cmpf ole, %masked_sort3A_286, %rev3A_455 : vector<16xf32>
        %select_n3A_462 = arith.select %le3A_461, %masked_sort3A_286, %rev3A_455 : vector<16xi1>, vector<16xf32>
        %select_n3A_463 = arith.select %le3A_461, %masked_sort3A_287, %rev3A_460 : vector<16xi1>, vector<16xi32>
        %select_n3A_464 = arith.select %le3A_461, %rev3A_455, %masked_sort3A_286 : vector<16xi1>, vector<16xf32>
        %select_n3A_465 = arith.select %le3A_461, %rev3A_460, %masked_sort3A_287 : vector<16xi1>, vector<16xi32>
        %masked_sort3A_466 = arith.constant dense<true> : vector<16xi1>
        %masked_sort3A_467, %masked_sort3A_468, %masked_sort3A_469 = tpu.sort %select_n3A_462, %select_n3A_463 masked %masked_sort3A_466 : (vector<16xf32>, vector<16xi32>, vector<16xi1>) -> (vector<16xi1>, vector<16xf32>, vector<16xi32>)
        %masked_sort3A_470 = arith.constant dense<true> : vector<16xi1>
        %masked_sort3A_471, %masked_sort3A_472, %masked_sort3A_473 = tpu.sort %select_n3A_464, %select_n3A_465 masked %masked_sort3A_470 : (vector<16xf32>, vector<16xi32>, vector<16xi1>) -> (vector<16xi1>, vector<16xf32>, vector<16xi32>)
        %rev3A_474 = arith.constant 15 : i32
        %rev3A_475 = vector.broadcast %rev3A_474 : i32 to vector<16xi32>
        %rev3A_476 = tpu.iota {dimensions = array<i32: 0>} : vector<16xi32>
        %rev3A_477 = arith.subi %rev3A_475, %rev3A_476 : vector<16xi32>
        %rev3A_478 = tpu.dynamic_gather %masked_sort3A_313[%rev3A_477] in [0] : vector<16xf32>, vector<16xi32> -> vector<16xf32>
        %rev3A_479 = arith.constant 15 : i32
        %rev3A_480 = vector.broadcast %rev3A_479 : i32 to vector<16xi32>
        %rev3A_481 = tpu.iota {dimensions = array<i32: 0>} : vector<16xi32>
        %rev3A_482 = arith.subi %rev3A_480, %rev3A_481 : vector<16xi32>
        %rev3A_483 = tpu.dynamic_gather %masked_sort3A_314[%rev3A_482] in [0] : vector<16xi32>, vector<16xi32> -> vector<16xi32>
        %le3A_484 = arith.cmpf ole, %masked_sort3A_304, %rev3A_478 : vector<16xf32>
        %select_n3A_485 = arith.select %le3A_484, %masked_sort3A_304, %rev3A_478 : vector<16xi1>, vector<16xf32>
        %select_n3A_486 = arith.select %le3A_484, %masked_sort3A_305, %rev3A_483 : vector<16xi1>, vector<16xi32>
        %select_n3A_487 = arith.select %le3A_484, %rev3A_478, %masked_sort3A_304 : vector<16xi1>, vector<16xf32>
        %select_n3A_488 = arith.select %le3A_484, %rev3A_483, %masked_sort3A_305 : vector<16xi1>, vector<16xi32>
        %masked_sort3A_489 = arith.constant dense<true> : vector<16xi1>
        %masked_sort3A_490, %masked_sort3A_491, %masked_sort3A_492 = tpu.sort %select_n3A_485, %select_n3A_486 masked %masked_sort3A_489 : (vector<16xf32>, vector<16xi32>, vector<16xi1>) -> (vector<16xi1>, vector<16xf32>, vector<16xi32>)
        %masked_sort3A_493 = arith.constant dense<true> : vector<16xi1>
        %masked_sort3A_494, %masked_sort3A_495, %masked_sort3A_496 = tpu.sort %select_n3A_487, %select_n3A_488 masked %masked_sort3A_493 : (vector<16xf32>, vector<16xi32>, vector<16xi1>) -> (vector<16xi1>, vector<16xf32>, vector<16xi32>)
        %rev3A_497 = arith.constant 15 : i32
        %rev3A_498 = vector.broadcast %rev3A_497 : i32 to vector<16xi32>
        %rev3A_499 = tpu.iota {dimensions = array<i32: 0>} : vector<16xi32>
        %rev3A_500 = arith.subi %rev3A_498, %rev3A_499 : vector<16xi32>
        %rev3A_501 = tpu.dynamic_gather %masked_sort3A_357[%rev3A_500] in [0] : vector<16xf32>, vector<16xi32> -> vector<16xf32>
        %rev3A_502 = arith.constant 15 : i32
        %rev3A_503 = vector.broadcast %rev3A_502 : i32 to vector<16xi32>
        %rev3A_504 = tpu.iota {dimensions = array<i32: 0>} : vector<16xi32>
        %rev3A_505 = arith.subi %rev3A_503, %rev3A_504 : vector<16xi32>
        %rev3A_506 = tpu.dynamic_gather %masked_sort3A_358[%rev3A_505] in [0] : vector<16xi32>, vector<16xi32> -> vector<16xi32>
        %rev3A_507 = arith.constant 15 : i32
        %rev3A_508 = vector.broadcast %rev3A_507 : i32 to vector<16xi32>
        %rev3A_509 = tpu.iota {dimensions = array<i32: 0>} : vector<16xi32>
        %rev3A_510 = arith.subi %rev3A_508, %rev3A_509 : vector<16xi32>
        %rev3A_511 = tpu.dynamic_gather %masked_sort3A_353[%rev3A_510] in [0] : vector<16xf32>, vector<16xi32> -> vector<16xf32>
        %rev3A_512 = arith.constant 15 : i32
        %rev3A_513 = vector.broadcast %rev3A_512 : i32 to vector<16xi32>
        %rev3A_514 = tpu.iota {dimensions = array<i32: 0>} : vector<16xi32>
        %rev3A_515 = arith.subi %rev3A_513, %rev3A_514 : vector<16xi32>
        %rev3A_516 = tpu.dynamic_gather %masked_sort3A_354[%rev3A_515] in [0] : vector<16xi32>, vector<16xi32> -> vector<16xi32>
        %le3A_517 = arith.cmpf ole, %masked_sort3A_330, %rev3A_501 : vector<16xf32>
        %select_n3A_518 = arith.select %le3A_517, %masked_sort3A_330, %rev3A_501 : vector<16xi1>, vector<16xf32>
        %select_n3A_519 = arith.select %le3A_517, %masked_sort3A_331, %rev3A_506 : vector<16xi1>, vector<16xi32>
        %le3A_520 = arith.cmpf ole, %masked_sort3A_334, %rev3A_511 : vector<16xf32>
        %select_n3A_521 = arith.select %le3A_520, %masked_sort3A_334, %rev3A_511 : vector<16xi1>, vector<16xf32>
        %select_n3A_522 = arith.select %le3A_520, %masked_sort3A_335, %rev3A_516 : vector<16xi1>, vector<16xi32>
        %le3A_523 = arith.cmpf ole, %select_n3A_518, %select_n3A_521 : vector<16xf32>
        %select_n3A_524 = arith.select %le3A_523, %select_n3A_518, %select_n3A_521 : vector<16xi1>, vector<16xf32>
        %select_n3A_525 = arith.select %le3A_523, %select_n3A_519, %select_n3A_522 : vector<16xi1>, vector<16xi32>
        %select_n3A_526 = arith.select %le3A_523, %select_n3A_521, %select_n3A_518 : vector<16xi1>, vector<16xf32>
        %select_n3A_527 = arith.select %le3A_523, %select_n3A_522, %select_n3A_519 : vector<16xi1>, vector<16xi32>
        %masked_sort3A_528 = arith.constant dense<true> : vector<16xi1>
        %masked_sort3A_529, %masked_sort3A_530, %masked_sort3A_531 = tpu.sort %select_n3A_524, %select_n3A_525 masked %masked_sort3A_528 : (vector<16xf32>, vector<16xi32>, vector<16xi1>) -> (vector<16xi1>, vector<16xf32>, vector<16xi32>)
        %masked_sort3A_532 = arith.constant dense<true> : vector<16xi1>
        %masked_sort3A_533, %masked_sort3A_534, %masked_sort3A_535 = tpu.sort %select_n3A_526, %select_n3A_527 masked %masked_sort3A_532 : (vector<16xf32>, vector<16xi32>, vector<16xi1>) -> (vector<16xi1>, vector<16xf32>, vector<16xi32>)
        %rev3A_536 = arith.constant 15 : i32
        %rev3A_537 = vector.broadcast %rev3A_536 : i32 to vector<16xi32>
        %rev3A_538 = tpu.iota {dimensions = array<i32: 0>} : vector<16xi32>
        %rev3A_539 = arith.subi %rev3A_537, %rev3A_538 : vector<16xi32>
        %rev3A_540 = tpu.dynamic_gather %masked_sort3A_403[%rev3A_539] in [0] : vector<16xf32>, vector<16xi32> -> vector<16xf32>
        %rev3A_541 = arith.constant 15 : i32
        %rev3A_542 = vector.broadcast %rev3A_541 : i32 to vector<16xi32>
        %rev3A_543 = tpu.iota {dimensions = array<i32: 0>} : vector<16xi32>
        %rev3A_544 = arith.subi %rev3A_542, %rev3A_543 : vector<16xi32>
        %rev3A_545 = tpu.dynamic_gather %masked_sort3A_404[%rev3A_544] in [0] : vector<16xi32>, vector<16xi32> -> vector<16xi32>
        %rev3A_546 = arith.constant 15 : i32
        %rev3A_547 = vector.broadcast %rev3A_546 : i32 to vector<16xi32>
        %rev3A_548 = tpu.iota {dimensions = array<i32: 0>} : vector<16xi32>
        %rev3A_549 = arith.subi %rev3A_547, %rev3A_548 : vector<16xi32>
        %rev3A_550 = tpu.dynamic_gather %masked_sort3A_399[%rev3A_549] in [0] : vector<16xf32>, vector<16xi32> -> vector<16xf32>
        %rev3A_551 = arith.constant 15 : i32
        %rev3A_552 = vector.broadcast %rev3A_551 : i32 to vector<16xi32>
        %rev3A_553 = tpu.iota {dimensions = array<i32: 0>} : vector<16xi32>
        %rev3A_554 = arith.subi %rev3A_552, %rev3A_553 : vector<16xi32>
        %rev3A_555 = tpu.dynamic_gather %masked_sort3A_400[%rev3A_554] in [0] : vector<16xi32>, vector<16xi32> -> vector<16xi32>
        %le3A_556 = arith.cmpf ole, %masked_sort3A_376, %rev3A_540 : vector<16xf32>
        %select_n3A_557 = arith.select %le3A_556, %masked_sort3A_376, %rev3A_540 : vector<16xi1>, vector<16xf32>
        %select_n3A_558 = arith.select %le3A_556, %masked_sort3A_377, %rev3A_545 : vector<16xi1>, vector<16xi32>
        %le3A_559 = arith.cmpf ole, %masked_sort3A_380, %rev3A_550 : vector<16xf32>
        %select_n3A_560 = arith.select %le3A_559, %masked_sort3A_380, %rev3A_550 : vector<16xi1>, vector<16xf32>
        %select_n3A_561 = arith.select %le3A_559, %masked_sort3A_381, %rev3A_555 : vector<16xi1>, vector<16xi32>
        %le3A_562 = arith.cmpf ole, %select_n3A_557, %select_n3A_560 : vector<16xf32>
        %select_n3A_563 = arith.select %le3A_562, %select_n3A_557, %select_n3A_560 : vector<16xi1>, vector<16xf32>
        %select_n3A_564 = arith.select %le3A_562, %select_n3A_558, %select_n3A_561 : vector<16xi1>, vector<16xi32>
        %select_n3A_565 = arith.select %le3A_562, %select_n3A_560, %select_n3A_557 : vector<16xi1>, vector<16xf32>
        %select_n3A_566 = arith.select %le3A_562, %select_n3A_561, %select_n3A_558 : vector<16xi1>, vector<16xi32>
        %masked_sort3A_567 = arith.constant dense<true> : vector<16xi1>
        %masked_sort3A_568, %masked_sort3A_569, %masked_sort3A_570 = tpu.sort %select_n3A_563, %select_n3A_564 masked %masked_sort3A_567 : (vector<16xf32>, vector<16xi32>, vector<16xi1>) -> (vector<16xi1>, vector<16xf32>, vector<16xi32>)
        %masked_sort3A_571 = arith.constant dense<true> : vector<16xi1>
        %masked_sort3A_572, %masked_sort3A_573, %masked_sort3A_574 = tpu.sort %select_n3A_565, %select_n3A_566 masked %masked_sort3A_571 : (vector<16xf32>, vector<16xi32>, vector<16xi1>) -> (vector<16xi1>, vector<16xf32>, vector<16xi32>)
        %rev3A_575 = arith.constant 15 : i32
        %rev3A_576 = vector.broadcast %rev3A_575 : i32 to vector<16xi32>
        %rev3A_577 = tpu.iota {dimensions = array<i32: 0>} : vector<16xi32>
        %rev3A_578 = arith.subi %rev3A_576, %rev3A_577 : vector<16xi32>
        %rev3A_579 = tpu.dynamic_gather %masked_sort3A_449[%rev3A_578] in [0] : vector<16xf32>, vector<16xi32> -> vector<16xf32>
        %rev3A_580 = arith.constant 15 : i32
        %rev3A_581 = vector.broadcast %rev3A_580 : i32 to vector<16xi32>
        %rev3A_582 = tpu.iota {dimensions = array<i32: 0>} : vector<16xi32>
        %rev3A_583 = arith.subi %rev3A_581, %rev3A_582 : vector<16xi32>
        %rev3A_584 = tpu.dynamic_gather %masked_sort3A_450[%rev3A_583] in [0] : vector<16xi32>, vector<16xi32> -> vector<16xi32>
        %rev3A_585 = arith.constant 15 : i32
        %rev3A_586 = vector.broadcast %rev3A_585 : i32 to vector<16xi32>
        %rev3A_587 = tpu.iota {dimensions = array<i32: 0>} : vector<16xi32>
        %rev3A_588 = arith.subi %rev3A_586, %rev3A_587 : vector<16xi32>
        %rev3A_589 = tpu.dynamic_gather %masked_sort3A_445[%rev3A_588] in [0] : vector<16xf32>, vector<16xi32> -> vector<16xf32>
        %rev3A_590 = arith.constant 15 : i32
        %rev3A_591 = vector.broadcast %rev3A_590 : i32 to vector<16xi32>
        %rev3A_592 = tpu.iota {dimensions = array<i32: 0>} : vector<16xi32>
        %rev3A_593 = arith.subi %rev3A_591, %rev3A_592 : vector<16xi32>
        %rev3A_594 = tpu.dynamic_gather %masked_sort3A_446[%rev3A_593] in [0] : vector<16xi32>, vector<16xi32> -> vector<16xi32>
        %le3A_595 = arith.cmpf ole, %masked_sort3A_422, %rev3A_579 : vector<16xf32>
        %select_n3A_596 = arith.select %le3A_595, %masked_sort3A_422, %rev3A_579 : vector<16xi1>, vector<16xf32>
        %select_n3A_597 = arith.select %le3A_595, %masked_sort3A_423, %rev3A_584 : vector<16xi1>, vector<16xi32>
        %le3A_598 = arith.cmpf ole, %masked_sort3A_426, %rev3A_589 : vector<16xf32>
        %select_n3A_599 = arith.select %le3A_598, %masked_sort3A_426, %rev3A_589 : vector<16xi1>, vector<16xf32>
        %select_n3A_600 = arith.select %le3A_598, %masked_sort3A_427, %rev3A_594 : vector<16xi1>, vector<16xi32>
        %le3A_601 = arith.cmpf ole, %select_n3A_596, %select_n3A_599 : vector<16xf32>
        %select_n3A_602 = arith.select %le3A_601, %select_n3A_596, %select_n3A_599 : vector<16xi1>, vector<16xf32>
        %select_n3A_603 = arith.select %le3A_601, %select_n3A_597, %select_n3A_600 : vector<16xi1>, vector<16xi32>
        %select_n3A_604 = arith.select %le3A_601, %select_n3A_599, %select_n3A_596 : vector<16xi1>, vector<16xf32>
        %select_n3A_605 = arith.select %le3A_601, %select_n3A_600, %select_n3A_597 : vector<16xi1>, vector<16xi32>
        %masked_sort3A_606 = arith.constant dense<true> : vector<16xi1>
        %masked_sort3A_607, %masked_sort3A_608, %masked_sort3A_609 = tpu.sort %select_n3A_602, %select_n3A_603 masked %masked_sort3A_606 : (vector<16xf32>, vector<16xi32>, vector<16xi1>) -> (vector<16xi1>, vector<16xf32>, vector<16xi32>)
        %masked_sort3A_610 = arith.constant dense<true> : vector<16xi1>
        %masked_sort3A_611, %masked_sort3A_612, %masked_sort3A_613 = tpu.sort %select_n3A_604, %select_n3A_605 masked %masked_sort3A_610 : (vector<16xf32>, vector<16xi32>, vector<16xi1>) -> (vector<16xi1>, vector<16xf32>, vector<16xi32>)
        %rev3A_614 = arith.constant 15 : i32
        %rev3A_615 = vector.broadcast %rev3A_614 : i32 to vector<16xi32>
        %rev3A_616 = tpu.iota {dimensions = array<i32: 0>} : vector<16xi32>
        %rev3A_617 = arith.subi %rev3A_615, %rev3A_616 : vector<16xi32>
        %rev3A_618 = tpu.dynamic_gather %masked_sort3A_495[%rev3A_617] in [0] : vector<16xf32>, vector<16xi32> -> vector<16xf32>
        %rev3A_619 = arith.constant 15 : i32
        %rev3A_620 = vector.broadcast %rev3A_619 : i32 to vector<16xi32>
        %rev3A_621 = tpu.iota {dimensions = array<i32: 0>} : vector<16xi32>
        %rev3A_622 = arith.subi %rev3A_620, %rev3A_621 : vector<16xi32>
        %rev3A_623 = tpu.dynamic_gather %masked_sort3A_496[%rev3A_622] in [0] : vector<16xi32>, vector<16xi32> -> vector<16xi32>
        %rev3A_624 = arith.constant 15 : i32
        %rev3A_625 = vector.broadcast %rev3A_624 : i32 to vector<16xi32>
        %rev3A_626 = tpu.iota {dimensions = array<i32: 0>} : vector<16xi32>
        %rev3A_627 = arith.subi %rev3A_625, %rev3A_626 : vector<16xi32>
        %rev3A_628 = tpu.dynamic_gather %masked_sort3A_491[%rev3A_627] in [0] : vector<16xf32>, vector<16xi32> -> vector<16xf32>
        %rev3A_629 = arith.constant 15 : i32
        %rev3A_630 = vector.broadcast %rev3A_629 : i32 to vector<16xi32>
        %rev3A_631 = tpu.iota {dimensions = array<i32: 0>} : vector<16xi32>
        %rev3A_632 = arith.subi %rev3A_630, %rev3A_631 : vector<16xi32>
        %rev3A_633 = tpu.dynamic_gather %masked_sort3A_492[%rev3A_632] in [0] : vector<16xi32>, vector<16xi32> -> vector<16xi32>
        %le3A_634 = arith.cmpf ole, %masked_sort3A_468, %rev3A_618 : vector<16xf32>
        %select_n3A_635 = arith.select %le3A_634, %masked_sort3A_468, %rev3A_618 : vector<16xi1>, vector<16xf32>
        %select_n3A_636 = arith.select %le3A_634, %masked_sort3A_469, %rev3A_623 : vector<16xi1>, vector<16xi32>
        %le3A_637 = arith.cmpf ole, %masked_sort3A_472, %rev3A_628 : vector<16xf32>
        %select_n3A_638 = arith.select %le3A_637, %masked_sort3A_472, %rev3A_628 : vector<16xi1>, vector<16xf32>
        %select_n3A_639 = arith.select %le3A_637, %masked_sort3A_473, %rev3A_633 : vector<16xi1>, vector<16xi32>
        %le3A_640 = arith.cmpf ole, %select_n3A_635, %select_n3A_638 : vector<16xf32>
        %select_n3A_641 = arith.select %le3A_640, %select_n3A_635, %select_n3A_638 : vector<16xi1>, vector<16xf32>
        %select_n3A_642 = arith.select %le3A_640, %select_n3A_636, %select_n3A_639 : vector<16xi1>, vector<16xi32>
        %select_n3A_643 = arith.select %le3A_640, %select_n3A_638, %select_n3A_635 : vector<16xi1>, vector<16xf32>
        %select_n3A_644 = arith.select %le3A_640, %select_n3A_639, %select_n3A_636 : vector<16xi1>, vector<16xi32>
        %masked_sort3A_645 = arith.constant dense<true> : vector<16xi1>
        %masked_sort3A_646, %masked_sort3A_647, %masked_sort3A_648 = tpu.sort %select_n3A_641, %select_n3A_642 masked %masked_sort3A_645 : (vector<16xf32>, vector<16xi32>, vector<16xi1>) -> (vector<16xi1>, vector<16xf32>, vector<16xi32>)
        %masked_sort3A_649 = arith.constant dense<true> : vector<16xi1>
        %masked_sort3A_650, %masked_sort3A_651, %masked_sort3A_652 = tpu.sort %select_n3A_643, %select_n3A_644 masked %masked_sort3A_649 : (vector<16xf32>, vector<16xi32>, vector<16xi1>) -> (vector<16xi1>, vector<16xf32>, vector<16xi32>)
        %rev3A_653 = arith.constant 15 : i32
        %rev3A_654 = vector.broadcast %rev3A_653 : i32 to vector<16xi32>
        %rev3A_655 = tpu.iota {dimensions = array<i32: 0>} : vector<16xi32>
        %rev3A_656 = arith.subi %rev3A_654, %rev3A_655 : vector<16xi32>
        %rev3A_657 = tpu.dynamic_gather %masked_sort3A_573[%rev3A_656] in [0] : vector<16xf32>, vector<16xi32> -> vector<16xf32>
        %rev3A_658 = arith.constant 15 : i32
        %rev3A_659 = vector.broadcast %rev3A_658 : i32 to vector<16xi32>
        %rev3A_660 = tpu.iota {dimensions = array<i32: 0>} : vector<16xi32>
        %rev3A_661 = arith.subi %rev3A_659, %rev3A_660 : vector<16xi32>
        %rev3A_662 = tpu.dynamic_gather %masked_sort3A_574[%rev3A_661] in [0] : vector<16xi32>, vector<16xi32> -> vector<16xi32>
        %rev3A_663 = arith.constant 15 : i32
        %rev3A_664 = vector.broadcast %rev3A_663 : i32 to vector<16xi32>
        %rev3A_665 = tpu.iota {dimensions = array<i32: 0>} : vector<16xi32>
        %rev3A_666 = arith.subi %rev3A_664, %rev3A_665 : vector<16xi32>
        %rev3A_667 = tpu.dynamic_gather %masked_sort3A_569[%rev3A_666] in [0] : vector<16xf32>, vector<16xi32> -> vector<16xf32>
        %rev3A_668 = arith.constant 15 : i32
        %rev3A_669 = vector.broadcast %rev3A_668 : i32 to vector<16xi32>
        %rev3A_670 = tpu.iota {dimensions = array<i32: 0>} : vector<16xi32>
        %rev3A_671 = arith.subi %rev3A_669, %rev3A_670 : vector<16xi32>
        %rev3A_672 = tpu.dynamic_gather %masked_sort3A_570[%rev3A_671] in [0] : vector<16xi32>, vector<16xi32> -> vector<16xi32>
        %le3A_673 = arith.cmpf ole, %masked_sort3A_530, %rev3A_657 : vector<16xf32>
        %select_n3A_674 = arith.select %le3A_673, %masked_sort3A_530, %rev3A_657 : vector<16xi1>, vector<16xf32>
        %select_n3A_675 = arith.select %le3A_673, %masked_sort3A_531, %rev3A_662 : vector<16xi1>, vector<16xi32>
        %le3A_676 = arith.cmpf ole, %masked_sort3A_534, %rev3A_667 : vector<16xf32>
        %select_n3A_677 = arith.select %le3A_676, %masked_sort3A_534, %rev3A_667 : vector<16xi1>, vector<16xf32>
        %select_n3A_678 = arith.select %le3A_676, %masked_sort3A_535, %rev3A_672 : vector<16xi1>, vector<16xi32>
        %le3A_679 = arith.cmpf ole, %select_n3A_674, %select_n3A_677 : vector<16xf32>
        %select_n3A_680 = arith.select %le3A_679, %select_n3A_674, %select_n3A_677 : vector<16xi1>, vector<16xf32>
        %select_n3A_681 = arith.select %le3A_679, %select_n3A_675, %select_n3A_678 : vector<16xi1>, vector<16xi32>
        %select_n3A_682 = arith.select %le3A_679, %select_n3A_677, %select_n3A_674 : vector<16xi1>, vector<16xf32>
        %select_n3A_683 = arith.select %le3A_679, %select_n3A_678, %select_n3A_675 : vector<16xi1>, vector<16xi32>
        %masked_sort3A_684 = arith.constant dense<true> : vector<16xi1>
        %masked_sort3A_685, %masked_sort3A_686, %masked_sort3A_687 = tpu.sort %select_n3A_680, %select_n3A_681 masked %masked_sort3A_684 : (vector<16xf32>, vector<16xi32>, vector<16xi1>) -> (vector<16xi1>, vector<16xf32>, vector<16xi32>)
        %masked_sort3A_688 = arith.constant dense<true> : vector<16xi1>
        %masked_sort3A_689, %masked_sort3A_690, %masked_sort3A_691 = tpu.sort %select_n3A_682, %select_n3A_683 masked %masked_sort3A_688 : (vector<16xf32>, vector<16xi32>, vector<16xi1>) -> (vector<16xi1>, vector<16xf32>, vector<16xi32>)
        %rev3A_692 = arith.constant 15 : i32
        %rev3A_693 = vector.broadcast %rev3A_692 : i32 to vector<16xi32>
        %rev3A_694 = tpu.iota {dimensions = array<i32: 0>} : vector<16xi32>
        %rev3A_695 = arith.subi %rev3A_693, %rev3A_694 : vector<16xi32>
        %rev3A_696 = tpu.dynamic_gather %masked_sort3A_651[%rev3A_695] in [0] : vector<16xf32>, vector<16xi32> -> vector<16xf32>
        %rev3A_697 = arith.constant 15 : i32
        %rev3A_698 = vector.broadcast %rev3A_697 : i32 to vector<16xi32>
        %rev3A_699 = tpu.iota {dimensions = array<i32: 0>} : vector<16xi32>
        %rev3A_700 = arith.subi %rev3A_698, %rev3A_699 : vector<16xi32>
        %rev3A_701 = tpu.dynamic_gather %masked_sort3A_652[%rev3A_700] in [0] : vector<16xi32>, vector<16xi32> -> vector<16xi32>
        %rev3A_702 = arith.constant 15 : i32
        %rev3A_703 = vector.broadcast %rev3A_702 : i32 to vector<16xi32>
        %rev3A_704 = tpu.iota {dimensions = array<i32: 0>} : vector<16xi32>
        %rev3A_705 = arith.subi %rev3A_703, %rev3A_704 : vector<16xi32>
        %rev3A_706 = tpu.dynamic_gather %masked_sort3A_647[%rev3A_705] in [0] : vector<16xf32>, vector<16xi32> -> vector<16xf32>
        %rev3A_707 = arith.constant 15 : i32
        %rev3A_708 = vector.broadcast %rev3A_707 : i32 to vector<16xi32>
        %rev3A_709 = tpu.iota {dimensions = array<i32: 0>} : vector<16xi32>
        %rev3A_710 = arith.subi %rev3A_708, %rev3A_709 : vector<16xi32>
        %rev3A_711 = tpu.dynamic_gather %masked_sort3A_648[%rev3A_710] in [0] : vector<16xi32>, vector<16xi32> -> vector<16xi32>
        %le3A_712 = arith.cmpf ole, %masked_sort3A_608, %rev3A_696 : vector<16xf32>
        %select_n3A_713 = arith.select %le3A_712, %masked_sort3A_608, %rev3A_696 : vector<16xi1>, vector<16xf32>
        %select_n3A_714 = arith.select %le3A_712, %masked_sort3A_609, %rev3A_701 : vector<16xi1>, vector<16xi32>
        %le3A_715 = arith.cmpf ole, %masked_sort3A_612, %rev3A_706 : vector<16xf32>
        %select_n3A_716 = arith.select %le3A_715, %masked_sort3A_612, %rev3A_706 : vector<16xi1>, vector<16xf32>
        %select_n3A_717 = arith.select %le3A_715, %masked_sort3A_613, %rev3A_711 : vector<16xi1>, vector<16xi32>
        %le3A_718 = arith.cmpf ole, %select_n3A_713, %select_n3A_716 : vector<16xf32>
        %select_n3A_719 = arith.select %le3A_718, %select_n3A_713, %select_n3A_716 : vector<16xi1>, vector<16xf32>
        %select_n3A_720 = arith.select %le3A_718, %select_n3A_714, %select_n3A_717 : vector<16xi1>, vector<16xi32>
        %select_n3A_721 = arith.select %le3A_718, %select_n3A_716, %select_n3A_713 : vector<16xi1>, vector<16xf32>
        %select_n3A_722 = arith.select %le3A_718, %select_n3A_717, %select_n3A_714 : vector<16xi1>, vector<16xi32>
        %masked_sort3A_723 = arith.constant dense<true> : vector<16xi1>
        %masked_sort3A_724, %masked_sort3A_725, %masked_sort3A_726 = tpu.sort %select_n3A_719, %select_n3A_720 masked %masked_sort3A_723 : (vector<16xf32>, vector<16xi32>, vector<16xi1>) -> (vector<16xi1>, vector<16xf32>, vector<16xi32>)
        %masked_sort3A_727 = arith.constant dense<true> : vector<16xi1>
        %masked_sort3A_728, %masked_sort3A_729, %masked_sort3A_730 = tpu.sort %select_n3A_721, %select_n3A_722 masked %masked_sort3A_727 : (vector<16xf32>, vector<16xi32>, vector<16xi1>) -> (vector<16xi1>, vector<16xf32>, vector<16xi32>)
        %rev3A_731 = arith.constant 15 : i32
        %rev3A_732 = vector.broadcast %rev3A_731 : i32 to vector<16xi32>
        %rev3A_733 = tpu.iota {dimensions = array<i32: 0>} : vector<16xi32>
        %rev3A_734 = arith.subi %rev3A_732, %rev3A_733 : vector<16xi32>
        %rev3A_735 = tpu.dynamic_gather %masked_sort3A_729[%rev3A_734] in [0] : vector<16xf32>, vector<16xi32> -> vector<16xf32>
        %rev3A_736 = arith.constant 15 : i32
        %rev3A_737 = vector.broadcast %rev3A_736 : i32 to vector<16xi32>
        %rev3A_738 = tpu.iota {dimensions = array<i32: 0>} : vector<16xi32>
        %rev3A_739 = arith.subi %rev3A_737, %rev3A_738 : vector<16xi32>
        %rev3A_740 = tpu.dynamic_gather %masked_sort3A_730[%rev3A_739] in [0] : vector<16xi32>, vector<16xi32> -> vector<16xi32>
        %rev3A_741 = arith.constant 15 : i32
        %rev3A_742 = vector.broadcast %rev3A_741 : i32 to vector<16xi32>
        %rev3A_743 = tpu.iota {dimensions = array<i32: 0>} : vector<16xi32>
        %rev3A_744 = arith.subi %rev3A_742, %rev3A_743 : vector<16xi32>
        %rev3A_745 = tpu.dynamic_gather %masked_sort3A_725[%rev3A_744] in [0] : vector<16xf32>, vector<16xi32> -> vector<16xf32>
        %rev3A_746 = arith.constant 15 : i32
        %rev3A_747 = vector.broadcast %rev3A_746 : i32 to vector<16xi32>
        %rev3A_748 = tpu.iota {dimensions = array<i32: 0>} : vector<16xi32>
        %rev3A_749 = arith.subi %rev3A_747, %rev3A_748 : vector<16xi32>
        %rev3A_750 = tpu.dynamic_gather %masked_sort3A_726[%rev3A_749] in [0] : vector<16xi32>, vector<16xi32> -> vector<16xi32>
        %le3A_751 = arith.cmpf ole, %masked_sort3A_686, %rev3A_735 : vector<16xf32>
        %select_n3A_752 = arith.select %le3A_751, %masked_sort3A_686, %rev3A_735 : vector<16xi1>, vector<16xf32>
        %select_n3A_753 = arith.select %le3A_751, %masked_sort3A_687, %rev3A_740 : vector<16xi1>, vector<16xi32>
        %le3A_754 = arith.cmpf ole, %masked_sort3A_690, %rev3A_745 : vector<16xf32>
        %select_n3A_755 = arith.select %le3A_754, %masked_sort3A_690, %rev3A_745 : vector<16xi1>, vector<16xf32>
        %select_n3A_756 = arith.select %le3A_754, %masked_sort3A_691, %rev3A_750 : vector<16xi1>, vector<16xi32>
        %le3A_757 = arith.cmpf ole, %select_n3A_752, %select_n3A_755 : vector<16xf32>
        %select_n3A_758 = arith.select %le3A_757, %select_n3A_752, %select_n3A_755 : vector<16xi1>, vector<16xf32>
        %select_n3A_759 = arith.select %le3A_757, %select_n3A_753, %select_n3A_756 : vector<16xi1>, vector<16xi32>
        %select_n3A_760 = arith.select %le3A_757, %select_n3A_755, %select_n3A_752 : vector<16xi1>, vector<16xf32>
        %select_n3A_761 = arith.select %le3A_757, %select_n3A_756, %select_n3A_753 : vector<16xi1>, vector<16xi32>
        %masked_sort3A_762 = arith.constant dense<true> : vector<16xi1>
        %masked_sort3A_763, %masked_sort3A_764, %masked_sort3A_765 = tpu.sort %select_n3A_758, %select_n3A_759 masked %masked_sort3A_762 : (vector<16xf32>, vector<16xi32>, vector<16xi1>) -> (vector<16xi1>, vector<16xf32>, vector<16xi32>)
        %masked_sort3A_766 = arith.constant dense<true> : vector<16xi1>
        %masked_sort3A_767, %masked_sort3A_768, %masked_sort3A_769 = tpu.sort %select_n3A_760, %select_n3A_761 masked %masked_sort3A_766 : (vector<16xf32>, vector<16xi32>, vector<16xi1>) -> (vector<16xi1>, vector<16xf32>, vector<16xi32>)
        %slice3A_770 = vector.extract_strided_slice %masked_sort3A_765 {offsets = [0], sizes = [1], strides = [1]} : vector<16xi32> to vector<1xi32>
        %squeeze3A_771 = vector.extract %slice3A_770[0] : i32 from vector<1xi32>
        %shift_right_arithmetic3A = arith.constant 4 : i32
        %shift_right_arithmetic3A_772 = arith.shrsi %squeeze3A_771, %shift_right_arithmetic3A : i32
        %shift_left3A = arith.constant 8 : i32
        %shift_left3A_773 = arith.shli %shift_right_arithmetic3A_772, %shift_left3A : i32
        %and3A = arith.constant 15 : i32
        %and3A_774 = arith.andi %squeeze3A_771, %and3A : i32
        %add3A_775 = arith.addi %shift_left3A_773, %and3A_774 : i32
        %mul3A_776 = arith.constant 16 : i32
        %mul3A_777 = vector.broadcast %mul3A_776 : i32 to vector<16xi32>
        %mul3A_778 = arith.muli %iota3A, %mul3A_777 : vector<16xi32>
        %add3A_779 = vector.broadcast %add3A_775 : i32 to vector<16xi32>
        %add3A_780 = arith.addi %add3A_779, %mul3A_778 : vector<16xi32>
        %gather3A_781 = tpu.vector_load_idx %arg9[%add3A_780] : memref<4096xf32, #tpu.memory_space<vmem>>[vector<16xi32>], vector<16xf32>,
        %masked_sort3A_782 = arith.constant dense<true> : vector<16xi1>
        %masked_sort3A_783, %masked_sort3A_784, %masked_sort3A_785 = tpu.sort %gather3A_781, %add3A_780 masked %masked_sort3A_782 : (vector<16xf32>, vector<16xi32>, vector<16xi1>) -> (vector<16xi1>, vector<16xf32>, vector<16xi32>)
        %slice3A_786 = vector.extract_strided_slice %masked_sort3A_765 {offsets = [1], sizes = [1], strides = [1]} : vector<16xi32> to vector<1xi32>
        %squeeze3A_787 = vector.extract %slice3A_786[0] : i32 from vector<1xi32>
        %shift_right_arithmetic3A_788 = arith.constant 4 : i32
        %shift_right_arithmetic3A_789 = arith.shrsi %squeeze3A_787, %shift_right_arithmetic3A_788 : i32
        %shift_left3A_790 = arith.constant 8 : i32
        %shift_left3A_791 = arith.shli %shift_right_arithmetic3A_789, %shift_left3A_790 : i32
        %and3A_792 = arith.constant 15 : i32
        %and3A_793 = arith.andi %squeeze3A_787, %and3A_792 : i32
        %add3A_794 = arith.addi %shift_left3A_791, %and3A_793 : i32
        %mul3A_795 = arith.constant 16 : i32
        %mul3A_796 = vector.broadcast %mul3A_795 : i32 to vector<16xi32>
        %mul3A_797 = arith.muli %iota3A, %mul3A_796 : vector<16xi32>
        %add3A_798 = vector.broadcast %add3A_794 : i32 to vector<16xi32>
        %add3A_799 = arith.addi %add3A_798, %mul3A_797 : vector<16xi32>
        %gather3A_800 = tpu.vector_load_idx %arg9[%add3A_799] : memref<4096xf32, #tpu.memory_space<vmem>>[vector<16xi32>], vector<16xf32>,
        %masked_sort3A_801 = arith.constant dense<true> : vector<16xi1>
        %masked_sort3A_802, %masked_sort3A_803, %masked_sort3A_804 = tpu.sort %gather3A_800, %add3A_799 masked %masked_sort3A_801 : (vector<16xf32>, vector<16xi32>, vector<16xi1>) -> (vector<16xi1>, vector<16xf32>, vector<16xi32>)
        %slice3A_805 = vector.extract_strided_slice %masked_sort3A_765 {offsets = [2], sizes = [1], strides = [1]} : vector<16xi32> to vector<1xi32>
        %squeeze3A_806 = vector.extract %slice3A_805[0] : i32 from vector<1xi32>
        %shift_right_arithmetic3A_807 = arith.constant 4 : i32
        %shift_right_arithmetic3A_808 = arith.shrsi %squeeze3A_806, %shift_right_arithmetic3A_807 : i32
        %shift_left3A_809 = arith.constant 8 : i32
        %shift_left3A_810 = arith.shli %shift_right_arithmetic3A_808, %shift_left3A_809 : i32
        %and3A_811 = arith.constant 15 : i32
        %and3A_812 = arith.andi %squeeze3A_806, %and3A_811 : i32
        %add3A_813 = arith.addi %shift_left3A_810, %and3A_812 : i32
        %mul3A_814 = arith.constant 16 : i32
        %mul3A_815 = vector.broadcast %mul3A_814 : i32 to vector<16xi32>
        %mul3A_816 = arith.muli %iota3A, %mul3A_815 : vector<16xi32>
        %add3A_817 = vector.broadcast %add3A_813 : i32 to vector<16xi32>
        %add3A_818 = arith.addi %add3A_817, %mul3A_816 : vector<16xi32>
        %gather3A_819 = tpu.vector_load_idx %arg9[%add3A_818] : memref<4096xf32, #tpu.memory_space<vmem>>[vector<16xi32>], vector<16xf32>,
        %masked_sort3A_820 = arith.constant dense<true> : vector<16xi1>
        %masked_sort3A_821, %masked_sort3A_822, %masked_sort3A_823 = tpu.sort %gather3A_819, %add3A_818 masked %masked_sort3A_820 : (vector<16xf32>, vector<16xi32>, vector<16xi1>) -> (vector<16xi1>, vector<16xf32>, vector<16xi32>)
        %slice3A_824 = vector.extract_strided_slice %masked_sort3A_765 {offsets = [3], sizes = [1], strides = [1]} : vector<16xi32> to vector<1xi32>
        %squeeze3A_825 = vector.extract %slice3A_824[0] : i32 from vector<1xi32>
        %shift_right_arithmetic3A_826 = arith.constant 4 : i32
        %shift_right_arithmetic3A_827 = arith.shrsi %squeeze3A_825, %shift_right_arithmetic3A_826 : i32
        %shift_left3A_828 = arith.constant 8 : i32
        %shift_left3A_829 = arith.shli %shift_right_arithmetic3A_827, %shift_left3A_828 : i32
        %and3A_830 = arith.constant 15 : i32
        %and3A_831 = arith.andi %squeeze3A_825, %and3A_830 : i32
        %add3A_832 = arith.addi %shift_left3A_829, %and3A_831 : i32
        %mul3A_833 = arith.constant 16 : i32
        %mul3A_834 = vector.broadcast %mul3A_833 : i32 to vector<16xi32>
        %mul3A_835 = arith.muli %iota3A, %mul3A_834 : vector<16xi32>
        %add3A_836 = vector.broadcast %add3A_832 : i32 to vector<16xi32>
        %add3A_837 = arith.addi %add3A_836, %mul3A_835 : vector<16xi32>
        %gather3A_838 = tpu.vector_load_idx %arg9[%add3A_837] : memref<4096xf32, #tpu.memory_space<vmem>>[vector<16xi32>], vector<16xf32>,
        %masked_sort3A_839 = arith.constant dense<true> : vector<16xi1>
        %masked_sort3A_840, %masked_sort3A_841, %masked_sort3A_842 = tpu.sort %gather3A_838, %add3A_837 masked %masked_sort3A_839 : (vector<16xf32>, vector<16xi32>, vector<16xi1>) -> (vector<16xi1>, vector<16xf32>, vector<16xi32>)
        %slice3A_843 = vector.extract_strided_slice %masked_sort3A_765 {offsets = [4], sizes = [1], strides = [1]} : vector<16xi32> to vector<1xi32>
        %squeeze3A_844 = vector.extract %slice3A_843[0] : i32 from vector<1xi32>
        %shift_right_arithmetic3A_845 = arith.constant 4 : i32
        %shift_right_arithmetic3A_846 = arith.shrsi %squeeze3A_844, %shift_right_arithmetic3A_845 : i32
        %shift_left3A_847 = arith.constant 8 : i32
        %shift_left3A_848 = arith.shli %shift_right_arithmetic3A_846, %shift_left3A_847 : i32
        %and3A_849 = arith.constant 15 : i32
        %and3A_850 = arith.andi %squeeze3A_844, %and3A_849 : i32
        %add3A_851 = arith.addi %shift_left3A_848, %and3A_850 : i32
        %mul3A_852 = arith.constant 16 : i32
        %mul3A_853 = vector.broadcast %mul3A_852 : i32 to vector<16xi32>
        %mul3A_854 = arith.muli %iota3A, %mul3A_853 : vector<16xi32>
        %add3A_855 = vector.broadcast %add3A_851 : i32 to vector<16xi32>
        %add3A_856 = arith.addi %add3A_855, %mul3A_854 : vector<16xi32>
        %gather3A_857 = tpu.vector_load_idx %arg9[%add3A_856] : memref<4096xf32, #tpu.memory_space<vmem>>[vector<16xi32>], vector<16xf32>,
        %masked_sort3A_858 = arith.constant dense<true> : vector<16xi1>
        %masked_sort3A_859, %masked_sort3A_860, %masked_sort3A_861 = tpu.sort %gather3A_857, %add3A_856 masked %masked_sort3A_858 : (vector<16xf32>, vector<16xi32>, vector<16xi1>) -> (vector<16xi1>, vector<16xf32>, vector<16xi32>)
        %slice3A_862 = vector.extract_strided_slice %masked_sort3A_765 {offsets = [5], sizes = [1], strides = [1]} : vector<16xi32> to vector<1xi32>
        %squeeze3A_863 = vector.extract %slice3A_862[0] : i32 from vector<1xi32>
        %shift_right_arithmetic3A_864 = arith.constant 4 : i32
        %shift_right_arithmetic3A_865 = arith.shrsi %squeeze3A_863, %shift_right_arithmetic3A_864 : i32
        %shift_left3A_866 = arith.constant 8 : i32
        %shift_left3A_867 = arith.shli %shift_right_arithmetic3A_865, %shift_left3A_866 : i32
        %and3A_868 = arith.constant 15 : i32
        %and3A_869 = arith.andi %squeeze3A_863, %and3A_868 : i32
        %add3A_870 = arith.addi %shift_left3A_867, %and3A_869 : i32
        %mul3A_871 = arith.constant 16 : i32
        %mul3A_872 = vector.broadcast %mul3A_871 : i32 to vector<16xi32>
        %mul3A_873 = arith.muli %iota3A, %mul3A_872 : vector<16xi32>
        %add3A_874 = vector.broadcast %add3A_870 : i32 to vector<16xi32>
        %add3A_875 = arith.addi %add3A_874, %mul3A_873 : vector<16xi32>
        %gather3A_876 = tpu.vector_load_idx %arg9[%add3A_875] : memref<4096xf32, #tpu.memory_space<vmem>>[vector<16xi32>], vector<16xf32>,
        %masked_sort3A_877 = arith.constant dense<true> : vector<16xi1>
        %masked_sort3A_878, %masked_sort3A_879, %masked_sort3A_880 = tpu.sort %gather3A_876, %add3A_875 masked %masked_sort3A_877 : (vector<16xf32>, vector<16xi32>, vector<16xi1>) -> (vector<16xi1>, vector<16xf32>, vector<16xi32>)
        %slice3A_881 = vector.extract_strided_slice %masked_sort3A_765 {offsets = [6], sizes = [1], strides = [1]} : vector<16xi32> to vector<1xi32>
        %squeeze3A_882 = vector.extract %slice3A_881[0] : i32 from vector<1xi32>
        %shift_right_arithmetic3A_883 = arith.constant 4 : i32
        %shift_right_arithmetic3A_884 = arith.shrsi %squeeze3A_882, %shift_right_arithmetic3A_883 : i32
        %shift_left3A_885 = arith.constant 8 : i32
        %shift_left3A_886 = arith.shli %shift_right_arithmetic3A_884, %shift_left3A_885 : i32
        %and3A_887 = arith.constant 15 : i32
        %and3A_888 = arith.andi %squeeze3A_882, %and3A_887 : i32
        %add3A_889 = arith.addi %shift_left3A_886, %and3A_888 : i32
        %mul3A_890 = arith.constant 16 : i32
        %mul3A_891 = vector.broadcast %mul3A_890 : i32 to vector<16xi32>
        %mul3A_892 = arith.muli %iota3A, %mul3A_891 : vector<16xi32>
        %add3A_893 = vector.broadcast %add3A_889 : i32 to vector<16xi32>
        %add3A_894 = arith.addi %add3A_893, %mul3A_892 : vector<16xi32>
        %gather3A_895 = tpu.vector_load_idx %arg9[%add3A_894] : memref<4096xf32, #tpu.memory_space<vmem>>[vector<16xi32>], vector<16xf32>,
        %masked_sort3A_896 = arith.constant dense<true> : vector<16xi1>
        %masked_sort3A_897, %masked_sort3A_898, %masked_sort3A_899 = tpu.sort %gather3A_895, %add3A_894 masked %masked_sort3A_896 : (vector<16xf32>, vector<16xi32>, vector<16xi1>) -> (vector<16xi1>, vector<16xf32>, vector<16xi32>)
        %slice3A_900 = vector.extract_strided_slice %masked_sort3A_765 {offsets = [7], sizes = [1], strides = [1]} : vector<16xi32> to vector<1xi32>
        %squeeze3A_901 = vector.extract %slice3A_900[0] : i32 from vector<1xi32>
        %shift_right_arithmetic3A_902 = arith.constant 4 : i32
        %shift_right_arithmetic3A_903 = arith.shrsi %squeeze3A_901, %shift_right_arithmetic3A_902 : i32
        %shift_left3A_904 = arith.constant 8 : i32
        %shift_left3A_905 = arith.shli %shift_right_arithmetic3A_903, %shift_left3A_904 : i32
        %and3A_906 = arith.constant 15 : i32
        %and3A_907 = arith.andi %squeeze3A_901, %and3A_906 : i32
        %add3A_908 = arith.addi %shift_left3A_905, %and3A_907 : i32
        %mul3A_909 = arith.constant 16 : i32
        %mul3A_910 = vector.broadcast %mul3A_909 : i32 to vector<16xi32>
        %mul3A_911 = arith.muli %iota3A, %mul3A_910 : vector<16xi32>
        %add3A_912 = vector.broadcast %add3A_908 : i32 to vector<16xi32>
        %add3A_913 = arith.addi %add3A_912, %mul3A_911 : vector<16xi32>
        %gather3A_914 = tpu.vector_load_idx %arg9[%add3A_913] : memref<4096xf32, #tpu.memory_space<vmem>>[vector<16xi32>], vector<16xf32>,
        %masked_sort3A_915 = arith.constant dense<true> : vector<16xi1>
        %masked_sort3A_916, %masked_sort3A_917, %masked_sort3A_918 = tpu.sort %gather3A_914, %add3A_913 masked %masked_sort3A_915 : (vector<16xf32>, vector<16xi32>, vector<16xi1>) -> (vector<16xi1>, vector<16xf32>, vector<16xi32>)
        %slice3A_919 = vector.extract_strided_slice %masked_sort3A_765 {offsets = [8], sizes = [1], strides = [1]} : vector<16xi32> to vector<1xi32>
        %squeeze3A_920 = vector.extract %slice3A_919[0] : i32 from vector<1xi32>
        %shift_right_arithmetic3A_921 = arith.constant 4 : i32
        %shift_right_arithmetic3A_922 = arith.shrsi %squeeze3A_920, %shift_right_arithmetic3A_921 : i32
        %shift_left3A_923 = arith.constant 8 : i32
        %shift_left3A_924 = arith.shli %shift_right_arithmetic3A_922, %shift_left3A_923 : i32
        %and3A_925 = arith.constant 15 : i32
        %and3A_926 = arith.andi %squeeze3A_920, %and3A_925 : i32
        %add3A_927 = arith.addi %shift_left3A_924, %and3A_926 : i32
        %mul3A_928 = arith.constant 16 : i32
        %mul3A_929 = vector.broadcast %mul3A_928 : i32 to vector<16xi32>
        %mul3A_930 = arith.muli %iota3A, %mul3A_929 : vector<16xi32>
        %add3A_931 = vector.broadcast %add3A_927 : i32 to vector<16xi32>
        %add3A_932 = arith.addi %add3A_931, %mul3A_930 : vector<16xi32>
        %gather3A_933 = tpu.vector_load_idx %arg9[%add3A_932] : memref<4096xf32, #tpu.memory_space<vmem>>[vector<16xi32>], vector<16xf32>,
        %masked_sort3A_934 = arith.constant dense<true> : vector<16xi1>
        %masked_sort3A_935, %masked_sort3A_936, %masked_sort3A_937 = tpu.sort %gather3A_933, %add3A_932 masked %masked_sort3A_934 : (vector<16xf32>, vector<16xi32>, vector<16xi1>) -> (vector<16xi1>, vector<16xf32>, vector<16xi32>)
        %slice3A_938 = vector.extract_strided_slice %masked_sort3A_765 {offsets = [9], sizes = [1], strides = [1]} : vector<16xi32> to vector<1xi32>
        %squeeze3A_939 = vector.extract %slice3A_938[0] : i32 from vector<1xi32>
        %shift_right_arithmetic3A_940 = arith.constant 4 : i32
        %shift_right_arithmetic3A_941 = arith.shrsi %squeeze3A_939, %shift_right_arithmetic3A_940 : i32
        %shift_left3A_942 = arith.constant 8 : i32
        %shift_left3A_943 = arith.shli %shift_right_arithmetic3A_941, %shift_left3A_942 : i32
        %and3A_944 = arith.constant 15 : i32
        %and3A_945 = arith.andi %squeeze3A_939, %and3A_944 : i32
        %add3A_946 = arith.addi %shift_left3A_943, %and3A_945 : i32
        %mul3A_947 = arith.constant 16 : i32
        %mul3A_948 = vector.broadcast %mul3A_947 : i32 to vector<16xi32>
        %mul3A_949 = arith.muli %iota3A, %mul3A_948 : vector<16xi32>
        %add3A_950 = vector.broadcast %add3A_946 : i32 to vector<16xi32>
        %add3A_951 = arith.addi %add3A_950, %mul3A_949 : vector<16xi32>
        %gather3A_952 = tpu.vector_load_idx %arg9[%add3A_951] : memref<4096xf32, #tpu.memory_space<vmem>>[vector<16xi32>], vector<16xf32>,
        %masked_sort3A_953 = arith.constant dense<true> : vector<16xi1>
        %masked_sort3A_954, %masked_sort3A_955, %masked_sort3A_956 = tpu.sort %gather3A_952, %add3A_951 masked %masked_sort3A_953 : (vector<16xf32>, vector<16xi32>, vector<16xi1>) -> (vector<16xi1>, vector<16xf32>, vector<16xi32>)
        %slice3A_957 = vector.extract_strided_slice %masked_sort3A_765 {offsets = [10], sizes = [1], strides = [1]} : vector<16xi32> to vector<1xi32>
        %squeeze3A_958 = vector.extract %slice3A_957[0] : i32 from vector<1xi32>
        %shift_right_arithmetic3A_959 = arith.constant 4 : i32
        %shift_right_arithmetic3A_960 = arith.shrsi %squeeze3A_958, %shift_right_arithmetic3A_959 : i32
        %shift_left3A_961 = arith.constant 8 : i32
        %shift_left3A_962 = arith.shli %shift_right_arithmetic3A_960, %shift_left3A_961 : i32
        %and3A_963 = arith.constant 15 : i32
        %and3A_964 = arith.andi %squeeze3A_958, %and3A_963 : i32
        %add3A_965 = arith.addi %shift_left3A_962, %and3A_964 : i32
        %mul3A_966 = arith.constant 16 : i32
        %mul3A_967 = vector.broadcast %mul3A_966 : i32 to vector<16xi32>
        %mul3A_968 = arith.muli %iota3A, %mul3A_967 : vector<16xi32>
        %add3A_969 = vector.broadcast %add3A_965 : i32 to vector<16xi32>
        %add3A_970 = arith.addi %add3A_969, %mul3A_968 : vector<16xi32>
        %gather3A_971 = tpu.vector_load_idx %arg9[%add3A_970] : memref<4096xf32, #tpu.memory_space<vmem>>[vector<16xi32>], vector<16xf32>,
        %masked_sort3A_972 = arith.constant dense<true> : vector<16xi1>
        %masked_sort3A_973, %masked_sort3A_974, %masked_sort3A_975 = tpu.sort %gather3A_971, %add3A_970 masked %masked_sort3A_972 : (vector<16xf32>, vector<16xi32>, vector<16xi1>) -> (vector<16xi1>, vector<16xf32>, vector<16xi32>)
        %slice3A_976 = vector.extract_strided_slice %masked_sort3A_765 {offsets = [11], sizes = [1], strides = [1]} : vector<16xi32> to vector<1xi32>
        %squeeze3A_977 = vector.extract %slice3A_976[0] : i32 from vector<1xi32>
        %shift_right_arithmetic3A_978 = arith.constant 4 : i32
        %shift_right_arithmetic3A_979 = arith.shrsi %squeeze3A_977, %shift_right_arithmetic3A_978 : i32
        %shift_left3A_980 = arith.constant 8 : i32
        %shift_left3A_981 = arith.shli %shift_right_arithmetic3A_979, %shift_left3A_980 : i32
        %and3A_982 = arith.constant 15 : i32
        %and3A_983 = arith.andi %squeeze3A_977, %and3A_982 : i32
        %add3A_984 = arith.addi %shift_left3A_981, %and3A_983 : i32
        %mul3A_985 = arith.constant 16 : i32
        %mul3A_986 = vector.broadcast %mul3A_985 : i32 to vector<16xi32>
        %mul3A_987 = arith.muli %iota3A, %mul3A_986 : vector<16xi32>
        %add3A_988 = vector.broadcast %add3A_984 : i32 to vector<16xi32>
        %add3A_989 = arith.addi %add3A_988, %mul3A_987 : vector<16xi32>
        %gather3A_990 = tpu.vector_load_idx %arg9[%add3A_989] : memref<4096xf32, #tpu.memory_space<vmem>>[vector<16xi32>], vector<16xf32>,
        %masked_sort3A_991 = arith.constant dense<true> : vector<16xi1>
        %masked_sort3A_992, %masked_sort3A_993, %masked_sort3A_994 = tpu.sort %gather3A_990, %add3A_989 masked %masked_sort3A_991 : (vector<16xf32>, vector<16xi32>, vector<16xi1>) -> (vector<16xi1>, vector<16xf32>, vector<16xi32>)
        %slice3A_995 = vector.extract_strided_slice %masked_sort3A_765 {offsets = [12], sizes = [1], strides = [1]} : vector<16xi32> to vector<1xi32>
        %squeeze3A_996 = vector.extract %slice3A_995[0] : i32 from vector<1xi32>
        %shift_right_arithmetic3A_997 = arith.constant 4 : i32
        %shift_right_arithmetic3A_998 = arith.shrsi %squeeze3A_996, %shift_right_arithmetic3A_997 : i32
        %shift_left3A_999 = arith.constant 8 : i32
        %shift_left3A_1000 = arith.shli %shift_right_arithmetic3A_998, %shift_left3A_999 : i32
        %and3A_1001 = arith.constant 15 : i32
        %and3A_1002 = arith.andi %squeeze3A_996, %and3A_1001 : i32
        %add3A_1003 = arith.addi %shift_left3A_1000, %and3A_1002 : i32
        %mul3A_1004 = arith.constant 16 : i32
        %mul3A_1005 = vector.broadcast %mul3A_1004 : i32 to vector<16xi32>
        %mul3A_1006 = arith.muli %iota3A, %mul3A_1005 : vector<16xi32>
        %add3A_1007 = vector.broadcast %add3A_1003 : i32 to vector<16xi32>
        %add3A_1008 = arith.addi %add3A_1007, %mul3A_1006 : vector<16xi32>
        %gather3A_1009 = tpu.vector_load_idx %arg9[%add3A_1008] : memref<4096xf32, #tpu.memory_space<vmem>>[vector<16xi32>], vector<16xf32>,
        %masked_sort3A_1010 = arith.constant dense<true> : vector<16xi1>
        %masked_sort3A_1011, %masked_sort3A_1012, %masked_sort3A_1013 = tpu.sort %gather3A_1009, %add3A_1008 masked %masked_sort3A_1010 : (vector<16xf32>, vector<16xi32>, vector<16xi1>) -> (vector<16xi1>, vector<16xf32>, vector<16xi32>)
        %slice3A_1014 = vector.extract_strided_slice %masked_sort3A_765 {offsets = [13], sizes = [1], strides = [1]} : vector<16xi32> to vector<1xi32>
        %squeeze3A_1015 = vector.extract %slice3A_1014[0] : i32 from vector<1xi32>
        %shift_right_arithmetic3A_1016 = arith.constant 4 : i32
        %shift_right_arithmetic3A_1017 = arith.shrsi %squeeze3A_1015, %shift_right_arithmetic3A_1016 : i32
        %shift_left3A_1018 = arith.constant 8 : i32
        %shift_left3A_1019 = arith.shli %shift_right_arithmetic3A_1017, %shift_left3A_1018 : i32
        %and3A_1020 = arith.constant 15 : i32
        %and3A_1021 = arith.andi %squeeze3A_1015, %and3A_1020 : i32
        %add3A_1022 = arith.addi %shift_left3A_1019, %and3A_1021 : i32
        %mul3A_1023 = arith.constant 16 : i32
        %mul3A_1024 = vector.broadcast %mul3A_1023 : i32 to vector<16xi32>
        %mul3A_1025 = arith.muli %iota3A, %mul3A_1024 : vector<16xi32>
        %add3A_1026 = vector.broadcast %add3A_1022 : i32 to vector<16xi32>
        %add3A_1027 = arith.addi %add3A_1026, %mul3A_1025 : vector<16xi32>
        %gather3A_1028 = tpu.vector_load_idx %arg9[%add3A_1027] : memref<4096xf32, #tpu.memory_space<vmem>>[vector<16xi32>], vector<16xf32>,
        %masked_sort3A_1029 = arith.constant dense<true> : vector<16xi1>
        %masked_sort3A_1030, %masked_sort3A_1031, %masked_sort3A_1032 = tpu.sort %gather3A_1028, %add3A_1027 masked %masked_sort3A_1029 : (vector<16xf32>, vector<16xi32>, vector<16xi1>) -> (vector<16xi1>, vector<16xf32>, vector<16xi32>)
        %slice3A_1033 = vector.extract_strided_slice %masked_sort3A_765 {offsets = [14], sizes = [1], strides = [1]} : vector<16xi32> to vector<1xi32>
        %squeeze3A_1034 = vector.extract %slice3A_1033[0] : i32 from vector<1xi32>
        %shift_right_arithmetic3A_1035 = arith.constant 4 : i32
        %shift_right_arithmetic3A_1036 = arith.shrsi %squeeze3A_1034, %shift_right_arithmetic3A_1035 : i32
        %shift_left3A_1037 = arith.constant 8 : i32
        %shift_left3A_1038 = arith.shli %shift_right_arithmetic3A_1036, %shift_left3A_1037 : i32
        %and3A_1039 = arith.constant 15 : i32
        %and3A_1040 = arith.andi %squeeze3A_1034, %and3A_1039 : i32
        %add3A_1041 = arith.addi %shift_left3A_1038, %and3A_1040 : i32
        %mul3A_1042 = arith.constant 16 : i32
        %mul3A_1043 = vector.broadcast %mul3A_1042 : i32 to vector<16xi32>
        %mul3A_1044 = arith.muli %iota3A, %mul3A_1043 : vector<16xi32>
        %add3A_1045 = vector.broadcast %add3A_1041 : i32 to vector<16xi32>
        %add3A_1046 = arith.addi %add3A_1045, %mul3A_1044 : vector<16xi32>
        %gather3A_1047 = tpu.vector_load_idx %arg9[%add3A_1046] : memref<4096xf32, #tpu.memory_space<vmem>>[vector<16xi32>], vector<16xf32>,
        %masked_sort3A_1048 = arith.constant dense<true> : vector<16xi1>
        %masked_sort3A_1049, %masked_sort3A_1050, %masked_sort3A_1051 = tpu.sort %gather3A_1047, %add3A_1046 masked %masked_sort3A_1048 : (vector<16xf32>, vector<16xi32>, vector<16xi1>) -> (vector<16xi1>, vector<16xf32>, vector<16xi32>)
        %slice3A_1052 = vector.extract_strided_slice %masked_sort3A_765 {offsets = [15], sizes = [1], strides = [1]} : vector<16xi32> to vector<1xi32>
        %squeeze3A_1053 = vector.extract %slice3A_1052[0] : i32 from vector<1xi32>
        %shift_right_arithmetic3A_1054 = arith.constant 4 : i32
        %shift_right_arithmetic3A_1055 = arith.shrsi %squeeze3A_1053, %shift_right_arithmetic3A_1054 : i32
        %shift_left3A_1056 = arith.constant 8 : i32
        %shift_left3A_1057 = arith.shli %shift_right_arithmetic3A_1055, %shift_left3A_1056 : i32
        %and3A_1058 = arith.constant 15 : i32
        %and3A_1059 = arith.andi %squeeze3A_1053, %and3A_1058 : i32
        %add3A_1060 = arith.addi %shift_left3A_1057, %and3A_1059 : i32
        %mul3A_1061 = arith.constant 16 : i32
        %mul3A_1062 = vector.broadcast %mul3A_1061 : i32 to vector<16xi32>
        %mul3A_1063 = arith.muli %iota3A, %mul3A_1062 : vector<16xi32>
        %add3A_1064 = vector.broadcast %add3A_1060 : i32 to vector<16xi32>
        %add3A_1065 = arith.addi %add3A_1064, %mul3A_1063 : vector<16xi32>
        %gather3A_1066 = tpu.vector_load_idx %arg9[%add3A_1065] : memref<4096xf32, #tpu.memory_space<vmem>>[vector<16xi32>], vector<16xf32>,
        %masked_sort3A_1067 = arith.constant dense<true> : vector<16xi1>
        %masked_sort3A_1068, %masked_sort3A_1069, %masked_sort3A_1070 = tpu.sort %gather3A_1066, %add3A_1065 masked %masked_sort3A_1067 : (vector<16xf32>, vector<16xi32>, vector<16xi1>) -> (vector<16xi1>, vector<16xf32>, vector<16xi32>)
        %slice3A_1071 = vector.extract_strided_slice %masked_sort3A_769 {offsets = [0], sizes = [1], strides = [1]} : vector<16xi32> to vector<1xi32>
        %squeeze3A_1072 = vector.extract %slice3A_1071[0] : i32 from vector<1xi32>
        %shift_right_arithmetic3A_1073 = arith.constant 4 : i32
        %shift_right_arithmetic3A_1074 = arith.shrsi %squeeze3A_1072, %shift_right_arithmetic3A_1073 : i32
        %shift_left3A_1075 = arith.constant 8 : i32
        %shift_left3A_1076 = arith.shli %shift_right_arithmetic3A_1074, %shift_left3A_1075 : i32
        %and3A_1077 = arith.constant 15 : i32
        %and3A_1078 = arith.andi %squeeze3A_1072, %and3A_1077 : i32
        %add3A_1079 = arith.addi %shift_left3A_1076, %and3A_1078 : i32
        %mul3A_1080 = arith.constant 16 : i32
        %mul3A_1081 = vector.broadcast %mul3A_1080 : i32 to vector<16xi32>
        %mul3A_1082 = arith.muli %iota3A, %mul3A_1081 : vector<16xi32>
        %add3A_1083 = vector.broadcast %add3A_1079 : i32 to vector<16xi32>
        %add3A_1084 = arith.addi %add3A_1083, %mul3A_1082 : vector<16xi32>
        %gather3A_1085 = tpu.vector_load_idx %arg9[%add3A_1084] : memref<4096xf32, #tpu.memory_space<vmem>>[vector<16xi32>], vector<16xf32>,
        %masked_sort3A_1086 = arith.constant dense<true> : vector<16xi1>
        %masked_sort3A_1087, %masked_sort3A_1088, %masked_sort3A_1089 = tpu.sort %gather3A_1085, %add3A_1084 masked %masked_sort3A_1086 : (vector<16xf32>, vector<16xi32>, vector<16xi1>) -> (vector<16xi1>, vector<16xf32>, vector<16xi32>)
        %slice3A_1090 = vector.extract_strided_slice %masked_sort3A_769 {offsets = [1], sizes = [1], strides = [1]} : vector<16xi32> to vector<1xi32>
        %squeeze3A_1091 = vector.extract %slice3A_1090[0] : i32 from vector<1xi32>
        %shift_right_arithmetic3A_1092 = arith.constant 4 : i32
        %shift_right_arithmetic3A_1093 = arith.shrsi %squeeze3A_1091, %shift_right_arithmetic3A_1092 : i32
        %shift_left3A_1094 = arith.constant 8 : i32
        %shift_left3A_1095 = arith.shli %shift_right_arithmetic3A_1093, %shift_left3A_1094 : i32
        %and3A_1096 = arith.constant 15 : i32
        %and3A_1097 = arith.andi %squeeze3A_1091, %and3A_1096 : i32
        %add3A_1098 = arith.addi %shift_left3A_1095, %and3A_1097 : i32
        %mul3A_1099 = arith.constant 16 : i32
        %mul3A_1100 = vector.broadcast %mul3A_1099 : i32 to vector<16xi32>
        %mul3A_1101 = arith.muli %iota3A, %mul3A_1100 : vector<16xi32>
        %add3A_1102 = vector.broadcast %add3A_1098 : i32 to vector<16xi32>
        %add3A_1103 = arith.addi %add3A_1102, %mul3A_1101 : vector<16xi32>
        %gather3A_1104 = tpu.vector_load_idx %arg9[%add3A_1103] : memref<4096xf32, #tpu.memory_space<vmem>>[vector<16xi32>], vector<16xf32>,
        %masked_sort3A_1105 = arith.constant dense<true> : vector<16xi1>
        %masked_sort3A_1106, %masked_sort3A_1107, %masked_sort3A_1108 = tpu.sort %gather3A_1104, %add3A_1103 masked %masked_sort3A_1105 : (vector<16xf32>, vector<16xi32>, vector<16xi1>) -> (vector<16xi1>, vector<16xf32>, vector<16xi32>)
        %slice3A_1109 = vector.extract_strided_slice %masked_sort3A_769 {offsets = [2], sizes = [1], strides = [1]} : vector<16xi32> to vector<1xi32>
        %squeeze3A_1110 = vector.extract %slice3A_1109[0] : i32 from vector<1xi32>
        %shift_right_arithmetic3A_1111 = arith.constant 4 : i32
        %shift_right_arithmetic3A_1112 = arith.shrsi %squeeze3A_1110, %shift_right_arithmetic3A_1111 : i32
        %shift_left3A_1113 = arith.constant 8 : i32
        %shift_left3A_1114 = arith.shli %shift_right_arithmetic3A_1112, %shift_left3A_1113 : i32
        %and3A_1115 = arith.constant 15 : i32
        %and3A_1116 = arith.andi %squeeze3A_1110, %and3A_1115 : i32
        %add3A_1117 = arith.addi %shift_left3A_1114, %and3A_1116 : i32
        %mul3A_1118 = arith.constant 16 : i32
        %mul3A_1119 = vector.broadcast %mul3A_1118 : i32 to vector<16xi32>
        %mul3A_1120 = arith.muli %iota3A, %mul3A_1119 : vector<16xi32>
        %add3A_1121 = vector.broadcast %add3A_1117 : i32 to vector<16xi32>
        %add3A_1122 = arith.addi %add3A_1121, %mul3A_1120 : vector<16xi32>
        %gather3A_1123 = tpu.vector_load_idx %arg9[%add3A_1122] : memref<4096xf32, #tpu.memory_space<vmem>>[vector<16xi32>], vector<16xf32>,
        %masked_sort3A_1124 = arith.constant dense<true> : vector<16xi1>
        %masked_sort3A_1125, %masked_sort3A_1126, %masked_sort3A_1127 = tpu.sort %gather3A_1123, %add3A_1122 masked %masked_sort3A_1124 : (vector<16xf32>, vector<16xi32>, vector<16xi1>) -> (vector<16xi1>, vector<16xf32>, vector<16xi32>)
        %slice3A_1128 = vector.extract_strided_slice %masked_sort3A_769 {offsets = [3], sizes = [1], strides = [1]} : vector<16xi32> to vector<1xi32>
        %squeeze3A_1129 = vector.extract %slice3A_1128[0] : i32 from vector<1xi32>
        %shift_right_arithmetic3A_1130 = arith.constant 4 : i32
        %shift_right_arithmetic3A_1131 = arith.shrsi %squeeze3A_1129, %shift_right_arithmetic3A_1130 : i32
        %shift_left3A_1132 = arith.constant 8 : i32
        %shift_left3A_1133 = arith.shli %shift_right_arithmetic3A_1131, %shift_left3A_1132 : i32
        %and3A_1134 = arith.constant 15 : i32
        %and3A_1135 = arith.andi %squeeze3A_1129, %and3A_1134 : i32
        %add3A_1136 = arith.addi %shift_left3A_1133, %and3A_1135 : i32
        %mul3A_1137 = arith.constant 16 : i32
        %mul3A_1138 = vector.broadcast %mul3A_1137 : i32 to vector<16xi32>
        %mul3A_1139 = arith.muli %iota3A, %mul3A_1138 : vector<16xi32>
        %add3A_1140 = vector.broadcast %add3A_1136 : i32 to vector<16xi32>
        %add3A_1141 = arith.addi %add3A_1140, %mul3A_1139 : vector<16xi32>
        %gather3A_1142 = tpu.vector_load_idx %arg9[%add3A_1141] : memref<4096xf32, #tpu.memory_space<vmem>>[vector<16xi32>], vector<16xf32>,
        %masked_sort3A_1143 = arith.constant dense<true> : vector<16xi1>
        %masked_sort3A_1144, %masked_sort3A_1145, %masked_sort3A_1146 = tpu.sort %gather3A_1142, %add3A_1141 masked %masked_sort3A_1143 : (vector<16xf32>, vector<16xi32>, vector<16xi1>) -> (vector<16xi1>, vector<16xf32>, vector<16xi32>)
        %slice3A_1147 = vector.extract_strided_slice %masked_sort3A_769 {offsets = [4], sizes = [1], strides = [1]} : vector<16xi32> to vector<1xi32>
        %squeeze3A_1148 = vector.extract %slice3A_1147[0] : i32 from vector<1xi32>
        %shift_right_arithmetic3A_1149 = arith.constant 4 : i32
        %shift_right_arithmetic3A_1150 = arith.shrsi %squeeze3A_1148, %shift_right_arithmetic3A_1149 : i32
        %shift_left3A_1151 = arith.constant 8 : i32
        %shift_left3A_1152 = arith.shli %shift_right_arithmetic3A_1150, %shift_left3A_1151 : i32
        %and3A_1153 = arith.constant 15 : i32
        %and3A_1154 = arith.andi %squeeze3A_1148, %and3A_1153 : i32
        %add3A_1155 = arith.addi %shift_left3A_1152, %and3A_1154 : i32
        %mul3A_1156 = arith.constant 16 : i32
        %mul3A_1157 = vector.broadcast %mul3A_1156 : i32 to vector<16xi32>
        %mul3A_1158 = arith.muli %iota3A, %mul3A_1157 : vector<16xi32>
        %add3A_1159 = vector.broadcast %add3A_1155 : i32 to vector<16xi32>
        %add3A_1160 = arith.addi %add3A_1159, %mul3A_1158 : vector<16xi32>
        %gather3A_1161 = tpu.vector_load_idx %arg9[%add3A_1160] : memref<4096xf32, #tpu.memory_space<vmem>>[vector<16xi32>], vector<16xf32>,
        %masked_sort3A_1162 = arith.constant dense<true> : vector<16xi1>
        %masked_sort3A_1163, %masked_sort3A_1164, %masked_sort3A_1165 = tpu.sort %gather3A_1161, %add3A_1160 masked %masked_sort3A_1162 : (vector<16xf32>, vector<16xi32>, vector<16xi1>) -> (vector<16xi1>, vector<16xf32>, vector<16xi32>)
        %slice3A_1166 = vector.extract_strided_slice %masked_sort3A_769 {offsets = [5], sizes = [1], strides = [1]} : vector<16xi32> to vector<1xi32>
        %squeeze3A_1167 = vector.extract %slice3A_1166[0] : i32 from vector<1xi32>
        %shift_right_arithmetic3A_1168 = arith.constant 4 : i32
        %shift_right_arithmetic3A_1169 = arith.shrsi %squeeze3A_1167, %shift_right_arithmetic3A_1168 : i32
        %shift_left3A_1170 = arith.constant 8 : i32
        %shift_left3A_1171 = arith.shli %shift_right_arithmetic3A_1169, %shift_left3A_1170 : i32
        %and3A_1172 = arith.constant 15 : i32
        %and3A_1173 = arith.andi %squeeze3A_1167, %and3A_1172 : i32
        %add3A_1174 = arith.addi %shift_left3A_1171, %and3A_1173 : i32
        %mul3A_1175 = arith.constant 16 : i32
        %mul3A_1176 = vector.broadcast %mul3A_1175 : i32 to vector<16xi32>
        %mul3A_1177 = arith.muli %iota3A, %mul3A_1176 : vector<16xi32>
        %add3A_1178 = vector.broadcast %add3A_1174 : i32 to vector<16xi32>
        %add3A_1179 = arith.addi %add3A_1178, %mul3A_1177 : vector<16xi32>
        %gather3A_1180 = tpu.vector_load_idx %arg9[%add3A_1179] : memref<4096xf32, #tpu.memory_space<vmem>>[vector<16xi32>], vector<16xf32>,
        %masked_sort3A_1181 = arith.constant dense<true> : vector<16xi1>
        %masked_sort3A_1182, %masked_sort3A_1183, %masked_sort3A_1184 = tpu.sort %gather3A_1180, %add3A_1179 masked %masked_sort3A_1181 : (vector<16xf32>, vector<16xi32>, vector<16xi1>) -> (vector<16xi1>, vector<16xf32>, vector<16xi32>)
        %slice3A_1185 = vector.extract_strided_slice %masked_sort3A_769 {offsets = [6], sizes = [1], strides = [1]} : vector<16xi32> to vector<1xi32>
        %squeeze3A_1186 = vector.extract %slice3A_1185[0] : i32 from vector<1xi32>
        %shift_right_arithmetic3A_1187 = arith.constant 4 : i32
        %shift_right_arithmetic3A_1188 = arith.shrsi %squeeze3A_1186, %shift_right_arithmetic3A_1187 : i32
        %shift_left3A_1189 = arith.constant 8 : i32
        %shift_left3A_1190 = arith.shli %shift_right_arithmetic3A_1188, %shift_left3A_1189 : i32
        %and3A_1191 = arith.constant 15 : i32
        %and3A_1192 = arith.andi %squeeze3A_1186, %and3A_1191 : i32
        %add3A_1193 = arith.addi %shift_left3A_1190, %and3A_1192 : i32
        %mul3A_1194 = arith.constant 16 : i32
        %mul3A_1195 = vector.broadcast %mul3A_1194 : i32 to vector<16xi32>
        %mul3A_1196 = arith.muli %iota3A, %mul3A_1195 : vector<16xi32>
        %add3A_1197 = vector.broadcast %add3A_1193 : i32 to vector<16xi32>
        %add3A_1198 = arith.addi %add3A_1197, %mul3A_1196 : vector<16xi32>
        %gather3A_1199 = tpu.vector_load_idx %arg9[%add3A_1198] : memref<4096xf32, #tpu.memory_space<vmem>>[vector<16xi32>], vector<16xf32>,
        %masked_sort3A_1200 = arith.constant dense<true> : vector<16xi1>
        %masked_sort3A_1201, %masked_sort3A_1202, %masked_sort3A_1203 = tpu.sort %gather3A_1199, %add3A_1198 masked %masked_sort3A_1200 : (vector<16xf32>, vector<16xi32>, vector<16xi1>) -> (vector<16xi1>, vector<16xf32>, vector<16xi32>)
        %slice3A_1204 = vector.extract_strided_slice %masked_sort3A_769 {offsets = [7], sizes = [1], strides = [1]} : vector<16xi32> to vector<1xi32>
        %squeeze3A_1205 = vector.extract %slice3A_1204[0] : i32 from vector<1xi32>
        %shift_right_arithmetic3A_1206 = arith.constant 4 : i32
        %shift_right_arithmetic3A_1207 = arith.shrsi %squeeze3A_1205, %shift_right_arithmetic3A_1206 : i32
        %shift_left3A_1208 = arith.constant 8 : i32
        %shift_left3A_1209 = arith.shli %shift_right_arithmetic3A_1207, %shift_left3A_1208 : i32
        %and3A_1210 = arith.constant 15 : i32
        %and3A_1211 = arith.andi %squeeze3A_1205, %and3A_1210 : i32
        %add3A_1212 = arith.addi %shift_left3A_1209, %and3A_1211 : i32
        %mul3A_1213 = arith.constant 16 : i32
        %mul3A_1214 = vector.broadcast %mul3A_1213 : i32 to vector<16xi32>
        %mul3A_1215 = arith.muli %iota3A, %mul3A_1214 : vector<16xi32>
        %add3A_1216 = vector.broadcast %add3A_1212 : i32 to vector<16xi32>
        %add3A_1217 = arith.addi %add3A_1216, %mul3A_1215 : vector<16xi32>
        %gather3A_1218 = tpu.vector_load_idx %arg9[%add3A_1217] : memref<4096xf32, #tpu.memory_space<vmem>>[vector<16xi32>], vector<16xf32>,
        %masked_sort3A_1219 = arith.constant dense<true> : vector<16xi1>
        %masked_sort3A_1220, %masked_sort3A_1221, %masked_sort3A_1222 = tpu.sort %gather3A_1218, %add3A_1217 masked %masked_sort3A_1219 : (vector<16xf32>, vector<16xi32>, vector<16xi1>) -> (vector<16xi1>, vector<16xf32>, vector<16xi32>)
        %slice3A_1223 = vector.extract_strided_slice %masked_sort3A_769 {offsets = [8], sizes = [1], strides = [1]} : vector<16xi32> to vector<1xi32>
        %squeeze3A_1224 = vector.extract %slice3A_1223[0] : i32 from vector<1xi32>
        %shift_right_arithmetic3A_1225 = arith.constant 4 : i32
        %shift_right_arithmetic3A_1226 = arith.shrsi %squeeze3A_1224, %shift_right_arithmetic3A_1225 : i32
        %shift_left3A_1227 = arith.constant 8 : i32
        %shift_left3A_1228 = arith.shli %shift_right_arithmetic3A_1226, %shift_left3A_1227 : i32
        %and3A_1229 = arith.constant 15 : i32
        %and3A_1230 = arith.andi %squeeze3A_1224, %and3A_1229 : i32
        %add3A_1231 = arith.addi %shift_left3A_1228, %and3A_1230 : i32
        %mul3A_1232 = arith.constant 16 : i32
        %mul3A_1233 = vector.broadcast %mul3A_1232 : i32 to vector<16xi32>
        %mul3A_1234 = arith.muli %iota3A, %mul3A_1233 : vector<16xi32>
        %add3A_1235 = vector.broadcast %add3A_1231 : i32 to vector<16xi32>
        %add3A_1236 = arith.addi %add3A_1235, %mul3A_1234 : vector<16xi32>
        %gather3A_1237 = tpu.vector_load_idx %arg9[%add3A_1236] : memref<4096xf32, #tpu.memory_space<vmem>>[vector<16xi32>], vector<16xf32>,
        %masked_sort3A_1238 = arith.constant dense<true> : vector<16xi1>
        %masked_sort3A_1239, %masked_sort3A_1240, %masked_sort3A_1241 = tpu.sort %gather3A_1237, %add3A_1236 masked %masked_sort3A_1238 : (vector<16xf32>, vector<16xi32>, vector<16xi1>) -> (vector<16xi1>, vector<16xf32>, vector<16xi32>)
        %slice3A_1242 = vector.extract_strided_slice %masked_sort3A_769 {offsets = [9], sizes = [1], strides = [1]} : vector<16xi32> to vector<1xi32>
        %squeeze3A_1243 = vector.extract %slice3A_1242[0] : i32 from vector<1xi32>
        %shift_right_arithmetic3A_1244 = arith.constant 4 : i32
        %shift_right_arithmetic3A_1245 = arith.shrsi %squeeze3A_1243, %shift_right_arithmetic3A_1244 : i32
        %shift_left3A_1246 = arith.constant 8 : i32
        %shift_left3A_1247 = arith.shli %shift_right_arithmetic3A_1245, %shift_left3A_1246 : i32
        %and3A_1248 = arith.constant 15 : i32
        %and3A_1249 = arith.andi %squeeze3A_1243, %and3A_1248 : i32
        %add3A_1250 = arith.addi %shift_left3A_1247, %and3A_1249 : i32
        %mul3A_1251 = arith.constant 16 : i32
        %mul3A_1252 = vector.broadcast %mul3A_1251 : i32 to vector<16xi32>
        %mul3A_1253 = arith.muli %iota3A, %mul3A_1252 : vector<16xi32>
        %add3A_1254 = vector.broadcast %add3A_1250 : i32 to vector<16xi32>
        %add3A_1255 = arith.addi %add3A_1254, %mul3A_1253 : vector<16xi32>
        %gather3A_1256 = tpu.vector_load_idx %arg9[%add3A_1255] : memref<4096xf32, #tpu.memory_space<vmem>>[vector<16xi32>], vector<16xf32>,
        %masked_sort3A_1257 = arith.constant dense<true> : vector<16xi1>
        %masked_sort3A_1258, %masked_sort3A_1259, %masked_sort3A_1260 = tpu.sort %gather3A_1256, %add3A_1255 masked %masked_sort3A_1257 : (vector<16xf32>, vector<16xi32>, vector<16xi1>) -> (vector<16xi1>, vector<16xf32>, vector<16xi32>)
        %slice3A_1261 = vector.extract_strided_slice %masked_sort3A_769 {offsets = [10], sizes = [1], strides = [1]} : vector<16xi32> to vector<1xi32>
        %squeeze3A_1262 = vector.extract %slice3A_1261[0] : i32 from vector<1xi32>
        %shift_right_arithmetic3A_1263 = arith.constant 4 : i32
        %shift_right_arithmetic3A_1264 = arith.shrsi %squeeze3A_1262, %shift_right_arithmetic3A_1263 : i32
        %shift_left3A_1265 = arith.constant 8 : i32
        %shift_left3A_1266 = arith.shli %shift_right_arithmetic3A_1264, %shift_left3A_1265 : i32
        %and3A_1267 = arith.constant 15 : i32
        %and3A_1268 = arith.andi %squeeze3A_1262, %and3A_1267 : i32
        %add3A_1269 = arith.addi %shift_left3A_1266, %and3A_1268 : i32
        %mul3A_1270 = arith.constant 16 : i32
        %mul3A_1271 = vector.broadcast %mul3A_1270 : i32 to vector<16xi32>
        %mul3A_1272 = arith.muli %iota3A, %mul3A_1271 : vector<16xi32>
        %add3A_1273 = vector.broadcast %add3A_1269 : i32 to vector<16xi32>
        %add3A_1274 = arith.addi %add3A_1273, %mul3A_1272 : vector<16xi32>
        %gather3A_1275 = tpu.vector_load_idx %arg9[%add3A_1274] : memref<4096xf32, #tpu.memory_space<vmem>>[vector<16xi32>], vector<16xf32>,
        %masked_sort3A_1276 = arith.constant dense<true> : vector<16xi1>
        %masked_sort3A_1277, %masked_sort3A_1278, %masked_sort3A_1279 = tpu.sort %gather3A_1275, %add3A_1274 masked %masked_sort3A_1276 : (vector<16xf32>, vector<16xi32>, vector<16xi1>) -> (vector<16xi1>, vector<16xf32>, vector<16xi32>)
        %slice3A_1280 = vector.extract_strided_slice %masked_sort3A_769 {offsets = [11], sizes = [1], strides = [1]} : vector<16xi32> to vector<1xi32>
        %squeeze3A_1281 = vector.extract %slice3A_1280[0] : i32 from vector<1xi32>
        %shift_right_arithmetic3A_1282 = arith.constant 4 : i32
        %shift_right_arithmetic3A_1283 = arith.shrsi %squeeze3A_1281, %shift_right_arithmetic3A_1282 : i32
        %shift_left3A_1284 = arith.constant 8 : i32
        %shift_left3A_1285 = arith.shli %shift_right_arithmetic3A_1283, %shift_left3A_1284 : i32
        %and3A_1286 = arith.constant 15 : i32
        %and3A_1287 = arith.andi %squeeze3A_1281, %and3A_1286 : i32
        %add3A_1288 = arith.addi %shift_left3A_1285, %and3A_1287 : i32
        %mul3A_1289 = arith.constant 16 : i32
        %mul3A_1290 = vector.broadcast %mul3A_1289 : i32 to vector<16xi32>
        %mul3A_1291 = arith.muli %iota3A, %mul3A_1290 : vector<16xi32>
        %add3A_1292 = vector.broadcast %add3A_1288 : i32 to vector<16xi32>
        %add3A_1293 = arith.addi %add3A_1292, %mul3A_1291 : vector<16xi32>
        %gather3A_1294 = tpu.vector_load_idx %arg9[%add3A_1293] : memref<4096xf32, #tpu.memory_space<vmem>>[vector<16xi32>], vector<16xf32>,
        %masked_sort3A_1295 = arith.constant dense<true> : vector<16xi1>
        %masked_sort3A_1296, %masked_sort3A_1297, %masked_sort3A_1298 = tpu.sort %gather3A_1294, %add3A_1293 masked %masked_sort3A_1295 : (vector<16xf32>, vector<16xi32>, vector<16xi1>) -> (vector<16xi1>, vector<16xf32>, vector<16xi32>)
        %slice3A_1299 = vector.extract_strided_slice %masked_sort3A_769 {offsets = [12], sizes = [1], strides = [1]} : vector<16xi32> to vector<1xi32>
        %squeeze3A_1300 = vector.extract %slice3A_1299[0] : i32 from vector<1xi32>
        %shift_right_arithmetic3A_1301 = arith.constant 4 : i32
        %shift_right_arithmetic3A_1302 = arith.shrsi %squeeze3A_1300, %shift_right_arithmetic3A_1301 : i32
        %shift_left3A_1303 = arith.constant 8 : i32
        %shift_left3A_1304 = arith.shli %shift_right_arithmetic3A_1302, %shift_left3A_1303 : i32
        %and3A_1305 = arith.constant 15 : i32
        %and3A_1306 = arith.andi %squeeze3A_1300, %and3A_1305 : i32
        %add3A_1307 = arith.addi %shift_left3A_1304, %and3A_1306 : i32
        %mul3A_1308 = arith.constant 16 : i32
        %mul3A_1309 = vector.broadcast %mul3A_1308 : i32 to vector<16xi32>
        %mul3A_1310 = arith.muli %iota3A, %mul3A_1309 : vector<16xi32>
        %add3A_1311 = vector.broadcast %add3A_1307 : i32 to vector<16xi32>
        %add3A_1312 = arith.addi %add3A_1311, %mul3A_1310 : vector<16xi32>
        %gather3A_1313 = tpu.vector_load_idx %arg9[%add3A_1312] : memref<4096xf32, #tpu.memory_space<vmem>>[vector<16xi32>], vector<16xf32>,
        %masked_sort3A_1314 = arith.constant dense<true> : vector<16xi1>
        %masked_sort3A_1315, %masked_sort3A_1316, %masked_sort3A_1317 = tpu.sort %gather3A_1313, %add3A_1312 masked %masked_sort3A_1314 : (vector<16xf32>, vector<16xi32>, vector<16xi1>) -> (vector<16xi1>, vector<16xf32>, vector<16xi32>)
        %slice3A_1318 = vector.extract_strided_slice %masked_sort3A_769 {offsets = [13], sizes = [1], strides = [1]} : vector<16xi32> to vector<1xi32>
        %squeeze3A_1319 = vector.extract %slice3A_1318[0] : i32 from vector<1xi32>
        %shift_right_arithmetic3A_1320 = arith.constant 4 : i32
        %shift_right_arithmetic3A_1321 = arith.shrsi %squeeze3A_1319, %shift_right_arithmetic3A_1320 : i32
        %shift_left3A_1322 = arith.constant 8 : i32
        %shift_left3A_1323 = arith.shli %shift_right_arithmetic3A_1321, %shift_left3A_1322 : i32
        %and3A_1324 = arith.constant 15 : i32
        %and3A_1325 = arith.andi %squeeze3A_1319, %and3A_1324 : i32
        %add3A_1326 = arith.addi %shift_left3A_1323, %and3A_1325 : i32
        %mul3A_1327 = arith.constant 16 : i32
        %mul3A_1328 = vector.broadcast %mul3A_1327 : i32 to vector<16xi32>
        %mul3A_1329 = arith.muli %iota3A, %mul3A_1328 : vector<16xi32>
        %add3A_1330 = vector.broadcast %add3A_1326 : i32 to vector<16xi32>
        %add3A_1331 = arith.addi %add3A_1330, %mul3A_1329 : vector<16xi32>
        %gather3A_1332 = tpu.vector_load_idx %arg9[%add3A_1331] : memref<4096xf32, #tpu.memory_space<vmem>>[vector<16xi32>], vector<16xf32>,
        %masked_sort3A_1333 = arith.constant dense<true> : vector<16xi1>
        %masked_sort3A_1334, %masked_sort3A_1335, %masked_sort3A_1336 = tpu.sort %gather3A_1332, %add3A_1331 masked %masked_sort3A_1333 : (vector<16xf32>, vector<16xi32>, vector<16xi1>) -> (vector<16xi1>, vector<16xf32>, vector<16xi32>)
        %slice3A_1337 = vector.extract_strided_slice %masked_sort3A_769 {offsets = [14], sizes = [1], strides = [1]} : vector<16xi32> to vector<1xi32>
        %squeeze3A_1338 = vector.extract %slice3A_1337[0] : i32 from vector<1xi32>
        %shift_right_arithmetic3A_1339 = arith.constant 4 : i32
        %shift_right_arithmetic3A_1340 = arith.shrsi %squeeze3A_1338, %shift_right_arithmetic3A_1339 : i32
        %shift_left3A_1341 = arith.constant 8 : i32
        %shift_left3A_1342 = arith.shli %shift_right_arithmetic3A_1340, %shift_left3A_1341 : i32
        %and3A_1343 = arith.constant 15 : i32
        %and3A_1344 = arith.andi %squeeze3A_1338, %and3A_1343 : i32
        %add3A_1345 = arith.addi %shift_left3A_1342, %and3A_1344 : i32
        %mul3A_1346 = arith.constant 16 : i32
        %mul3A_1347 = vector.broadcast %mul3A_1346 : i32 to vector<16xi32>
        %mul3A_1348 = arith.muli %iota3A, %mul3A_1347 : vector<16xi32>
        %add3A_1349 = vector.broadcast %add3A_1345 : i32 to vector<16xi32>
        %add3A_1350 = arith.addi %add3A_1349, %mul3A_1348 : vector<16xi32>
        %gather3A_1351 = tpu.vector_load_idx %arg9[%add3A_1350] : memref<4096xf32, #tpu.memory_space<vmem>>[vector<16xi32>], vector<16xf32>,
        %masked_sort3A_1352 = arith.constant dense<true> : vector<16xi1>
        %masked_sort3A_1353, %masked_sort3A_1354, %masked_sort3A_1355 = tpu.sort %gather3A_1351, %add3A_1350 masked %masked_sort3A_1352 : (vector<16xf32>, vector<16xi32>, vector<16xi1>) -> (vector<16xi1>, vector<16xf32>, vector<16xi32>)
        %slice3A_1356 = vector.extract_strided_slice %masked_sort3A_769 {offsets = [15], sizes = [1], strides = [1]} : vector<16xi32> to vector<1xi32>
        %squeeze3A_1357 = vector.extract %slice3A_1356[0] : i32 from vector<1xi32>
        %shift_right_arithmetic3A_1358 = arith.constant 4 : i32
        %shift_right_arithmetic3A_1359 = arith.shrsi %squeeze3A_1357, %shift_right_arithmetic3A_1358 : i32
        %shift_left3A_1360 = arith.constant 8 : i32
        %shift_left3A_1361 = arith.shli %shift_right_arithmetic3A_1359, %shift_left3A_1360 : i32
        %and3A_1362 = arith.constant 15 : i32
        %and3A_1363 = arith.andi %squeeze3A_1357, %and3A_1362 : i32
        %add3A_1364 = arith.addi %shift_left3A_1361, %and3A_1363 : i32
        %mul3A_1365 = arith.constant 16 : i32
        %mul3A_1366 = vector.broadcast %mul3A_1365 : i32 to vector<16xi32>
        %mul3A_1367 = arith.muli %iota3A, %mul3A_1366 : vector<16xi32>
        %add3A_1368 = vector.broadcast %add3A_1364 : i32 to vector<16xi32>
        %add3A_1369 = arith.addi %add3A_1368, %mul3A_1367 : vector<16xi32>
        %gather3A_1370 = tpu.vector_load_idx %arg9[%add3A_1369] : memref<4096xf32, #tpu.memory_space<vmem>>[vector<16xi32>], vector<16xf32>,
        %masked_sort3A_1371 = arith.constant dense<true> : vector<16xi1>
        %masked_sort3A_1372, %masked_sort3A_1373, %masked_sort3A_1374 = tpu.sort %gather3A_1370, %add3A_1369 masked %masked_sort3A_1371 : (vector<16xf32>, vector<16xi32>, vector<16xi1>) -> (vector<16xi1>, vector<16xf32>, vector<16xi32>)
        %rev3A_1375 = arith.constant 15 : i32
        %rev3A_1376 = vector.broadcast %rev3A_1375 : i32 to vector<16xi32>
        %rev3A_1377 = tpu.iota {dimensions = array<i32: 0>} : vector<16xi32>
        %rev3A_1378 = arith.subi %rev3A_1376, %rev3A_1377 : vector<16xi32>
        %rev3A_1379 = tpu.dynamic_gather %masked_sort3A_803[%rev3A_1378] in [0] : vector<16xf32>, vector<16xi32> -> vector<16xf32>
        %rev3A_1380 = arith.constant 15 : i32
        %rev3A_1381 = vector.broadcast %rev3A_1380 : i32 to vector<16xi32>
        %rev3A_1382 = tpu.iota {dimensions = array<i32: 0>} : vector<16xi32>
        %rev3A_1383 = arith.subi %rev3A_1381, %rev3A_1382 : vector<16xi32>
        %rev3A_1384 = tpu.dynamic_gather %masked_sort3A_804[%rev3A_1383] in [0] : vector<16xi32>, vector<16xi32> -> vector<16xi32>
        %le3A_1385 = arith.cmpf ole, %masked_sort3A_784, %rev3A_1379 : vector<16xf32>
        %select_n3A_1386 = arith.select %le3A_1385, %masked_sort3A_784, %rev3A_1379 : vector<16xi1>, vector<16xf32>
        %select_n3A_1387 = arith.select %le3A_1385, %masked_sort3A_785, %rev3A_1384 : vector<16xi1>, vector<16xi32>
        %select_n3A_1388 = arith.select %le3A_1385, %rev3A_1379, %masked_sort3A_784 : vector<16xi1>, vector<16xf32>
        %select_n3A_1389 = arith.select %le3A_1385, %rev3A_1384, %masked_sort3A_785 : vector<16xi1>, vector<16xi32>
        %masked_sort3A_1390 = arith.constant dense<true> : vector<16xi1>
        %masked_sort3A_1391, %masked_sort3A_1392, %masked_sort3A_1393 = tpu.sort %select_n3A_1386, %select_n3A_1387 masked %masked_sort3A_1390 : (vector<16xf32>, vector<16xi32>, vector<16xi1>) -> (vector<16xi1>, vector<16xf32>, vector<16xi32>)
        %masked_sort3A_1394 = arith.constant dense<true> : vector<16xi1>
        %masked_sort3A_1395, %masked_sort3A_1396, %masked_sort3A_1397 = tpu.sort %select_n3A_1388, %select_n3A_1389 masked %masked_sort3A_1394 : (vector<16xf32>, vector<16xi32>, vector<16xi1>) -> (vector<16xi1>, vector<16xf32>, vector<16xi32>)
        %rev3A_1398 = arith.constant 15 : i32
        %rev3A_1399 = vector.broadcast %rev3A_1398 : i32 to vector<16xi32>
        %rev3A_1400 = tpu.iota {dimensions = array<i32: 0>} : vector<16xi32>
        %rev3A_1401 = arith.subi %rev3A_1399, %rev3A_1400 : vector<16xi32>
        %rev3A_1402 = tpu.dynamic_gather %masked_sort3A_841[%rev3A_1401] in [0] : vector<16xf32>, vector<16xi32> -> vector<16xf32>
        %rev3A_1403 = arith.constant 15 : i32
        %rev3A_1404 = vector.broadcast %rev3A_1403 : i32 to vector<16xi32>
        %rev3A_1405 = tpu.iota {dimensions = array<i32: 0>} : vector<16xi32>
        %rev3A_1406 = arith.subi %rev3A_1404, %rev3A_1405 : vector<16xi32>
        %rev3A_1407 = tpu.dynamic_gather %masked_sort3A_842[%rev3A_1406] in [0] : vector<16xi32>, vector<16xi32> -> vector<16xi32>
        %le3A_1408 = arith.cmpf ole, %masked_sort3A_822, %rev3A_1402 : vector<16xf32>
        %select_n3A_1409 = arith.select %le3A_1408, %masked_sort3A_822, %rev3A_1402 : vector<16xi1>, vector<16xf32>
        %select_n3A_1410 = arith.select %le3A_1408, %masked_sort3A_823, %rev3A_1407 : vector<16xi1>, vector<16xi32>
        %select_n3A_1411 = arith.select %le3A_1408, %rev3A_1402, %masked_sort3A_822 : vector<16xi1>, vector<16xf32>
        %select_n3A_1412 = arith.select %le3A_1408, %rev3A_1407, %masked_sort3A_823 : vector<16xi1>, vector<16xi32>
        %masked_sort3A_1413 = arith.constant dense<true> : vector<16xi1>
        %masked_sort3A_1414, %masked_sort3A_1415, %masked_sort3A_1416 = tpu.sort %select_n3A_1409, %select_n3A_1410 masked %masked_sort3A_1413 : (vector<16xf32>, vector<16xi32>, vector<16xi1>) -> (vector<16xi1>, vector<16xf32>, vector<16xi32>)
        %masked_sort3A_1417 = arith.constant dense<true> : vector<16xi1>
        %masked_sort3A_1418, %masked_sort3A_1419, %masked_sort3A_1420 = tpu.sort %select_n3A_1411, %select_n3A_1412 masked %masked_sort3A_1417 : (vector<16xf32>, vector<16xi32>, vector<16xi1>) -> (vector<16xi1>, vector<16xf32>, vector<16xi32>)
        %rev3A_1421 = arith.constant 15 : i32
        %rev3A_1422 = vector.broadcast %rev3A_1421 : i32 to vector<16xi32>
        %rev3A_1423 = tpu.iota {dimensions = array<i32: 0>} : vector<16xi32>
        %rev3A_1424 = arith.subi %rev3A_1422, %rev3A_1423 : vector<16xi32>
        %rev3A_1425 = tpu.dynamic_gather %masked_sort3A_879[%rev3A_1424] in [0] : vector<16xf32>, vector<16xi32> -> vector<16xf32>
        %rev3A_1426 = arith.constant 15 : i32
        %rev3A_1427 = vector.broadcast %rev3A_1426 : i32 to vector<16xi32>
        %rev3A_1428 = tpu.iota {dimensions = array<i32: 0>} : vector<16xi32>
        %rev3A_1429 = arith.subi %rev3A_1427, %rev3A_1428 : vector<16xi32>
        %rev3A_1430 = tpu.dynamic_gather %masked_sort3A_880[%rev3A_1429] in [0] : vector<16xi32>, vector<16xi32> -> vector<16xi32>
        %le3A_1431 = arith.cmpf ole, %masked_sort3A_860, %rev3A_1425 : vector<16xf32>
        %select_n3A_1432 = arith.select %le3A_1431, %masked_sort3A_860, %rev3A_1425 : vector<16xi1>, vector<16xf32>
        %select_n3A_1433 = arith.select %le3A_1431, %masked_sort3A_861, %rev3A_1430 : vector<16xi1>, vector<16xi32>
        %select_n3A_1434 = arith.select %le3A_1431, %rev3A_1425, %masked_sort3A_860 : vector<16xi1>, vector<16xf32>
        %select_n3A_1435 = arith.select %le3A_1431, %rev3A_1430, %masked_sort3A_861 : vector<16xi1>, vector<16xi32>
        %masked_sort3A_1436 = arith.constant dense<true> : vector<16xi1>
        %masked_sort3A_1437, %masked_sort3A_1438, %masked_sort3A_1439 = tpu.sort %select_n3A_1432, %select_n3A_1433 masked %masked_sort3A_1436 : (vector<16xf32>, vector<16xi32>, vector<16xi1>) -> (vector<16xi1>, vector<16xf32>, vector<16xi32>)
        %masked_sort3A_1440 = arith.constant dense<true> : vector<16xi1>
        %masked_sort3A_1441, %masked_sort3A_1442, %masked_sort3A_1443 = tpu.sort %select_n3A_1434, %select_n3A_1435 masked %masked_sort3A_1440 : (vector<16xf32>, vector<16xi32>, vector<16xi1>) -> (vector<16xi1>, vector<16xf32>, vector<16xi32>)
        %rev3A_1444 = arith.constant 15 : i32
        %rev3A_1445 = vector.broadcast %rev3A_1444 : i32 to vector<16xi32>
        %rev3A_1446 = tpu.iota {dimensions = array<i32: 0>} : vector<16xi32>
        %rev3A_1447 = arith.subi %rev3A_1445, %rev3A_1446 : vector<16xi32>
        %rev3A_1448 = tpu.dynamic_gather %masked_sort3A_917[%rev3A_1447] in [0] : vector<16xf32>, vector<16xi32> -> vector<16xf32>
        %rev3A_1449 = arith.constant 15 : i32
        %rev3A_1450 = vector.broadcast %rev3A_1449 : i32 to vector<16xi32>
        %rev3A_1451 = tpu.iota {dimensions = array<i32: 0>} : vector<16xi32>
        %rev3A_1452 = arith.subi %rev3A_1450, %rev3A_1451 : vector<16xi32>
        %rev3A_1453 = tpu.dynamic_gather %masked_sort3A_918[%rev3A_1452] in [0] : vector<16xi32>, vector<16xi32> -> vector<16xi32>
        %le3A_1454 = arith.cmpf ole, %masked_sort3A_898, %rev3A_1448 : vector<16xf32>
        %select_n3A_1455 = arith.select %le3A_1454, %masked_sort3A_898, %rev3A_1448 : vector<16xi1>, vector<16xf32>
        %select_n3A_1456 = arith.select %le3A_1454, %masked_sort3A_899, %rev3A_1453 : vector<16xi1>, vector<16xi32>
        %select_n3A_1457 = arith.select %le3A_1454, %rev3A_1448, %masked_sort3A_898 : vector<16xi1>, vector<16xf32>
        %select_n3A_1458 = arith.select %le3A_1454, %rev3A_1453, %masked_sort3A_899 : vector<16xi1>, vector<16xi32>
        %masked_sort3A_1459 = arith.constant dense<true> : vector<16xi1>
        %masked_sort3A_1460, %masked_sort3A_1461, %masked_sort3A_1462 = tpu.sort %select_n3A_1455, %select_n3A_1456 masked %masked_sort3A_1459 : (vector<16xf32>, vector<16xi32>, vector<16xi1>) -> (vector<16xi1>, vector<16xf32>, vector<16xi32>)
        %masked_sort3A_1463 = arith.constant dense<true> : vector<16xi1>
        %masked_sort3A_1464, %masked_sort3A_1465, %masked_sort3A_1466 = tpu.sort %select_n3A_1457, %select_n3A_1458 masked %masked_sort3A_1463 : (vector<16xf32>, vector<16xi32>, vector<16xi1>) -> (vector<16xi1>, vector<16xf32>, vector<16xi32>)
        %rev3A_1467 = arith.constant 15 : i32
        %rev3A_1468 = vector.broadcast %rev3A_1467 : i32 to vector<16xi32>
        %rev3A_1469 = tpu.iota {dimensions = array<i32: 0>} : vector<16xi32>
        %rev3A_1470 = arith.subi %rev3A_1468, %rev3A_1469 : vector<16xi32>
        %rev3A_1471 = tpu.dynamic_gather %masked_sort3A_955[%rev3A_1470] in [0] : vector<16xf32>, vector<16xi32> -> vector<16xf32>
        %rev3A_1472 = arith.constant 15 : i32
        %rev3A_1473 = vector.broadcast %rev3A_1472 : i32 to vector<16xi32>
        %rev3A_1474 = tpu.iota {dimensions = array<i32: 0>} : vector<16xi32>
        %rev3A_1475 = arith.subi %rev3A_1473, %rev3A_1474 : vector<16xi32>
        %rev3A_1476 = tpu.dynamic_gather %masked_sort3A_956[%rev3A_1475] in [0] : vector<16xi32>, vector<16xi32> -> vector<16xi32>
        %le3A_1477 = arith.cmpf ole, %masked_sort3A_936, %rev3A_1471 : vector<16xf32>
        %select_n3A_1478 = arith.select %le3A_1477, %masked_sort3A_936, %rev3A_1471 : vector<16xi1>, vector<16xf32>
        %select_n3A_1479 = arith.select %le3A_1477, %masked_sort3A_937, %rev3A_1476 : vector<16xi1>, vector<16xi32>
        %select_n3A_1480 = arith.select %le3A_1477, %rev3A_1471, %masked_sort3A_936 : vector<16xi1>, vector<16xf32>
        %select_n3A_1481 = arith.select %le3A_1477, %rev3A_1476, %masked_sort3A_937 : vector<16xi1>, vector<16xi32>
        %masked_sort3A_1482 = arith.constant dense<true> : vector<16xi1>
        %masked_sort3A_1483, %masked_sort3A_1484, %masked_sort3A_1485 = tpu.sort %select_n3A_1478, %select_n3A_1479 masked %masked_sort3A_1482 : (vector<16xf32>, vector<16xi32>, vector<16xi1>) -> (vector<16xi1>, vector<16xf32>, vector<16xi32>)
        %masked_sort3A_1486 = arith.constant dense<true> : vector<16xi1>
        %masked_sort3A_1487, %masked_sort3A_1488, %masked_sort3A_1489 = tpu.sort %select_n3A_1480, %select_n3A_1481 masked %masked_sort3A_1486 : (vector<16xf32>, vector<16xi32>, vector<16xi1>) -> (vector<16xi1>, vector<16xf32>, vector<16xi32>)
        %rev3A_1490 = arith.constant 15 : i32
        %rev3A_1491 = vector.broadcast %rev3A_1490 : i32 to vector<16xi32>
        %rev3A_1492 = tpu.iota {dimensions = array<i32: 0>} : vector<16xi32>
        %rev3A_1493 = arith.subi %rev3A_1491, %rev3A_1492 : vector<16xi32>
        %rev3A_1494 = tpu.dynamic_gather %masked_sort3A_993[%rev3A_1493] in [0] : vector<16xf32>, vector<16xi32> -> vector<16xf32>
        %rev3A_1495 = arith.constant 15 : i32
        %rev3A_1496 = vector.broadcast %rev3A_1495 : i32 to vector<16xi32>
        %rev3A_1497 = tpu.iota {dimensions = array<i32: 0>} : vector<16xi32>
        %rev3A_1498 = arith.subi %rev3A_1496, %rev3A_1497 : vector<16xi32>
        %rev3A_1499 = tpu.dynamic_gather %masked_sort3A_994[%rev3A_1498] in [0] : vector<16xi32>, vector<16xi32> -> vector<16xi32>
        %le3A_1500 = arith.cmpf ole, %masked_sort3A_974, %rev3A_1494 : vector<16xf32>
        %select_n3A_1501 = arith.select %le3A_1500, %masked_sort3A_974, %rev3A_1494 : vector<16xi1>, vector<16xf32>
        %select_n3A_1502 = arith.select %le3A_1500, %masked_sort3A_975, %rev3A_1499 : vector<16xi1>, vector<16xi32>
        %select_n3A_1503 = arith.select %le3A_1500, %rev3A_1494, %masked_sort3A_974 : vector<16xi1>, vector<16xf32>
        %select_n3A_1504 = arith.select %le3A_1500, %rev3A_1499, %masked_sort3A_975 : vector<16xi1>, vector<16xi32>
        %masked_sort3A_1505 = arith.constant dense<true> : vector<16xi1>
        %masked_sort3A_1506, %masked_sort3A_1507, %masked_sort3A_1508 = tpu.sort %select_n3A_1501, %select_n3A_1502 masked %masked_sort3A_1505 : (vector<16xf32>, vector<16xi32>, vector<16xi1>) -> (vector<16xi1>, vector<16xf32>, vector<16xi32>)
        %masked_sort3A_1509 = arith.constant dense<true> : vector<16xi1>
        %masked_sort3A_1510, %masked_sort3A_1511, %masked_sort3A_1512 = tpu.sort %select_n3A_1503, %select_n3A_1504 masked %masked_sort3A_1509 : (vector<16xf32>, vector<16xi32>, vector<16xi1>) -> (vector<16xi1>, vector<16xf32>, vector<16xi32>)
        %rev3A_1513 = arith.constant 15 : i32
        %rev3A_1514 = vector.broadcast %rev3A_1513 : i32 to vector<16xi32>
        %rev3A_1515 = tpu.iota {dimensions = array<i32: 0>} : vector<16xi32>
        %rev3A_1516 = arith.subi %rev3A_1514, %rev3A_1515 : vector<16xi32>
        %rev3A_1517 = tpu.dynamic_gather %masked_sort3A_1031[%rev3A_1516] in [0] : vector<16xf32>, vector<16xi32> -> vector<16xf32>
        %rev3A_1518 = arith.constant 15 : i32
        %rev3A_1519 = vector.broadcast %rev3A_1518 : i32 to vector<16xi32>
        %rev3A_1520 = tpu.iota {dimensions = array<i32: 0>} : vector<16xi32>
        %rev3A_1521 = arith.subi %rev3A_1519, %rev3A_1520 : vector<16xi32>
        %rev3A_1522 = tpu.dynamic_gather %masked_sort3A_1032[%rev3A_1521] in [0] : vector<16xi32>, vector<16xi32> -> vector<16xi32>
        %le3A_1523 = arith.cmpf ole, %masked_sort3A_1012, %rev3A_1517 : vector<16xf32>
        %select_n3A_1524 = arith.select %le3A_1523, %masked_sort3A_1012, %rev3A_1517 : vector<16xi1>, vector<16xf32>
        %select_n3A_1525 = arith.select %le3A_1523, %masked_sort3A_1013, %rev3A_1522 : vector<16xi1>, vector<16xi32>
        %select_n3A_1526 = arith.select %le3A_1523, %rev3A_1517, %masked_sort3A_1012 : vector<16xi1>, vector<16xf32>
        %select_n3A_1527 = arith.select %le3A_1523, %rev3A_1522, %masked_sort3A_1013 : vector<16xi1>, vector<16xi32>
        %masked_sort3A_1528 = arith.constant dense<true> : vector<16xi1>
        %masked_sort3A_1529, %masked_sort3A_1530, %masked_sort3A_1531 = tpu.sort %select_n3A_1524, %select_n3A_1525 masked %masked_sort3A_1528 : (vector<16xf32>, vector<16xi32>, vector<16xi1>) -> (vector<16xi1>, vector<16xf32>, vector<16xi32>)
        %masked_sort3A_1532 = arith.constant dense<true> : vector<16xi1>
        %masked_sort3A_1533, %masked_sort3A_1534, %masked_sort3A_1535 = tpu.sort %select_n3A_1526, %select_n3A_1527 masked %masked_sort3A_1532 : (vector<16xf32>, vector<16xi32>, vector<16xi1>) -> (vector<16xi1>, vector<16xf32>, vector<16xi32>)
        %rev3A_1536 = arith.constant 15 : i32
        %rev3A_1537 = vector.broadcast %rev3A_1536 : i32 to vector<16xi32>
        %rev3A_1538 = tpu.iota {dimensions = array<i32: 0>} : vector<16xi32>
        %rev3A_1539 = arith.subi %rev3A_1537, %rev3A_1538 : vector<16xi32>
        %rev3A_1540 = tpu.dynamic_gather %masked_sort3A_1069[%rev3A_1539] in [0] : vector<16xf32>, vector<16xi32> -> vector<16xf32>
        %rev3A_1541 = arith.constant 15 : i32
        %rev3A_1542 = vector.broadcast %rev3A_1541 : i32 to vector<16xi32>
        %rev3A_1543 = tpu.iota {dimensions = array<i32: 0>} : vector<16xi32>
        %rev3A_1544 = arith.subi %rev3A_1542, %rev3A_1543 : vector<16xi32>
        %rev3A_1545 = tpu.dynamic_gather %masked_sort3A_1070[%rev3A_1544] in [0] : vector<16xi32>, vector<16xi32> -> vector<16xi32>
        %le3A_1546 = arith.cmpf ole, %masked_sort3A_1050, %rev3A_1540 : vector<16xf32>
        %select_n3A_1547 = arith.select %le3A_1546, %masked_sort3A_1050, %rev3A_1540 : vector<16xi1>, vector<16xf32>
        %select_n3A_1548 = arith.select %le3A_1546, %masked_sort3A_1051, %rev3A_1545 : vector<16xi1>, vector<16xi32>
        %select_n3A_1549 = arith.select %le3A_1546, %rev3A_1540, %masked_sort3A_1050 : vector<16xi1>, vector<16xf32>
        %select_n3A_1550 = arith.select %le3A_1546, %rev3A_1545, %masked_sort3A_1051 : vector<16xi1>, vector<16xi32>
        %masked_sort3A_1551 = arith.constant dense<true> : vector<16xi1>
        %masked_sort3A_1552, %masked_sort3A_1553, %masked_sort3A_1554 = tpu.sort %select_n3A_1547, %select_n3A_1548 masked %masked_sort3A_1551 : (vector<16xf32>, vector<16xi32>, vector<16xi1>) -> (vector<16xi1>, vector<16xf32>, vector<16xi32>)
        %masked_sort3A_1555 = arith.constant dense<true> : vector<16xi1>
        %masked_sort3A_1556, %masked_sort3A_1557, %masked_sort3A_1558 = tpu.sort %select_n3A_1549, %select_n3A_1550 masked %masked_sort3A_1555 : (vector<16xf32>, vector<16xi32>, vector<16xi1>) -> (vector<16xi1>, vector<16xf32>, vector<16xi32>)
        %rev3A_1559 = arith.constant 15 : i32
        %rev3A_1560 = vector.broadcast %rev3A_1559 : i32 to vector<16xi32>
        %rev3A_1561 = tpu.iota {dimensions = array<i32: 0>} : vector<16xi32>
        %rev3A_1562 = arith.subi %rev3A_1560, %rev3A_1561 : vector<16xi32>
        %rev3A_1563 = tpu.dynamic_gather %masked_sort3A_1107[%rev3A_1562] in [0] : vector<16xf32>, vector<16xi32> -> vector<16xf32>
        %rev3A_1564 = arith.constant 15 : i32
        %rev3A_1565 = vector.broadcast %rev3A_1564 : i32 to vector<16xi32>
        %rev3A_1566 = tpu.iota {dimensions = array<i32: 0>} : vector<16xi32>
        %rev3A_1567 = arith.subi %rev3A_1565, %rev3A_1566 : vector<16xi32>
        %rev3A_1568 = tpu.dynamic_gather %masked_sort3A_1108[%rev3A_1567] in [0] : vector<16xi32>, vector<16xi32> -> vector<16xi32>
        %le3A_1569 = arith.cmpf ole, %masked_sort3A_1088, %rev3A_1563 : vector<16xf32>
        %select_n3A_1570 = arith.select %le3A_1569, %masked_sort3A_1088, %rev3A_1563 : vector<16xi1>, vector<16xf32>
        %select_n3A_1571 = arith.select %le3A_1569, %masked_sort3A_1089, %rev3A_1568 : vector<16xi1>, vector<16xi32>
        %select_n3A_1572 = arith.select %le3A_1569, %rev3A_1563, %masked_sort3A_1088 : vector<16xi1>, vector<16xf32>
        %select_n3A_1573 = arith.select %le3A_1569, %rev3A_1568, %masked_sort3A_1089 : vector<16xi1>, vector<16xi32>
        %masked_sort3A_1574 = arith.constant dense<true> : vector<16xi1>
        %masked_sort3A_1575, %masked_sort3A_1576, %masked_sort3A_1577 = tpu.sort %select_n3A_1570, %select_n3A_1571 masked %masked_sort3A_1574 : (vector<16xf32>, vector<16xi32>, vector<16xi1>) -> (vector<16xi1>, vector<16xf32>, vector<16xi32>)
        %masked_sort3A_1578 = arith.constant dense<true> : vector<16xi1>
        %masked_sort3A_1579, %masked_sort3A_1580, %masked_sort3A_1581 = tpu.sort %select_n3A_1572, %select_n3A_1573 masked %masked_sort3A_1578 : (vector<16xf32>, vector<16xi32>, vector<16xi1>) -> (vector<16xi1>, vector<16xf32>, vector<16xi32>)
        %rev3A_1582 = arith.constant 15 : i32
        %rev3A_1583 = vector.broadcast %rev3A_1582 : i32 to vector<16xi32>
        %rev3A_1584 = tpu.iota {dimensions = array<i32: 0>} : vector<16xi32>
        %rev3A_1585 = arith.subi %rev3A_1583, %rev3A_1584 : vector<16xi32>
        %rev3A_1586 = tpu.dynamic_gather %masked_sort3A_1145[%rev3A_1585] in [0] : vector<16xf32>, vector<16xi32> -> vector<16xf32>
        %rev3A_1587 = arith.constant 15 : i32
        %rev3A_1588 = vector.broadcast %rev3A_1587 : i32 to vector<16xi32>
        %rev3A_1589 = tpu.iota {dimensions = array<i32: 0>} : vector<16xi32>
        %rev3A_1590 = arith.subi %rev3A_1588, %rev3A_1589 : vector<16xi32>
        %rev3A_1591 = tpu.dynamic_gather %masked_sort3A_1146[%rev3A_1590] in [0] : vector<16xi32>, vector<16xi32> -> vector<16xi32>
        %le3A_1592 = arith.cmpf ole, %masked_sort3A_1126, %rev3A_1586 : vector<16xf32>
        %select_n3A_1593 = arith.select %le3A_1592, %masked_sort3A_1126, %rev3A_1586 : vector<16xi1>, vector<16xf32>
        %select_n3A_1594 = arith.select %le3A_1592, %masked_sort3A_1127, %rev3A_1591 : vector<16xi1>, vector<16xi32>
        %select_n3A_1595 = arith.select %le3A_1592, %rev3A_1586, %masked_sort3A_1126 : vector<16xi1>, vector<16xf32>
        %select_n3A_1596 = arith.select %le3A_1592, %rev3A_1591, %masked_sort3A_1127 : vector<16xi1>, vector<16xi32>
        %masked_sort3A_1597 = arith.constant dense<true> : vector<16xi1>
        %masked_sort3A_1598, %masked_sort3A_1599, %masked_sort3A_1600 = tpu.sort %select_n3A_1593, %select_n3A_1594 masked %masked_sort3A_1597 : (vector<16xf32>, vector<16xi32>, vector<16xi1>) -> (vector<16xi1>, vector<16xf32>, vector<16xi32>)
        %masked_sort3A_1601 = arith.constant dense<true> : vector<16xi1>
        %masked_sort3A_1602, %masked_sort3A_1603, %masked_sort3A_1604 = tpu.sort %select_n3A_1595, %select_n3A_1596 masked %masked_sort3A_1601 : (vector<16xf32>, vector<16xi32>, vector<16xi1>) -> (vector<16xi1>, vector<16xf32>, vector<16xi32>)
        %rev3A_1605 = arith.constant 15 : i32
        %rev3A_1606 = vector.broadcast %rev3A_1605 : i32 to vector<16xi32>
        %rev3A_1607 = tpu.iota {dimensions = array<i32: 0>} : vector<16xi32>
        %rev3A_1608 = arith.subi %rev3A_1606, %rev3A_1607 : vector<16xi32>
        %rev3A_1609 = tpu.dynamic_gather %masked_sort3A_1183[%rev3A_1608] in [0] : vector<16xf32>, vector<16xi32> -> vector<16xf32>
        %rev3A_1610 = arith.constant 15 : i32
        %rev3A_1611 = vector.broadcast %rev3A_1610 : i32 to vector<16xi32>
        %rev3A_1612 = tpu.iota {dimensions = array<i32: 0>} : vector<16xi32>
        %rev3A_1613 = arith.subi %rev3A_1611, %rev3A_1612 : vector<16xi32>
        %rev3A_1614 = tpu.dynamic_gather %masked_sort3A_1184[%rev3A_1613] in [0] : vector<16xi32>, vector<16xi32> -> vector<16xi32>
        %le3A_1615 = arith.cmpf ole, %masked_sort3A_1164, %rev3A_1609 : vector<16xf32>
        %select_n3A_1616 = arith.select %le3A_1615, %masked_sort3A_1164, %rev3A_1609 : vector<16xi1>, vector<16xf32>
        %select_n3A_1617 = arith.select %le3A_1615, %masked_sort3A_1165, %rev3A_1614 : vector<16xi1>, vector<16xi32>
        %select_n3A_1618 = arith.select %le3A_1615, %rev3A_1609, %masked_sort3A_1164 : vector<16xi1>, vector<16xf32>
        %select_n3A_1619 = arith.select %le3A_1615, %rev3A_1614, %masked_sort3A_1165 : vector<16xi1>, vector<16xi32>
        %masked_sort3A_1620 = arith.constant dense<true> : vector<16xi1>
        %masked_sort3A_1621, %masked_sort3A_1622, %masked_sort3A_1623 = tpu.sort %select_n3A_1616, %select_n3A_1617 masked %masked_sort3A_1620 : (vector<16xf32>, vector<16xi32>, vector<16xi1>) -> (vector<16xi1>, vector<16xf32>, vector<16xi32>)
        %masked_sort3A_1624 = arith.constant dense<true> : vector<16xi1>
        %masked_sort3A_1625, %masked_sort3A_1626, %masked_sort3A_1627 = tpu.sort %select_n3A_1618, %select_n3A_1619 masked %masked_sort3A_1624 : (vector<16xf32>, vector<16xi32>, vector<16xi1>) -> (vector<16xi1>, vector<16xf32>, vector<16xi32>)
        %rev3A_1628 = arith.constant 15 : i32
        %rev3A_1629 = vector.broadcast %rev3A_1628 : i32 to vector<16xi32>
        %rev3A_1630 = tpu.iota {dimensions = array<i32: 0>} : vector<16xi32>
        %rev3A_1631 = arith.subi %rev3A_1629, %rev3A_1630 : vector<16xi32>
        %rev3A_1632 = tpu.dynamic_gather %masked_sort3A_1221[%rev3A_1631] in [0] : vector<16xf32>, vector<16xi32> -> vector<16xf32>
        %rev3A_1633 = arith.constant 15 : i32
        %rev3A_1634 = vector.broadcast %rev3A_1633 : i32 to vector<16xi32>
        %rev3A_1635 = tpu.iota {dimensions = array<i32: 0>} : vector<16xi32>
        %rev3A_1636 = arith.subi %rev3A_1634, %rev3A_1635 : vector<16xi32>
        %rev3A_1637 = tpu.dynamic_gather %masked_sort3A_1222[%rev3A_1636] in [0] : vector<16xi32>, vector<16xi32> -> vector<16xi32>
        %le3A_1638 = arith.cmpf ole, %masked_sort3A_1202, %rev3A_1632 : vector<16xf32>
        %select_n3A_1639 = arith.select %le3A_1638, %masked_sort3A_1202, %rev3A_1632 : vector<16xi1>, vector<16xf32>
        %select_n3A_1640 = arith.select %le3A_1638, %masked_sort3A_1203, %rev3A_1637 : vector<16xi1>, vector<16xi32>
        %select_n3A_1641 = arith.select %le3A_1638, %rev3A_1632, %masked_sort3A_1202 : vector<16xi1>, vector<16xf32>
        %select_n3A_1642 = arith.select %le3A_1638, %rev3A_1637, %masked_sort3A_1203 : vector<16xi1>, vector<16xi32>
        %masked_sort3A_1643 = arith.constant dense<true> : vector<16xi1>
        %masked_sort3A_1644, %masked_sort3A_1645, %masked_sort3A_1646 = tpu.sort %select_n3A_1639, %select_n3A_1640 masked %masked_sort3A_1643 : (vector<16xf32>, vector<16xi32>, vector<16xi1>) -> (vector<16xi1>, vector<16xf32>, vector<16xi32>)
        %masked_sort3A_1647 = arith.constant dense<true> : vector<16xi1>
        %masked_sort3A_1648, %masked_sort3A_1649, %masked_sort3A_1650 = tpu.sort %select_n3A_1641, %select_n3A_1642 masked %masked_sort3A_1647 : (vector<16xf32>, vector<16xi32>, vector<16xi1>) -> (vector<16xi1>, vector<16xf32>, vector<16xi32>)
        %rev3A_1651 = arith.constant 15 : i32
        %rev3A_1652 = vector.broadcast %rev3A_1651 : i32 to vector<16xi32>
        %rev3A_1653 = tpu.iota {dimensions = array<i32: 0>} : vector<16xi32>
        %rev3A_1654 = arith.subi %rev3A_1652, %rev3A_1653 : vector<16xi32>
        %rev3A_1655 = tpu.dynamic_gather %masked_sort3A_1259[%rev3A_1654] in [0] : vector<16xf32>, vector<16xi32> -> vector<16xf32>
        %rev3A_1656 = arith.constant 15 : i32
        %rev3A_1657 = vector.broadcast %rev3A_1656 : i32 to vector<16xi32>
        %rev3A_1658 = tpu.iota {dimensions = array<i32: 0>} : vector<16xi32>
        %rev3A_1659 = arith.subi %rev3A_1657, %rev3A_1658 : vector<16xi32>
        %rev3A_1660 = tpu.dynamic_gather %masked_sort3A_1260[%rev3A_1659] in [0] : vector<16xi32>, vector<16xi32> -> vector<16xi32>
        %le3A_1661 = arith.cmpf ole, %masked_sort3A_1240, %rev3A_1655 : vector<16xf32>
        %select_n3A_1662 = arith.select %le3A_1661, %masked_sort3A_1240, %rev3A_1655 : vector<16xi1>, vector<16xf32>
        %select_n3A_1663 = arith.select %le3A_1661, %masked_sort3A_1241, %rev3A_1660 : vector<16xi1>, vector<16xi32>
        %select_n3A_1664 = arith.select %le3A_1661, %rev3A_1655, %masked_sort3A_1240 : vector<16xi1>, vector<16xf32>
        %select_n3A_1665 = arith.select %le3A_1661, %rev3A_1660, %masked_sort3A_1241 : vector<16xi1>, vector<16xi32>
        %masked_sort3A_1666 = arith.constant dense<true> : vector<16xi1>
        %masked_sort3A_1667, %masked_sort3A_1668, %masked_sort3A_1669 = tpu.sort %select_n3A_1662, %select_n3A_1663 masked %masked_sort3A_1666 : (vector<16xf32>, vector<16xi32>, vector<16xi1>) -> (vector<16xi1>, vector<16xf32>, vector<16xi32>)
        %masked_sort3A_1670 = arith.constant dense<true> : vector<16xi1>
        %masked_sort3A_1671, %masked_sort3A_1672, %masked_sort3A_1673 = tpu.sort %select_n3A_1664, %select_n3A_1665 masked %masked_sort3A_1670 : (vector<16xf32>, vector<16xi32>, vector<16xi1>) -> (vector<16xi1>, vector<16xf32>, vector<16xi32>)
        %rev3A_1674 = arith.constant 15 : i32
        %rev3A_1675 = vector.broadcast %rev3A_1674 : i32 to vector<16xi32>
        %rev3A_1676 = tpu.iota {dimensions = array<i32: 0>} : vector<16xi32>
        %rev3A_1677 = arith.subi %rev3A_1675, %rev3A_1676 : vector<16xi32>
        %rev3A_1678 = tpu.dynamic_gather %masked_sort3A_1297[%rev3A_1677] in [0] : vector<16xf32>, vector<16xi32> -> vector<16xf32>
        %rev3A_1679 = arith.constant 15 : i32
        %rev3A_1680 = vector.broadcast %rev3A_1679 : i32 to vector<16xi32>
        %rev3A_1681 = tpu.iota {dimensions = array<i32: 0>} : vector<16xi32>
        %rev3A_1682 = arith.subi %rev3A_1680, %rev3A_1681 : vector<16xi32>
        %rev3A_1683 = tpu.dynamic_gather %masked_sort3A_1298[%rev3A_1682] in [0] : vector<16xi32>, vector<16xi32> -> vector<16xi32>
        %le3A_1684 = arith.cmpf ole, %masked_sort3A_1278, %rev3A_1678 : vector<16xf32>
        %select_n3A_1685 = arith.select %le3A_1684, %masked_sort3A_1278, %rev3A_1678 : vector<16xi1>, vector<16xf32>
        %select_n3A_1686 = arith.select %le3A_1684, %masked_sort3A_1279, %rev3A_1683 : vector<16xi1>, vector<16xi32>
        %select_n3A_1687 = arith.select %le3A_1684, %rev3A_1678, %masked_sort3A_1278 : vector<16xi1>, vector<16xf32>
        %select_n3A_1688 = arith.select %le3A_1684, %rev3A_1683, %masked_sort3A_1279 : vector<16xi1>, vector<16xi32>
        %masked_sort3A_1689 = arith.constant dense<true> : vector<16xi1>
        %masked_sort3A_1690, %masked_sort3A_1691, %masked_sort3A_1692 = tpu.sort %select_n3A_1685, %select_n3A_1686 masked %masked_sort3A_1689 : (vector<16xf32>, vector<16xi32>, vector<16xi1>) -> (vector<16xi1>, vector<16xf32>, vector<16xi32>)
        %masked_sort3A_1693 = arith.constant dense<true> : vector<16xi1>
        %masked_sort3A_1694, %masked_sort3A_1695, %masked_sort3A_1696 = tpu.sort %select_n3A_1687, %select_n3A_1688 masked %masked_sort3A_1693 : (vector<16xf32>, vector<16xi32>, vector<16xi1>) -> (vector<16xi1>, vector<16xf32>, vector<16xi32>)
        %rev3A_1697 = arith.constant 15 : i32
        %rev3A_1698 = vector.broadcast %rev3A_1697 : i32 to vector<16xi32>
        %rev3A_1699 = tpu.iota {dimensions = array<i32: 0>} : vector<16xi32>
        %rev3A_1700 = arith.subi %rev3A_1698, %rev3A_1699 : vector<16xi32>
        %rev3A_1701 = tpu.dynamic_gather %masked_sort3A_1335[%rev3A_1700] in [0] : vector<16xf32>, vector<16xi32> -> vector<16xf32>
        %rev3A_1702 = arith.constant 15 : i32
        %rev3A_1703 = vector.broadcast %rev3A_1702 : i32 to vector<16xi32>
        %rev3A_1704 = tpu.iota {dimensions = array<i32: 0>} : vector<16xi32>
        %rev3A_1705 = arith.subi %rev3A_1703, %rev3A_1704 : vector<16xi32>
        %rev3A_1706 = tpu.dynamic_gather %masked_sort3A_1336[%rev3A_1705] in [0] : vector<16xi32>, vector<16xi32> -> vector<16xi32>
        %le3A_1707 = arith.cmpf ole, %masked_sort3A_1316, %rev3A_1701 : vector<16xf32>
        %select_n3A_1708 = arith.select %le3A_1707, %masked_sort3A_1316, %rev3A_1701 : vector<16xi1>, vector<16xf32>
        %select_n3A_1709 = arith.select %le3A_1707, %masked_sort3A_1317, %rev3A_1706 : vector<16xi1>, vector<16xi32>
        %select_n3A_1710 = arith.select %le3A_1707, %rev3A_1701, %masked_sort3A_1316 : vector<16xi1>, vector<16xf32>
        %select_n3A_1711 = arith.select %le3A_1707, %rev3A_1706, %masked_sort3A_1317 : vector<16xi1>, vector<16xi32>
        %masked_sort3A_1712 = arith.constant dense<true> : vector<16xi1>
        %masked_sort3A_1713, %masked_sort3A_1714, %masked_sort3A_1715 = tpu.sort %select_n3A_1708, %select_n3A_1709 masked %masked_sort3A_1712 : (vector<16xf32>, vector<16xi32>, vector<16xi1>) -> (vector<16xi1>, vector<16xf32>, vector<16xi32>)
        %masked_sort3A_1716 = arith.constant dense<true> : vector<16xi1>
        %masked_sort3A_1717, %masked_sort3A_1718, %masked_sort3A_1719 = tpu.sort %select_n3A_1710, %select_n3A_1711 masked %masked_sort3A_1716 : (vector<16xf32>, vector<16xi32>, vector<16xi1>) -> (vector<16xi1>, vector<16xf32>, vector<16xi32>)
        %rev3A_1720 = arith.constant 15 : i32
        %rev3A_1721 = vector.broadcast %rev3A_1720 : i32 to vector<16xi32>
        %rev3A_1722 = tpu.iota {dimensions = array<i32: 0>} : vector<16xi32>
        %rev3A_1723 = arith.subi %rev3A_1721, %rev3A_1722 : vector<16xi32>
        %rev3A_1724 = tpu.dynamic_gather %masked_sort3A_1373[%rev3A_1723] in [0] : vector<16xf32>, vector<16xi32> -> vector<16xf32>
        %rev3A_1725 = arith.constant 15 : i32
        %rev3A_1726 = vector.broadcast %rev3A_1725 : i32 to vector<16xi32>
        %rev3A_1727 = tpu.iota {dimensions = array<i32: 0>} : vector<16xi32>
        %rev3A_1728 = arith.subi %rev3A_1726, %rev3A_1727 : vector<16xi32>
        %rev3A_1729 = tpu.dynamic_gather %masked_sort3A_1374[%rev3A_1728] in [0] : vector<16xi32>, vector<16xi32> -> vector<16xi32>
        %le3A_1730 = arith.cmpf ole, %masked_sort3A_1354, %rev3A_1724 : vector<16xf32>
        %select_n3A_1731 = arith.select %le3A_1730, %masked_sort3A_1354, %rev3A_1724 : vector<16xi1>, vector<16xf32>
        %select_n3A_1732 = arith.select %le3A_1730, %masked_sort3A_1355, %rev3A_1729 : vector<16xi1>, vector<16xi32>
        %select_n3A_1733 = arith.select %le3A_1730, %rev3A_1724, %masked_sort3A_1354 : vector<16xi1>, vector<16xf32>
        %select_n3A_1734 = arith.select %le3A_1730, %rev3A_1729, %masked_sort3A_1355 : vector<16xi1>, vector<16xi32>
        %masked_sort3A_1735 = arith.constant dense<true> : vector<16xi1>
        %masked_sort3A_1736, %masked_sort3A_1737, %masked_sort3A_1738 = tpu.sort %select_n3A_1731, %select_n3A_1732 masked %masked_sort3A_1735 : (vector<16xf32>, vector<16xi32>, vector<16xi1>) -> (vector<16xi1>, vector<16xf32>, vector<16xi32>)
        %masked_sort3A_1739 = arith.constant dense<true> : vector<16xi1>
        %masked_sort3A_1740, %masked_sort3A_1741, %masked_sort3A_1742 = tpu.sort %select_n3A_1733, %select_n3A_1734 masked %masked_sort3A_1739 : (vector<16xf32>, vector<16xi32>, vector<16xi1>) -> (vector<16xi1>, vector<16xf32>, vector<16xi32>)
        %rev3A_1743 = arith.constant 15 : i32
        %rev3A_1744 = vector.broadcast %rev3A_1743 : i32 to vector<16xi32>
        %rev3A_1745 = tpu.iota {dimensions = array<i32: 0>} : vector<16xi32>
        %rev3A_1746 = arith.subi %rev3A_1744, %rev3A_1745 : vector<16xi32>
        %rev3A_1747 = tpu.dynamic_gather %masked_sort3A_1419[%rev3A_1746] in [0] : vector<16xf32>, vector<16xi32> -> vector<16xf32>
        %rev3A_1748 = arith.constant 15 : i32
        %rev3A_1749 = vector.broadcast %rev3A_1748 : i32 to vector<16xi32>
        %rev3A_1750 = tpu.iota {dimensions = array<i32: 0>} : vector<16xi32>
        %rev3A_1751 = arith.subi %rev3A_1749, %rev3A_1750 : vector<16xi32>
        %rev3A_1752 = tpu.dynamic_gather %masked_sort3A_1420[%rev3A_1751] in [0] : vector<16xi32>, vector<16xi32> -> vector<16xi32>
        %rev3A_1753 = arith.constant 15 : i32
        %rev3A_1754 = vector.broadcast %rev3A_1753 : i32 to vector<16xi32>
        %rev3A_1755 = tpu.iota {dimensions = array<i32: 0>} : vector<16xi32>
        %rev3A_1756 = arith.subi %rev3A_1754, %rev3A_1755 : vector<16xi32>
        %rev3A_1757 = tpu.dynamic_gather %masked_sort3A_1415[%rev3A_1756] in [0] : vector<16xf32>, vector<16xi32> -> vector<16xf32>
        %rev3A_1758 = arith.constant 15 : i32
        %rev3A_1759 = vector.broadcast %rev3A_1758 : i32 to vector<16xi32>
        %rev3A_1760 = tpu.iota {dimensions = array<i32: 0>} : vector<16xi32>
        %rev3A_1761 = arith.subi %rev3A_1759, %rev3A_1760 : vector<16xi32>
        %rev3A_1762 = tpu.dynamic_gather %masked_sort3A_1416[%rev3A_1761] in [0] : vector<16xi32>, vector<16xi32> -> vector<16xi32>
        %le3A_1763 = arith.cmpf ole, %masked_sort3A_1392, %rev3A_1747 : vector<16xf32>
        %select_n3A_1764 = arith.select %le3A_1763, %masked_sort3A_1392, %rev3A_1747 : vector<16xi1>, vector<16xf32>
        %select_n3A_1765 = arith.select %le3A_1763, %masked_sort3A_1393, %rev3A_1752 : vector<16xi1>, vector<16xi32>
        %le3A_1766 = arith.cmpf ole, %masked_sort3A_1396, %rev3A_1757 : vector<16xf32>
        %select_n3A_1767 = arith.select %le3A_1766, %masked_sort3A_1396, %rev3A_1757 : vector<16xi1>, vector<16xf32>
        %select_n3A_1768 = arith.select %le3A_1766, %masked_sort3A_1397, %rev3A_1762 : vector<16xi1>, vector<16xi32>
        %le3A_1769 = arith.cmpf ole, %select_n3A_1764, %select_n3A_1767 : vector<16xf32>
        %select_n3A_1770 = arith.select %le3A_1769, %select_n3A_1764, %select_n3A_1767 : vector<16xi1>, vector<16xf32>
        %select_n3A_1771 = arith.select %le3A_1769, %select_n3A_1765, %select_n3A_1768 : vector<16xi1>, vector<16xi32>
        %select_n3A_1772 = arith.select %le3A_1769, %select_n3A_1767, %select_n3A_1764 : vector<16xi1>, vector<16xf32>
        %select_n3A_1773 = arith.select %le3A_1769, %select_n3A_1768, %select_n3A_1765 : vector<16xi1>, vector<16xi32>
        %masked_sort3A_1774 = arith.constant dense<true> : vector<16xi1>
        %masked_sort3A_1775, %masked_sort3A_1776, %masked_sort3A_1777 = tpu.sort %select_n3A_1770, %select_n3A_1771 masked %masked_sort3A_1774 : (vector<16xf32>, vector<16xi32>, vector<16xi1>) -> (vector<16xi1>, vector<16xf32>, vector<16xi32>)
        %masked_sort3A_1778 = arith.constant dense<true> : vector<16xi1>
        %masked_sort3A_1779, %masked_sort3A_1780, %masked_sort3A_1781 = tpu.sort %select_n3A_1772, %select_n3A_1773 masked %masked_sort3A_1778 : (vector<16xf32>, vector<16xi32>, vector<16xi1>) -> (vector<16xi1>, vector<16xf32>, vector<16xi32>)
        %rev3A_1782 = arith.constant 15 : i32
        %rev3A_1783 = vector.broadcast %rev3A_1782 : i32 to vector<16xi32>
        %rev3A_1784 = tpu.iota {dimensions = array<i32: 0>} : vector<16xi32>
        %rev3A_1785 = arith.subi %rev3A_1783, %rev3A_1784 : vector<16xi32>
        %rev3A_1786 = tpu.dynamic_gather %masked_sort3A_1465[%rev3A_1785] in [0] : vector<16xf32>, vector<16xi32> -> vector<16xf32>
        %rev3A_1787 = arith.constant 15 : i32
        %rev3A_1788 = vector.broadcast %rev3A_1787 : i32 to vector<16xi32>
        %rev3A_1789 = tpu.iota {dimensions = array<i32: 0>} : vector<16xi32>
        %rev3A_1790 = arith.subi %rev3A_1788, %rev3A_1789 : vector<16xi32>
        %rev3A_1791 = tpu.dynamic_gather %masked_sort3A_1466[%rev3A_1790] in [0] : vector<16xi32>, vector<16xi32> -> vector<16xi32>
        %rev3A_1792 = arith.constant 15 : i32
        %rev3A_1793 = vector.broadcast %rev3A_1792 : i32 to vector<16xi32>
        %rev3A_1794 = tpu.iota {dimensions = array<i32: 0>} : vector<16xi32>
        %rev3A_1795 = arith.subi %rev3A_1793, %rev3A_1794 : vector<16xi32>
        %rev3A_1796 = tpu.dynamic_gather %masked_sort3A_1461[%rev3A_1795] in [0] : vector<16xf32>, vector<16xi32> -> vector<16xf32>
        %rev3A_1797 = arith.constant 15 : i32
        %rev3A_1798 = vector.broadcast %rev3A_1797 : i32 to vector<16xi32>
        %rev3A_1799 = tpu.iota {dimensions = array<i32: 0>} : vector<16xi32>
        %rev3A_1800 = arith.subi %rev3A_1798, %rev3A_1799 : vector<16xi32>
        %rev3A_1801 = tpu.dynamic_gather %masked_sort3A_1462[%rev3A_1800] in [0] : vector<16xi32>, vector<16xi32> -> vector<16xi32>
        %le3A_1802 = arith.cmpf ole, %masked_sort3A_1438, %rev3A_1786 : vector<16xf32>
        %select_n3A_1803 = arith.select %le3A_1802, %masked_sort3A_1438, %rev3A_1786 : vector<16xi1>, vector<16xf32>
        %select_n3A_1804 = arith.select %le3A_1802, %masked_sort3A_1439, %rev3A_1791 : vector<16xi1>, vector<16xi32>
        %le3A_1805 = arith.cmpf ole, %masked_sort3A_1442, %rev3A_1796 : vector<16xf32>
        %select_n3A_1806 = arith.select %le3A_1805, %masked_sort3A_1442, %rev3A_1796 : vector<16xi1>, vector<16xf32>
        %select_n3A_1807 = arith.select %le3A_1805, %masked_sort3A_1443, %rev3A_1801 : vector<16xi1>, vector<16xi32>
        %le3A_1808 = arith.cmpf ole, %select_n3A_1803, %select_n3A_1806 : vector<16xf32>
        %select_n3A_1809 = arith.select %le3A_1808, %select_n3A_1803, %select_n3A_1806 : vector<16xi1>, vector<16xf32>
        %select_n3A_1810 = arith.select %le3A_1808, %select_n3A_1804, %select_n3A_1807 : vector<16xi1>, vector<16xi32>
        %select_n3A_1811 = arith.select %le3A_1808, %select_n3A_1806, %select_n3A_1803 : vector<16xi1>, vector<16xf32>
        %select_n3A_1812 = arith.select %le3A_1808, %select_n3A_1807, %select_n3A_1804 : vector<16xi1>, vector<16xi32>
        %masked_sort3A_1813 = arith.constant dense<true> : vector<16xi1>
        %masked_sort3A_1814, %masked_sort3A_1815, %masked_sort3A_1816 = tpu.sort %select_n3A_1809, %select_n3A_1810 masked %masked_sort3A_1813 : (vector<16xf32>, vector<16xi32>, vector<16xi1>) -> (vector<16xi1>, vector<16xf32>, vector<16xi32>)
        %masked_sort3A_1817 = arith.constant dense<true> : vector<16xi1>
        %masked_sort3A_1818, %masked_sort3A_1819, %masked_sort3A_1820 = tpu.sort %select_n3A_1811, %select_n3A_1812 masked %masked_sort3A_1817 : (vector<16xf32>, vector<16xi32>, vector<16xi1>) -> (vector<16xi1>, vector<16xf32>, vector<16xi32>)
        %rev3A_1821 = arith.constant 15 : i32
        %rev3A_1822 = vector.broadcast %rev3A_1821 : i32 to vector<16xi32>
        %rev3A_1823 = tpu.iota {dimensions = array<i32: 0>} : vector<16xi32>
        %rev3A_1824 = arith.subi %rev3A_1822, %rev3A_1823 : vector<16xi32>
        %rev3A_1825 = tpu.dynamic_gather %masked_sort3A_1511[%rev3A_1824] in [0] : vector<16xf32>, vector<16xi32> -> vector<16xf32>
        %rev3A_1826 = arith.constant 15 : i32
        %rev3A_1827 = vector.broadcast %rev3A_1826 : i32 to vector<16xi32>
        %rev3A_1828 = tpu.iota {dimensions = array<i32: 0>} : vector<16xi32>
        %rev3A_1829 = arith.subi %rev3A_1827, %rev3A_1828 : vector<16xi32>
        %rev3A_1830 = tpu.dynamic_gather %masked_sort3A_1512[%rev3A_1829] in [0] : vector<16xi32>, vector<16xi32> -> vector<16xi32>
        %rev3A_1831 = arith.constant 15 : i32
        %rev3A_1832 = vector.broadcast %rev3A_1831 : i32 to vector<16xi32>
        %rev3A_1833 = tpu.iota {dimensions = array<i32: 0>} : vector<16xi32>
        %rev3A_1834 = arith.subi %rev3A_1832, %rev3A_1833 : vector<16xi32>
        %rev3A_1835 = tpu.dynamic_gather %masked_sort3A_1507[%rev3A_1834] in [0] : vector<16xf32>, vector<16xi32> -> vector<16xf32>
        %rev3A_1836 = arith.constant 15 : i32
        %rev3A_1837 = vector.broadcast %rev3A_1836 : i32 to vector<16xi32>
        %rev3A_1838 = tpu.iota {dimensions = array<i32: 0>} : vector<16xi32>
        %rev3A_1839 = arith.subi %rev3A_1837, %rev3A_1838 : vector<16xi32>
        %rev3A_1840 = tpu.dynamic_gather %masked_sort3A_1508[%rev3A_1839] in [0] : vector<16xi32>, vector<16xi32> -> vector<16xi32>
        %le3A_1841 = arith.cmpf ole, %masked_sort3A_1484, %rev3A_1825 : vector<16xf32>
        %select_n3A_1842 = arith.select %le3A_1841, %masked_sort3A_1484, %rev3A_1825 : vector<16xi1>, vector<16xf32>
        %select_n3A_1843 = arith.select %le3A_1841, %masked_sort3A_1485, %rev3A_1830 : vector<16xi1>, vector<16xi32>
        %le3A_1844 = arith.cmpf ole, %masked_sort3A_1488, %rev3A_1835 : vector<16xf32>
        %select_n3A_1845 = arith.select %le3A_1844, %masked_sort3A_1488, %rev3A_1835 : vector<16xi1>, vector<16xf32>
        %select_n3A_1846 = arith.select %le3A_1844, %masked_sort3A_1489, %rev3A_1840 : vector<16xi1>, vector<16xi32>
        %le3A_1847 = arith.cmpf ole, %select_n3A_1842, %select_n3A_1845 : vector<16xf32>
        %select_n3A_1848 = arith.select %le3A_1847, %select_n3A_1842, %select_n3A_1845 : vector<16xi1>, vector<16xf32>
        %select_n3A_1849 = arith.select %le3A_1847, %select_n3A_1843, %select_n3A_1846 : vector<16xi1>, vector<16xi32>
        %select_n3A_1850 = arith.select %le3A_1847, %select_n3A_1845, %select_n3A_1842 : vector<16xi1>, vector<16xf32>
        %select_n3A_1851 = arith.select %le3A_1847, %select_n3A_1846, %select_n3A_1843 : vector<16xi1>, vector<16xi32>
        %masked_sort3A_1852 = arith.constant dense<true> : vector<16xi1>
        %masked_sort3A_1853, %masked_sort3A_1854, %masked_sort3A_1855 = tpu.sort %select_n3A_1848, %select_n3A_1849 masked %masked_sort3A_1852 : (vector<16xf32>, vector<16xi32>, vector<16xi1>) -> (vector<16xi1>, vector<16xf32>, vector<16xi32>)
        %masked_sort3A_1856 = arith.constant dense<true> : vector<16xi1>
        %masked_sort3A_1857, %masked_sort3A_1858, %masked_sort3A_1859 = tpu.sort %select_n3A_1850, %select_n3A_1851 masked %masked_sort3A_1856 : (vector<16xf32>, vector<16xi32>, vector<16xi1>) -> (vector<16xi1>, vector<16xf32>, vector<16xi32>)
        %rev3A_1860 = arith.constant 15 : i32
        %rev3A_1861 = vector.broadcast %rev3A_1860 : i32 to vector<16xi32>
        %rev3A_1862 = tpu.iota {dimensions = array<i32: 0>} : vector<16xi32>
        %rev3A_1863 = arith.subi %rev3A_1861, %rev3A_1862 : vector<16xi32>
        %rev3A_1864 = tpu.dynamic_gather %masked_sort3A_1557[%rev3A_1863] in [0] : vector<16xf32>, vector<16xi32> -> vector<16xf32>
        %rev3A_1865 = arith.constant 15 : i32
        %rev3A_1866 = vector.broadcast %rev3A_1865 : i32 to vector<16xi32>
        %rev3A_1867 = tpu.iota {dimensions = array<i32: 0>} : vector<16xi32>
        %rev3A_1868 = arith.subi %rev3A_1866, %rev3A_1867 : vector<16xi32>
        %rev3A_1869 = tpu.dynamic_gather %masked_sort3A_1558[%rev3A_1868] in [0] : vector<16xi32>, vector<16xi32> -> vector<16xi32>
        %rev3A_1870 = arith.constant 15 : i32
        %rev3A_1871 = vector.broadcast %rev3A_1870 : i32 to vector<16xi32>
        %rev3A_1872 = tpu.iota {dimensions = array<i32: 0>} : vector<16xi32>
        %rev3A_1873 = arith.subi %rev3A_1871, %rev3A_1872 : vector<16xi32>
        %rev3A_1874 = tpu.dynamic_gather %masked_sort3A_1553[%rev3A_1873] in [0] : vector<16xf32>, vector<16xi32> -> vector<16xf32>
        %rev3A_1875 = arith.constant 15 : i32
        %rev3A_1876 = vector.broadcast %rev3A_1875 : i32 to vector<16xi32>
        %rev3A_1877 = tpu.iota {dimensions = array<i32: 0>} : vector<16xi32>
        %rev3A_1878 = arith.subi %rev3A_1876, %rev3A_1877 : vector<16xi32>
        %rev3A_1879 = tpu.dynamic_gather %masked_sort3A_1554[%rev3A_1878] in [0] : vector<16xi32>, vector<16xi32> -> vector<16xi32>
        %le3A_1880 = arith.cmpf ole, %masked_sort3A_1530, %rev3A_1864 : vector<16xf32>
        %select_n3A_1881 = arith.select %le3A_1880, %masked_sort3A_1530, %rev3A_1864 : vector<16xi1>, vector<16xf32>
        %select_n3A_1882 = arith.select %le3A_1880, %masked_sort3A_1531, %rev3A_1869 : vector<16xi1>, vector<16xi32>
        %le3A_1883 = arith.cmpf ole, %masked_sort3A_1534, %rev3A_1874 : vector<16xf32>
        %select_n3A_1884 = arith.select %le3A_1883, %masked_sort3A_1534, %rev3A_1874 : vector<16xi1>, vector<16xf32>
        %select_n3A_1885 = arith.select %le3A_1883, %masked_sort3A_1535, %rev3A_1879 : vector<16xi1>, vector<16xi32>
        %le3A_1886 = arith.cmpf ole, %select_n3A_1881, %select_n3A_1884 : vector<16xf32>
        %select_n3A_1887 = arith.select %le3A_1886, %select_n3A_1881, %select_n3A_1884 : vector<16xi1>, vector<16xf32>
        %select_n3A_1888 = arith.select %le3A_1886, %select_n3A_1882, %select_n3A_1885 : vector<16xi1>, vector<16xi32>
        %select_n3A_1889 = arith.select %le3A_1886, %select_n3A_1884, %select_n3A_1881 : vector<16xi1>, vector<16xf32>
        %select_n3A_1890 = arith.select %le3A_1886, %select_n3A_1885, %select_n3A_1882 : vector<16xi1>, vector<16xi32>
        %masked_sort3A_1891 = arith.constant dense<true> : vector<16xi1>
        %masked_sort3A_1892, %masked_sort3A_1893, %masked_sort3A_1894 = tpu.sort %select_n3A_1887, %select_n3A_1888 masked %masked_sort3A_1891 : (vector<16xf32>, vector<16xi32>, vector<16xi1>) -> (vector<16xi1>, vector<16xf32>, vector<16xi32>)
        %masked_sort3A_1895 = arith.constant dense<true> : vector<16xi1>
        %masked_sort3A_1896, %masked_sort3A_1897, %masked_sort3A_1898 = tpu.sort %select_n3A_1889, %select_n3A_1890 masked %masked_sort3A_1895 : (vector<16xf32>, vector<16xi32>, vector<16xi1>) -> (vector<16xi1>, vector<16xf32>, vector<16xi32>)
        %rev3A_1899 = arith.constant 15 : i32
        %rev3A_1900 = vector.broadcast %rev3A_1899 : i32 to vector<16xi32>
        %rev3A_1901 = tpu.iota {dimensions = array<i32: 0>} : vector<16xi32>
        %rev3A_1902 = arith.subi %rev3A_1900, %rev3A_1901 : vector<16xi32>
        %rev3A_1903 = tpu.dynamic_gather %masked_sort3A_1603[%rev3A_1902] in [0] : vector<16xf32>, vector<16xi32> -> vector<16xf32>
        %rev3A_1904 = arith.constant 15 : i32
        %rev3A_1905 = vector.broadcast %rev3A_1904 : i32 to vector<16xi32>
        %rev3A_1906 = tpu.iota {dimensions = array<i32: 0>} : vector<16xi32>
        %rev3A_1907 = arith.subi %rev3A_1905, %rev3A_1906 : vector<16xi32>
        %rev3A_1908 = tpu.dynamic_gather %masked_sort3A_1604[%rev3A_1907] in [0] : vector<16xi32>, vector<16xi32> -> vector<16xi32>
        %rev3A_1909 = arith.constant 15 : i32
        %rev3A_1910 = vector.broadcast %rev3A_1909 : i32 to vector<16xi32>
        %rev3A_1911 = tpu.iota {dimensions = array<i32: 0>} : vector<16xi32>
        %rev3A_1912 = arith.subi %rev3A_1910, %rev3A_1911 : vector<16xi32>
        %rev3A_1913 = tpu.dynamic_gather %masked_sort3A_1599[%rev3A_1912] in [0] : vector<16xf32>, vector<16xi32> -> vector<16xf32>
        %rev3A_1914 = arith.constant 15 : i32
        %rev3A_1915 = vector.broadcast %rev3A_1914 : i32 to vector<16xi32>
        %rev3A_1916 = tpu.iota {dimensions = array<i32: 0>} : vector<16xi32>
        %rev3A_1917 = arith.subi %rev3A_1915, %rev3A_1916 : vector<16xi32>
        %rev3A_1918 = tpu.dynamic_gather %masked_sort3A_1600[%rev3A_1917] in [0] : vector<16xi32>, vector<16xi32> -> vector<16xi32>
        %le3A_1919 = arith.cmpf ole, %masked_sort3A_1576, %rev3A_1903 : vector<16xf32>
        %select_n3A_1920 = arith.select %le3A_1919, %masked_sort3A_1576, %rev3A_1903 : vector<16xi1>, vector<16xf32>
        %select_n3A_1921 = arith.select %le3A_1919, %masked_sort3A_1577, %rev3A_1908 : vector<16xi1>, vector<16xi32>
        %le3A_1922 = arith.cmpf ole, %masked_sort3A_1580, %rev3A_1913 : vector<16xf32>
        %select_n3A_1923 = arith.select %le3A_1922, %masked_sort3A_1580, %rev3A_1913 : vector<16xi1>, vector<16xf32>
        %select_n3A_1924 = arith.select %le3A_1922, %masked_sort3A_1581, %rev3A_1918 : vector<16xi1>, vector<16xi32>
        %le3A_1925 = arith.cmpf ole, %select_n3A_1920, %select_n3A_1923 : vector<16xf32>
        %select_n3A_1926 = arith.select %le3A_1925, %select_n3A_1920, %select_n3A_1923 : vector<16xi1>, vector<16xf32>
        %select_n3A_1927 = arith.select %le3A_1925, %select_n3A_1921, %select_n3A_1924 : vector<16xi1>, vector<16xi32>
        %select_n3A_1928 = arith.select %le3A_1925, %select_n3A_1923, %select_n3A_1920 : vector<16xi1>, vector<16xf32>
        %select_n3A_1929 = arith.select %le3A_1925, %select_n3A_1924, %select_n3A_1921 : vector<16xi1>, vector<16xi32>
        %masked_sort3A_1930 = arith.constant dense<true> : vector<16xi1>
        %masked_sort3A_1931, %masked_sort3A_1932, %masked_sort3A_1933 = tpu.sort %select_n3A_1926, %select_n3A_1927 masked %masked_sort3A_1930 : (vector<16xf32>, vector<16xi32>, vector<16xi1>) -> (vector<16xi1>, vector<16xf32>, vector<16xi32>)
        %masked_sort3A_1934 = arith.constant dense<true> : vector<16xi1>
        %masked_sort3A_1935, %masked_sort3A_1936, %masked_sort3A_1937 = tpu.sort %select_n3A_1928, %select_n3A_1929 masked %masked_sort3A_1934 : (vector<16xf32>, vector<16xi32>, vector<16xi1>) -> (vector<16xi1>, vector<16xf32>, vector<16xi32>)
        %rev3A_1938 = arith.constant 15 : i32
        %rev3A_1939 = vector.broadcast %rev3A_1938 : i32 to vector<16xi32>
        %rev3A_1940 = tpu.iota {dimensions = array<i32: 0>} : vector<16xi32>
        %rev3A_1941 = arith.subi %rev3A_1939, %rev3A_1940 : vector<16xi32>
        %rev3A_1942 = tpu.dynamic_gather %masked_sort3A_1649[%rev3A_1941] in [0] : vector<16xf32>, vector<16xi32> -> vector<16xf32>
        %rev3A_1943 = arith.constant 15 : i32
        %rev3A_1944 = vector.broadcast %rev3A_1943 : i32 to vector<16xi32>
        %rev3A_1945 = tpu.iota {dimensions = array<i32: 0>} : vector<16xi32>
        %rev3A_1946 = arith.subi %rev3A_1944, %rev3A_1945 : vector<16xi32>
        %rev3A_1947 = tpu.dynamic_gather %masked_sort3A_1650[%rev3A_1946] in [0] : vector<16xi32>, vector<16xi32> -> vector<16xi32>
        %rev3A_1948 = arith.constant 15 : i32
        %rev3A_1949 = vector.broadcast %rev3A_1948 : i32 to vector<16xi32>
        %rev3A_1950 = tpu.iota {dimensions = array<i32: 0>} : vector<16xi32>
        %rev3A_1951 = arith.subi %rev3A_1949, %rev3A_1950 : vector<16xi32>
        %rev3A_1952 = tpu.dynamic_gather %masked_sort3A_1645[%rev3A_1951] in [0] : vector<16xf32>, vector<16xi32> -> vector<16xf32>
        %rev3A_1953 = arith.constant 15 : i32
        %rev3A_1954 = vector.broadcast %rev3A_1953 : i32 to vector<16xi32>
        %rev3A_1955 = tpu.iota {dimensions = array<i32: 0>} : vector<16xi32>
        %rev3A_1956 = arith.subi %rev3A_1954, %rev3A_1955 : vector<16xi32>
        %rev3A_1957 = tpu.dynamic_gather %masked_sort3A_1646[%rev3A_1956] in [0] : vector<16xi32>, vector<16xi32> -> vector<16xi32>
        %le3A_1958 = arith.cmpf ole, %masked_sort3A_1622, %rev3A_1942 : vector<16xf32>
        %select_n3A_1959 = arith.select %le3A_1958, %masked_sort3A_1622, %rev3A_1942 : vector<16xi1>, vector<16xf32>
        %select_n3A_1960 = arith.select %le3A_1958, %masked_sort3A_1623, %rev3A_1947 : vector<16xi1>, vector<16xi32>
        %le3A_1961 = arith.cmpf ole, %masked_sort3A_1626, %rev3A_1952 : vector<16xf32>
        %select_n3A_1962 = arith.select %le3A_1961, %masked_sort3A_1626, %rev3A_1952 : vector<16xi1>, vector<16xf32>
        %select_n3A_1963 = arith.select %le3A_1961, %masked_sort3A_1627, %rev3A_1957 : vector<16xi1>, vector<16xi32>
        %le3A_1964 = arith.cmpf ole, %select_n3A_1959, %select_n3A_1962 : vector<16xf32>
        %select_n3A_1965 = arith.select %le3A_1964, %select_n3A_1959, %select_n3A_1962 : vector<16xi1>, vector<16xf32>
        %select_n3A_1966 = arith.select %le3A_1964, %select_n3A_1960, %select_n3A_1963 : vector<16xi1>, vector<16xi32>
        %select_n3A_1967 = arith.select %le3A_1964, %select_n3A_1962, %select_n3A_1959 : vector<16xi1>, vector<16xf32>
        %select_n3A_1968 = arith.select %le3A_1964, %select_n3A_1963, %select_n3A_1960 : vector<16xi1>, vector<16xi32>
        %masked_sort3A_1969 = arith.constant dense<true> : vector<16xi1>
        %masked_sort3A_1970, %masked_sort3A_1971, %masked_sort3A_1972 = tpu.sort %select_n3A_1965, %select_n3A_1966 masked %masked_sort3A_1969 : (vector<16xf32>, vector<16xi32>, vector<16xi1>) -> (vector<16xi1>, vector<16xf32>, vector<16xi32>)
        %masked_sort3A_1973 = arith.constant dense<true> : vector<16xi1>
        %masked_sort3A_1974, %masked_sort3A_1975, %masked_sort3A_1976 = tpu.sort %select_n3A_1967, %select_n3A_1968 masked %masked_sort3A_1973 : (vector<16xf32>, vector<16xi32>, vector<16xi1>) -> (vector<16xi1>, vector<16xf32>, vector<16xi32>)
        %rev3A_1977 = arith.constant 15 : i32
        %rev3A_1978 = vector.broadcast %rev3A_1977 : i32 to vector<16xi32>
        %rev3A_1979 = tpu.iota {dimensions = array<i32: 0>} : vector<16xi32>
        %rev3A_1980 = arith.subi %rev3A_1978, %rev3A_1979 : vector<16xi32>
        %rev3A_1981 = tpu.dynamic_gather %masked_sort3A_1695[%rev3A_1980] in [0] : vector<16xf32>, vector<16xi32> -> vector<16xf32>
        %rev3A_1982 = arith.constant 15 : i32
        %rev3A_1983 = vector.broadcast %rev3A_1982 : i32 to vector<16xi32>
        %rev3A_1984 = tpu.iota {dimensions = array<i32: 0>} : vector<16xi32>
        %rev3A_1985 = arith.subi %rev3A_1983, %rev3A_1984 : vector<16xi32>
        %rev3A_1986 = tpu.dynamic_gather %masked_sort3A_1696[%rev3A_1985] in [0] : vector<16xi32>, vector<16xi32> -> vector<16xi32>
        %rev3A_1987 = arith.constant 15 : i32
        %rev3A_1988 = vector.broadcast %rev3A_1987 : i32 to vector<16xi32>
        %rev3A_1989 = tpu.iota {dimensions = array<i32: 0>} : vector<16xi32>
        %rev3A_1990 = arith.subi %rev3A_1988, %rev3A_1989 : vector<16xi32>
        %rev3A_1991 = tpu.dynamic_gather %masked_sort3A_1691[%rev3A_1990] in [0] : vector<16xf32>, vector<16xi32> -> vector<16xf32>
        %rev3A_1992 = arith.constant 15 : i32
        %rev3A_1993 = vector.broadcast %rev3A_1992 : i32 to vector<16xi32>
        %rev3A_1994 = tpu.iota {dimensions = array<i32: 0>} : vector<16xi32>
        %rev3A_1995 = arith.subi %rev3A_1993, %rev3A_1994 : vector<16xi32>
        %rev3A_1996 = tpu.dynamic_gather %masked_sort3A_1692[%rev3A_1995] in [0] : vector<16xi32>, vector<16xi32> -> vector<16xi32>
        %le3A_1997 = arith.cmpf ole, %masked_sort3A_1668, %rev3A_1981 : vector<16xf32>
        %select_n3A_1998 = arith.select %le3A_1997, %masked_sort3A_1668, %rev3A_1981 : vector<16xi1>, vector<16xf32>
        %select_n3A_1999 = arith.select %le3A_1997, %masked_sort3A_1669, %rev3A_1986 : vector<16xi1>, vector<16xi32>
        %le3A_2000 = arith.cmpf ole, %masked_sort3A_1672, %rev3A_1991 : vector<16xf32>
        %select_n3A_2001 = arith.select %le3A_2000, %masked_sort3A_1672, %rev3A_1991 : vector<16xi1>, vector<16xf32>
        %select_n3A_2002 = arith.select %le3A_2000, %masked_sort3A_1673, %rev3A_1996 : vector<16xi1>, vector<16xi32>
        %le3A_2003 = arith.cmpf ole, %select_n3A_1998, %select_n3A_2001 : vector<16xf32>
        %select_n3A_2004 = arith.select %le3A_2003, %select_n3A_1998, %select_n3A_2001 : vector<16xi1>, vector<16xf32>
        %select_n3A_2005 = arith.select %le3A_2003, %select_n3A_1999, %select_n3A_2002 : vector<16xi1>, vector<16xi32>
        %select_n3A_2006 = arith.select %le3A_2003, %select_n3A_2001, %select_n3A_1998 : vector<16xi1>, vector<16xf32>
        %select_n3A_2007 = arith.select %le3A_2003, %select_n3A_2002, %select_n3A_1999 : vector<16xi1>, vector<16xi32>
        %masked_sort3A_2008 = arith.constant dense<true> : vector<16xi1>
        %masked_sort3A_2009, %masked_sort3A_2010, %masked_sort3A_2011 = tpu.sort %select_n3A_2004, %select_n3A_2005 masked %masked_sort3A_2008 : (vector<16xf32>, vector<16xi32>, vector<16xi1>) -> (vector<16xi1>, vector<16xf32>, vector<16xi32>)
        %masked_sort3A_2012 = arith.constant dense<true> : vector<16xi1>
        %masked_sort3A_2013, %masked_sort3A_2014, %masked_sort3A_2015 = tpu.sort %select_n3A_2006, %select_n3A_2007 masked %masked_sort3A_2012 : (vector<16xf32>, vector<16xi32>, vector<16xi1>) -> (vector<16xi1>, vector<16xf32>, vector<16xi32>)
        %rev3A_2016 = arith.constant 15 : i32
        %rev3A_2017 = vector.broadcast %rev3A_2016 : i32 to vector<16xi32>
        %rev3A_2018 = tpu.iota {dimensions = array<i32: 0>} : vector<16xi32>
        %rev3A_2019 = arith.subi %rev3A_2017, %rev3A_2018 : vector<16xi32>
        %rev3A_2020 = tpu.dynamic_gather %masked_sort3A_1741[%rev3A_2019] in [0] : vector<16xf32>, vector<16xi32> -> vector<16xf32>
        %rev3A_2021 = arith.constant 15 : i32
        %rev3A_2022 = vector.broadcast %rev3A_2021 : i32 to vector<16xi32>
        %rev3A_2023 = tpu.iota {dimensions = array<i32: 0>} : vector<16xi32>
        %rev3A_2024 = arith.subi %rev3A_2022, %rev3A_2023 : vector<16xi32>
        %rev3A_2025 = tpu.dynamic_gather %masked_sort3A_1742[%rev3A_2024] in [0] : vector<16xi32>, vector<16xi32> -> vector<16xi32>
        %rev3A_2026 = arith.constant 15 : i32
        %rev3A_2027 = vector.broadcast %rev3A_2026 : i32 to vector<16xi32>
        %rev3A_2028 = tpu.iota {dimensions = array<i32: 0>} : vector<16xi32>
        %rev3A_2029 = arith.subi %rev3A_2027, %rev3A_2028 : vector<16xi32>
        %rev3A_2030 = tpu.dynamic_gather %masked_sort3A_1737[%rev3A_2029] in [0] : vector<16xf32>, vector<16xi32> -> vector<16xf32>
        %rev3A_2031 = arith.constant 15 : i32
        %rev3A_2032 = vector.broadcast %rev3A_2031 : i32 to vector<16xi32>
        %rev3A_2033 = tpu.iota {dimensions = array<i32: 0>} : vector<16xi32>
        %rev3A_2034 = arith.subi %rev3A_2032, %rev3A_2033 : vector<16xi32>
        %rev3A_2035 = tpu.dynamic_gather %masked_sort3A_1738[%rev3A_2034] in [0] : vector<16xi32>, vector<16xi32> -> vector<16xi32>
        %le3A_2036 = arith.cmpf ole, %masked_sort3A_1714, %rev3A_2020 : vector<16xf32>
        %select_n3A_2037 = arith.select %le3A_2036, %masked_sort3A_1714, %rev3A_2020 : vector<16xi1>, vector<16xf32>
        %select_n3A_2038 = arith.select %le3A_2036, %masked_sort3A_1715, %rev3A_2025 : vector<16xi1>, vector<16xi32>
        %le3A_2039 = arith.cmpf ole, %masked_sort3A_1718, %rev3A_2030 : vector<16xf32>
        %select_n3A_2040 = arith.select %le3A_2039, %masked_sort3A_1718, %rev3A_2030 : vector<16xi1>, vector<16xf32>
        %select_n3A_2041 = arith.select %le3A_2039, %masked_sort3A_1719, %rev3A_2035 : vector<16xi1>, vector<16xi32>
        %le3A_2042 = arith.cmpf ole, %select_n3A_2037, %select_n3A_2040 : vector<16xf32>
        %select_n3A_2043 = arith.select %le3A_2042, %select_n3A_2037, %select_n3A_2040 : vector<16xi1>, vector<16xf32>
        %select_n3A_2044 = arith.select %le3A_2042, %select_n3A_2038, %select_n3A_2041 : vector<16xi1>, vector<16xi32>
        %select_n3A_2045 = arith.select %le3A_2042, %select_n3A_2040, %select_n3A_2037 : vector<16xi1>, vector<16xf32>
        %select_n3A_2046 = arith.select %le3A_2042, %select_n3A_2041, %select_n3A_2038 : vector<16xi1>, vector<16xi32>
        %masked_sort3A_2047 = arith.constant dense<true> : vector<16xi1>
        %masked_sort3A_2048, %masked_sort3A_2049, %masked_sort3A_2050 = tpu.sort %select_n3A_2043, %select_n3A_2044 masked %masked_sort3A_2047 : (vector<16xf32>, vector<16xi32>, vector<16xi1>) -> (vector<16xi1>, vector<16xf32>, vector<16xi32>)
        %masked_sort3A_2051 = arith.constant dense<true> : vector<16xi1>
        %masked_sort3A_2052, %masked_sort3A_2053, %masked_sort3A_2054 = tpu.sort %select_n3A_2045, %select_n3A_2046 masked %masked_sort3A_2051 : (vector<16xf32>, vector<16xi32>, vector<16xi1>) -> (vector<16xi1>, vector<16xf32>, vector<16xi32>)
        %rev3A_2055 = arith.constant 15 : i32
        %rev3A_2056 = vector.broadcast %rev3A_2055 : i32 to vector<16xi32>
        %rev3A_2057 = tpu.iota {dimensions = array<i32: 0>} : vector<16xi32>
        %rev3A_2058 = arith.subi %rev3A_2056, %rev3A_2057 : vector<16xi32>
        %rev3A_2059 = tpu.dynamic_gather %masked_sort3A_1819[%rev3A_2058] in [0] : vector<16xf32>, vector<16xi32> -> vector<16xf32>
        %rev3A_2060 = arith.constant 15 : i32
        %rev3A_2061 = vector.broadcast %rev3A_2060 : i32 to vector<16xi32>
        %rev3A_2062 = tpu.iota {dimensions = array<i32: 0>} : vector<16xi32>
        %rev3A_2063 = arith.subi %rev3A_2061, %rev3A_2062 : vector<16xi32>
        %rev3A_2064 = tpu.dynamic_gather %masked_sort3A_1820[%rev3A_2063] in [0] : vector<16xi32>, vector<16xi32> -> vector<16xi32>
        %rev3A_2065 = arith.constant 15 : i32
        %rev3A_2066 = vector.broadcast %rev3A_2065 : i32 to vector<16xi32>
        %rev3A_2067 = tpu.iota {dimensions = array<i32: 0>} : vector<16xi32>
        %rev3A_2068 = arith.subi %rev3A_2066, %rev3A_2067 : vector<16xi32>
        %rev3A_2069 = tpu.dynamic_gather %masked_sort3A_1815[%rev3A_2068] in [0] : vector<16xf32>, vector<16xi32> -> vector<16xf32>
        %rev3A_2070 = arith.constant 15 : i32
        %rev3A_2071 = vector.broadcast %rev3A_2070 : i32 to vector<16xi32>
        %rev3A_2072 = tpu.iota {dimensions = array<i32: 0>} : vector<16xi32>
        %rev3A_2073 = arith.subi %rev3A_2071, %rev3A_2072 : vector<16xi32>
        %rev3A_2074 = tpu.dynamic_gather %masked_sort3A_1816[%rev3A_2073] in [0] : vector<16xi32>, vector<16xi32> -> vector<16xi32>
        %le3A_2075 = arith.cmpf ole, %masked_sort3A_1776, %rev3A_2059 : vector<16xf32>
        %select_n3A_2076 = arith.select %le3A_2075, %masked_sort3A_1776, %rev3A_2059 : vector<16xi1>, vector<16xf32>
        %select_n3A_2077 = arith.select %le3A_2075, %masked_sort3A_1777, %rev3A_2064 : vector<16xi1>, vector<16xi32>
        %le3A_2078 = arith.cmpf ole, %masked_sort3A_1780, %rev3A_2069 : vector<16xf32>
        %select_n3A_2079 = arith.select %le3A_2078, %masked_sort3A_1780, %rev3A_2069 : vector<16xi1>, vector<16xf32>
        %select_n3A_2080 = arith.select %le3A_2078, %masked_sort3A_1781, %rev3A_2074 : vector<16xi1>, vector<16xi32>
        %le3A_2081 = arith.cmpf ole, %select_n3A_2076, %select_n3A_2079 : vector<16xf32>
        %select_n3A_2082 = arith.select %le3A_2081, %select_n3A_2076, %select_n3A_2079 : vector<16xi1>, vector<16xf32>
        %select_n3A_2083 = arith.select %le3A_2081, %select_n3A_2077, %select_n3A_2080 : vector<16xi1>, vector<16xi32>
        %select_n3A_2084 = arith.select %le3A_2081, %select_n3A_2079, %select_n3A_2076 : vector<16xi1>, vector<16xf32>
        %select_n3A_2085 = arith.select %le3A_2081, %select_n3A_2080, %select_n3A_2077 : vector<16xi1>, vector<16xi32>
        %masked_sort3A_2086 = arith.constant dense<true> : vector<16xi1>
        %masked_sort3A_2087, %masked_sort3A_2088, %masked_sort3A_2089 = tpu.sort %select_n3A_2082, %select_n3A_2083 masked %masked_sort3A_2086 : (vector<16xf32>, vector<16xi32>, vector<16xi1>) -> (vector<16xi1>, vector<16xf32>, vector<16xi32>)
        %masked_sort3A_2090 = arith.constant dense<true> : vector<16xi1>
        %masked_sort3A_2091, %masked_sort3A_2092, %masked_sort3A_2093 = tpu.sort %select_n3A_2084, %select_n3A_2085 masked %masked_sort3A_2090 : (vector<16xf32>, vector<16xi32>, vector<16xi1>) -> (vector<16xi1>, vector<16xf32>, vector<16xi32>)
        %rev3A_2094 = arith.constant 15 : i32
        %rev3A_2095 = vector.broadcast %rev3A_2094 : i32 to vector<16xi32>
        %rev3A_2096 = tpu.iota {dimensions = array<i32: 0>} : vector<16xi32>
        %rev3A_2097 = arith.subi %rev3A_2095, %rev3A_2096 : vector<16xi32>
        %rev3A_2098 = tpu.dynamic_gather %masked_sort3A_1897[%rev3A_2097] in [0] : vector<16xf32>, vector<16xi32> -> vector<16xf32>
        %rev3A_2099 = arith.constant 15 : i32
        %rev3A_2100 = vector.broadcast %rev3A_2099 : i32 to vector<16xi32>
        %rev3A_2101 = tpu.iota {dimensions = array<i32: 0>} : vector<16xi32>
        %rev3A_2102 = arith.subi %rev3A_2100, %rev3A_2101 : vector<16xi32>
        %rev3A_2103 = tpu.dynamic_gather %masked_sort3A_1898[%rev3A_2102] in [0] : vector<16xi32>, vector<16xi32> -> vector<16xi32>
        %rev3A_2104 = arith.constant 15 : i32
        %rev3A_2105 = vector.broadcast %rev3A_2104 : i32 to vector<16xi32>
        %rev3A_2106 = tpu.iota {dimensions = array<i32: 0>} : vector<16xi32>
        %rev3A_2107 = arith.subi %rev3A_2105, %rev3A_2106 : vector<16xi32>
        %rev3A_2108 = tpu.dynamic_gather %masked_sort3A_1893[%rev3A_2107] in [0] : vector<16xf32>, vector<16xi32> -> vector<16xf32>
        %rev3A_2109 = arith.constant 15 : i32
        %rev3A_2110 = vector.broadcast %rev3A_2109 : i32 to vector<16xi32>
        %rev3A_2111 = tpu.iota {dimensions = array<i32: 0>} : vector<16xi32>
        %rev3A_2112 = arith.subi %rev3A_2110, %rev3A_2111 : vector<16xi32>
        %rev3A_2113 = tpu.dynamic_gather %masked_sort3A_1894[%rev3A_2112] in [0] : vector<16xi32>, vector<16xi32> -> vector<16xi32>
        %le3A_2114 = arith.cmpf ole, %masked_sort3A_1854, %rev3A_2098 : vector<16xf32>
        %select_n3A_2115 = arith.select %le3A_2114, %masked_sort3A_1854, %rev3A_2098 : vector<16xi1>, vector<16xf32>
        %select_n3A_2116 = arith.select %le3A_2114, %masked_sort3A_1855, %rev3A_2103 : vector<16xi1>, vector<16xi32>
        %le3A_2117 = arith.cmpf ole, %masked_sort3A_1858, %rev3A_2108 : vector<16xf32>
        %select_n3A_2118 = arith.select %le3A_2117, %masked_sort3A_1858, %rev3A_2108 : vector<16xi1>, vector<16xf32>
        %select_n3A_2119 = arith.select %le3A_2117, %masked_sort3A_1859, %rev3A_2113 : vector<16xi1>, vector<16xi32>
        %le3A_2120 = arith.cmpf ole, %select_n3A_2115, %select_n3A_2118 : vector<16xf32>
        %select_n3A_2121 = arith.select %le3A_2120, %select_n3A_2115, %select_n3A_2118 : vector<16xi1>, vector<16xf32>
        %select_n3A_2122 = arith.select %le3A_2120, %select_n3A_2116, %select_n3A_2119 : vector<16xi1>, vector<16xi32>
        %select_n3A_2123 = arith.select %le3A_2120, %select_n3A_2118, %select_n3A_2115 : vector<16xi1>, vector<16xf32>
        %select_n3A_2124 = arith.select %le3A_2120, %select_n3A_2119, %select_n3A_2116 : vector<16xi1>, vector<16xi32>
        %masked_sort3A_2125 = arith.constant dense<true> : vector<16xi1>
        %masked_sort3A_2126, %masked_sort3A_2127, %masked_sort3A_2128 = tpu.sort %select_n3A_2121, %select_n3A_2122 masked %masked_sort3A_2125 : (vector<16xf32>, vector<16xi32>, vector<16xi1>) -> (vector<16xi1>, vector<16xf32>, vector<16xi32>)
        %masked_sort3A_2129 = arith.constant dense<true> : vector<16xi1>
        %masked_sort3A_2130, %masked_sort3A_2131, %masked_sort3A_2132 = tpu.sort %select_n3A_2123, %select_n3A_2124 masked %masked_sort3A_2129 : (vector<16xf32>, vector<16xi32>, vector<16xi1>) -> (vector<16xi1>, vector<16xf32>, vector<16xi32>)
        %rev3A_2133 = arith.constant 15 : i32
        %rev3A_2134 = vector.broadcast %rev3A_2133 : i32 to vector<16xi32>
        %rev3A_2135 = tpu.iota {dimensions = array<i32: 0>} : vector<16xi32>
        %rev3A_2136 = arith.subi %rev3A_2134, %rev3A_2135 : vector<16xi32>
        %rev3A_2137 = tpu.dynamic_gather %masked_sort3A_1975[%rev3A_2136] in [0] : vector<16xf32>, vector<16xi32> -> vector<16xf32>
        %rev3A_2138 = arith.constant 15 : i32
        %rev3A_2139 = vector.broadcast %rev3A_2138 : i32 to vector<16xi32>
        %rev3A_2140 = tpu.iota {dimensions = array<i32: 0>} : vector<16xi32>
        %rev3A_2141 = arith.subi %rev3A_2139, %rev3A_2140 : vector<16xi32>
        %rev3A_2142 = tpu.dynamic_gather %masked_sort3A_1976[%rev3A_2141] in [0] : vector<16xi32>, vector<16xi32> -> vector<16xi32>
        %rev3A_2143 = arith.constant 15 : i32
        %rev3A_2144 = vector.broadcast %rev3A_2143 : i32 to vector<16xi32>
        %rev3A_2145 = tpu.iota {dimensions = array<i32: 0>} : vector<16xi32>
        %rev3A_2146 = arith.subi %rev3A_2144, %rev3A_2145 : vector<16xi32>
        %rev3A_2147 = tpu.dynamic_gather %masked_sort3A_1971[%rev3A_2146] in [0] : vector<16xf32>, vector<16xi32> -> vector<16xf32>
        %rev3A_2148 = arith.constant 15 : i32
        %rev3A_2149 = vector.broadcast %rev3A_2148 : i32 to vector<16xi32>
        %rev3A_2150 = tpu.iota {dimensions = array<i32: 0>} : vector<16xi32>
        %rev3A_2151 = arith.subi %rev3A_2149, %rev3A_2150 : vector<16xi32>
        %rev3A_2152 = tpu.dynamic_gather %masked_sort3A_1972[%rev3A_2151] in [0] : vector<16xi32>, vector<16xi32> -> vector<16xi32>
        %le3A_2153 = arith.cmpf ole, %masked_sort3A_1932, %rev3A_2137 : vector<16xf32>
        %select_n3A_2154 = arith.select %le3A_2153, %masked_sort3A_1932, %rev3A_2137 : vector<16xi1>, vector<16xf32>
        %select_n3A_2155 = arith.select %le3A_2153, %masked_sort3A_1933, %rev3A_2142 : vector<16xi1>, vector<16xi32>
        %le3A_2156 = arith.cmpf ole, %masked_sort3A_1936, %rev3A_2147 : vector<16xf32>
        %select_n3A_2157 = arith.select %le3A_2156, %masked_sort3A_1936, %rev3A_2147 : vector<16xi1>, vector<16xf32>
        %select_n3A_2158 = arith.select %le3A_2156, %masked_sort3A_1937, %rev3A_2152 : vector<16xi1>, vector<16xi32>
        %le3A_2159 = arith.cmpf ole, %select_n3A_2154, %select_n3A_2157 : vector<16xf32>
        %select_n3A_2160 = arith.select %le3A_2159, %select_n3A_2154, %select_n3A_2157 : vector<16xi1>, vector<16xf32>
        %select_n3A_2161 = arith.select %le3A_2159, %select_n3A_2155, %select_n3A_2158 : vector<16xi1>, vector<16xi32>
        %select_n3A_2162 = arith.select %le3A_2159, %select_n3A_2157, %select_n3A_2154 : vector<16xi1>, vector<16xf32>
        %select_n3A_2163 = arith.select %le3A_2159, %select_n3A_2158, %select_n3A_2155 : vector<16xi1>, vector<16xi32>
        %masked_sort3A_2164 = arith.constant dense<true> : vector<16xi1>
        %masked_sort3A_2165, %masked_sort3A_2166, %masked_sort3A_2167 = tpu.sort %select_n3A_2160, %select_n3A_2161 masked %masked_sort3A_2164 : (vector<16xf32>, vector<16xi32>, vector<16xi1>) -> (vector<16xi1>, vector<16xf32>, vector<16xi32>)
        %masked_sort3A_2168 = arith.constant dense<true> : vector<16xi1>
        %masked_sort3A_2169, %masked_sort3A_2170, %masked_sort3A_2171 = tpu.sort %select_n3A_2162, %select_n3A_2163 masked %masked_sort3A_2168 : (vector<16xf32>, vector<16xi32>, vector<16xi1>) -> (vector<16xi1>, vector<16xf32>, vector<16xi32>)
        %rev3A_2172 = arith.constant 15 : i32
        %rev3A_2173 = vector.broadcast %rev3A_2172 : i32 to vector<16xi32>
        %rev3A_2174 = tpu.iota {dimensions = array<i32: 0>} : vector<16xi32>
        %rev3A_2175 = arith.subi %rev3A_2173, %rev3A_2174 : vector<16xi32>
        %rev3A_2176 = tpu.dynamic_gather %masked_sort3A_2053[%rev3A_2175] in [0] : vector<16xf32>, vector<16xi32> -> vector<16xf32>
        %rev3A_2177 = arith.constant 15 : i32
        %rev3A_2178 = vector.broadcast %rev3A_2177 : i32 to vector<16xi32>
        %rev3A_2179 = tpu.iota {dimensions = array<i32: 0>} : vector<16xi32>
        %rev3A_2180 = arith.subi %rev3A_2178, %rev3A_2179 : vector<16xi32>
        %rev3A_2181 = tpu.dynamic_gather %masked_sort3A_2054[%rev3A_2180] in [0] : vector<16xi32>, vector<16xi32> -> vector<16xi32>
        %rev3A_2182 = arith.constant 15 : i32
        %rev3A_2183 = vector.broadcast %rev3A_2182 : i32 to vector<16xi32>
        %rev3A_2184 = tpu.iota {dimensions = array<i32: 0>} : vector<16xi32>
        %rev3A_2185 = arith.subi %rev3A_2183, %rev3A_2184 : vector<16xi32>
        %rev3A_2186 = tpu.dynamic_gather %masked_sort3A_2049[%rev3A_2185] in [0] : vector<16xf32>, vector<16xi32> -> vector<16xf32>
        %rev3A_2187 = arith.constant 15 : i32
        %rev3A_2188 = vector.broadcast %rev3A_2187 : i32 to vector<16xi32>
        %rev3A_2189 = tpu.iota {dimensions = array<i32: 0>} : vector<16xi32>
        %rev3A_2190 = arith.subi %rev3A_2188, %rev3A_2189 : vector<16xi32>
        %rev3A_2191 = tpu.dynamic_gather %masked_sort3A_2050[%rev3A_2190] in [0] : vector<16xi32>, vector<16xi32> -> vector<16xi32>
        %le3A_2192 = arith.cmpf ole, %masked_sort3A_2010, %rev3A_2176 : vector<16xf32>
        %select_n3A_2193 = arith.select %le3A_2192, %masked_sort3A_2010, %rev3A_2176 : vector<16xi1>, vector<16xf32>
        %select_n3A_2194 = arith.select %le3A_2192, %masked_sort3A_2011, %rev3A_2181 : vector<16xi1>, vector<16xi32>
        %le3A_2195 = arith.cmpf ole, %masked_sort3A_2014, %rev3A_2186 : vector<16xf32>
        %select_n3A_2196 = arith.select %le3A_2195, %masked_sort3A_2014, %rev3A_2186 : vector<16xi1>, vector<16xf32>
        %select_n3A_2197 = arith.select %le3A_2195, %masked_sort3A_2015, %rev3A_2191 : vector<16xi1>, vector<16xi32>
        %le3A_2198 = arith.cmpf ole, %select_n3A_2193, %select_n3A_2196 : vector<16xf32>
        %select_n3A_2199 = arith.select %le3A_2198, %select_n3A_2193, %select_n3A_2196 : vector<16xi1>, vector<16xf32>
        %select_n3A_2200 = arith.select %le3A_2198, %select_n3A_2194, %select_n3A_2197 : vector<16xi1>, vector<16xi32>
        %select_n3A_2201 = arith.select %le3A_2198, %select_n3A_2196, %select_n3A_2193 : vector<16xi1>, vector<16xf32>
        %select_n3A_2202 = arith.select %le3A_2198, %select_n3A_2197, %select_n3A_2194 : vector<16xi1>, vector<16xi32>
        %masked_sort3A_2203 = arith.constant dense<true> : vector<16xi1>
        %masked_sort3A_2204, %masked_sort3A_2205, %masked_sort3A_2206 = tpu.sort %select_n3A_2199, %select_n3A_2200 masked %masked_sort3A_2203 : (vector<16xf32>, vector<16xi32>, vector<16xi1>) -> (vector<16xi1>, vector<16xf32>, vector<16xi32>)
        %masked_sort3A_2207 = arith.constant dense<true> : vector<16xi1>
        %masked_sort3A_2208, %masked_sort3A_2209, %masked_sort3A_2210 = tpu.sort %select_n3A_2201, %select_n3A_2202 masked %masked_sort3A_2207 : (vector<16xf32>, vector<16xi32>, vector<16xi1>) -> (vector<16xi1>, vector<16xf32>, vector<16xi32>)
        %rev3A_2211 = arith.constant 15 : i32
        %rev3A_2212 = vector.broadcast %rev3A_2211 : i32 to vector<16xi32>
        %rev3A_2213 = tpu.iota {dimensions = array<i32: 0>} : vector<16xi32>
        %rev3A_2214 = arith.subi %rev3A_2212, %rev3A_2213 : vector<16xi32>
        %rev3A_2215 = tpu.dynamic_gather %masked_sort3A_2131[%rev3A_2214] in [0] : vector<16xf32>, vector<16xi32> -> vector<16xf32>
        %rev3A_2216 = arith.constant 15 : i32
        %rev3A_2217 = vector.broadcast %rev3A_2216 : i32 to vector<16xi32>
        %rev3A_2218 = tpu.iota {dimensions = array<i32: 0>} : vector<16xi32>
        %rev3A_2219 = arith.subi %rev3A_2217, %rev3A_2218 : vector<16xi32>
        %rev3A_2220 = tpu.dynamic_gather %masked_sort3A_2132[%rev3A_2219] in [0] : vector<16xi32>, vector<16xi32> -> vector<16xi32>
        %rev3A_2221 = arith.constant 15 : i32
        %rev3A_2222 = vector.broadcast %rev3A_2221 : i32 to vector<16xi32>
        %rev3A_2223 = tpu.iota {dimensions = array<i32: 0>} : vector<16xi32>
        %rev3A_2224 = arith.subi %rev3A_2222, %rev3A_2223 : vector<16xi32>
        %rev3A_2225 = tpu.dynamic_gather %masked_sort3A_2127[%rev3A_2224] in [0] : vector<16xf32>, vector<16xi32> -> vector<16xf32>
        %rev3A_2226 = arith.constant 15 : i32
        %rev3A_2227 = vector.broadcast %rev3A_2226 : i32 to vector<16xi32>
        %rev3A_2228 = tpu.iota {dimensions = array<i32: 0>} : vector<16xi32>
        %rev3A_2229 = arith.subi %rev3A_2227, %rev3A_2228 : vector<16xi32>
        %rev3A_2230 = tpu.dynamic_gather %masked_sort3A_2128[%rev3A_2229] in [0] : vector<16xi32>, vector<16xi32> -> vector<16xi32>
        %le3A_2231 = arith.cmpf ole, %masked_sort3A_2088, %rev3A_2215 : vector<16xf32>
        %select_n3A_2232 = arith.select %le3A_2231, %masked_sort3A_2088, %rev3A_2215 : vector<16xi1>, vector<16xf32>
        %select_n3A_2233 = arith.select %le3A_2231, %masked_sort3A_2089, %rev3A_2220 : vector<16xi1>, vector<16xi32>
        %le3A_2234 = arith.cmpf ole, %masked_sort3A_2092, %rev3A_2225 : vector<16xf32>
        %select_n3A_2235 = arith.select %le3A_2234, %masked_sort3A_2092, %rev3A_2225 : vector<16xi1>, vector<16xf32>
        %select_n3A_2236 = arith.select %le3A_2234, %masked_sort3A_2093, %rev3A_2230 : vector<16xi1>, vector<16xi32>
        %le3A_2237 = arith.cmpf ole, %select_n3A_2232, %select_n3A_2235 : vector<16xf32>
        %select_n3A_2238 = arith.select %le3A_2237, %select_n3A_2232, %select_n3A_2235 : vector<16xi1>, vector<16xf32>
        %select_n3A_2239 = arith.select %le3A_2237, %select_n3A_2233, %select_n3A_2236 : vector<16xi1>, vector<16xi32>
        %select_n3A_2240 = arith.select %le3A_2237, %select_n3A_2235, %select_n3A_2232 : vector<16xi1>, vector<16xf32>
        %select_n3A_2241 = arith.select %le3A_2237, %select_n3A_2236, %select_n3A_2233 : vector<16xi1>, vector<16xi32>
        %masked_sort3A_2242 = arith.constant dense<true> : vector<16xi1>
        %masked_sort3A_2243, %masked_sort3A_2244, %masked_sort3A_2245 = tpu.sort %select_n3A_2238, %select_n3A_2239 masked %masked_sort3A_2242 : (vector<16xf32>, vector<16xi32>, vector<16xi1>) -> (vector<16xi1>, vector<16xf32>, vector<16xi32>)
        %masked_sort3A_2246 = arith.constant dense<true> : vector<16xi1>
        %masked_sort3A_2247, %masked_sort3A_2248, %masked_sort3A_2249 = tpu.sort %select_n3A_2240, %select_n3A_2241 masked %masked_sort3A_2246 : (vector<16xf32>, vector<16xi32>, vector<16xi1>) -> (vector<16xi1>, vector<16xf32>, vector<16xi32>)
        %rev3A_2250 = arith.constant 15 : i32
        %rev3A_2251 = vector.broadcast %rev3A_2250 : i32 to vector<16xi32>
        %rev3A_2252 = tpu.iota {dimensions = array<i32: 0>} : vector<16xi32>
        %rev3A_2253 = arith.subi %rev3A_2251, %rev3A_2252 : vector<16xi32>
        %rev3A_2254 = tpu.dynamic_gather %masked_sort3A_2209[%rev3A_2253] in [0] : vector<16xf32>, vector<16xi32> -> vector<16xf32>
        %rev3A_2255 = arith.constant 15 : i32
        %rev3A_2256 = vector.broadcast %rev3A_2255 : i32 to vector<16xi32>
        %rev3A_2257 = tpu.iota {dimensions = array<i32: 0>} : vector<16xi32>
        %rev3A_2258 = arith.subi %rev3A_2256, %rev3A_2257 : vector<16xi32>
        %rev3A_2259 = tpu.dynamic_gather %masked_sort3A_2210[%rev3A_2258] in [0] : vector<16xi32>, vector<16xi32> -> vector<16xi32>
        %rev3A_2260 = arith.constant 15 : i32
        %rev3A_2261 = vector.broadcast %rev3A_2260 : i32 to vector<16xi32>
        %rev3A_2262 = tpu.iota {dimensions = array<i32: 0>} : vector<16xi32>
        %rev3A_2263 = arith.subi %rev3A_2261, %rev3A_2262 : vector<16xi32>
        %rev3A_2264 = tpu.dynamic_gather %masked_sort3A_2205[%rev3A_2263] in [0] : vector<16xf32>, vector<16xi32> -> vector<16xf32>
        %rev3A_2265 = arith.constant 15 : i32
        %rev3A_2266 = vector.broadcast %rev3A_2265 : i32 to vector<16xi32>
        %rev3A_2267 = tpu.iota {dimensions = array<i32: 0>} : vector<16xi32>
        %rev3A_2268 = arith.subi %rev3A_2266, %rev3A_2267 : vector<16xi32>
        %rev3A_2269 = tpu.dynamic_gather %masked_sort3A_2206[%rev3A_2268] in [0] : vector<16xi32>, vector<16xi32> -> vector<16xi32>
        %le3A_2270 = arith.cmpf ole, %masked_sort3A_2166, %rev3A_2254 : vector<16xf32>
        %select_n3A_2271 = arith.select %le3A_2270, %masked_sort3A_2166, %rev3A_2254 : vector<16xi1>, vector<16xf32>
        %select_n3A_2272 = arith.select %le3A_2270, %masked_sort3A_2167, %rev3A_2259 : vector<16xi1>, vector<16xi32>
        %le3A_2273 = arith.cmpf ole, %masked_sort3A_2170, %rev3A_2264 : vector<16xf32>
        %select_n3A_2274 = arith.select %le3A_2273, %masked_sort3A_2170, %rev3A_2264 : vector<16xi1>, vector<16xf32>
        %select_n3A_2275 = arith.select %le3A_2273, %masked_sort3A_2171, %rev3A_2269 : vector<16xi1>, vector<16xi32>
        %le3A_2276 = arith.cmpf ole, %select_n3A_2271, %select_n3A_2274 : vector<16xf32>
        %select_n3A_2277 = arith.select %le3A_2276, %select_n3A_2271, %select_n3A_2274 : vector<16xi1>, vector<16xf32>
        %select_n3A_2278 = arith.select %le3A_2276, %select_n3A_2272, %select_n3A_2275 : vector<16xi1>, vector<16xi32>
        %select_n3A_2279 = arith.select %le3A_2276, %select_n3A_2274, %select_n3A_2271 : vector<16xi1>, vector<16xf32>
        %select_n3A_2280 = arith.select %le3A_2276, %select_n3A_2275, %select_n3A_2272 : vector<16xi1>, vector<16xi32>
        %masked_sort3A_2281 = arith.constant dense<true> : vector<16xi1>
        %masked_sort3A_2282, %masked_sort3A_2283, %masked_sort3A_2284 = tpu.sort %select_n3A_2277, %select_n3A_2278 masked %masked_sort3A_2281 : (vector<16xf32>, vector<16xi32>, vector<16xi1>) -> (vector<16xi1>, vector<16xf32>, vector<16xi32>)
        %masked_sort3A_2285 = arith.constant dense<true> : vector<16xi1>
        %masked_sort3A_2286, %masked_sort3A_2287, %masked_sort3A_2288 = tpu.sort %select_n3A_2279, %select_n3A_2280 masked %masked_sort3A_2285 : (vector<16xf32>, vector<16xi32>, vector<16xi1>) -> (vector<16xi1>, vector<16xf32>, vector<16xi32>)
        %rev3A_2289 = arith.constant 15 : i32
        %rev3A_2290 = vector.broadcast %rev3A_2289 : i32 to vector<16xi32>
        %rev3A_2291 = tpu.iota {dimensions = array<i32: 0>} : vector<16xi32>
        %rev3A_2292 = arith.subi %rev3A_2290, %rev3A_2291 : vector<16xi32>
        %rev3A_2293 = tpu.dynamic_gather %masked_sort3A_2287[%rev3A_2292] in [0] : vector<16xf32>, vector<16xi32> -> vector<16xf32>
        %rev3A_2294 = arith.constant 15 : i32
        %rev3A_2295 = vector.broadcast %rev3A_2294 : i32 to vector<16xi32>
        %rev3A_2296 = tpu.iota {dimensions = array<i32: 0>} : vector<16xi32>
        %rev3A_2297 = arith.subi %rev3A_2295, %rev3A_2296 : vector<16xi32>
        %rev3A_2298 = tpu.dynamic_gather %masked_sort3A_2288[%rev3A_2297] in [0] : vector<16xi32>, vector<16xi32> -> vector<16xi32>
        %rev3A_2299 = arith.constant 15 : i32
        %rev3A_2300 = vector.broadcast %rev3A_2299 : i32 to vector<16xi32>
        %rev3A_2301 = tpu.iota {dimensions = array<i32: 0>} : vector<16xi32>
        %rev3A_2302 = arith.subi %rev3A_2300, %rev3A_2301 : vector<16xi32>
        %rev3A_2303 = tpu.dynamic_gather %masked_sort3A_2283[%rev3A_2302] in [0] : vector<16xf32>, vector<16xi32> -> vector<16xf32>
        %rev3A_2304 = arith.constant 15 : i32
        %rev3A_2305 = vector.broadcast %rev3A_2304 : i32 to vector<16xi32>
        %rev3A_2306 = tpu.iota {dimensions = array<i32: 0>} : vector<16xi32>
        %rev3A_2307 = arith.subi %rev3A_2305, %rev3A_2306 : vector<16xi32>
        %rev3A_2308 = tpu.dynamic_gather %masked_sort3A_2284[%rev3A_2307] in [0] : vector<16xi32>, vector<16xi32> -> vector<16xi32>
        %le3A_2309 = arith.cmpf ole, %masked_sort3A_2244, %rev3A_2293 : vector<16xf32>
        %select_n3A_2310 = arith.select %le3A_2309, %masked_sort3A_2244, %rev3A_2293 : vector<16xi1>, vector<16xf32>
        %select_n3A_2311 = arith.select %le3A_2309, %masked_sort3A_2245, %rev3A_2298 : vector<16xi1>, vector<16xi32>
        %le3A_2312 = arith.cmpf ole, %masked_sort3A_2248, %rev3A_2303 : vector<16xf32>
        %select_n3A_2313 = arith.select %le3A_2312, %masked_sort3A_2248, %rev3A_2303 : vector<16xi1>, vector<16xf32>
        %select_n3A_2314 = arith.select %le3A_2312, %masked_sort3A_2249, %rev3A_2308 : vector<16xi1>, vector<16xi32>
        %le3A_2315 = arith.cmpf ole, %select_n3A_2310, %select_n3A_2313 : vector<16xf32>
        %select_n3A_2316 = arith.select %le3A_2315, %select_n3A_2310, %select_n3A_2313 : vector<16xi1>, vector<16xf32>
        %select_n3A_2317 = arith.select %le3A_2315, %select_n3A_2311, %select_n3A_2314 : vector<16xi1>, vector<16xi32>
        %select_n3A_2318 = arith.select %le3A_2315, %select_n3A_2313, %select_n3A_2310 : vector<16xi1>, vector<16xf32>
        %select_n3A_2319 = arith.select %le3A_2315, %select_n3A_2314, %select_n3A_2311 : vector<16xi1>, vector<16xi32>
        %masked_sort3A_2320 = arith.constant dense<true> : vector<16xi1>
        %masked_sort3A_2321, %masked_sort3A_2322, %masked_sort3A_2323 = tpu.sort %select_n3A_2316, %select_n3A_2317 masked %masked_sort3A_2320 : (vector<16xf32>, vector<16xi32>, vector<16xi1>) -> (vector<16xi1>, vector<16xf32>, vector<16xi32>)
        %masked_sort3A_2324 = arith.constant dense<true> : vector<16xi1>
        %masked_sort3A_2325, %masked_sort3A_2326, %masked_sort3A_2327 = tpu.sort %select_n3A_2318, %select_n3A_2319 masked %masked_sort3A_2324 : (vector<16xf32>, vector<16xi32>, vector<16xi1>) -> (vector<16xi1>, vector<16xf32>, vector<16xi32>)
        %swap3A = arith.constant 0 : index
        %swap3A_2328 = tpu.vector_load %arg12[%swap3A] {strides = array<i32>} : memref<32xi32, #tpu.memory_space<vmem>>, vector<16xi32>,
        tpu.vector_store %arg12[%swap3A], %masked_sort3A_2323 {strides = array<i32>} : memref<32xi32, #tpu.memory_space<vmem>>, vector<16xi32>,
        %swap3A_2329 = arith.constant 16 : index
        %swap3A_2330 = tpu.vector_load %arg12[%swap3A_2329] {strides = array<i32>} : memref<32xi32, #tpu.memory_space<vmem>>, vector<16xi32>,
        tpu.vector_store %arg12[%swap3A_2329], %masked_sort3A_2327 {strides = array<i32>} : memref<32xi32, #tpu.memory_space<vmem>>, vector<16xi32>,
        %dma_start3A_2331 = arith.constant 0 : i32
        %dma_start3A_2332 = arith.constant 0 : i32
        %dma_start3A_2333 = tpu.memref_slice %arg4[%dma_start3A_2331, %dma_start3A_2332] : memref<4096x128xf32, #tpu.memory_space<hbm>> -> memref<4096x128xf32, #tpu.memory_space<hbm>>
        tpu.enqueue_indirect_dma source(%dma_start3A_2333 : memref<4096x128xf32, #tpu.memory_space<hbm>>) target(%arg13 : memref<32x128xf32, #tpu.memory_space<vmem>>) offsets(%arg12 : memref<32xi32, #tpu.memory_space<vmem>>) semaphore(%arg18 : memref<!tpu.dma_semaphore, #tpu.memory_space<semaphore_mem>>)
        %lt3A_2334 = vector.broadcast %squeeze3A : f32 to vector<16xf32>
        %lt3A_2335 = arith.cmpf olt, %masked_sort3A_2322, %lt3A_2334 : vector<16xf32>
        %lt3A_2336 = vector.broadcast %squeeze3A : f32 to vector<16xf32>
        %lt3A_2337 = arith.cmpf olt, %masked_sort3A_2326, %lt3A_2336 : vector<16xf32>
        %dma_wait3A_2338 = arith.constant 0 : i32
        %dma_wait3A_2339 = arith.constant 0 : i32
        %dma_wait3A_2340 = tpu.memref_slice %arg4[%dma_wait3A_2338, %dma_wait3A_2339] : memref<4096x128xf32, #tpu.memory_space<hbm>> -> memref<4096x128xf32, #tpu.memory_space<hbm>>
        tpu.wait_indirect_dma semaphore(%arg18 : memref<!tpu.dma_semaphore, #tpu.memory_space<semaphore_mem>>) src(%dma_wait3A_2340 : memref<4096x128xf32, #tpu.memory_space<hbm>>) dst(%arg13 : memref<32x128xf32, #tpu.memory_space<vmem>>)
        %while3A:2 = scf.while (%while3A_2344 = %ne3A_118, %while3A_2345 = %select_n3A_124) : (vector<16xi1>, vector<16xf32>) -> (vector<16xi1>, vector<16xf32>) {
          %reduce_or3A_2346 = arith.constant 1.000000e+00 : f32
          %reduce_or3A_2347 = arith.constant 0.000000e+00 : f32
          %reduce_or3A_2348 = vector.broadcast %reduce_or3A_2346 : f32 to vector<16xf32>
          %reduce_or3A_2349 = vector.broadcast %reduce_or3A_2347 : f32 to vector<16xf32>
          %reduce_or3A_2350 = arith.select %while3A_2344, %reduce_or3A_2348, %reduce_or3A_2349 : vector<16xi1>, vector<16xf32>
          %reduce_or3A_2351 = arith.constant true
          %reduce_or3A_2352 = vector.broadcast %reduce_or3A_2351 : i1 to vector<16xi1>
          %reduce_or3A_2353 = tpu.scan <max>, %reduce_or3A_2350 masked %reduce_or3A_2352 : vector<16xf32>, vector<16xi1> -> vector<16xf32>
          %reduce_or3A_2354 = vector.extract %reduce_or3A_2353[15] : f32 from vector<16xf32>
          %reduce_or3A_2355 = arith.constant 0.000000e+00 : f32
          %reduce_or3A_2356 = arith.cmpf ogt, %reduce_or3A_2354, %reduce_or3A_2355 : f32
          scf.condition(%reduce_or3A_2356) %while3A_2344, %while3A_2345 : vector<16xi1>, vector<16xf32>
        } do {
        ^bb0(%while3A_2344: vector<16xi1>, %while3A_2345: vector<16xf32>):
          %all_reduce_ffs3A = tpu.all_reduce %while3A_2344 {dim = 0 : i64, kind = #tpu.reduction_kind<find_first_set>} : vector<16xi1> -> vector<16xi32>
          %reduce_max3A = arith.constant true
          %reduce_max3A_2346 = vector.broadcast %reduce_max3A : i1 to vector<16xi1>
          %reduce_max3A_2347 = arith.constant -2147483648 : i32
          %reduce_max3A_2348 = vector.broadcast %reduce_max3A_2347 : i32 to vector<16xi32>
          %reduce_max3A_2349 = arith.xori %all_reduce_ffs3A, %reduce_max3A_2348 : vector<16xi32>
          %reduce_max3A_2350 = tpu.scan <max>, %reduce_max3A_2349 masked %reduce_max3A_2346 : vector<16xi32>, vector<16xi1> -> vector<16xi32>
          %reduce_max3A_2351 = arith.xori %reduce_max3A_2350, %reduce_max3A_2348 : vector<16xi32>
          %reduce_max3A_2352 = vector.extract %reduce_max3A_2351[15] : i32 from vector<16xi32>
          %add3A_2353 = arith.constant 0 : i32
          %add3A_2354 = arith.addi %add3A_2353, %reduce_max3A_2352 : i32
          %broadcast_in_dim3A_2355 = vector.broadcast %add3A_2354 : i32 to vector<16xi32>
          %gather3A_2356 = tpu.vector_load_idx %arg13[%iota3A, %broadcast_in_dim3A_2355] : memref<32x128xf32, #tpu.memory_space<vmem>>[vector<16xi32>, vector<16xi32>], vector<16xf32>,
          %add3A_2357 = arith.constant 16 : i32
          %add3A_2358 = vector.broadcast %add3A_2357 : i32 to vector<16xi32>
          %add3A_2359 = arith.addi %iota3A, %add3A_2358 : vector<16xi32>
          %gather3A_2360 = tpu.vector_load_idx %arg13[%add3A_2359, %broadcast_in_dim3A_2355] : memref<32x128xf32, #tpu.memory_space<vmem>>[vector<16xi32>, vector<16xi32>], vector<16xf32>,
          %eq3A = arith.cmpf oeq, %gather3A_2356, %gather3A_2356 : vector<16xf32>
          %and3A_2361 = arith.andi %eq3A, %lt3A_2335 : vector<16xi1>
          %eq3A_2362 = arith.cmpf oeq, %gather3A_2360, %gather3A_2360 : vector<16xf32>
          %and3A_2363 = arith.andi %eq3A_2362, %lt3A_2337 : vector<16xi1>
          %convert_element_type3A_2364 = arith.extui %and3A_2361 : vector<16xi1> to vector<16xi32>
          %broadcast_in_dim3A_2365 = arith.constant true
          %broadcast_in_dim3A_2366 = vector.broadcast %broadcast_in_dim3A_2365 : i1 to vector<16xi1>
          %masked_cumsum3A = tpu.scan <sum>, %convert_element_type3A_2364 masked %broadcast_in_dim3A_2366 : vector<16xi32>, vector<16xi1> -> vector<16xi32>
          %reduce_max3A_2367 = arith.constant true
          %reduce_max3A_2368 = vector.broadcast %reduce_max3A_2367 : i1 to vector<16xi1>
          %reduce_max3A_2369 = arith.constant -2147483648 : i32
          %reduce_max3A_2370 = vector.broadcast %reduce_max3A_2369 : i32 to vector<16xi32>
          %reduce_max3A_2371 = arith.xori %masked_cumsum3A, %reduce_max3A_2370 : vector<16xi32>
          %reduce_max3A_2372 = tpu.scan <max>, %reduce_max3A_2371 masked %reduce_max3A_2368 : vector<16xi32>, vector<16xi1> -> vector<16xi32>
          %reduce_max3A_2373 = arith.xori %reduce_max3A_2372, %reduce_max3A_2370 : vector<16xi32>
          %reduce_max3A_2374 = vector.extract %reduce_max3A_2373[15] : i32 from vector<16xi32>
          %convert_element_type3A_2375 = arith.extui %and3A_2363 : vector<16xi1> to vector<16xi32>
          %broadcast_in_dim3A_2376 = arith.constant true
          %broadcast_in_dim3A_2377 = vector.broadcast %broadcast_in_dim3A_2376 : i1 to vector<16xi1>
          %masked_cumsum3A_2378 = tpu.scan <sum>, %convert_element_type3A_2375 masked %broadcast_in_dim3A_2377 : vector<16xi32>, vector<16xi1> -> vector<16xi32>
          %add3A_2379 = vector.broadcast %reduce_max3A_2374 : i32 to vector<16xi32>
          %add3A_2380 = arith.addi %masked_cumsum3A_2378, %add3A_2379 : vector<16xi32>
          %le3A_2381 = arith.constant 5 : i32
          %le3A_2382 = vector.broadcast %le3A_2381 : i32 to vector<16xi32>
          %le3A_2383 = arith.cmpi sle, %masked_cumsum3A, %le3A_2382 : vector<16xi32>
          %and3A_2384 = arith.andi %and3A_2361, %le3A_2383 : vector<16xi1>
          %le3A_2385 = arith.constant 5 : i32
          %le3A_2386 = vector.broadcast %le3A_2385 : i32 to vector<16xi32>
          %le3A_2387 = arith.cmpi sle, %add3A_2380, %le3A_2386 : vector<16xi32>
          %and3A_2388 = arith.andi %and3A_2363, %le3A_2387 : vector<16xi1>
          %jit3A_2389 = arith.constant 0.000000e+00 : f32
          %broadcast_in_dim3A_2390 = vector.broadcast %jit3A_2389 : f32 to vector<16xf32>
          %select_n3A_2391 = arith.select %and3A_2384, %gather3A_2356, %broadcast_in_dim3A_2390 : vector<16xi1>, vector<16xf32>
          %reduce_sum3A = arith.constant true
          %reduce_sum3A_2392 = vector.broadcast %reduce_sum3A : i1 to vector<16xi1>
          %reduce_sum3A_2393 = tpu.scan <sum>, %select_n3A_2391 masked %reduce_sum3A_2392 : vector<16xf32>, vector<16xi1> -> vector<16xf32>
          %reduce_sum3A_2394 = vector.extract %reduce_sum3A_2393[15] : f32 from vector<16xf32>
          %jit3A_2395 = arith.constant 0.000000e+00 : f32
          %broadcast_in_dim3A_2396 = vector.broadcast %jit3A_2395 : f32 to vector<16xf32>
          %select_n3A_2397 = arith.select %and3A_2388, %gather3A_2360, %broadcast_in_dim3A_2396 : vector<16xi1>, vector<16xf32>
          %reduce_sum3A_2398 = arith.constant true
          %reduce_sum3A_2399 = vector.broadcast %reduce_sum3A_2398 : i1 to vector<16xi1>
          %reduce_sum3A_2400 = tpu.scan <sum>, %select_n3A_2397 masked %reduce_sum3A_2399 : vector<16xf32>, vector<16xi1> -> vector<16xf32>
          %reduce_sum3A_2401 = vector.extract %reduce_sum3A_2400[15] : f32 from vector<16xf32>
          %add3A_2402 = arith.addf %reduce_sum3A_2394, %reduce_sum3A_2401 : f32
          %reduce_max3A_2403 = arith.constant true
          %reduce_max3A_2404 = vector.broadcast %reduce_max3A_2403 : i1 to vector<16xi1>
          %reduce_max3A_2405 = arith.constant -2147483648 : i32
          %reduce_max3A_2406 = vector.broadcast %reduce_max3A_2405 : i32 to vector<16xi32>
          %reduce_max3A_2407 = arith.xori %add3A_2380, %reduce_max3A_2406 : vector<16xi32>
          %reduce_max3A_2408 = tpu.scan <max>, %reduce_max3A_2407 masked %reduce_max3A_2404 : vector<16xi32>, vector<16xi1> -> vector<16xi32>
          %reduce_max3A_2409 = arith.xori %reduce_max3A_2408, %reduce_max3A_2406 : vector<16xi32>
          %reduce_max3A_2410 = vector.extract %reduce_max3A_2409[15] : i32 from vector<16xi32>
          %min3A = arith.constant 5 : i32
          %min3A_2411 = arith.minsi %reduce_max3A_2410, %min3A : i32
          %gather3A_2412 = tpu.vector_load_idx %arg14[%broadcast_in_dim3A_2355] : memref<64xf32, #tpu.memory_space<vmem>>[vector<16xi32>], vector<16xf32>,
          %broadcast_in_dim3A_2413 = vector.broadcast %add3A_2402 : f32 to vector<16xf32>
          %broadcast_in_dim3A_2414 = vector.broadcast %min3A_2411 : i32 to vector<16xi32>
          %convert_element_type3A_2415 = arith.sitofp %broadcast_in_dim3A_2414 : vector<16xi32> to vector<16xf32>
          %gt3A = arith.constant 0.000000e+00 : f32
          %gt3A_2416 = vector.broadcast %gt3A : f32 to vector<16xf32>
          %gt3A_2417 = arith.cmpf ogt, %convert_element_type3A_2415, %gt3A_2416 : vector<16xf32>
          %max3A = arith.constant 1.000000e+00 : f32
          %max3A_2418 = vector.broadcast %max3A : f32 to vector<16xf32>
          %max3A_2419 = arith.maximumf %convert_element_type3A_2415, %max3A_2418 : vector<16xf32>
          %div3A = arith.divf %broadcast_in_dim3A_2413, %max3A_2419 : vector<16xf32>
          %select_n3A_2420 = arith.select %gt3A_2417, %div3A, %gather3A_2412 : vector<16xi1>, vector<16xf32>
          %eq3A_2421 = vector.broadcast %reduce_max3A_2352 : i32 to vector<16xi32>
          %eq3A_2422 = arith.cmpi eq, %iota3A, %eq3A_2421 : vector<16xi32>
          %not3A = arith.constant dense<true> : vector<16xi1>
          %not3A_2423 = arith.xori %eq3A_2422, %not3A : vector<16xi1>
          %and3A_2424 = arith.andi %while3A_2344, %not3A_2423 : vector<16xi1>
          %select_n3A_2425 = arith.select %eq3A_2422, %select_n3A_2420, %while3A_2345 : vector<16xi1>, vector<16xf32>
          scf.yield %and3A_2424, %select_n3A_2425 : vector<16xi1>, vector<16xf32>
        }
        %while3A_2341:2 = scf.while (%while3A_2344 = %ne3A_119, %while3A_2345 = %select_n3A_127) : (vector<16xi1>, vector<16xf32>) -> (vector<16xi1>, vector<16xf32>) {
          %reduce_or3A_2346 = arith.constant 1.000000e+00 : f32
          %reduce_or3A_2347 = arith.constant 0.000000e+00 : f32
          %reduce_or3A_2348 = vector.broadcast %reduce_or3A_2346 : f32 to vector<16xf32>
          %reduce_or3A_2349 = vector.broadcast %reduce_or3A_2347 : f32 to vector<16xf32>
          %reduce_or3A_2350 = arith.select %while3A_2344, %reduce_or3A_2348, %reduce_or3A_2349 : vector<16xi1>, vector<16xf32>
          %reduce_or3A_2351 = arith.constant true
          %reduce_or3A_2352 = vector.broadcast %reduce_or3A_2351 : i1 to vector<16xi1>
          %reduce_or3A_2353 = tpu.scan <max>, %reduce_or3A_2350 masked %reduce_or3A_2352 : vector<16xf32>, vector<16xi1> -> vector<16xf32>
          %reduce_or3A_2354 = vector.extract %reduce_or3A_2353[15] : f32 from vector<16xf32>
          %reduce_or3A_2355 = arith.constant 0.000000e+00 : f32
          %reduce_or3A_2356 = arith.cmpf ogt, %reduce_or3A_2354, %reduce_or3A_2355 : f32
          scf.condition(%reduce_or3A_2356) %while3A_2344, %while3A_2345 : vector<16xi1>, vector<16xf32>
        } do {
        ^bb0(%while3A_2344: vector<16xi1>, %while3A_2345: vector<16xf32>):
          %all_reduce_ffs3A = tpu.all_reduce %while3A_2344 {dim = 0 : i64, kind = #tpu.reduction_kind<find_first_set>} : vector<16xi1> -> vector<16xi32>
          %reduce_max3A = arith.constant true
          %reduce_max3A_2346 = vector.broadcast %reduce_max3A : i1 to vector<16xi1>
          %reduce_max3A_2347 = arith.constant -2147483648 : i32
          %reduce_max3A_2348 = vector.broadcast %reduce_max3A_2347 : i32 to vector<16xi32>
          %reduce_max3A_2349 = arith.xori %all_reduce_ffs3A, %reduce_max3A_2348 : vector<16xi32>
          %reduce_max3A_2350 = tpu.scan <max>, %reduce_max3A_2349 masked %reduce_max3A_2346 : vector<16xi32>, vector<16xi1> -> vector<16xi32>
          %reduce_max3A_2351 = arith.xori %reduce_max3A_2350, %reduce_max3A_2348 : vector<16xi32>
          %reduce_max3A_2352 = vector.extract %reduce_max3A_2351[15] : i32 from vector<16xi32>
          %add3A_2353 = arith.constant 16 : i32
          %add3A_2354 = arith.addi %add3A_2353, %reduce_max3A_2352 : i32
          %broadcast_in_dim3A_2355 = vector.broadcast %add3A_2354 : i32 to vector<16xi32>
          %gather3A_2356 = tpu.vector_load_idx %arg13[%iota3A, %broadcast_in_dim3A_2355] : memref<32x128xf32, #tpu.memory_space<vmem>>[vector<16xi32>, vector<16xi32>], vector<16xf32>,
          %add3A_2357 = arith.constant 16 : i32
          %add3A_2358 = vector.broadcast %add3A_2357 : i32 to vector<16xi32>
          %add3A_2359 = arith.addi %iota3A, %add3A_2358 : vector<16xi32>
          %gather3A_2360 = tpu.vector_load_idx %arg13[%add3A_2359, %broadcast_in_dim3A_2355] : memref<32x128xf32, #tpu.memory_space<vmem>>[vector<16xi32>, vector<16xi32>], vector<16xf32>,
          %eq3A = arith.cmpf oeq, %gather3A_2356, %gather3A_2356 : vector<16xf32>
          %and3A_2361 = arith.andi %eq3A, %lt3A_2335 : vector<16xi1>
          %eq3A_2362 = arith.cmpf oeq, %gather3A_2360, %gather3A_2360 : vector<16xf32>
          %and3A_2363 = arith.andi %eq3A_2362, %lt3A_2337 : vector<16xi1>
          %convert_element_type3A_2364 = arith.extui %and3A_2361 : vector<16xi1> to vector<16xi32>
          %broadcast_in_dim3A_2365 = arith.constant true
          %broadcast_in_dim3A_2366 = vector.broadcast %broadcast_in_dim3A_2365 : i1 to vector<16xi1>
          %masked_cumsum3A = tpu.scan <sum>, %convert_element_type3A_2364 masked %broadcast_in_dim3A_2366 : vector<16xi32>, vector<16xi1> -> vector<16xi32>
          %reduce_max3A_2367 = arith.constant true
          %reduce_max3A_2368 = vector.broadcast %reduce_max3A_2367 : i1 to vector<16xi1>
          %reduce_max3A_2369 = arith.constant -2147483648 : i32
          %reduce_max3A_2370 = vector.broadcast %reduce_max3A_2369 : i32 to vector<16xi32>
          %reduce_max3A_2371 = arith.xori %masked_cumsum3A, %reduce_max3A_2370 : vector<16xi32>
          %reduce_max3A_2372 = tpu.scan <max>, %reduce_max3A_2371 masked %reduce_max3A_2368 : vector<16xi32>, vector<16xi1> -> vector<16xi32>
          %reduce_max3A_2373 = arith.xori %reduce_max3A_2372, %reduce_max3A_2370 : vector<16xi32>
          %reduce_max3A_2374 = vector.extract %reduce_max3A_2373[15] : i32 from vector<16xi32>
          %convert_element_type3A_2375 = arith.extui %and3A_2363 : vector<16xi1> to vector<16xi32>
          %broadcast_in_dim3A_2376 = arith.constant true
          %broadcast_in_dim3A_2377 = vector.broadcast %broadcast_in_dim3A_2376 : i1 to vector<16xi1>
          %masked_cumsum3A_2378 = tpu.scan <sum>, %convert_element_type3A_2375 masked %broadcast_in_dim3A_2377 : vector<16xi32>, vector<16xi1> -> vector<16xi32>
          %add3A_2379 = vector.broadcast %reduce_max3A_2374 : i32 to vector<16xi32>
          %add3A_2380 = arith.addi %masked_cumsum3A_2378, %add3A_2379 : vector<16xi32>
          %le3A_2381 = arith.constant 5 : i32
          %le3A_2382 = vector.broadcast %le3A_2381 : i32 to vector<16xi32>
          %le3A_2383 = arith.cmpi sle, %masked_cumsum3A, %le3A_2382 : vector<16xi32>
          %and3A_2384 = arith.andi %and3A_2361, %le3A_2383 : vector<16xi1>
          %le3A_2385 = arith.constant 5 : i32
          %le3A_2386 = vector.broadcast %le3A_2385 : i32 to vector<16xi32>
          %le3A_2387 = arith.cmpi sle, %add3A_2380, %le3A_2386 : vector<16xi32>
          %and3A_2388 = arith.andi %and3A_2363, %le3A_2387 : vector<16xi1>
          %jit3A_2389 = arith.constant 0.000000e+00 : f32
          %broadcast_in_dim3A_2390 = vector.broadcast %jit3A_2389 : f32 to vector<16xf32>
          %select_n3A_2391 = arith.select %and3A_2384, %gather3A_2356, %broadcast_in_dim3A_2390 : vector<16xi1>, vector<16xf32>
          %reduce_sum3A = arith.constant true
          %reduce_sum3A_2392 = vector.broadcast %reduce_sum3A : i1 to vector<16xi1>
          %reduce_sum3A_2393 = tpu.scan <sum>, %select_n3A_2391 masked %reduce_sum3A_2392 : vector<16xf32>, vector<16xi1> -> vector<16xf32>
          %reduce_sum3A_2394 = vector.extract %reduce_sum3A_2393[15] : f32 from vector<16xf32>
          %jit3A_2395 = arith.constant 0.000000e+00 : f32
          %broadcast_in_dim3A_2396 = vector.broadcast %jit3A_2395 : f32 to vector<16xf32>
          %select_n3A_2397 = arith.select %and3A_2388, %gather3A_2360, %broadcast_in_dim3A_2396 : vector<16xi1>, vector<16xf32>
          %reduce_sum3A_2398 = arith.constant true
          %reduce_sum3A_2399 = vector.broadcast %reduce_sum3A_2398 : i1 to vector<16xi1>
          %reduce_sum3A_2400 = tpu.scan <sum>, %select_n3A_2397 masked %reduce_sum3A_2399 : vector<16xf32>, vector<16xi1> -> vector<16xf32>
          %reduce_sum3A_2401 = vector.extract %reduce_sum3A_2400[15] : f32 from vector<16xf32>
          %add3A_2402 = arith.addf %reduce_sum3A_2394, %reduce_sum3A_2401 : f32
          %reduce_max3A_2403 = arith.constant true
          %reduce_max3A_2404 = vector.broadcast %reduce_max3A_2403 : i1 to vector<16xi1>
          %reduce_max3A_2405 = arith.constant -2147483648 : i32
          %reduce_max3A_2406 = vector.broadcast %reduce_max3A_2405 : i32 to vector<16xi32>
          %reduce_max3A_2407 = arith.xori %add3A_2380, %reduce_max3A_2406 : vector<16xi32>
          %reduce_max3A_2408 = tpu.scan <max>, %reduce_max3A_2407 masked %reduce_max3A_2404 : vector<16xi32>, vector<16xi1> -> vector<16xi32>
          %reduce_max3A_2409 = arith.xori %reduce_max3A_2408, %reduce_max3A_2406 : vector<16xi32>
          %reduce_max3A_2410 = vector.extract %reduce_max3A_2409[15] : i32 from vector<16xi32>
          %min3A = arith.constant 5 : i32
          %min3A_2411 = arith.minsi %reduce_max3A_2410, %min3A : i32
          %gather3A_2412 = tpu.vector_load_idx %arg14[%broadcast_in_dim3A_2355] : memref<64xf32, #tpu.memory_space<vmem>>[vector<16xi32>], vector<16xf32>,
          %broadcast_in_dim3A_2413 = vector.broadcast %add3A_2402 : f32 to vector<16xf32>
          %broadcast_in_dim3A_2414 = vector.broadcast %min3A_2411 : i32 to vector<16xi32>
          %convert_element_type3A_2415 = arith.sitofp %broadcast_in_dim3A_2414 : vector<16xi32> to vector<16xf32>
          %gt3A = arith.constant 0.000000e+00 : f32
          %gt3A_2416 = vector.broadcast %gt3A : f32 to vector<16xf32>
          %gt3A_2417 = arith.cmpf ogt, %convert_element_type3A_2415, %gt3A_2416 : vector<16xf32>
          %max3A = arith.constant 1.000000e+00 : f32
          %max3A_2418 = vector.broadcast %max3A : f32 to vector<16xf32>
          %max3A_2419 = arith.maximumf %convert_element_type3A_2415, %max3A_2418 : vector<16xf32>
          %div3A = arith.divf %broadcast_in_dim3A_2413, %max3A_2419 : vector<16xf32>
          %select_n3A_2420 = arith.select %gt3A_2417, %div3A, %gather3A_2412 : vector<16xi1>, vector<16xf32>
          %eq3A_2421 = vector.broadcast %reduce_max3A_2352 : i32 to vector<16xi32>
          %eq3A_2422 = arith.cmpi eq, %iota3A, %eq3A_2421 : vector<16xi32>
          %not3A = arith.constant dense<true> : vector<16xi1>
          %not3A_2423 = arith.xori %eq3A_2422, %not3A : vector<16xi1>
          %and3A_2424 = arith.andi %while3A_2344, %not3A_2423 : vector<16xi1>
          %select_n3A_2425 = arith.select %eq3A_2422, %select_n3A_2420, %while3A_2345 : vector<16xi1>, vector<16xf32>
          scf.yield %and3A_2424, %select_n3A_2425 : vector<16xi1>, vector<16xf32>
        }
        %while3A_2342:2 = scf.while (%while3A_2344 = %ne3A_120, %while3A_2345 = %select_n3A_130) : (vector<16xi1>, vector<16xf32>) -> (vector<16xi1>, vector<16xf32>) {
          %reduce_or3A_2346 = arith.constant 1.000000e+00 : f32
          %reduce_or3A_2347 = arith.constant 0.000000e+00 : f32
          %reduce_or3A_2348 = vector.broadcast %reduce_or3A_2346 : f32 to vector<16xf32>
          %reduce_or3A_2349 = vector.broadcast %reduce_or3A_2347 : f32 to vector<16xf32>
          %reduce_or3A_2350 = arith.select %while3A_2344, %reduce_or3A_2348, %reduce_or3A_2349 : vector<16xi1>, vector<16xf32>
          %reduce_or3A_2351 = arith.constant true
          %reduce_or3A_2352 = vector.broadcast %reduce_or3A_2351 : i1 to vector<16xi1>
          %reduce_or3A_2353 = tpu.scan <max>, %reduce_or3A_2350 masked %reduce_or3A_2352 : vector<16xf32>, vector<16xi1> -> vector<16xf32>
          %reduce_or3A_2354 = vector.extract %reduce_or3A_2353[15] : f32 from vector<16xf32>
          %reduce_or3A_2355 = arith.constant 0.000000e+00 : f32
          %reduce_or3A_2356 = arith.cmpf ogt, %reduce_or3A_2354, %reduce_or3A_2355 : f32
          scf.condition(%reduce_or3A_2356) %while3A_2344, %while3A_2345 : vector<16xi1>, vector<16xf32>
        } do {
        ^bb0(%while3A_2344: vector<16xi1>, %while3A_2345: vector<16xf32>):
          %all_reduce_ffs3A = tpu.all_reduce %while3A_2344 {dim = 0 : i64, kind = #tpu.reduction_kind<find_first_set>} : vector<16xi1> -> vector<16xi32>
          %reduce_max3A = arith.constant true
          %reduce_max3A_2346 = vector.broadcast %reduce_max3A : i1 to vector<16xi1>
          %reduce_max3A_2347 = arith.constant -2147483648 : i32
          %reduce_max3A_2348 = vector.broadcast %reduce_max3A_2347 : i32 to vector<16xi32>
          %reduce_max3A_2349 = arith.xori %all_reduce_ffs3A, %reduce_max3A_2348 : vector<16xi32>
          %reduce_max3A_2350 = tpu.scan <max>, %reduce_max3A_2349 masked %reduce_max3A_2346 : vector<16xi32>, vector<16xi1> -> vector<16xi32>
          %reduce_max3A_2351 = arith.xori %reduce_max3A_2350, %reduce_max3A_2348 : vector<16xi32>
          %reduce_max3A_2352 = vector.extract %reduce_max3A_2351[15] : i32 from vector<16xi32>
          %add3A_2353 = arith.constant 32 : i32
          %add3A_2354 = arith.addi %add3A_2353, %reduce_max3A_2352 : i32
          %broadcast_in_dim3A_2355 = vector.broadcast %add3A_2354 : i32 to vector<16xi32>
          %gather3A_2356 = tpu.vector_load_idx %arg13[%iota3A, %broadcast_in_dim3A_2355] : memref<32x128xf32, #tpu.memory_space<vmem>>[vector<16xi32>, vector<16xi32>], vector<16xf32>,
          %add3A_2357 = arith.constant 16 : i32
          %add3A_2358 = vector.broadcast %add3A_2357 : i32 to vector<16xi32>
          %add3A_2359 = arith.addi %iota3A, %add3A_2358 : vector<16xi32>
          %gather3A_2360 = tpu.vector_load_idx %arg13[%add3A_2359, %broadcast_in_dim3A_2355] : memref<32x128xf32, #tpu.memory_space<vmem>>[vector<16xi32>, vector<16xi32>], vector<16xf32>,
          %eq3A = arith.cmpf oeq, %gather3A_2356, %gather3A_2356 : vector<16xf32>
          %and3A_2361 = arith.andi %eq3A, %lt3A_2335 : vector<16xi1>
          %eq3A_2362 = arith.cmpf oeq, %gather3A_2360, %gather3A_2360 : vector<16xf32>
          %and3A_2363 = arith.andi %eq3A_2362, %lt3A_2337 : vector<16xi1>
          %convert_element_type3A_2364 = arith.extui %and3A_2361 : vector<16xi1> to vector<16xi32>
          %broadcast_in_dim3A_2365 = arith.constant true
          %broadcast_in_dim3A_2366 = vector.broadcast %broadcast_in_dim3A_2365 : i1 to vector<16xi1>
          %masked_cumsum3A = tpu.scan <sum>, %convert_element_type3A_2364 masked %broadcast_in_dim3A_2366 : vector<16xi32>, vector<16xi1> -> vector<16xi32>
          %reduce_max3A_2367 = arith.constant true
          %reduce_max3A_2368 = vector.broadcast %reduce_max3A_2367 : i1 to vector<16xi1>
          %reduce_max3A_2369 = arith.constant -2147483648 : i32
          %reduce_max3A_2370 = vector.broadcast %reduce_max3A_2369 : i32 to vector<16xi32>
          %reduce_max3A_2371 = arith.xori %masked_cumsum3A, %reduce_max3A_2370 : vector<16xi32>
          %reduce_max3A_2372 = tpu.scan <max>, %reduce_max3A_2371 masked %reduce_max3A_2368 : vector<16xi32>, vector<16xi1> -> vector<16xi32>
          %reduce_max3A_2373 = arith.xori %reduce_max3A_2372, %reduce_max3A_2370 : vector<16xi32>
          %reduce_max3A_2374 = vector.extract %reduce_max3A_2373[15] : i32 from vector<16xi32>
          %convert_element_type3A_2375 = arith.extui %and3A_2363 : vector<16xi1> to vector<16xi32>
          %broadcast_in_dim3A_2376 = arith.constant true
          %broadcast_in_dim3A_2377 = vector.broadcast %broadcast_in_dim3A_2376 : i1 to vector<16xi1>
          %masked_cumsum3A_2378 = tpu.scan <sum>, %convert_element_type3A_2375 masked %broadcast_in_dim3A_2377 : vector<16xi32>, vector<16xi1> -> vector<16xi32>
          %add3A_2379 = vector.broadcast %reduce_max3A_2374 : i32 to vector<16xi32>
          %add3A_2380 = arith.addi %masked_cumsum3A_2378, %add3A_2379 : vector<16xi32>
          %le3A_2381 = arith.constant 5 : i32
          %le3A_2382 = vector.broadcast %le3A_2381 : i32 to vector<16xi32>
          %le3A_2383 = arith.cmpi sle, %masked_cumsum3A, %le3A_2382 : vector<16xi32>
          %and3A_2384 = arith.andi %and3A_2361, %le3A_2383 : vector<16xi1>
          %le3A_2385 = arith.constant 5 : i32
          %le3A_2386 = vector.broadcast %le3A_2385 : i32 to vector<16xi32>
          %le3A_2387 = arith.cmpi sle, %add3A_2380, %le3A_2386 : vector<16xi32>
          %and3A_2388 = arith.andi %and3A_2363, %le3A_2387 : vector<16xi1>
          %jit3A_2389 = arith.constant 0.000000e+00 : f32
          %broadcast_in_dim3A_2390 = vector.broadcast %jit3A_2389 : f32 to vector<16xf32>
          %select_n3A_2391 = arith.select %and3A_2384, %gather3A_2356, %broadcast_in_dim3A_2390 : vector<16xi1>, vector<16xf32>
          %reduce_sum3A = arith.constant true
          %reduce_sum3A_2392 = vector.broadcast %reduce_sum3A : i1 to vector<16xi1>
          %reduce_sum3A_2393 = tpu.scan <sum>, %select_n3A_2391 masked %reduce_sum3A_2392 : vector<16xf32>, vector<16xi1> -> vector<16xf32>
          %reduce_sum3A_2394 = vector.extract %reduce_sum3A_2393[15] : f32 from vector<16xf32>
          %jit3A_2395 = arith.constant 0.000000e+00 : f32
          %broadcast_in_dim3A_2396 = vector.broadcast %jit3A_2395 : f32 to vector<16xf32>
          %select_n3A_2397 = arith.select %and3A_2388, %gather3A_2360, %broadcast_in_dim3A_2396 : vector<16xi1>, vector<16xf32>
          %reduce_sum3A_2398 = arith.constant true
          %reduce_sum3A_2399 = vector.broadcast %reduce_sum3A_2398 : i1 to vector<16xi1>
          %reduce_sum3A_2400 = tpu.scan <sum>, %select_n3A_2397 masked %reduce_sum3A_2399 : vector<16xf32>, vector<16xi1> -> vector<16xf32>
          %reduce_sum3A_2401 = vector.extract %reduce_sum3A_2400[15] : f32 from vector<16xf32>
          %add3A_2402 = arith.addf %reduce_sum3A_2394, %reduce_sum3A_2401 : f32
          %reduce_max3A_2403 = arith.constant true
          %reduce_max3A_2404 = vector.broadcast %reduce_max3A_2403 : i1 to vector<16xi1>
          %reduce_max3A_2405 = arith.constant -2147483648 : i32
          %reduce_max3A_2406 = vector.broadcast %reduce_max3A_2405 : i32 to vector<16xi32>
          %reduce_max3A_2407 = arith.xori %add3A_2380, %reduce_max3A_2406 : vector<16xi32>
          %reduce_max3A_2408 = tpu.scan <max>, %reduce_max3A_2407 masked %reduce_max3A_2404 : vector<16xi32>, vector<16xi1> -> vector<16xi32>
          %reduce_max3A_2409 = arith.xori %reduce_max3A_2408, %reduce_max3A_2406 : vector<16xi32>
          %reduce_max3A_2410 = vector.extract %reduce_max3A_2409[15] : i32 from vector<16xi32>
          %min3A = arith.constant 5 : i32
          %min3A_2411 = arith.minsi %reduce_max3A_2410, %min3A : i32
          %gather3A_2412 = tpu.vector_load_idx %arg14[%broadcast_in_dim3A_2355] : memref<64xf32, #tpu.memory_space<vmem>>[vector<16xi32>], vector<16xf32>,
          %broadcast_in_dim3A_2413 = vector.broadcast %add3A_2402 : f32 to vector<16xf32>
          %broadcast_in_dim3A_2414 = vector.broadcast %min3A_2411 : i32 to vector<16xi32>
          %convert_element_type3A_2415 = arith.sitofp %broadcast_in_dim3A_2414 : vector<16xi32> to vector<16xf32>
          %gt3A = arith.constant 0.000000e+00 : f32
          %gt3A_2416 = vector.broadcast %gt3A : f32 to vector<16xf32>
          %gt3A_2417 = arith.cmpf ogt, %convert_element_type3A_2415, %gt3A_2416 : vector<16xf32>
          %max3A = arith.constant 1.000000e+00 : f32
          %max3A_2418 = vector.broadcast %max3A : f32 to vector<16xf32>
          %max3A_2419 = arith.maximumf %convert_element_type3A_2415, %max3A_2418 : vector<16xf32>
          %div3A = arith.divf %broadcast_in_dim3A_2413, %max3A_2419 : vector<16xf32>
          %select_n3A_2420 = arith.select %gt3A_2417, %div3A, %gather3A_2412 : vector<16xi1>, vector<16xf32>
          %eq3A_2421 = vector.broadcast %reduce_max3A_2352 : i32 to vector<16xi32>
          %eq3A_2422 = arith.cmpi eq, %iota3A, %eq3A_2421 : vector<16xi32>
          %not3A = arith.constant dense<true> : vector<16xi1>
          %not3A_2423 = arith.xori %eq3A_2422, %not3A : vector<16xi1>
          %and3A_2424 = arith.andi %while3A_2344, %not3A_2423 : vector<16xi1>
          %select_n3A_2425 = arith.select %eq3A_2422, %select_n3A_2420, %while3A_2345 : vector<16xi1>, vector<16xf32>
          scf.yield %and3A_2424, %select_n3A_2425 : vector<16xi1>, vector<16xf32>
        }
        %while3A_2343:2 = scf.while (%while3A_2344 = %ne3A_121, %while3A_2345 = %select_n3A_133) : (vector<16xi1>, vector<16xf32>) -> (vector<16xi1>, vector<16xf32>) {
          %reduce_or3A_2346 = arith.constant 1.000000e+00 : f32
          %reduce_or3A_2347 = arith.constant 0.000000e+00 : f32
          %reduce_or3A_2348 = vector.broadcast %reduce_or3A_2346 : f32 to vector<16xf32>
          %reduce_or3A_2349 = vector.broadcast %reduce_or3A_2347 : f32 to vector<16xf32>
          %reduce_or3A_2350 = arith.select %while3A_2344, %reduce_or3A_2348, %reduce_or3A_2349 : vector<16xi1>, vector<16xf32>
          %reduce_or3A_2351 = arith.constant true
          %reduce_or3A_2352 = vector.broadcast %reduce_or3A_2351 : i1 to vector<16xi1>
          %reduce_or3A_2353 = tpu.scan <max>, %reduce_or3A_2350 masked %reduce_or3A_2352 : vector<16xf32>, vector<16xi1> -> vector<16xf32>
          %reduce_or3A_2354 = vector.extract %reduce_or3A_2353[15] : f32 from vector<16xf32>
          %reduce_or3A_2355 = arith.constant 0.000000e+00 : f32
          %reduce_or3A_2356 = arith.cmpf ogt, %reduce_or3A_2354, %reduce_or3A_2355 : f32
          scf.condition(%reduce_or3A_2356) %while3A_2344, %while3A_2345 : vector<16xi1>, vector<16xf32>
        } do {
        ^bb0(%while3A_2344: vector<16xi1>, %while3A_2345: vector<16xf32>):
          %all_reduce_ffs3A = tpu.all_reduce %while3A_2344 {dim = 0 : i64, kind = #tpu.reduction_kind<find_first_set>} : vector<16xi1> -> vector<16xi32>
          %reduce_max3A = arith.constant true
          %reduce_max3A_2346 = vector.broadcast %reduce_max3A : i1 to vector<16xi1>
          %reduce_max3A_2347 = arith.constant -2147483648 : i32
          %reduce_max3A_2348 = vector.broadcast %reduce_max3A_2347 : i32 to vector<16xi32>
          %reduce_max3A_2349 = arith.xori %all_reduce_ffs3A, %reduce_max3A_2348 : vector<16xi32>
          %reduce_max3A_2350 = tpu.scan <max>, %reduce_max3A_2349 masked %reduce_max3A_2346 : vector<16xi32>, vector<16xi1> -> vector<16xi32>
          %reduce_max3A_2351 = arith.xori %reduce_max3A_2350, %reduce_max3A_2348 : vector<16xi32>
          %reduce_max3A_2352 = vector.extract %reduce_max3A_2351[15] : i32 from vector<16xi32>
          %add3A_2353 = arith.constant 48 : i32
          %add3A_2354 = arith.addi %add3A_2353, %reduce_max3A_2352 : i32
          %broadcast_in_dim3A_2355 = vector.broadcast %add3A_2354 : i32 to vector<16xi32>
          %gather3A_2356 = tpu.vector_load_idx %arg13[%iota3A, %broadcast_in_dim3A_2355] : memref<32x128xf32, #tpu.memory_space<vmem>>[vector<16xi32>, vector<16xi32>], vector<16xf32>,
          %add3A_2357 = arith.constant 16 : i32
          %add3A_2358 = vector.broadcast %add3A_2357 : i32 to vector<16xi32>
          %add3A_2359 = arith.addi %iota3A, %add3A_2358 : vector<16xi32>
          %gather3A_2360 = tpu.vector_load_idx %arg13[%add3A_2359, %broadcast_in_dim3A_2355] : memref<32x128xf32, #tpu.memory_space<vmem>>[vector<16xi32>, vector<16xi32>], vector<16xf32>,
          %eq3A = arith.cmpf oeq, %gather3A_2356, %gather3A_2356 : vector<16xf32>
          %and3A_2361 = arith.andi %eq3A, %lt3A_2335 : vector<16xi1>
          %eq3A_2362 = arith.cmpf oeq, %gather3A_2360, %gather3A_2360 : vector<16xf32>
          %and3A_2363 = arith.andi %eq3A_2362, %lt3A_2337 : vector<16xi1>
          %convert_element_type3A_2364 = arith.extui %and3A_2361 : vector<16xi1> to vector<16xi32>
          %broadcast_in_dim3A_2365 = arith.constant true
          %broadcast_in_dim3A_2366 = vector.broadcast %broadcast_in_dim3A_2365 : i1 to vector<16xi1>
          %masked_cumsum3A = tpu.scan <sum>, %convert_element_type3A_2364 masked %broadcast_in_dim3A_2366 : vector<16xi32>, vector<16xi1> -> vector<16xi32>
          %reduce_max3A_2367 = arith.constant true
          %reduce_max3A_2368 = vector.broadcast %reduce_max3A_2367 : i1 to vector<16xi1>
          %reduce_max3A_2369 = arith.constant -2147483648 : i32
          %reduce_max3A_2370 = vector.broadcast %reduce_max3A_2369 : i32 to vector<16xi32>
          %reduce_max3A_2371 = arith.xori %masked_cumsum3A, %reduce_max3A_2370 : vector<16xi32>
          %reduce_max3A_2372 = tpu.scan <max>, %reduce_max3A_2371 masked %reduce_max3A_2368 : vector<16xi32>, vector<16xi1> -> vector<16xi32>
          %reduce_max3A_2373 = arith.xori %reduce_max3A_2372, %reduce_max3A_2370 : vector<16xi32>
          %reduce_max3A_2374 = vector.extract %reduce_max3A_2373[15] : i32 from vector<16xi32>
          %convert_element_type3A_2375 = arith.extui %and3A_2363 : vector<16xi1> to vector<16xi32>
          %broadcast_in_dim3A_2376 = arith.constant true
          %broadcast_in_dim3A_2377 = vector.broadcast %broadcast_in_dim3A_2376 : i1 to vector<16xi1>
          %masked_cumsum3A_2378 = tpu.scan <sum>, %convert_element_type3A_2375 masked %broadcast_in_dim3A_2377 : vector<16xi32>, vector<16xi1> -> vector<16xi32>
          %add3A_2379 = vector.broadcast %reduce_max3A_2374 : i32 to vector<16xi32>
          %add3A_2380 = arith.addi %masked_cumsum3A_2378, %add3A_2379 : vector<16xi32>
          %le3A_2381 = arith.constant 5 : i32
          %le3A_2382 = vector.broadcast %le3A_2381 : i32 to vector<16xi32>
          %le3A_2383 = arith.cmpi sle, %masked_cumsum3A, %le3A_2382 : vector<16xi32>
          %and3A_2384 = arith.andi %and3A_2361, %le3A_2383 : vector<16xi1>
          %le3A_2385 = arith.constant 5 : i32
          %le3A_2386 = vector.broadcast %le3A_2385 : i32 to vector<16xi32>
          %le3A_2387 = arith.cmpi sle, %add3A_2380, %le3A_2386 : vector<16xi32>
          %and3A_2388 = arith.andi %and3A_2363, %le3A_2387 : vector<16xi1>
          %jit3A_2389 = arith.constant 0.000000e+00 : f32
          %broadcast_in_dim3A_2390 = vector.broadcast %jit3A_2389 : f32 to vector<16xf32>
          %select_n3A_2391 = arith.select %and3A_2384, %gather3A_2356, %broadcast_in_dim3A_2390 : vector<16xi1>, vector<16xf32>
          %reduce_sum3A = arith.constant true
          %reduce_sum3A_2392 = vector.broadcast %reduce_sum3A : i1 to vector<16xi1>
          %reduce_sum3A_2393 = tpu.scan <sum>, %select_n3A_2391 masked %reduce_sum3A_2392 : vector<16xf32>, vector<16xi1> -> vector<16xf32>
          %reduce_sum3A_2394 = vector.extract %reduce_sum3A_2393[15] : f32 from vector<16xf32>
          %jit3A_2395 = arith.constant 0.000000e+00 : f32
          %broadcast_in_dim3A_2396 = vector.broadcast %jit3A_2395 : f32 to vector<16xf32>
          %select_n3A_2397 = arith.select %and3A_2388, %gather3A_2360, %broadcast_in_dim3A_2396 : vector<16xi1>, vector<16xf32>
          %reduce_sum3A_2398 = arith.constant true
          %reduce_sum3A_2399 = vector.broadcast %reduce_sum3A_2398 : i1 to vector<16xi1>
          %reduce_sum3A_2400 = tpu.scan <sum>, %select_n3A_2397 masked %reduce_sum3A_2399 : vector<16xf32>, vector<16xi1> -> vector<16xf32>
          %reduce_sum3A_2401 = vector.extract %reduce_sum3A_2400[15] : f32 from vector<16xf32>
          %add3A_2402 = arith.addf %reduce_sum3A_2394, %reduce_sum3A_2401 : f32
          %reduce_max3A_2403 = arith.constant true
          %reduce_max3A_2404 = vector.broadcast %reduce_max3A_2403 : i1 to vector<16xi1>
          %reduce_max3A_2405 = arith.constant -2147483648 : i32
          %reduce_max3A_2406 = vector.broadcast %reduce_max3A_2405 : i32 to vector<16xi32>
          %reduce_max3A_2407 = arith.xori %add3A_2380, %reduce_max3A_2406 : vector<16xi32>
          %reduce_max3A_2408 = tpu.scan <max>, %reduce_max3A_2407 masked %reduce_max3A_2404 : vector<16xi32>, vector<16xi1> -> vector<16xi32>
          %reduce_max3A_2409 = arith.xori %reduce_max3A_2408, %reduce_max3A_2406 : vector<16xi32>
          %reduce_max3A_2410 = vector.extract %reduce_max3A_2409[15] : i32 from vector<16xi32>
          %min3A = arith.constant 5 : i32
          %min3A_2411 = arith.minsi %reduce_max3A_2410, %min3A : i32
          %gather3A_2412 = tpu.vector_load_idx %arg14[%broadcast_in_dim3A_2355] : memref<64xf32, #tpu.memory_space<vmem>>[vector<16xi32>], vector<16xf32>,
          %broadcast_in_dim3A_2413 = vector.broadcast %add3A_2402 : f32 to vector<16xf32>
          %broadcast_in_dim3A_2414 = vector.broadcast %min3A_2411 : i32 to vector<16xi32>
          %convert_element_type3A_2415 = arith.sitofp %broadcast_in_dim3A_2414 : vector<16xi32> to vector<16xf32>
          %gt3A = arith.constant 0.000000e+00 : f32
          %gt3A_2416 = vector.broadcast %gt3A : f32 to vector<16xf32>
          %gt3A_2417 = arith.cmpf ogt, %convert_element_type3A_2415, %gt3A_2416 : vector<16xf32>
          %max3A = arith.constant 1.000000e+00 : f32
          %max3A_2418 = vector.broadcast %max3A : f32 to vector<16xf32>
          %max3A_2419 = arith.maximumf %convert_element_type3A_2415, %max3A_2418 : vector<16xf32>
          %div3A = arith.divf %broadcast_in_dim3A_2413, %max3A_2419 : vector<16xf32>
          %select_n3A_2420 = arith.select %gt3A_2417, %div3A, %gather3A_2412 : vector<16xi1>, vector<16xf32>
          %eq3A_2421 = vector.broadcast %reduce_max3A_2352 : i32 to vector<16xi32>
          %eq3A_2422 = arith.cmpi eq, %iota3A, %eq3A_2421 : vector<16xi32>
          %not3A = arith.constant dense<true> : vector<16xi1>
          %not3A_2423 = arith.xori %eq3A_2422, %not3A : vector<16xi1>
          %and3A_2424 = arith.andi %while3A_2344, %not3A_2423 : vector<16xi1>
          %select_n3A_2425 = arith.select %eq3A_2422, %select_n3A_2420, %while3A_2345 : vector<16xi1>, vector<16xf32>
          scf.yield %and3A_2424, %select_n3A_2425 : vector<16xi1>, vector<16xf32>
        }
        scf.yield %while3A#1, %while3A_2341#1, %while3A_2342#1, %while3A_2343#1 : vector<16xf32>, vector<16xf32>, vector<16xf32>, vector<16xf32>
      } else {
        scf.yield %select_n3A_124, %select_n3A_127, %select_n3A_130, %select_n3A_133 : vector<16xf32>, vector<16xf32>, vector<16xf32>, vector<16xf32>
      }
      %add3A_152 = arith.constant 0 : i32
      %add3A_153 = vector.broadcast %add3A_152 : i32 to vector<16xi32>
      %add3A_154 = arith.addi %iota3A, %add3A_153 : vector<16xi32>
      tpu.vector_store_idx %arg11[%broadcast_in_dim3A_101, %add3A_154], %cond3A_151#0 : memref<128x64xf32, #tpu.memory_space<vmem>>[vector<16xi32>, vector<16xi32>], vector<16xf32>,
      %add3A_155 = arith.constant 16 : i32
      %add3A_156 = vector.broadcast %add3A_155 : i32 to vector<16xi32>
      %add3A_157 = arith.addi %iota3A, %add3A_156 : vector<16xi32>
      tpu.vector_store_idx %arg11[%broadcast_in_dim3A_101, %add3A_157], %cond3A_151#1 : memref<128x64xf32, #tpu.memory_space<vmem>>[vector<16xi32>, vector<16xi32>], vector<16xf32>,
      %add3A_158 = arith.constant 32 : i32
      %add3A_159 = vector.broadcast %add3A_158 : i32 to vector<16xi32>
      %add3A_160 = arith.addi %iota3A, %add3A_159 : vector<16xi32>
      tpu.vector_store_idx %arg11[%broadcast_in_dim3A_101, %add3A_160], %cond3A_151#2 : memref<128x64xf32, #tpu.memory_space<vmem>>[vector<16xi32>, vector<16xi32>], vector<16xf32>,
      %add3A_161 = arith.constant 48 : i32
      %add3A_162 = vector.broadcast %add3A_161 : i32 to vector<16xi32>
      %add3A_163 = arith.addi %iota3A, %add3A_162 : vector<16xi32>
      tpu.vector_store_idx %arg11[%broadcast_in_dim3A_101, %add3A_163], %cond3A_151#3 : memref<128x64xf32, #tpu.memory_space<vmem>>[vector<16xi32>, vector<16xi32>], vector<16xf32>,
      %scan3A_164 = arith.constant 0 : i32
      scf.yield %scan3A_164 : i32
    }
    %scan3A_14 = arith.constant 64 : i32
    "tpu.region"() ({
      %run_scoped3A = tpu.sem_alloc : memref<!tpu.dma_semaphore, #tpu.memory_space<semaphore_mem>>
      %dma_start3A_15 = arith.constant 0 : i32
      %dma_start3A_16 = tpu.memref_slice %arg7[%mul3A_3, %dma_start3A_15] : memref<4096x64xf32, #tpu.memory_space<hbm>> -> memref<128x64xf32, #tpu.memory_space<hbm>>
      %dma_start3A_17 = arith.constant 0 : i32
      %dma_start3A_18 = tpu.memref_slice %arg7[%mul3A_3, %dma_start3A_17] : memref<4096x64xf32, #tpu.memory_space<hbm>> -> memref<128x64xf32, #tpu.memory_space<hbm>>
      tpu.enqueue_dma source(%arg11 : memref<128x64xf32, #tpu.memory_space<vmem>>) target(%dma_start3A_18 : memref<128x64xf32, #tpu.memory_space<hbm>>) target_semaphore(%run_scoped3A : memref<!tpu.dma_semaphore, #tpu.memory_space<semaphore_mem>>)
      %dma_wait3A = arith.constant 0 : i32
      %dma_wait3A_19 = tpu.memref_slice %arg7[%mul3A_3, %dma_wait3A] : memref<4096x64xf32, #tpu.memory_space<hbm>> -> memref<128x64xf32, #tpu.memory_space<hbm>>
      %dma_wait3A_20 = arith.constant 0 : i32
      %dma_wait3A_21 = tpu.memref_slice %arg7[%mul3A_3, %dma_wait3A_20] : memref<4096x64xf32, #tpu.memory_space<hbm>> -> memref<128x64xf32, #tpu.memory_space<hbm>>
      tpu.wait_dma2 semaphore(%run_scoped3A : memref<!tpu.dma_semaphore, #tpu.memory_space<semaphore_mem>>) src(%arg11 : memref<128x64xf32, #tpu.memory_space<vmem>>) dst(%dma_wait3A_21 : memref<128x64xf32, #tpu.memory_space<hbm>>)
      tpu.yield
    }) : () -> ()
    return
  }
}

module attributes {stable_mosaic.version = 14 : i64} {
  func.func @_dist_body(%arg0: i32, %arg1: memref<512x64xf32, #tpu.memory_space<vmem>>, %arg2: memref<192x4096xf32, #tpu.memory_space<vmem>>, %arg3: memref<512x4096xf32, #tpu.memory_space<vmem>>, %arg4: memref<64x1xf32, #tpu.memory_space<vmem>>) attributes {dimension_semantics = [#tpu.dimension_semantics<arbitrary>], iteration_bounds = array<i64: 8>, scalar_prefetch = 0 : i64, scratch_operands = 0 : i64, tpu.core_type = #tpu.core_type<tc>, window_params = [{transform_indices = @transform_0, window_bounds = array<i64: 512, 64>}, {pipeline_mode = #tpu.pipeline_mode<synchronous>, transform_indices = @transform_1, window_bounds = array<i64: 192, 4096>}, {transform_indices = @transform_2, window_bounds = array<i64: 512, 4096>}, {pipeline_mode = #tpu.pipeline_mode<synchronous>, transform_indices = @transform_3, window_bounds = array<i64: 64, 1>}]} {
    %get3A = arith.constant 0 : index
    %get3A_0 = arith.constant 0 : index
    %get3A_1 = vector.load %arg1[%get3A, %get3A_0] : memref<512x64xf32, #tpu.memory_space<vmem>>, vector<512x64xf32>
    %ne3A = arith.cmpf one, %get3A_1, %get3A_1 : vector<512x64xf32>
    %not3A = arith.constant dense<true> : vector<512x64xi1>
    %not3A_2 = arith.xori %ne3A, %not3A : vector<512x64xi1>
    %convert_element_type3A = arith.extui %not3A_2 : vector<512x64xi1> to vector<512x64xi32>
    %convert_element_type3A_3 = arith.sitofp %convert_element_type3A : vector<512x64xi32> to vector<512x64xf32>
    %jit3A = arith.constant 0.000000e+00 : f32
    %broadcast_in_dim3A = vector.broadcast %jit3A : f32 to vector<512x64xf32>
    %select_n3A = arith.select %ne3A, %broadcast_in_dim3A, %get3A_1 : vector<512x64xi1>, vector<512x64xf32>
    %mul3A = arith.mulf %select_n3A, %select_n3A : vector<512x64xf32>
    %get3A_4 = arith.constant 0 : index
    %get3A_5 = arith.constant 0 : index
    %get3A_6 = vector.load %arg2[%get3A_4, %get3A_5] : memref<192x4096xf32, #tpu.memory_space<vmem>>, vector<192x4096xf32>
    %get3A_7 = arith.constant 0 : index
    %get3A_8 = arith.constant 0 : index
    %get3A_9 = vector.load %arg2[%get3A_7, %get3A_8] : memref<192x4096xf32, #tpu.memory_space<vmem>>, vector<64x4096xf32>
    %get3A_10 = arith.constant 128 : index
    %get3A_11 = arith.constant 0 : index
    %get3A_12 = vector.load %arg2[%get3A_10, %get3A_11] : memref<192x4096xf32, #tpu.memory_space<vmem>>, vector<64x4096xf32>
    %mul3A_13 = arith.constant -2.000000e+00 : f32
    %mul3A_14 = vector.broadcast %mul3A_13 : f32 to vector<512x64xf32>
    %mul3A_15 = arith.mulf %mul3A_14, %select_n3A : vector<512x64xf32>
    %concatenate3A = tpu.concatenate %mul3A, %convert_element_type3A_3, %mul3A_15 in 1 : vector<512x64xf32>, vector<512x64xf32>, vector<512x64xf32> -> vector<512x192xf32>
    %dot_general3A = arith.constant dense<0.000000e+00> : vector<512x4096xf32>
    %dot_general3A_16 = tpu.matmul %concatenate3A, %get3A_6, %dot_general3A {dimension_numbers = #tpu.dot_dimension_numbers<[1], [0], [0], [1], [0, 0, 1, 1], [], []>, transpose_lhs_hint = false} : vector<512x192xf32>, vector<192x4096xf32>, vector<512x4096xf32> -> vector<512x4096xf32>
    %max3A = arith.constant 0.000000e+00 : f32
    %max3A_17 = vector.broadcast %max3A : f32 to vector<512x4096xf32>
    %max3A_18 = arith.maximumf %dot_general3A_16, %max3A_17 : vector<512x4096xf32>
    %dot_general3A_19 = arith.constant dense<0.000000e+00> : vector<512x4096xf32>
    %dot_general3A_20 = tpu.matmul %convert_element_type3A_3, %get3A_9, %dot_general3A_19 {dimension_numbers = #tpu.dot_dimension_numbers<[1], [0], [0], [1], [0, 0, 1, 1], [], []>, transpose_lhs_hint = false} : vector<512x64xf32>, vector<64x4096xf32>, vector<512x4096xf32> -> vector<512x4096xf32>
    %gt3A = arith.constant 0.000000e+00 : f32
    %gt3A_21 = vector.broadcast %gt3A : f32 to vector<512x4096xf32>
    %gt3A_22 = arith.cmpf ogt, %dot_general3A_20, %gt3A_21 : vector<512x4096xf32>
    %max3A_23 = arith.constant 1.000000e+00 : f32
    %max3A_24 = vector.broadcast %max3A_23 : f32 to vector<512x4096xf32>
    %max3A_25 = arith.maximumf %dot_general3A_20, %max3A_24 : vector<512x4096xf32>
    %div3A = arith.constant 6.400000e+01 : f32
    %div3A_26 = vector.broadcast %div3A : f32 to vector<512x4096xf32>
    %div3A_27 = arith.divf %div3A_26, %max3A_25 : vector<512x4096xf32>
    %mul3A_28 = arith.mulf %div3A_27, %max3A_18 : vector<512x4096xf32>
    %jit3A_29 = arith.constant 0x7F800000 : f32
    %broadcast_in_dim3A_30 = vector.broadcast %jit3A_29 : f32 to vector<512x4096xf32>
    %select_n3A_31 = arith.select %gt3A_22, %mul3A_28, %broadcast_in_dim3A_30 : vector<512x4096xi1>, vector<512x4096xf32>
    %iota3A = tpu.iota {dimensions = array<i32: 0>} : vector<512x4096xi32>
    %mul3A_32 = arith.constant 512 : i32
    %mul3A_33 = arith.muli %arg0, %mul3A_32 : i32
    %add3A = vector.broadcast %mul3A_33 : i32 to vector<512x4096xi32>
    %add3A_34 = arith.addi %iota3A, %add3A : vector<512x4096xi32>
    %iota3A_35 = tpu.iota {dimensions = array<i32: 1>} : vector<512x4096xi32>
    %eq3A = arith.cmpi eq, %add3A_34, %iota3A_35 : vector<512x4096xi32>
    %jit3A_36 = arith.constant 0x7F800000 : f32
    %broadcast_in_dim3A_37 = vector.broadcast %jit3A_36 : f32 to vector<512x4096xf32>
    %select_n3A_38 = arith.select %eq3A, %broadcast_in_dim3A_37, %select_n3A_31 : vector<512x4096xi1>, vector<512x4096xf32>
    %swap3A = arith.constant 0 : index
    %swap3A_39 = arith.constant 0 : index
    %swap3A_40 = vector.load %arg3[%swap3A, %swap3A_39] : memref<512x4096xf32, #tpu.memory_space<vmem>>, vector<512x4096xf32>
    tpu.vector_store %arg3[%swap3A, %swap3A_39], %select_n3A_38 {strides = array<i32>} : memref<512x4096xf32, #tpu.memory_space<vmem>>, vector<512x4096xf32>,
    %eq3A_41 = arith.constant 0 : i32
    %eq3A_42 = arith.cmpi eq, %arg0, %eq3A_41 : i32
    %convert_element_type3A_43 = arith.extui %eq3A_42 : i1 to i32
    %cond3A = arith.constant 0 : i32
    %cond3A_44 = arith.cmpi ne, %convert_element_type3A_43, %cond3A : i32
    scf.if %cond3A_44 {
      %reduce_sum3A = arith.constant dense<0.000000e+00> : vector<64xf32>
      %reduce_sum3A_45 = vector.multi_reduction <add>, %get3A_9, %reduce_sum3A [1] : vector<64x4096xf32> to vector<64xf32>
      %broadcast_in_dim3A_46 = vector.shape_cast %reduce_sum3A_45 : vector<64xf32> to vector<64x1xf32>
      %max3A_47 = arith.constant 1.000000e+00 : f32
      %max3A_48 = vector.broadcast %max3A_47 : f32 to vector<64x1xf32>
      %max3A_49 = arith.maximumf %broadcast_in_dim3A_46, %max3A_48 : vector<64x1xf32>
      %reduce_sum3A_50 = arith.constant dense<0.000000e+00> : vector<64xf32>
      %reduce_sum3A_51 = vector.multi_reduction <add>, %get3A_12, %reduce_sum3A_50 [1] : vector<64x4096xf32> to vector<64xf32>
      %broadcast_in_dim3A_52 = vector.shape_cast %reduce_sum3A_51 : vector<64xf32> to vector<64x1xf32>
      %div3A_53 = arith.divf %broadcast_in_dim3A_52, %max3A_49 : vector<64x1xf32>
      %swap3A_54 = arith.constant 0 : index
      %swap3A_55 = arith.constant 0 : index
      %swap3A_56 = vector.load %arg4[%swap3A_54, %swap3A_55] : memref<64x1xf32, #tpu.memory_space<vmem>>, vector<64x1xf32>
      tpu.vector_store %arg4[%swap3A_54, %swap3A_55], %div3A_53 {strides = array<i32>} : memref<64x1xf32, #tpu.memory_space<vmem>>, vector<64x1xf32>,
    } else {
    }
    return
  }
  func.func @transform_0(%arg0: i32) -> (i32, i32) {
    %c0_i32 = arith.constant 0 : i32
    %c0_i32_0 = arith.constant 0 : i32
    return %arg0, %c0_i32 : i32, i32
  }
  func.func @transform_1(%arg0: i32) -> (i32, i32) {
    %c0_i32 = arith.constant 0 : i32
    %c0_i32_0 = arith.constant 0 : i32
    %c0_i32_1 = arith.constant 0 : i32
    return %c0_i32, %c0_i32_0 : i32, i32
  }
  func.func @transform_2(%arg0: i32) -> (i32, i32) {
    %c0_i32 = arith.constant 0 : i32
    %c0_i32_0 = arith.constant 0 : i32
    return %arg0, %c0_i32 : i32, i32
  }
  func.func @transform_3(%arg0: i32) -> (i32, i32) {
    %c0_i32 = arith.constant 0 : i32
    %c0_i32_0 = arith.constant 0 : i32
    %c0_i32_1 = arith.constant 0 : i32
    return %c0_i32, %c0_i32_0 : i32, i32
  }
}

</mosaic_0001>

<sc_bundles>
// kernel: kernel.4.cloned.1.call-start
scs
__scs_entry_jumppad:
0x0: {  	(pc) =	sbr.rel $0x88, $3  }
0x1: {  	(tag) =	ssettag $0x0;
	lr =	simm.s32 $0x1  }
0x2: {  	[smem:$0x3FA0] =	sst lr;
	_ =	strace $0xD0000000  }
0x3: {  	_ = 	snop  }
0x4: {  	_ = 	snop  }
0x5: {  	_ = 	snop  }
0x6: {  	_ = 	snop  }
0x7: {  	_ = 	snop  }
__scs_overlays_trampoline_lowered:
0x8: {  	[smem:$0x3FAF] =	sst s0  }
0x9: {  	[smem:$0x3FB0] =	sst s1  }
0xa: {  	[smem:$0x3FB1] =	sst s2  }
0xb: {  	[smem:$0x3FB2] =	sst s3  }
0xc: {  	[smem:$0x3FB3] =	sst s4  }
0xd: {  	[smem:$0x3FB4] =	sst s5  }
0xe: {  	[smem:$0x3FB5] =	sst s6  }
0xf: {  	[smem:$0x3FB6] =	sst s7  }
0x10: {  	[smem:$0x3FB7] =	sst s8  }
0x11: {  	[smem:$0x3FB8] =	sst s9;
	s0 =	simm.s32 @!p0 $0x0  }
0x12: {  	s1 =	sld [smem:$0x3F9E];
	s0 =	simm.s32 @p0 $0x1  }
0x13: {  	[smem:$0x3FB9] =	sst s0;
	s0 =	simm.s32 @!p1 $0x0  }
0x14: {  	s2 =	sld [smem:$0x3F9D];
	s0 =	simm.s32 @p1 $0x1  }
0x15: {  	[smem:$0x3FBA] =	sst s0;
	s0 =	simm.s32 @!p2 $0x0  }
0x16: {  	s3 =	sld [smem:$0x3FDB];
	s0 =	simm.s32 @p2 $0x1  }
0x17: {  	s4 =	simm.s32 $0x1BF5;
	[smem:$0x3FBC] =	sst s0  }
0x18: {  	s0 =	sld [smem:$0x3F9F];
	_ =	swait.ge [sflag:s4], $0x0  }
0x19: {  	s7 =	sld [smem:$0x3FA0]  }
0x1a: {  	s8 =	sadd.s32 $0xFFFFE003, lr  }
0x1b: {  	s9 =	sadd.s32 $0xFFFFFEF7, lr;
	s5 =	simm.s32 $0xFFFFFFFF;
	p2 =	slt.u32 s8, $0xFFFFF086  }
0x1c: {  	p1 =	slt.u32 s9, $0xF7A;
	s5 =	simm.s32 @!p2 $0x0  }
0x1d: {  	s5 =	simm.s32 @p1 $0x1;
	p0 =	seq.s32 s7, s2  }
0x1e: {  	s7 =	smul.u32 @!p0 $0xF7A, s2;
	p2 =	seq.s32 @!p0 s5, $0x0  }
0x1f: {  	s9 =	smul.u32 $0xF7A, s1;
	s8 =	simm.s32 @!p0 $0x1BF5;
	p2 =	por !p2, p0  }
0x20: {  	[sflag:s8] =	ssyncset.s32 @!p0 $0xFFFFF086;
	s6 =	sadd.s32 @!p0 s3, s7;
	s7 =	simm.s32 @!p0 $0x108  }
0x21: {  	s3 =	sadd.s32 s3, s9;
	s6 =	sadd.s32 @!p0 $0x88, s6;
	s7 =	simm.s32 @p2 $0x1082  }
0x22: {  	[simem:s7], [sflag:s8] =	dma.local @!p0 [hbm:s6], $0xF7A  }
0x23: {  	s9 =	sor.u32 $0xD0000000, s2;
	s6 =	simm.s32 $0x108;
	_ =	swait.ge @!p0 [sflag:s8], $0x0  }
0x24: {  	s3 =	sadd.s32 $0x88, s3;
	s6 =	simm.s32 @!p1 $0x1082;
	[sflag:s4] =	ssyncset.s32 $0xFFFFF086  }
0x25: {  	[simem:s6], [sflag:s4] =	dma.local [hbm:s3], $0xF7A  }
0x26: {  	[smem:$0x3FA0] =	sst s1;
	(tag) =	ssettag s2;
	_ =	strace s9  }
0x27: {  	s1 =	sld [smem:$0x3FB0]  }
0x28: {  	s2 =	sld [smem:$0x3FB1]  }
0x29: {  	s4 =	sld [smem:$0x3FB3]  }
0x2a: {  	p0 =	seq.s32 s5, $0x0;
	s5 =	sld [smem:$0x3FB4]  }
0x2b: {  	s6 =	sld [smem:$0x3FB5]  }
0x2c: {  	s7 =	sld [smem:$0x3FB6]  }
0x2d: {  	s3 =	simm.s32 $0x108;
	s8 =	sld [smem:$0x3FB7]  }
0x2e: {  	s3 =	simm.s32 @!p0 $0x1082;
	s9 =	sld [smem:$0x3FB8]  }
0x2f: {  	lr =	sadd.s32 s0, s3;
	s0 =	sld [smem:$0x3FAF]  }
0x30: {  	s3 =	sld [smem:$0x3FB2]  }
0x31: {  	[smem:$0x3FBB] =	sst s10  }
0x32: {  	s10 =	sld [smem:$0x3FB9];
	_ =	sdelay $0x3  }
0x33: {  	p0 =	seq.s32 s10, $0x1;
	s10 =	sld [smem:$0x3FBB];
	_ =	sdelay $0x3  }
0x34: {  	[smem:$0x3FBB] =	sst s10  }
0x35: {  	s10 =	sld [smem:$0x3FBA];
	_ =	sdelay $0x3  }
0x36: {  	p1 =	seq.s32 s10, $0x1;
	s10 =	sld [smem:$0x3FBB];
	_ =	sdelay $0x3  }
0x37: {  	[smem:$0x3FBB] =	sst s10  }
0x38: {  	s10 =	sld [smem:$0x3FBC]  }
0x39: {  	_ = 	snop;
	(pc) =	sbr.ind lr, $3  }
0x3a: {  	_ = 	snop  }
0x3b: {  	_ = 	snop  }
0x3c: {  	p2 =	seq.s32 s10, $0x1;
	s10 =	sld [smem:$0x3FBB]  }
0x3d: {  	_ =	shalt  }
0x3e: {  	_ =	shalt  }
0x3f: {  	_ =	shalt  }
0x40: {  	_ =	shalt  }
0x41: {  	_ =	shalt  }
0x42: {  	_ =	shalt  }
0x43: {  	_ =	shalt  }
0x44: {  	_ =	shalt  }
0x45: {  	_ =	shalt  }
0x46: {  	_ =	shalt  }
0x47: {  	_ =	shalt  }
0x48: {  	_ =	shalt  }
0x49: {  	_ =	shalt  }
0x4a: {  	_ =	shalt  }
0x4b: {  	_ =	shalt  }
0x4c: {  	_ =	shalt  }
0x4d: {  	_ =	shalt  }
0x4e: {  	_ =	shalt  }
0x4f: {  	_ =	shalt  }
0x50: {  	_ =	shalt  }
0x51: {  	_ =	shalt  }
0x52: {  	_ =	shalt  }
0x53: {  	_ =	shalt  }
0x54: {  	_ =	shalt  }
0x55: {  	_ =	shalt  }
0x56: {  	_ =	shalt  }
0x57: {  	_ =	shalt  }
0x58: {  	_ =	shalt  }
0x59: {  	_ =	shalt  }
0x5a: {  	_ =	shalt  }
0x5b: {  	_ =	shalt  }
0x5c: {  	_ =	shalt  }
0x5d: {  	_ =	shalt  }
0x5e: {  	_ =	shalt  }
0x5f: {  	_ =	shalt  }
0x60: {  	_ =	shalt  }
0x61: {  	_ =	shalt  }
0x62: {  	_ =	shalt  }
0x63: {  	_ =	shalt  }
0x64: {  	_ =	shalt  }
0x65: {  	_ =	shalt  }
0x66: {  	_ =	shalt  }
0x67: {  	_ =	shalt  }
0x68: {  	_ =	shalt  }
0x69: {  	_ =	shalt  }
0x6a: {  	_ =	shalt  }
0x6b: {  	_ =	shalt  }
0x6c: {  	_ =	shalt  }
0x6d: {  	_ =	shalt  }
0x6e: {  	_ =	shalt  }
0x6f: {  	_ =	shalt  }
0x70: {  	_ =	shalt  }
0x71: {  	_ =	shalt  }
0x72: {  	_ =	shalt  }
0x73: {  	_ =	shalt  }
0x74: {  	_ =	shalt  }
0x75: {  	_ =	shalt  }
0x76: {  	_ =	shalt  }
0x77: {  	_ =	shalt  }
0x78: {  	_ =	shalt  }
0x79: {  	_ =	shalt  }
0x7a: {  	_ =	shalt  }
0x7b: {  	_ =	shalt  }
0x7c: {  	_ =	shalt  }
0x7d: {  	_ =	shalt  }
0x7e: {  	_ =	shalt  }
0x7f: {  	_ =	shalt  }
0x80: {  	_ =	shalt  }
0x81: {  	_ =	shalt  }
0x82: {  	_ =	shalt  }
0x83: {  	_ =	shalt  }
0x84: {  	_ =	shalt  }
0x85: {  	_ =	shalt  }
0x86: {  	_ =	shalt  }
0x87: {  	_ =	shalt  }
.Lfunc_end0:
.L_simem_size_0:
called_computation_lowered:
.L_overlay_start_0:
0x88: {  	s2 =	sld [smem:$0x3FD9]  }
0x89: {  	s3 =	sld [smem:$0x3FFE];
	_ =	sdelay $0x1  }
0x8a: {  	s1 =	srdreg.scid  }
0x8b: {  	s0 =	sand.u32 $0x1, s1  }
0x8c: {  	s17 =	sshll.u32 s0, $0xA;
	s2 =	sadd.s32 s3, s2  }
0x8d: {  	s2 =	sadd.s32 s2, s17  }
0x8e: {  	[smem:$0x3FC7] =	sst s2  }
0x8f: {  	_ = 	snop  }
0x90: {  	s2 =	sld [smem:$0x3FD0];
	(tm) =	ssettm $0x1  }
0x91: {  	s18 =	sld [smem:$0x3FFB];
	_ =	sdelay $0x3  }
0x92: {  	_ =	strace s18  }
0x93: {  	s3 =	sld [smem:$0x3FFC];
	_ =	sdelay $0x3  }
0x94: {  	_ =	strace s3  }
0x95: {  	s3 =	sld [smem:$0x3FFD];
	_ =	sdelay $0x3  }
0x96: {  	_ =	strace s3  }
0x97: {  	_ =	strace $0x8FFFFFFF  }
0x98: {  	s19 =	sld [smem:$0x3FDB];
	_ =	sdelay $0x1  }
0x99: {  	s4 =	simm.s32 $_scs_section_size  }
0x9a: {  	s5 =	simm.s32 $_size__tile_overlayer_lowered;
	s6 =	simm.s32 $_tile_overlayer_lowered  }
0x9b: {  	s22 =	simm.s32 $0x1BFF;
	s21 =	sshll.u32 s6, $0x1;
	s3 =	sadd.s32 s4, s19  }
0x9c: {  	s7 =	simm.s32 $0x0;
	s20 =	sshll.u32 s5, $0x1;
	s5 =	sadd.s32 s21, s3  }
0x9d: {  	[timem:s7], [sflag:s22] =	dma.local [hbm:s5], s20  }
0x9e: {  	_ =	swait.ge [sflag:s22], s20  }
0x9f: {  	s4 =	ssub.s32 $0x0, s20;
	[sflag:s22] =	ssyncset.done $0x0  }
0xa0: {  	[sflag:s22] =	ssyncadd.s32 s4;
	_ =	sdelay $0x1  }
0xa1: {  	s23 =	simm.s32 $0x1B8B  }
0xa2: {  	_ =	swait.ge [sflag:s23], $0x1  }
0xa3: {  	[sflag:s23] =	ssyncset.done $0x0  }
0xa4: {  	s25 =	simm.s32 $0x1B8E;
	s24 =	sld [smem:$0x3FFE];
	[sflag:s23] =	ssyncadd.s32 $0xFFFFFFFF  }
0xa5: {  	s26 =	simm.s32 $execute0_lowered;
	[smem:$0x3FD2] =	sst s25  }
0xa6: {  	s5 =	sshll.u32 s26, $0x1;
	_ =	strace $0x80000046;
	[dreg:$0x1] =	wrdreg $0xFFFFFFFF  }
0xa7: {  	s28 =	simm.s32 $_size_execute0_lowered;
	s3 =	sadd.s32 s3, s5;
	[dreg:$0x0] =	wrdreg $0x0  }
0xa8: {  	s5 =	sshll.u32 s28, $0x1;
	[dreg:$0x2] =	wrdreg s3  }
0xa9: {  	[dreg:$0x3] =	wrdreg s5  }
0xaa: {  	[dreg:$0x4] =	wrdreg $0xC0  }
0xab: {  	_ =	task [dreg:s7], $0x5FFFF  }
0xac: {  	[dreg:$0x1] =	wrdreg $0xFFFFFFFF  }
0xad: {  	[dreg:$0x0] =	wrdreg $0x60  }
0xae: {  	[dreg:$0x2] =	wrdreg s24  }
0xaf: {  	[dreg:$0x3] =	wrdreg s2  }
0xb0: {  	[dreg:$0x4] =	wrdreg $0x9  }
0xb1: {  	_ =	task.clear_ibuf [dreg:s7], $0x5FFFF;
	_ =	strace $0x90000046  }
0xb2: {  	s29 =	simm.s32 $0x9;
	_ =	strace $0x80000048  }
0xb3: {  	_ =	swait.ge [sflag:s29], $0x1  }
0xb4: {  	[sflag:s29] =	ssyncadd.s32 $0xFFFFFFFF  }
0xb5: {  	_ =	strace $0x90000048  }
0xb6: {  	_ =	sfence  }
0xb7: {  	s30 =	sld [smem:$0x0];
	_ =	sdelay $0x2  }
0xb8: {  	s31 =	sshll.u32 s1, $0xD;
	s1 =	sshrl.u32 s1, $0x2  }
0xb9: {  	s3 =	sand.u32 $0x4000, s31;
	s1 =	sadd.s32 s1, s30  }
0xba: {  	s0 =	sor.u32 s3, s0;
	s1 =	sshll.u32 s1, $0x11  }
0xbb: {  	s0 =	sor.u32 s1, s0  }
0xbc: {  	s0 =	sadd.s32 $0x8F2B, s0  }
0xbd: {  	[sflag:s0] =	ssyncadd.remote.s32 $0x1  }
0xbe: {  	_ =	sfence.sel $0xFFFF  }
0xbf: {  	[dreg:$0x0] =	wrdreg $0xFFFFFFFF;
	(pc) =	sbr.abs _section_cstart, $3  }
0xc0: {  	[dreg:$0x1] =	wrdreg $0xFFFFFFFF  }
0xc1: {  	_ =	task.clear_ibuf [dreg:s7], $0x2FFFF;
	_ =	strace $0x9FFFFFFF  }
0xc2: {  	(tm) =	ssettm $0x7FFFFFFF  }
0xc3: {  	_ =	shalt  }
tec
execute0_lowered:
.L_overlay_start_1:
0x0: {  	(tag) =	ssettag $0x1  }
0x1: {  	s7 =	rddreg [dreg:$0x0]  }
0x2: {  	s2 =	rddreg [dreg:$0x1];
	s3 =	simm.s32 $0x0  }
0x3: {  	[smem:$0x7FF] =	sst s3  }
0x4: {  	s1 =	rddreg [dreg:$0x2];
	v0 =	vimm.f32 $0.0e+00;
	_ =	strace $0x80000047  }
0x5: {  	(xrf0) =	vmax.scan.msk.f32 $0xffff, v0;
	_ =	sdelay $0x5  }
0x6: {  	v0, _, _ =	vpop (xrf0)  }
0x7: {  	(v2sf) =	vpush v0, $0xF;
	_ =	sdelay $0x2  }
0x8: {  	s0 =	srdreg.scid  }
0x9: {  	s4 =	stileid.u32;
	s15 =	simm.s32 $0x2000;
	s16 =	simm.s32 $0xB080  }
0xa: {  	s17 =	simm.s32 $0x80;
	s18 =	simm.s32 $0x400;
	s20 =	simm.s32 $0x1000  }
0xb: {  	s21 =	simm.s32 $0x6000;
	s22 =	simm.s32 $0x2;
	s23 =	simm.s32 $0x0  }
0xc: {  	s10 =	sand.u32 $0x1, s0;
	s5 =	sadd.s32 $0x10800, s7;
	s6 =	sshll.u32 s4, $0x8  }
0xd: {  	s29 =	sadd.s32 $0x210800, s7;
	s30 =	sshll.u32 s4, $0xC;
	s31 =	sshll.u32 s4, $0x11  }
0xe: {  	s8 =	sshll.u32 s10, $0x7;
	[dreg:$0x3] =	wrdreg s29;
	s9 =	ssub.s32 $0x2, s10  }
0xf: {  	s13 =	sshll.u32 s10, $0xB;
	s14 =	sshll.u32 s10, $0x10;
	s8 =	sor.u32 s8, s6  }
0x10: {  	s6 =	sadd.s32 $0x220800, s7;
	s12 =	sshrl.u32 s9, $0x1;
	s11 =	sshll.u32 s8, $0x4  }
0x11: {  	s12 =	ssub.s32 s9, s12;
	s8 =	sshll.u32 s8, $0x9;
	s11 =	sadd.s32 s11, s7  }
0x12: {  	s8 =	sadd.s32 s5, s8;
	s10 =	smax.u32 s12, $0x1;
	s12 =	sor.u32 s14, s31  }
0x13: {  	s14 =	simm.s32 $0x4;
	s7 =	sadd.s32 $0x800, s11;
	s9 =	sadd.s32 $0x220A00, s11  }
0x14: {  	s11 =	sor.u32 s13, s30;
	s13 =	simm.s32 $0xB200;
	v0 =	vlaneseq.u32;
	s19 =	spop (v2sf)  }
0x15: {  	s11 =	sor.u32 $0x20, s11;
	v1 =	vor.u32 $0x10, v0;
	v2 =	vor.u32 $0x20, v0;
	v3 =	vor.u32 $0x30, v0;
	p0 =	sgt.f32 s19, $0.0e+00;
	s19 =	simm.s32 $0x1  }
.LBB2_1:
0x16: {  	[tilespmem:s13], [sflag:$0x4] =	stream.linear.gather [hbm4b:s6+s3], $0x1, $0x38;
	[tilespmem:$0xB280] =	vst v63  }
0x17: {  	_ =	swait.ge [sflag:s14], $0x1  }
0x18: {  	[sflag:s14] =	ssyncset.done $0x0  }
0x19: {  	[sflag:s14] =	ssyncadd.s32 $0xFFFFFFFF  }
0x1a: {  	[tilespmem:s15], [sflag:$0x4] =	stream.linear.gather [hbm4b:s7+s3], $0x4000, $0x38;
	[tilespmem:$0xB280] =	vst v63  }
0x1b: {  	_ =	swait.ge [sflag:s14], $0x4000  }
0x1c: {  	[sflag:s14] =	ssyncset.done $0x0  }
0x1d: {  	[sflag:s14] =	ssyncadd.s32 $0xFFFFC000  }
0x1e: {  	[tilespmem:s16], [sflag:$0x4] =	stream.linear.gather [hbm4b:s2+s3], $0x80, $0x38;
	[tilespmem:$0xB280] =	vst v63  }
0x1f: {  	_ =	swait.ge [sflag:s14], $0x80  }
0x20: {  	s24 =	simm.s32 $0x1;
	[sflag:s14] =	ssyncset.done $0x0  }
0x21: {  	s25 =	smov.u32 s12;
	s26 =	simm.s32 $0x0;
	[sflag:s14] =	ssyncadd.s32 $0xFFFFFF80  }
0x22: {  	[tilespmem:s3], [sflag:$0x1] =	stream.strided.gather [hbm4b:s8+s17], $0x1000, s18, s17, $0x38;
	[tilespmem:$0xB280] =	vst v63  }
.LBB2_2:
.Ltmp0:
0x23: {  	s28 =	sand.u32 $0x60, s26;
	(pc) =	sbr.rel @p0 .LBB2_3-.Ltmp0, $4  }
0x24: {  	_ =	swait.ge [sflag:s19], $0x1000;
	s29 =	sand.u32 $0x1FF000, s25;
	s28 =	sadd.s32 s28, s5  }
0x25: {  	[sflag:s19] =	ssyncset.done $0x0;
	s28 =	sadd.s32 s29, s28  }
0x26: {  	[sflag:s19] =	ssyncadd.s32 $0xFFFFF000;
	s28 =	sadd.s32 $0x10, s28  }
0x27: {  	[tilespmem:s20], [sflag:$0x2] =	stream.strided.gather [hbm4b:s28+s17], $0x1000, s18, s17, $0x38;
	[tilespmem:$0xB280] =	vst v63  }
0x28: {  	s28 =	sshll.u32 s24, $0x7  }
0x29: {  	s29 =	sadd.s32 $0xFFFFFF80, s28  }
0x2a: {  	v4 =	vor.u32 s29, v0  }
0x2b: {  	v5 =	vor.u32 s29, v1  }
0x2c: {  	v6 =	vor.u32 s29, v2  }
0x2d: {  	v7 =	vor.u32 s29, v3;
	_ =	sdelay $0x1  }
0x2e: {  	v8 =	vld.idx.msk [tilespmem:v4+s15+$0x0], $0xffff  }
0x2f: {  	v9 =	vld.idx.msk [tilespmem:v5+s15+$0x0], $0xffff  }
0x30: {  	v10 =	vld.idx.msk [tilespmem:v6+s15+$0x0], $0xffff  }
0x31: {  	v11 =	vld.idx.msk [tilespmem:v7+s15+$0x0], $0xffff;
	_ =	sdelay $0x1  }
0x32: {  	[tilespmem:v4+s21+$0x0] =	vst.idx.msk $0xffff, v8  }
0x33: {  	[tilespmem:v5+s21+$0x0] =	vst.idx.msk $0xffff, v9  }
0x34: {  	p1 =	seq.s32 s26, $0x7E0;
	[tilespmem:v6+s21+$0x0] =	vst.idx.msk $0xffff, v10  }
0x35: {  	s30 =	sadd.s32 @!p1 $0x400, s25;
	s31 =	simm.s32 @!p1 $0x400;
	s29 =	sadd.s32 @!p1 s26, s11;
	v4 =	vor.u32 s28, v0;
	[tilespmem:v7+s21+$0x0] =	vst.idx.msk $0xffff, v11  }
0x36: {  	s0 =	simm.s32 @!p1 $0x0;
	s29 =	sand.u32 @!p1 $0x60, s29;
	v5 =	vor.u32 s28, v1;
	_ =	swait.ge [sflag:s22], $0x1000  }
0x37: {  	v58 =	vor.u32 s28, v2;
	s30 =	sand.u32 @!p1 $0xFFFF000, s30;
	s29 =	sadd.s32 @!p1 s5, s29;
	[sflag:s22] =	ssyncset.done $0x0  }
0x38: {  	v59 =	vor.u32 s28, v3;
	s29 =	sadd.s32 @!p1 s30, s29;
	s30 =	simm.s32 @!p1 $0x80;
	[sflag:s22] =	ssyncadd.s32 $0xFFFFF000  }
0x39: {  	[tilespmem:s0], [sflag:$0x1] =	stream.strided.gather @!p1 [hbm4b:s29+s30], $0x1000, s31, s30, $0x38;
	[tilespmem:$0xB280] =	vst v63  }
0x3a: {  	v60 =	vld.idx.msk [tilespmem:v4+s15+$0x0], $0xffff  }
0x3b: {  	v61 =	vld.idx.msk [tilespmem:v5+s15+$0x0], $0xffff  }
0x3c: {  	s26 =	sadd.s32 $0x20, s26;
	v62 =	vld.idx.msk [tilespmem:v58+s15+$0x0], $0xffff  }
0x3d: {  	p1 =	sne.s32 s26, $0x800;
	v63 =	vld.idx.msk [tilespmem:v59+s15+$0x0], $0xffff  }
.Ltmp1:
0x3e: {  	_ = 	snop;
	(pc) =	sbr.rel @p1 .LBB2_2-.Ltmp1, $4  }
0x3f: {  	[tilespmem:v4+s21+$0x0] =	vst.idx.msk $0xffff, v60  }
0x40: {  	[tilespmem:v5+s21+$0x0] =	vst.idx.msk $0xffff, v61  }
0x41: {  	[tilespmem:v58+s21+$0x0] =	vst.idx.msk $0xffff, v62  }
0x42: {  	s24 =	sadd.s32 $0x2, s24;
	s25 =	sadd.s32 $0x400, s25;
	[tilespmem:v59+s21+$0x0] =	vst.idx.msk $0xffff, v63  }
0x43: {  	s23 =	sadd.s32 $0x1, s23  }
0x44: {  	p1 =	sne.s32 s23, s10  }
.Ltmp2:
0x45: {  	_ = 	snop;
	(pc) =	sbr.rel @p1 .LBB2_1-.Ltmp2, $4  }
0x46: {  	[hbm4b:s9+s3] =	stream.linear.scatter [tilespmem:s21], [sflag:$0x4], $0x4000, $0x38;
	[tilespmem:$0xB280] =	vst v63  }
0x47: {  	_ =	swait.ge [sflag:s14], $0x4000  }
0x48: {  	[sflag:s14] =	ssyncset.done $0x0  }
0x49: {  	[sflag:s14] =	ssyncadd.s32 $0xFFFFC000  }
0x4a: {  	_ =	sfence.sel $0x180000  }
0x4b: {  	[bflag:$0x0] =	sbarrier.arrive $0xFFFF  }
0x4c: {  	p0 =	sne.s32 s4, $0x0;
	_ =	strace $0x90000047  }
0x4d: {  	s0 =	sadd.s32 @!p0 $0x100000, s1;
	[bflag:$0x2] =	sbarrier.arrive $0xFFFF  }
0x4e: {  	[sflag:s0] =	ssyncadd.tile.s32 @!p0 $0x1;
	_ =	shalt  }
.LBB2_3:
0x4f: {  	s1 =	simm.s32 $0x80  }
0x50: {  	v0 =	vld [tilespmem:s1+$0xFFFFFF90]  }
0x51: {  	v1 =	vld [tilespmem:s1+$0xFFFFFF80]  }
0x52: {  	v2 =	vld [tilespmem:s1+$0xFFFFFFA0]  }
0x53: {  	v4 =	vld [tilespmem:s1+$0xFFFFFFB0]  }
0x54: {  	v3 =	vld [tilespmem:s1+$0xFFFFFFC0]  }
0x55: {  	v5 =	vld [tilespmem:s1+$0xFFFFFFD0]  }
0x56: {  	v6 =	vld [tilespmem:s1+$0xFFFFFFE0]  }
0x57: {  	v7 =	vld [tilespmem:s1+$0xFFFFFFF0]  }
0x58: {  	v8 =	vld [tilespmem:s1+$0x0]  }
0x59: {  	v9 =	vld [tilespmem:s1+$0x10]  }
0x5a: {  	v10 =	vld [tilespmem:s1+$0x20]  }
0x5b: {  	v11 =	vld [tilespmem:s1+$0x30]  }
0x5c: {  	v12 =	vld [tilespmem:s1+$0x40]  }
0x5d: {  	v13 =	vld [tilespmem:s1+$0x50]  }
0x5e: {  	v14 =	vld [tilespmem:s1+$0x60]  }
0x5f: {  	s2 =	simm.s32 $0x0;
	s3 =	simm.s32 $0x40;
	v15 =	vld [tilespmem:s1+$0x70]  }
.LBB2_4:
0x60: {  	p0 =	sne.s32 s3, $0x3C0  }
0x61: {  	v0 =	vmin.f32 v1, v0;
	v1 =	vmin.f32 v2, v4  }
0x62: {  	v0 =	vmin.f32 v0, v1  }
0x63: {  	v2 =	vmin.f32 v6, v7;
	v1 =	vmin.f32 v3, v5;
	v3 =	vmin.f32 v8, v9  }
0x64: {  	v4 =	vmin.f32 v10, v11;
	v5 =	vmin.f32 v12, v13;
	v6 =	vmin.f32 v14, v15  }
0x65: {  	v1 =	vmin.f32 v1, v2;
	v2 =	vmin.f32 v3, v4;
	v3 =	vmin.f32 v5, v6  }
0x66: {  	v0 =	vmin.f32 v0, v1;
	v1 =	vmin.f32 v2, v3  }
0x67: {  	s4 =	sshra.s32 s2, $0x2;
	s2 =	smov.u32 s3;
	v0 =	vmin.f32 v0, v1  }
0x68: {  	s1 =	sadd.s32 $0x100, s1;
	[tilespmem:s4+$0xB100] =	vst v0  }
0x69: {  	v0 =	vld [tilespmem:s1+$0xFFFFFF90]  }
0x6a: {  	v1 =	vld [tilespmem:s1+$0xFFFFFF80]  }
0x6b: {  	v2 =	vld [tilespmem:s1+$0xFFFFFFA0]  }
0x6c: {  	v4 =	vld [tilespmem:s1+$0xFFFFFFB0]  }
0x6d: {  	v3 =	vld [tilespmem:s1+$0xFFFFFFC0]  }
0x6e: {  	v5 =	vld [tilespmem:s1+$0xFFFFFFD0]  }
0x6f: {  	v6 =	vld [tilespmem:s1+$0xFFFFFFE0]  }
0x70: {  	v7 =	vld [tilespmem:s1+$0xFFFFFFF0]  }
0x71: {  	v8 =	vld [tilespmem:s1+$0x0]  }
0x72: {  	v9 =	vld [tilespmem:s1+$0x10]  }
0x73: {  	v10 =	vld [tilespmem:s1+$0x20]  }
.Ltmp3:
0x74: {  	v11 =	vld [tilespmem:s1+$0x30];
	(pc) =	sbr.rel @p0 .LBB2_4-.Ltmp3, $4  }
0x75: {  	v12 =	vld [tilespmem:s1+$0x40]  }
0x76: {  	v13 =	vld [tilespmem:s1+$0x50]  }
0x77: {  	v14 =	vld [tilespmem:s1+$0x60]  }
0x78: {  	s3 =	sadd.s32 $0x40, s3;
	v15 =	vld [tilespmem:s1+$0x70]  }
0x79: {  	_ =	sdelay $0x1  }
0x7a: {  	v0 =	vmin.f32 v1, v0;
	v56 =	vmin.f32 v2, v4;
	v57 =	vmin.f32 v3, v5  }
0x7b: {  	v58 =	vmin.f32 v6, v7;
	v59 =	vmin.f32 v8, v9;
	v60 =	vmin.f32 v10, v11  }
0x7c: {  	v0 =	vmin.f32 v0, v56;
	v61 =	vmin.f32 v12, v13;
	v62 =	vmin.f32 v14, v15  }
0x7d: {  	v1 =	vmin.f32 v57, v58;
	v63 =	vmin.f32 v59, v60;
	v7 =	vmin.f32 v61, v62  }
0x7e: {  	v0 =	vmin.f32 v0, v1;
	v8 =	vmin.f32 v63, v7  }
0x7f: {  	s1 =	sshra.s32 s2, $0x2;
	v0 =	vmin.f32 v0, v8  }
0x80: {  	[tilespmem:s1+$0xB100] =	vst v0  }
0x81: {  	v0 =	vld [tilespmem:$0xB100]  }
0x82: {  	v9 =	vld [tilespmem:$0xB110]  }
0x83: {  	v10 =	vld [tilespmem:$0xB120]  }
0x84: {  	v11 =	vld [tilespmem:$0xB130]  }
0x85: {  	v1 =	vlaneseq.u32  }
0x86: {  	v12 =	vor.u32 $0x10, v1;
	v13 =	vld [tilespmem:$0xB140];
	(xrf1) =	vsort.ascd.msk.f32 $0xffff, v0, v1  }
0x87: {  	v14 =	vor.u32 $0x20, v1;
	v15 =	vld [tilespmem:$0xB150];
	(xrf1) =	vsort.ascd.msk.f32 $0xffff, v9, v12  }
0x88: {  	v16 =	vor.u32 $0x30, v1;
	(xrf1) =	vsort.ascd.msk.f32 $0xffff, v10, v14  }
0x89: {  	v17 =	vld [tilespmem:$0xB160];
	(xrf1) =	vsort.ascd.msk.f32 $0xffff, v11, v16  }
0x8a: {  	v18 =	vor.u32 $0x40, v1;
	v19 =	vld [tilespmem:$0xB170]  }
0x8b: {  	v20 =	vor.u32 $0x50, v1;
	(xrf1) =	vsort.ascd.msk.f32 $0xffff, v13, v18  }
0x8c: {  	v21 =	vld [tilespmem:$0xB180];
	(xrf1) =	vsort.ascd.msk.f32 $0xffff, v15, v20  }
0x8d: {  	v22 =	vor.u32 $0x60, v1;
	v23 =	vld [tilespmem:$0xB190]  }
0x8e: {  	v24 =	vor.u32 $0x70, v1;
	v25 =	vld [tilespmem:$0xB1A0];
	(xrf1) =	vsort.ascd.msk.f32 $0xffff, v17, v22  }
0x8f: {  	v26 =	vld [tilespmem:$0xB1B0];
	(xrf1) =	vsort.ascd.msk.f32 $0xffff, v19, v24  }
0x90: {  	v27 =	vor.u32 $0x80, v1;
	v28 =	vld [tilespmem:$0xB1C0]  }
0x91: {  	v29 =	vor.u32 $0x90, v1;
	v30 =	vld [tilespmem:$0xB1D0];
	(xrf1) =	vsort.ascd.msk.f32 $0xffff, v21, v27  }
0x92: {  	v31 =	vor.u32 $0xA0, v1;
	v32 =	vld [tilespmem:$0xB1E0];
	(xrf1) =	vsort.ascd.msk.f32 $0xffff, v23, v29  }
0x93: {  	v33 =	vmul.u32 $0xFFFFFFFF, v1;
	v34 =	vor.u32 $0xB0, v1;
	v35 =	vld [tilespmem:$0xB1F0];
	(xrf1) =	vsort.ascd.msk.f32 $0xffff, v25, v31  }
0x94: {  	v36 =	vor.u32 $0xC0, v1;
	(xrf1) =	vsort.ascd.msk.f32 $0xffff, v26, v34;
	v8, v9, _ =	vpop (xrf1)  }
0x95: {  	v37 =	vor.u32 $0xD0, v1;
	v0 =	vadd.s32 $0xF, v33;
	(xrf1) =	vsort.ascd.msk.f32 $0xffff, v28, v36;
	v10, v11, _ =	vpop (xrf1)  }
0x96: {  	v41 =	vor.u32 $0xE0, v1;
	(xrf1) =	vsort.ascd.msk.f32 $0xffff, v30, v37;
	v38 =	vperm.xlane v10, v0;
	v39, v40, _ =	vpop (xrf1)  }
0x97: {  	v44 =	vor.u32 $0xF0, v1;
	(xrf1) =	vsort.ascd.msk.f32 $0xffff, v32, v41;
	v45 =	vperm.xlane v11, v0;
	v43, v42, _ =	vpop (xrf1)  }
0x98: {  	(xrf1) =	vsort.ascd.msk.f32 $0xffff, v35, v44;
	vm0 =	vle.f32 v8, v38;
	v47 =	vperm.xlane v43, v0  }
0x99: {  	v49, v48, _ =	vpop (xrf1);
	v53 =	vperm.xlane v42, v0;
	v46 =	vsel vm0, v8, v38;
	v50 =	vsel vm0, v9, v45  }
0x9a: {  	v6 =	vsel vm0, v38, v8;
	v5 =	vsel vm0, v45, v9;
	v51, v52, _ =	vpop (xrf1);
	(xrf1) =	vsort.ascd.msk.f32 $0xffff, v46, v50  }
0x9b: {  	vm13 =	vle.f32 v39, v47;
	v55 =	vperm.xlane v51, v0;
	v61 =	vperm.xlane v52, v0  }
0x9c: {  	v57, v56, _ =	vpop (xrf1);
	(xrf1) =	vsort.ascd.msk.f32 $0xffff, v6, v5;
	v54 =	vsel vm13, v39, v47;
	v58 =	vsel vm13, v40, v53  }
0x9d: {  	v3 =	vsel vm13, v47, v39;
	v2 =	vsel vm13, v53, v40;
	v59, v60, _ =	vpop (xrf1);
	(xrf1) =	vsort.ascd.msk.f32 $0xffff, v54, v58  }
0x9e: {  	vm14 =	vle.f32 v49, v55;
	v63 =	vperm.xlane v59, v0;
	v21 =	vperm.xlane v60, v0  }
0x9f: {  	v17, v16, _ =	vpop (xrf1);
	(xrf1) =	vsort.ascd.msk.f32 $0xffff, v3, v2;
	v62 =	vsel vm14, v49, v55;
	v18 =	vsel vm14, v48, v61  }
0xa0: {  	v4 =	vsel vm14, v55, v49;
	v5 =	vsel vm14, v61, v48;
	v19, v20, _ =	vpop (xrf1);
	(xrf1) =	vsort.ascd.msk.f32 $0xffff, v62, v18  }
0xa1: {  	vm15 =	vle.f32 v57, v63;
	v23 =	vperm.xlane v19, v0;
	v29 =	vperm.xlane v20, v0  }
0xa2: {  	v25, v24, _ =	vpop (xrf1);
	(xrf1) =	vsort.ascd.msk.f32 $0xffff, v4, v5;
	v22 =	vsel vm15, v57, v63;
	v26 =	vsel vm15, v56, v21  }
0xa3: {  	v3 =	vsel vm15, v63, v57;
	v2 =	vsel vm15, v21, v56;
	v27, v28, _ =	vpop (xrf1);
	(xrf1) =	vsort.ascd.msk.f32 $0xffff, v22, v26  }
0xa4: {  	vm4 =	vle.f32 v17, v23;
	v31 =	vperm.xlane v27, v0;
	v37 =	vperm.xlane v28, v0  }
0xa5: {  	v33, v32, _ =	vpop (xrf1);
	(xrf1) =	vsort.ascd.msk.f32 $0xffff, v3, v2;
	v30 =	vsel vm4, v17, v23;
	v34 =	vsel vm4, v16, v29  }
0xa6: {  	v5 =	vsel vm4, v23, v17;
	v4 =	vsel vm4, v29, v16;
	v35, v36, _ =	vpop (xrf1);
	(xrf1) =	vsort.ascd.msk.f32 $0xffff, v30, v34  }
0xa7: {  	vm5 =	vle.f32 v25, v31;
	v39 =	vperm.xlane v35, v0;
	v41, v40, _ =	vpop (xrf1);
	v45 =	vperm.xlane v36, v0  }
0xa8: {  	(xrf1) =	vsort.ascd.msk.f32 $0xffff, v5, v4;
	v38 =	vsel vm5, v25, v31;
	v42 =	vsel vm5, v24, v37;
	v43, v44, _ =	vpop (xrf1)  }
0xa9: {  	v3 =	vsel vm5, v31, v25;
	v2 =	vsel vm5, v37, v24;
	v47 =	vperm.xlane v43, v0  }
0xaa: {  	(xrf1) =	vsort.ascd.msk.f32 $0xffff, v38, v42;
	vm6 =	vle.f32 v33, v39;
	v53 =	vperm.xlane v44, v0  }
0xab: {  	(xrf1) =	vsort.ascd.msk.f32 $0xffff, v3, v2;
	v46 =	vsel vm6, v33, v39;
	vm7 =	vle.f32 v41, v47;
	v49, v48, _ =	vpop (xrf1)  }
0xac: {  	v50 =	vsel vm6, v32, v45;
	v5 =	vsel vm6, v39, v33;
	v3 =	vsel vm7, v47, v41;
	v51, v52, _ =	vpop (xrf1)  }
0xad: {  	v4 =	vsel vm6, v45, v32;
	v2 =	vsel vm7, v53, v40;
	(xrf1) =	vsort.ascd.msk.f32 $0xffff, v46, v50;
	v55, v54, _ =	vpop (xrf1)  }
0xae: {  	v56 =	vsel vm7, v41, v47;
	v59 =	vsel vm7, v40, v53;
	(xrf1) =	vsort.ascd.msk.f32 $0xffff, v5, v4;
	v58, v57, _ =	vpop (xrf1)  }
0xaf: {  	(xrf1) =	vsort.ascd.msk.f32 $0xffff, v56, v59;
	v61 =	vperm.xlane v55, v0;
	v60 =	vperm.xlane v58, v0  }
0xb0: {  	(xrf1) =	vsort.ascd.msk.f32 $0xffff, v3, v2;
	v13 =	vperm.xlane v54, v0;
	v2, v3, _ =	vpop (xrf1)  }
0xb1: {  	v62 =	vperm.xlane v57, v0;
	vm1 =	vle.f32 v51, v61;
	v18, v63, _ =	vpop (xrf1);
	vm8 =	vle.f32 v49, v60  }
0xb2: {  	v5 =	vsel vm1, v51, v61;
	v19, v20, _ =	vpop (xrf1);
	v23 =	vsel vm1, v52, v13;
	v4 =	vsel vm8, v49, v60  }
0xb3: {  	v22, v21, _ =	vpop (xrf1);
	v7 =	vsel vm8, v48, v62;
	v6 =	vperm.xlane v19, v0;
	v8 =	vperm.xlane v20, v0  }
0xb4: {  	vm2 =	vle.f32 v4, v5;
	v14 =	vperm.xlane v22, v0;
	v26 =	vperm.xlane v21, v0  }
0xb5: {  	v24 =	vsel vm2, v4, v5;
	v13 =	vsel vm2, v7, v23;
	v4 =	vsel vm2, v5, v4  }
0xb6: {  	v25 =	vsel vm2, v23, v7;
	vm10 =	vle.f32 v18, v6;
	v7, v9, _ =	vpop (xrf1);
	vm9 =	vle.f32 v2, v14  }
0xb7: {  	(xrf1) =	vsort.ascd.msk.f32 $0xffff, v24, v13;
	v6 =	vsel vm10, v18, v6;
	v27, v28, _ =	vpop (xrf1);
	v2 =	vsel vm9, v2, v14  }
0xb8: {  	v8 =	vsel vm10, v63, v8;
	v3 =	vsel vm9, v3, v26;
	v30, v29, _ =	vpop (xrf1);
	vm11 =	vle.f32 v2, v6  }
0xb9: {  	(xrf1) =	vsort.ascd.msk.f32 $0xffff, v4, v25;
	v4, v5, _ =	vpop (xrf1);
	v12 =	vsel vm11, v3, v8  }
0xba: {  	v31 =	vsel vm11, v2, v6;
	v10 =	vperm.xlane v30, v0;
	v4 =	vperm.xlane v4, v0  }
0xbb: {  	v2 =	vsel vm11, v6, v2;
	v3 =	vsel vm11, v8, v3;
	v14 =	vperm.xlane v29, v0  }
0xbc: {  	(xrf1) =	vsort.ascd.msk.f32 $0xffff, v31, v12;
	v32, v33, _ =	vpop (xrf1);
	vm13 =	vle.f32 v27, v10;
	vm12 =	vle.f32 v7, v4  }
0xbd: {  	v5 =	vperm.xlane v5, v0;
	v34 =	vsel vm13, v27, v10;
	v11, v12, _ =	vpop (xrf1);
	v4 =	vsel vm12, v7, v4  }
0xbe: {  	(xrf1) =	vsort.ascd.msk.f32 $0xffff, v2, v3;
	v10, v13, _ =	vpop (xrf1);
	vm14 =	vle.f32 v4, v34  }
0xbf: {  	v35 =	vsel vm13, v28, v14;
	v5 =	vsel vm12, v9, v5;
	v2, v3, _ =	vpop (xrf1);
	v36 =	vsel vm14, v4, v34  }
0xc0: {  	v15 =	vsel vm14, v5, v35;
	v10 =	vperm.xlane v10, v0;
	v2 =	vperm.xlane v2, v0  }
0xc1: {  	v4 =	vsel vm14, v34, v4;
	v5 =	vsel vm14, v35, v5;
	v37 =	vperm.xlane v13, v0  }
0xc2: {  	v3 =	vperm.xlane v3, v0;
	vm4 =	vle.f32 v11, v10;
	vm15 =	vle.f32 v32, v2  }
0xc3: {  	(xrf1) =	vsort.ascd.msk.f32 $0xffff, v36, v15;
	v38 =	vsel vm4, v11, v10;
	v2 =	vsel vm15, v32, v2  }
0xc4: {  	v7 =	vsel vm4, v12, v37;
	v3 =	vsel vm15, v33, v3;
	vm5 =	vle.f32 v2, v38  }
0xc5: {  	(xrf1) =	vsort.ascd.msk.f32 $0xffff, v4, v5;
	v39 =	vsel vm5, v2, v38;
	v40 =	vsel vm5, v3, v7  }
0xc6: {  	v2 =	vsel vm5, v38, v2;
	v3 =	vsel vm5, v7, v3;
	(xrf1) =	vsort.ascd.msk.f32 $0xffff, v39, v40  }
0xc7: {  	(xrf1) =	vsort.ascd.msk.f32 $0xffff, v2, v3;
	_ =	sdelay $0x4  }
0xc8: {  	v2, v3, _ =	vpop (xrf1)  }
0xc9: {  	v4, v5, _ =	vpop (xrf1)  }
0xca: {  	v41, v42, _ =	vpop (xrf1)  }
0xcb: {  	v44, v43, _ =	vpop (xrf1)  }
0xcc: {  	v6 =	vperm.xlane v41, v0;
	v8 =	vperm.xlane v44, v0;
	_ =	sdelay $0x1  }
0xcd: {  	v7 =	vperm.xlane v42, v0;
	v10, v11, _ =	vpop (xrf1);
	vm7 =	vle.f32 v4, v6;
	vm6 =	vle.f32 v2, v8  }
0xce: {  	v9 =	vperm.xlane v43, v0;
	v46, v45, _ =	vpop (xrf1);
	v4 =	vsel vm7, v4, v6;
	v2 =	vsel vm6, v2, v8  }
0xcf: {  	vm8 =	vle.f32 v2, v4;
	v48, v47, _ =	vpop (xrf1)  }
0xd0: {  	v5 =	vsel vm7, v5, v7;
	v3 =	vsel vm6, v3, v9;
	v49 =	vsel vm8, v2, v4;
	v14, v15, _ =	vpop (xrf1)  }
0xd1: {  	v9 =	vsel vm8, v3, v5;
	v6 =	vperm.xlane v48, v0;
	v14 =	vperm.xlane v14, v0  }
0xd2: {  	v2 =	vsel vm8, v4, v2;
	v3 =	vsel vm8, v5, v3;
	v51 =	vperm.xlane v47, v0  }
0xd3: {  	v50 =	vperm.xlane v15, v0;
	vm10 =	vle.f32 v46, v6;
	vm9 =	vle.f32 v10, v14  }
0xd4: {  	(xrf1) =	vsort.ascd.msk.f32 $0xffff, v49, v9;
	v6 =	vsel vm10, v46, v6;
	v52 =	vsel vm9, v10, v14  }
0xd5: {  	v5 =	vsel vm10, v45, v51;
	v4 =	vsel vm9, v11, v50;
	vm11 =	vle.f32 v52, v6  }
0xd6: {  	(xrf1) =	vsort.ascd.msk.f32 $0xffff, v2, v3;
	v53 =	vsel vm11, v52, v6;
	v54 =	vsel vm11, v4, v5  }
0xd7: {  	v6 =	vsel vm11, v6, v52;
	v4 =	vsel vm11, v5, v4;
	(xrf1) =	vsort.ascd.msk.f32 $0xffff, v53, v54  }
0xd8: {  	(xrf1) =	vsort.ascd.msk.f32 $0xffff, v6, v4;
	_ =	sdelay $0xa  }
0xd9: {  	v2, v3, _ =	vpop (xrf1)  }
0xda: {  	v55, v5, _ =	vpop (xrf1)  }
0xdb: {  	v56, v7, _ =	vpop (xrf1)  }
0xdc: {  	v57, v58, _ =	vpop (xrf1)  }
0xdd: {  	v6 =	vperm.xlane v56, v0;
	v8 =	vperm.xlane v57, v0  }
0xde: {  	v7 =	vperm.xlane v7, v0  }
0xdf: {  	v9 =	vperm.xlane v58, v0;
	vm13 =	vle.f32 v55, v6;
	vm12 =	vle.f32 v2, v8  }
0xe0: {  	v4 =	vsel vm13, v55, v6;
	v2 =	vsel vm12, v2, v8  }
0xe1: {  	v5 =	vsel vm13, v5, v7;
	v3 =	vsel vm12, v3, v9;
	vm14 =	vle.f32 v2, v4  }
0xe2: {  	v6 =	vsel vm14, v2, v4;
	v7 =	vsel vm14, v3, v5  }
0xe3: {  	(xrf1) =	vsort.ascd.msk.f32 $0xffff, v6, v7;
	_ =	sdelay $0xd  }
0xe4: {  	_, v6, _ =	vpop (xrf1)  }
0xe5: {  	(v2sf) =	vpush v6, $0x0;
	_ =	sdelay $0x1  }
0xe6: {  	(v2sf) =	vpush v6, $0x1  }
0xe7: {  	(v2sf) =	vpush v6, $0x2;
	_ =	sdelay $0x1  }
0xe8: {  	(v2sf) =	vpush v6, $0x3;
	_ =	sdelay $0x1  }
0xe9: {  	(v2sf) =	vpush v6, $0x4;
	_ =	sdelay $0x1  }
0xea: {  	(v2sf) =	vpush v6, $0x5  }
0xeb: {  	(v2sf) =	vpush v6, $0x6  }
0xec: {  	v2 =	vsel vm14, v4, v2;
	v3 =	vsel vm14, v5, v3  }
0xed: {  	(xrf1) =	vsort.ascd.msk.f32 $0xffff, v2, v3;
	(v2sf) =	vpush v6, $0x7  }
0xee: {  	(v2sf) =	vpush v6, $0x8;
	_ =	sdelay $0x1  }
0xef: {  	s18 =	spop (v2sf);
	(v2sf) =	vpush v6, $0x9  }
0xf0: {  	s19 =	sshll.u32 s18, $0x4  }
0xf1: {  	s1 =	sand.u32 $0xF, s18;
	s3 =	spop (v2sf);
	(v2sf) =	vpush v6, $0xA;
	s2 =	sand.u32 $0xFFFFFF00, s19  }
0xf2: {  	s20 =	sshll.u32 s3, $0x4;
	s3 =	sand.u32 $0xF, s3;
	s4 =	spop (v2sf);
	(v2sf) =	vpush v6, $0xB  }
0xf3: {  	s1 =	sor.u32 s1, s2;
	s2 =	sand.u32 $0xFFFFFF00, s20;
	s21 =	sshll.u32 s4, $0x4  }
0xf4: {  	v1 =	vmul.u32 $0x10, v1;
	s5 =	spop (v2sf);
	(v2sf) =	vpush v6, $0xC;
	s4 =	sand.u32 $0xF, s4;
	s2 =	sor.u32 s3, s2  }
0xf5: {  	s3 =	sand.u32 $0xFFFFFF00, s21;
	s6 =	sshll.u32 s5, $0x4;
	s5 =	sand.u32 $0xF, s5  }
0xf6: {  	s8 =	spop (v2sf);
	(v2sf) =	vpush v6, $0xD;
	v59 =	vor.u32 s1, v1;
	s1 =	simm.s32 $0x0;
	s6 =	sand.u32 $0xFFFFFF00, s6  }
0xf7: {  	s7 =	sor.u32 s4, s3;
	s22 =	sshll.u32 s8, $0x4;
	s23 =	sand.u32 $0xF, s8  }
0xf8: {  	s24 =	spop (v2sf);
	(v2sf) =	vpush v6, $0xE;
	s3 =	sor.u32 s5, s6;
	s4 =	sand.u32 $0xFFFFFF00, s22  }
0xf9: {  	s25 =	sshll.u32 s24, $0x4;
	s26 =	spop (v2sf);
	s6 =	sand.u32 $0xF, s24;
	(v2sf) =	vpush v6, $0xF  }
0xfa: {  	_, v2, _ =	vpop (xrf1);
	s4 =	sor.u32 s23, s4;
	s5 =	sand.u32 $0xFFFFFF00, s25;
	s9 =	sshll.u32 s26, $0x4  }
0xfb: {  	s8 =	sand.u32 $0xF, s26;
	s10 =	spop (v2sf);
	(v2sf) =	vpush v2, $0x0;
	s9 =	sand.u32 $0xFFFFFF00, s9  }
0xfc: {  	s12 =	sor.u32 s6, s5;
	s28 =	sshll.u32 s10, $0x4;
	s30 =	spop (v2sf);
	(v2sf) =	vpush v2, $0x1  }
0xfd: {  	s29 =	sand.u32 $0xF, s10;
	s5 =	sor.u32 s8, s9;
	s6 =	sand.u32 $0xFFFFFF00, s28  }
0xfe: {  	s31 =	sshll.u32 s30, $0x4;
	s9 =	sand.u32 $0xF, s30;
	s0 =	spop (v2sf)  }
0xff: {  	s6 =	sor.u32 s29, s6;
	s8 =	sand.u32 $0xFFFFFF00, s31;
	(v2sf) =	vpush v2, $0x2;
	s11 =	sshll.u32 s0, $0x4  }
0x100: {  	s10 =	sand.u32 $0xF, s0;
	s14 =	spop (v2sf);
	(v2sf) =	vpush v2, $0x3;
	s11 =	sand.u32 $0xFFFFFF00, s11  }
0x101: {  	s13 =	sor.u32 s9, s8;
	(v2sf) =	vpush v2, $0x4;
	s15 =	spop (v2sf);
	s8 =	sor.u32 s10, s11  }
0x102: {  	s11 =	sshll.u32 s14, $0x4;
	s14 =	sand.u32 $0xF, s14;
	(v2sf) =	vpush v2, $0x5;
	s16 =	sshll.u32 s15, $0x4  }
0x103: {  	s17 =	spop (v2sf);
	s9 =	sand.u32 $0xFFFFFF00, s11;
	s10 =	sand.u32 $0xFFFFFF00, s16  }
0x104: {  	s11 =	sand.u32 $0xF, s15;
	s15 =	sshll.u32 s17, $0x4;
	(v2sf) =	vpush v2, $0x6;
	s16 =	sand.u32 $0xF, s17  }
0x105: {  	v60 =	vor.u32 s2, v1;
	s17 =	spop (v2sf);
	s9 =	sor.u32 s14, s9;
	s15 =	sand.u32 $0xFFFFFF00, s15;
	(v2sf) =	vpush v2, $0x7  }
0x106: {  	v61 =	vor.u32 s7, v1;
	s14 =	sor.u32 s11, s10;
	s18 =	sshll.u32 s17, $0x4;
	s19 =	sand.u32 $0xF, s17  }
0x107: {  	v62 =	vor.u32 s3, v1;
	s20 =	spop (v2sf);
	s10 =	sor.u32 s16, s15;
	s11 =	sand.u32 $0xFFFFFF00, s18  }
0x108: {  	v63 =	vor.u32 s4, v1;
	s21 =	sshll.u32 s20, $0x4;
	s23 =	sand.u32 $0xF, s20;
	s24 =	spop (v2sf);
	(v2sf) =	vpush v2, $0x8  }
0x109: {  	v20 =	vor.u32 s12, v1;
	v21 =	vld.idx.msk [tilespmem:v59+s1+$0x0], $0xffff;
	s11 =	sor.u32 s19, s11;
	s22 =	sand.u32 $0xFFFFFF00, s21;
	s25 =	sshll.u32 s24, $0x4;
	(v2sf) =	vpush v2, $0x9  }
0x10a: {  	v22 =	vld.idx.msk [tilespmem:v60+s1+$0x0], $0xffff;
	v23 =	vor.u32 s5, v1;
	s26 =	spop (v2sf);
	s29 =	sand.u32 $0xF, s24;
	s2 =	sor.u32 s23, s22  }
0x10b: {  	v24 =	vor.u32 s6, v1;
	v25 =	vld.idx.msk [tilespmem:v61+s1+$0x0], $0xffff;
	s28 =	sand.u32 $0xFFFFFF00, s25;
	s30 =	sshll.u32 s26, $0x4;
	(v2sf) =	vpush v2, $0xA;
	s0 =	spop (v2sf)  }
0x10c: {  	v26 =	vor.u32 s13, v1;
	v27 =	vld.idx.msk [tilespmem:v62+s1+$0x0], $0xffff;
	s15 =	sand.u32 $0xF, s26;
	s31 =	sand.u32 $0xFFFFFF00, s30;
	(v2sf) =	vpush v2, $0xB;
	s12 =	sshll.u32 s0, $0x4  }
0x10d: {  	v17 =	vld.idx.msk [tilespmem:v63+s1+$0x0], $0xffff;
	v16 =	vor.u32 s8, v1;
	s17 =	sand.u32 $0xF, s0;
	s4 =	sor.u32 s15, s31;
	s15 =	sand.u32 $0xFFFFFF00, s12  }
0x10e: {  	(xrf1) =	vsort.ascd.msk.f32 $0xffff, v21, v59;
	v28 =	vld.idx.msk [tilespmem:v20+s1+$0x0], $0xffff;
	v29 =	vor.u32 s9, v1;
	s3 =	sor.u32 s29, s28;
	(v2sf) =	vpush v2, $0xC;
	s5 =	sor.u32 s17, s15;
	s18 =	spop (v2sf)  }
0x10f: {  	(xrf1) =	vsort.ascd.msk.f32 $0xffff, v22, v60;
	v30 =	vld.idx.msk [tilespmem:v23+s1+$0x0], $0xffff;
	v31 =	vor.u32 s14, v1;
	(v2sf) =	vpush v2, $0xD;
	s19 =	spop (v2sf);
	s20 =	sshll.u32 s18, $0x4;
	s12 =	sand.u32 $0xF, s18  }
0x110: {  	(xrf1) =	vsort.ascd.msk.f32 $0xffff, v25, v61;
	v32 =	vld.idx.msk [tilespmem:v24+s1+$0x0], $0xffff;
	v33 =	vor.u32 s10, v1;
	s21 =	spop (v2sf);
	s7 =	sand.u32 $0xFFFFFF00, s20;
	s23 =	sshll.u32 s19, $0x4  }
0x111: {  	(xrf1) =	vsort.ascd.msk.f32 $0xffff, v27, v62;
	v35 =	vld.idx.msk [tilespmem:v26+s1+$0x0], $0xffff;
	v34 =	vor.u32 s11, v1;
	s6 =	sand.u32 $0xF, s19;
	s22 =	spop (v2sf);
	s7 =	sor.u32 s12, s7  }
0x112: {  	(xrf1) =	vsort.ascd.msk.f32 $0xffff, v17, v63;
	v36 =	vor.u32 s2, v1;
	v37 =	vld.idx.msk [tilespmem:v16+s1+$0x0], $0xffff;
	s24 =	sand.u32 $0xFFFFFF00, s23;
	s25 =	sshll.u32 s21, $0x4;
	s29 =	sand.u32 $0xF, s21  }
0x113: {  	(xrf1) =	vsort.ascd.msk.f32 $0xffff, v28, v20;
	v38 =	vor.u32 s3, v1;
	v39 =	vld.idx.msk [tilespmem:v29+s1+$0x0], $0xffff;
	s6 =	sor.u32 s6, s24;
	s26 =	sand.u32 $0xFFFFFF00, s25;
	s28 =	spop (v2sf)  }
0x114: {  	(xrf1) =	vsort.ascd.msk.f32 $0xffff, v30, v23;
	v40 =	vor.u32 s4, v1;
	v41 =	vld.idx.msk [tilespmem:v31+s1+$0x0], $0xffff;
	(v2sf) =	vpush v2, $0xE;
	s30 =	sshll.u32 s22, $0x4;
	s15 =	sand.u32 $0xF, s22;
	s31 =	spop (v2sf)  }
0x115: {  	(xrf1) =	vsort.ascd.msk.f32 $0xffff, v32, v24;
	v42 =	vor.u32 s5, v1;
	v43 =	vld.idx.msk [tilespmem:v33+s1+$0x0], $0xffff;
	s9 =	sor.u32 s29, s26;
	s0 =	sand.u32 $0xFFFFFF00, s30;
	s13 =	sshll.u32 s28, $0x4  }
0x116: {  	(xrf1) =	vsort.ascd.msk.f32 $0xffff, v35, v26;
	v45 =	vld.idx.msk [tilespmem:v34+s1+$0x0], $0xffff;
	(v2sf) =	vpush v2, $0xF;
	v44 =	vor.u32 s7, v1;
	s17 =	sand.u32 $0xF, s28;
	s16 =	sand.u32 $0xFFFFFF00, s13;
	s2 =	sor.u32 s15, s0  }
0x117: {  	(xrf1) =	vsort.ascd.msk.f32 $0xffff, v37, v16;
	v47 =	vld.idx.msk [tilespmem:v36+s1+$0x0], $0xffff;
	v46 =	vor.u32 s6, v1;
	s19 =	sshll.u32 s31, $0x4;
	s20 =	spop (v2sf);
	s21 =	sand.u32 $0xF, s31  }
0x118: {  	v49 =	vld.idx.msk [tilespmem:v38+s1+$0x0], $0xffff;
	(xrf1) =	vsort.ascd.msk.f32 $0xffff, v39, v29;
	v48 =	vor.u32 s9, v1;
	s18 =	sor.u32 s17, s16;
	s8 =	sand.u32 $0xFFFFFF00, s19;
	s22 =	spop (v2sf)  }
0x119: {  	v51 =	vld.idx.msk [tilespmem:v40+s1+$0x0], $0xffff;
	(xrf1) =	vsort.ascd.msk.f32 $0xffff, v41, v31;
	s23 =	sshll.u32 s20, $0x4;
	s4 =	sand.u32 $0xF, s20;
	v50 =	vor.u32 s2, v1;
	s8 =	sor.u32 s21, s8  }
0x11a: {  	v52 =	vld.idx.msk [tilespmem:v42+s1+$0x0], $0xffff;
	(xrf1) =	vsort.ascd.msk.f32 $0xffff, v43, v33;
	s24 =	spop (v2sf);
	s10 =	sand.u32 $0xFFFFFF00, s23;
	s26 =	sshll.u32 s22, $0x4;
	v53 =	vor.u32 s18, v1  }
0x11b: {  	(xrf1) =	vsort.ascd.msk.f32 $0xffff, v45, v34;
	s5 =	sand.u32 $0xF, s22;
	s25 =	spop (v2sf);
	s4 =	sor.u32 s4, s10;
	v54 =	vor.u32 s8, v1;
	v55 =	vld.idx.msk [tilespmem:v44+s1+$0x0], $0xffff  }
0x11c: {  	v18, v19, _ =	vpop (xrf1);
	(xrf1) =	vsort.ascd.msk.f32 $0xffff, v47, v36;
	s10 =	sand.u32 $0xFFFFFF00, s26;
	s30 =	sshll.u32 s24, $0x4;
	s7 =	sand.u32 $0xF, s24;
	v57 =	vld.idx.msk [tilespmem:v46+s1+$0x0], $0xffff  }
0x11d: {  	v20, v21, _ =	vpop (xrf1);
	(xrf1) =	vsort.ascd.msk.f32 $0xffff, v49, v38;
	s28 =	spop (v2sf);
	s5 =	sor.u32 s5, s10;
	s31 =	sand.u32 $0xFFFFFF00, s30;
	v56 =	vor.u32 s4, v1;
	v59 =	vld.idx.msk [tilespmem:v48+s1+$0x0], $0xffff  }
0x11e: {  	v8, v22, _ =	vpop (xrf1);
	(xrf1) =	vsort.ascd.msk.f32 $0xffff, v51, v40;
	s0 =	sshll.u32 s25, $0x4;
	s13 =	sand.u32 $0xF, s25;
	s29 =	spop (v2sf);
	v61 =	vld.idx.msk [tilespmem:v50+s1+$0x0], $0xffff  }
0x11f: {  	v23, v24, _ =	vpop (xrf1);
	(xrf1) =	vsort.ascd.msk.f32 $0xffff, v52, v42;
	s3 =	sor.u32 s7, s31;
	s11 =	sand.u32 $0xFFFFFF00, s0;
	s12 =	sshll.u32 s28, $0x4;
	v58 =	vor.u32 s5, v1;
	v62 =	vld.idx.msk [tilespmem:v53+s1+$0x0], $0xffff  }
0x120: {  	v26, v27, _ =	vpop (xrf1);
	s15 =	sand.u32 $0xF, s28;
	s4 =	sor.u32 s13, s11;
	s17 =	sshll.u32 s29, $0x4;
	v60 =	vor.u32 s3, v1;
	(xrf1) =	vsort.ascd.msk.f32 $0xffff, v55, v44;
	v39 =	vld.idx.msk [tilespmem:v54+s1+$0x0], $0xffff  }
0x121: {  	v28, v29, _ =	vpop (xrf1);
	s14 =	sand.u32 $0xFFFFFF00, s12;
	s2 =	sand.u32 $0xF, s29;
	s6 =	sand.u32 $0xFFFFFF00, s17;
	v63 =	vor.u32 s4, v1;
	(xrf1) =	vsort.ascd.msk.f32 $0xffff, v57, v46  }
0x122: {  	v16, v30, _ =	vpop (xrf1);
	s16 =	sor.u32 s15, s14;
	s2 =	sor.u32 s2, s6;
	v41 =	vld.idx.msk [tilespmem:v56+s1+$0x0], $0xffff;
	(xrf1) =	vsort.ascd.msk.f32 $0xffff, v59, v48  }
0x123: {  	v37 =	vperm.xlane v29, v0;
	v45, v31, _ =	vpop (xrf1);
	v40 =	vor.u32 s16, v1;
	v25 =	vor.u32 s2, v1;
	s18 =	spop (v2sf);
	(xrf1) =	vsort.ascd.msk.f32 $0xffff, v61, v50  }
0x124: {  	v10, v32, _ =	vpop (xrf1);
	v43 =	vld.idx.msk [tilespmem:v58+s1+$0x0], $0xffff;
	v59 =	vperm.xlane v24, v0;
	s19 =	sshll.u32 s18, $0x4;
	v61 =	vperm.xlane v28, v0;
	(xrf1) =	vsort.ascd.msk.f32 $0xffff, v62, v53  }
0x125: {  	v48, v33, _ =	vpop (xrf1);
	s20 =	spop (v2sf);
	s3 =	sand.u32 $0xF, s18;
	v44 =	vld.idx.msk [tilespmem:v60+s1+$0x0], $0xffff;
	s4 =	sand.u32 $0xFFFFFF00, s19;
	v53 =	vperm.xlane v20, v0;
	(xrf1) =	vsort.ascd.msk.f32 $0xffff, v39, v54;
	v54 =	vperm.xlane v21, v0  }
0x126: {  	s21 =	sshll.u32 s20, $0x4;
	v46 =	vld.idx.msk [tilespmem:v63+s1+$0x0], $0xffff;
	s22 =	sor.u32 s3, s4;
	vm5 =	vle.f32 v26, v61;
	v39 =	vperm.xlane v45, v0;
	v45 =	vperm.xlane v33, v0  }
0x127: {  	s24 =	sand.u32 $0xF, s20;
	s23 =	sand.u32 $0xFFFFFF00, s21;
	v42 =	vor.u32 s22, v1;
	(xrf1) =	vsort.ascd.msk.f32 $0xffff, v41, v56;
	vm15 =	vle.f32 v18, v53;
	v56 =	vperm.xlane v23, v0  }
0x128: {  	v47 =	vld.idx.msk [tilespmem:v40+s1+$0x0], $0xffff;
	s25 =	sor.u32 s24, s23;
	v38 =	vsel vm5, v26, v61;
	v29 =	vsel vm5, v27, v37;
	v41 =	vperm.xlane v31, v0  }
0x129: {  	v1 =	vor.u32 s25, v1;
	(xrf1) =	vsort.ascd.msk.f32 $0xffff, v43, v58;
	v55 =	vsel vm15, v18, v53;
	v57 =	vsel vm15, v19, v54  }
0x12a: {  	v7, v34, _ =	vpop (xrf1);
	v49 =	vld.idx.msk [tilespmem:v25+s1+$0x0], $0xffff;
	v2 =	vsel vm15, v53, v18;
	v3 =	vsel vm15, v54, v19;
	vm6 =	vle.f32 v16, v39  }
0x12b: {  	v51, v35, _ =	vpop (xrf1);
	v43 =	vperm.xlane v48, v0;
	(xrf1) =	vsort.ascd.msk.f32 $0xffff, v44, v60;
	vm4 =	vle.f32 v8, v56  }
0x12c: {  	v17, v36, _ =	vpop (xrf1);
	v31 =	vsel vm6, v30, v41;
	(xrf1) =	vsort.ascd.msk.f32 $0xffff, v46, v63;
	v60 =	vsel vm4, v8, v56  }
0x12d: {  	v5, v11, _ =	vpop (xrf1);
	v62 =	vsel vm4, v22, v59;
	v4 =	vsel vm4, v56, v8;
	vm7 =	vle.f32 v10, v43  }
0x12e: {  	v12, v20, _ =	vpop (xrf1);
	(xrf1) =	vsort.ascd.msk.f32 $0xffff, v47, v40;
	v46 =	vsel vm7, v10, v43;
	v47 =	vperm.xlane v51, v0;
	v50 =	vld.idx.msk [tilespmem:v42+s1+$0x0], $0xffff  }
0x12f: {  	v51 =	vperm.xlane v5, v0;
	(xrf1) =	vsort.ascd.msk.f32 $0xffff, v49, v25;
	v6, v25, _ =	vpop (xrf1);
	v49 =	vperm.xlane v35, v0;
	v52 =	vld.idx.msk [tilespmem:v1+s1+$0x0], $0xffff  }
0x130: {  	v33 =	vsel vm7, v32, v45;
	v14, v21, _ =	vpop (xrf1);
	vm8 =	vle.f32 v7, v47;
	v54 =	vperm.xlane v6, v0  }
0x131: {  	vm9 =	vle.f32 v17, v51;
	v56 =	vperm.xlane v25, v0;
	v58, v19, _ =	vpop (xrf1);
	v35 =	vsel vm8, v34, v49  }
0x132: {  	v53 =	vsel vm9, v17, v51;
	vm10 =	vle.f32 v12, v54;
	v58 =	vperm.xlane v58, v0  }
0x133: {  	(xrf1) =	vsort.ascd.msk.f32 $0xffff, v50, v42;
	v42 =	vsel vm6, v16, v39;
	v50 =	vsel vm8, v7, v47  }
0x134: {  	vm11 =	vle.f32 v14, v58;
	(xrf1) =	vsort.ascd.msk.f32 $0xffff, v52, v1;
	v1 =	vsel vm4, v59, v22  }
0x135: {  	v52 =	vperm.xlane v11, v0;
	v59 =	vsel vm10, v20, v56;
	(xrf1) =	vsort.ascd.msk.f32 $0xffff, v55, v57  }
0x136: {  	v23, v24, _ =	vpop (xrf1);
	v57 =	vsel vm10, v12, v54;
	(xrf1) =	vsort.ascd.msk.f32 $0xffff, v2, v3;
	v3 =	vsel vm5, v61, v26  }
0x137: {  	v63, v22, _ =	vpop (xrf1);
	v2 =	vsel vm5, v37, v27;
	v55 =	vsel vm9, v36, v52;
	v61 =	vsel vm11, v14, v58  }
0x138: {  	v9, v28, _ =	vpop (xrf1);
	v37 =	vperm.xlane v22, v0;
	(xrf1) =	vsort.ascd.msk.f32 $0xffff, v60, v62;
	v60 =	vperm.xlane v19, v0  }
0x139: {  	v40, v27, _ =	vpop (xrf1);
	v62 =	vperm.xlane v63, v0;
	(xrf1) =	vsort.ascd.msk.f32 $0xffff, v4, v1;
	v4 =	vsel vm6, v39, v16  }
0x13a: {  	v1 =	vsel vm6, v41, v30;
	v39 =	vperm.xlane v40, v0;
	(xrf1) =	vsort.ascd.msk.f32 $0xffff, v38, v29  }
0x13b: {  	v63 =	vsel vm11, v21, v60;
	vm12 =	vle.f32 v23, v62;
	(xrf1) =	vsort.ascd.msk.f32 $0xffff, v3, v2  }
0x13c: {  	v13, v29, _ =	vpop (xrf1);
	v3 =	vsel vm7, v43, v10;
	v2 =	vsel vm7, v45, v32;
	v38 =	vsel vm12, v23, v62  }
0x13d: {  	v44, v30, _ =	vpop (xrf1);
	v40 =	vsel vm12, v24, v37;
	vm13 =	vle.f32 v9, v39;
	(xrf1) =	vsort.ascd.msk.f32 $0xffff, v42, v31  }
0x13e: {  	v42 =	vperm.xlane v27, v0;
	v43 =	vsel vm13, v9, v39;
	v44 =	vperm.xlane v44, v0  }
0x13f: {  	v15, v31, _ =	vpop (xrf1);
	(xrf1) =	vsort.ascd.msk.f32 $0xffff, v4, v1;
	v4 =	vsel vm8, v47, v7;
	v1 =	vsel vm8, v49, v34  }
0x140: {  	v48, v32, _ =	vpop (xrf1);
	(xrf1) =	vsort.ascd.msk.f32 $0xffff, v46, v33;
	v45 =	vsel vm13, v28, v42;
	v46 =	vperm.xlane v30, v0  }
0x141: {  	vm14 =	vle.f32 v13, v44;
	v48 =	vperm.xlane v48, v0;
	(xrf1) =	vsort.ascd.msk.f32 $0xffff, v3, v2  }
0x142: {  	v5, v33, _ =	vpop (xrf1);
	v3 =	vsel vm9, v51, v17;
	v2 =	vsel vm9, v52, v36;
	v47 =	vsel vm14, v13, v44  }
0x143: {  	v7, v34, _ =	vpop (xrf1);
	(xrf1) =	vsort.ascd.msk.f32 $0xffff, v50, v35;
	v49 =	vsel vm14, v29, v46;
	v50 =	vperm.xlane v32, v0  }
0x144: {  	vm15 =	vle.f32 v15, v48;
	v52 =	vperm.xlane v7, v0;
	(xrf1) =	vsort.ascd.msk.f32 $0xffff, v4, v1  }
0x145: {  	v6, v11, _ =	vpop (xrf1);
	v4 =	vsel vm10, v54, v12;
	v1 =	vsel vm10, v56, v20;
	v51 =	vsel vm15, v15, v48  }
0x146: {  	v17, v36, _ =	vpop (xrf1);
	v54 =	vperm.xlane v34, v0;
	(xrf1) =	vsort.ascd.msk.f32 $0xffff, v53, v55;
	v53 =	vsel vm15, v31, v50  }
0x147: {  	vm4 =	vle.f32 v5, v52;
	v56 =	vperm.xlane v17, v0;
	(xrf1) =	vsort.ascd.msk.f32 $0xffff, v3, v2  }
0x148: {  	v3 =	vsel vm11, v58, v14;
	v2 =	vsel vm11, v60, v21;
	v55 =	vsel vm4, v5, v52  }
0x149: {  	v18, v25, _ =	vpop (xrf1);
	(xrf1) =	vsort.ascd.msk.f32 $0xffff, v57, v59;
	v57 =	vsel vm4, v33, v54;
	v59 =	vperm.xlane v36, v0  }
0x14a: {  	v12, v20, _ =	vpop (xrf1);
	vm5 =	vle.f32 v6, v56;
	(xrf1) =	vsort.ascd.msk.f32 $0xffff, v4, v1;
	v4 =	vsel vm12, v62, v23  }
0x14b: {  	v8, v19, _ =	vpop (xrf1);
	v1 =	vsel vm12, v37, v24;
	v60 =	vsel vm5, v6, v56;
	v62 =	vperm.xlane v20, v0  }
0x14c: {  	v14, v21, _ =	vpop (xrf1);
	(xrf1) =	vsort.ascd.msk.f32 $0xffff, v61, v63;
	v36 =	vsel vm5, v11, v59;
	v61 =	vperm.xlane v12, v0  }
0x14d: {  	v22, v26, _ =	vpop (xrf1);
	(xrf1) =	vsort.ascd.msk.f32 $0xffff, v3, v2;
	v3 =	vsel vm13, v39, v9;
	v2 =	vsel vm13, v42, v28  }
0x14e: {  	v41, v24, _ =	vpop (xrf1);
	v22 =	vperm.xlane v22, v0;
	(xrf1) =	vsort.ascd.msk.f32 $0xffff, v38, v40;
	vm6 =	vle.f32 v18, v61  }
0x14f: {  	v63 =	vperm.xlane v41, v0;
	(xrf1) =	vsort.ascd.msk.f32 $0xffff, v4, v1;
	v4 =	vsel vm14, v44, v13  }
0x150: {  	v16, v27, _ =	vpop (xrf1);
	v1 =	vsel vm14, v46, v29;
	v40 =	vsel vm6, v18, v61;
	v41 =	vsel vm6, v25, v62  }
0x151: {  	v9, v28, _ =	vpop (xrf1);
	vm8 =	vle.f32 v14, v22;
	v46 =	vperm.xlane v26, v0;
	(xrf1) =	vsort.ascd.msk.f32 $0xffff, v43, v45  }
0x152: {  	vm7 =	vle.f32 v8, v63;
	v42 =	vsel vm8, v14, v22;
	v45 =	vperm.xlane v24, v0  }
0x153: {  	v10, v30, _ =	vpop (xrf1);
	(xrf1) =	vsort.ascd.msk.f32 $0xffff, v3, v2;
	v3 =	vsel vm15, v48, v15;
	v2 =	vsel vm15, v50, v31  }
0x154: {  	v13, v29, _ =	vpop (xrf1);
	v48 =	vsel vm8, v21, v46;
	v10 =	vperm.xlane v10, v0;
	(xrf1) =	vsort.ascd.msk.f32 $0xffff, v47, v49  }
0x155: {  	v47 =	vsel vm7, v19, v45;
	v13 =	vperm.xlane v13, v0;
	(xrf1) =	vsort.ascd.msk.f32 $0xffff, v4, v1  }
0x156: {  	v4 =	vsel vm4, v52, v5;
	v1 =	vsel vm4, v54, v33;
	v52 =	vperm.xlane v29, v0  }
0x157: {  	v7, v32, _ =	vpop (xrf1);
	vm11 =	vle.f32 v9, v10;
	(xrf1) =	vsort.ascd.msk.f32 $0xffff, v51, v53;
	v53 =	vperm.xlane v30, v0  }
0x158: {  	v15, v31, _ =	vpop (xrf1);
	vm10 =	vle.f32 v16, v13;
	v9 =	vsel vm11, v9, v10;
	(xrf1) =	vsort.ascd.msk.f32 $0xffff, v3, v2  }
0x159: {  	v17, v34, _ =	vpop (xrf1);
	v3 =	vsel vm5, v56, v6;
	v2 =	vsel vm5, v59, v11;
	v6 =	vsel vm6, v61, v18  }
0x15a: {  	v58, v33, _ =	vpop (xrf1);
	v13 =	vsel vm10, v16, v13;
	v17 =	vperm.xlane v17, v0;
	(xrf1) =	vsort.ascd.msk.f32 $0xffff, v55, v57  }
0x15b: {  	vm12 =	vle.f32 v13, v9;
	v5 =	vperm.xlane v58, v0;
	(xrf1) =	vsort.ascd.msk.f32 $0xffff, v4, v1  }
0x15c: {  	v1 =	vsel vm6, v62, v25;
	v56 =	vsel vm12, v13, v9;
	v9 =	vsel vm12, v9, v13  }
0x15d: {  	v4, v35, _ =	vpop (xrf1);
	vm14 =	vle.f32 v15, v17;
	v62 =	vperm.xlane v33, v0;
	(xrf1) =	vsort.ascd.msk.f32 $0xffff, v60, v36  }
0x15e: {  	v11, v12, _ =	vpop (xrf1);
	vm13 =	vle.f32 v7, v5;
	v59 =	vsel vm14, v15, v17;
	(xrf1) =	vsort.ascd.msk.f32 $0xffff, v3, v2  }
0x15f: {  	v2 =	vsel vm7, v8, v63;
	v58 =	vsel vm13, v7, v5;
	v63 =	vperm.xlane v34, v0  }
0x160: {  	v3, v20, _ =	vpop (xrf1);
	v22 =	vsel vm13, v32, v62;
	(xrf1) =	vsort.ascd.msk.f32 $0xffff, v40, v41;
	vm9 =	vle.f32 v2, v42  }
0x161: {  	v44, v43, _ =	vpop (xrf1);
	vm15 =	vle.f32 v58, v59;
	v3 =	vperm.xlane v3, v0;
	(xrf1) =	vsort.ascd.msk.f32 $0xffff, v6, v1  }
0x162: {  	v49 =	vsel vm9, v2, v42;
	v21 =	vsel vm9, v47, v48;
	v2 =	vsel vm9, v42, v2  }
0x163: {  	v1 =	vsel vm9, v48, v47;
	v23 =	vsel vm14, v31, v63;
	v14 =	vperm.xlane v44, v0  }
0x164: {  	v51, v50, _ =	vpop (xrf1);
	v24 =	vsel vm15, v58, v59;
	(xrf1) =	vsort.ascd.msk.f32 $0xffff, v49, v21;
	vm5 =	vle.f32 v11, v3  }
0x165: {  	v17 =	vsel vm15, v22, v23;
	vm4 =	vle.f32 v4, v14;
	v3 =	vsel vm5, v11, v3  }
0x166: {  	v4 =	vsel vm4, v4, v14;
	v19, v21, _ =	vpop (xrf1);
	(xrf1) =	vsort.ascd.msk.f32 $0xffff, v2, v1;
	v1 =	vsel vm10, v27, v52  }
0x167: {  	v2 =	vsel vm11, v28, v53;
	v27 =	vperm.xlane v43, v0;
	v28 =	vperm.xlane v20, v0  }
0x168: {  	vm6 =	vle.f32 v4, v3;
	v57 =	vsel vm12, v1, v2;
	v1 =	vsel vm12, v2, v1  }
0x169: {  	v55, v54, _ =	vpop (xrf1);
	v2 =	vsel vm15, v59, v58;
	v14 =	vsel vm6, v4, v3;
	(xrf1) =	vsort.ascd.msk.f32 $0xffff, v56, v57  }
0x16a: {  	v3 =	vsel vm6, v3, v4;
	v61, v60, _ =	vpop (xrf1);
	v10 =	vperm.xlane v55, v0;
	(xrf1) =	vsort.ascd.msk.f32 $0xffff, v9, v1  }
0x16b: {  	v1 =	vsel vm15, v23, v22;
	v25, v26, _ =	vpop (xrf1);
	v7 =	vperm.xlane v61, v0;
	(xrf1) =	vsort.ascd.msk.f32 $0xffff, v24, v17  }
0x16c: {  	v34 =	vperm.xlane v60, v0;
	v15, v17, _ =	vpop (xrf1);
	vm8 =	vle.f32 v19, v10;
	(xrf1) =	vsort.ascd.msk.f32 $0xffff, v2, v1  }
0x16d: {  	v1 =	vsel vm4, v35, v27;
	v2 =	vsel vm5, v12, v28;
	vm7 =	vle.f32 v51, v7  }
0x16e: {  	v33 =	vsel vm8, v19, v10;
	v35 =	vperm.xlane v54, v0;
	v31 =	vsel vm6, v1, v2  }
0x16f: {  	v29, v30, _ =	vpop (xrf1);
	v1 =	vsel vm6, v2, v1;
	v32 =	vsel vm7, v51, v7;
	v36 =	vsel vm7, v50, v34  }
0x170: {  	v11 =	vperm.xlane v29, v0;
	v45 =	vperm.xlane v30, v0;
	(xrf1) =	vsort.ascd.msk.f32 $0xffff, v14, v31  }
0x171: {  	vm9 =	vle.f32 v32, v33;
	v37 =	vsel vm8, v21, v35;
	v6, v7, _ =	vpop (xrf1);
	(xrf1) =	vsort.ascd.msk.f32 $0xffff, v3, v1  }
0x172: {  	v38 =	vsel vm9, v32, v33;
	v41 =	vsel vm9, v36, v37;
	v2 =	vsel vm9, v33, v32  }
0x173: {  	v1 =	vsel vm9, v37, v36;
	vm11 =	vle.f32 v15, v11;
	v39, v40, _ =	vpop (xrf1);
	v6 =	vperm.xlane v6, v0  }
0x174: {  	(xrf1) =	vsort.ascd.msk.f32 $0xffff, v38, v41;
	v42 =	vperm.xlane v7, v0;
	v46 =	vsel vm11, v15, v11;
	v43, v44, _ =	vpop (xrf1)  }
0x175: {  	v8 =	vsel vm11, v17, v45;
	(xrf1) =	vsort.ascd.msk.f32 $0xffff, v2, v1;
	vm10 =	vle.f32 v25, v6;
	v48, v47, _ =	vpop (xrf1)  }
0x176: {  	v5 =	vsel vm10, v25, v6;
	v1, v2, _ =	vpop (xrf1);
	v3 =	vsel vm10, v26, v42;
	v11 =	vperm.xlane v48, v0  }
0x177: {  	v12 =	vperm.xlane v47, v0;
	vm12 =	vle.f32 v5, v46;
	v1 =	vperm.xlane v1, v0  }
0x178: {  	v2 =	vperm.xlane v2, v0;
	v49 =	vsel vm12, v5, v46;
	v5 =	vsel vm12, v46, v5  }
0x179: {  	v51, v52, _ =	vpop (xrf1);
	v50 =	vsel vm12, v3, v8;
	v3 =	vsel vm12, v8, v3;
	vm14 =	vle.f32 v43, v11  }
0x17a: {  	v9, v14, _ =	vpop (xrf1);
	(xrf1) =	vsort.ascd.msk.f32 $0xffff, v49, v50;
	vm13 =	vle.f32 v39, v1;
	v4 =	vsel vm14, v43, v11  }
0x17b: {  	v53, v54, _ =	vpop (xrf1);
	v7 =	vsel vm14, v44, v12;
	v1 =	vsel vm13, v39, v1;
	(xrf1) =	vsort.ascd.msk.f32 $0xffff, v5, v3  }
0x17c: {  	v2 =	vsel vm13, v40, v2;
	v10 =	vperm.xlane v53, v0;
	vm15 =	vle.f32 v1, v4;
	v3, v5, _ =	vpop (xrf1)  }
0x17d: {  	v11 =	vperm.xlane v54, v0;
	v55 =	vsel vm15, v1, v4;
	v3 =	vperm.xlane v3, v0  }
0x17e: {  	v13 =	vsel vm15, v2, v7;
	v1 =	vsel vm15, v4, v1;
	v2 =	vsel vm15, v7, v2  }
0x17f: {  	vm5 =	vle.f32 v9, v10;
	v56 =	vperm.xlane v5, v0;
	vm4 =	vle.f32 v51, v3  }
0x180: {  	(xrf1) =	vsort.ascd.msk.f32 $0xffff, v55, v13;
	v58, v57, _ =	vpop (xrf1);
	v59 =	vsel vm5, v9, v10;
	v3 =	vsel vm4, v51, v3  }
0x181: {  	v60 =	vsel vm5, v14, v11;
	v9, v10, _ =	vpop (xrf1);
	v4 =	vsel vm4, v52, v56;
	vm6 =	vle.f32 v3, v59  }
0x182: {  	(xrf1) =	vsort.ascd.msk.f32 $0xffff, v1, v2;
	v1, v2, _ =	vpop (xrf1);
	v14 =	vsel vm6, v4, v60;
	v4 =	vsel vm6, v60, v4  }
0x183: {  	v12, v13, _ =	vpop (xrf1);
	v61 =	vsel vm6, v3, v59;
	v3 =	vsel vm6, v59, v3  }
0x184: {  	v1 =	vperm.xlane v1, v0;
	v62 =	vperm.xlane v12, v0  }
0x185: {  	v2 =	vperm.xlane v2, v0;
	(xrf1) =	vsort.ascd.msk.f32 $0xffff, v61, v14  }
0x186: {  	vm8 =	vle.f32 v9, v1;
	(xrf1) =	vsort.ascd.msk.f32 $0xffff, v3, v4;
	vm7 =	vle.f32 v58, v62;
	v3, v4, _ =	vpop (xrf1)  }
0x187: {  	v63 =	vperm.xlane v13, v0;
	v1 =	vsel vm8, v9, v1;
	v5 =	vsel vm7, v58, v62;
	v16, v17, _ =	vpop (xrf1)  }
0x188: {  	vm9 =	vle.f32 v5, v1;
	v18, v19, _ =	vpop (xrf1)  }
0x189: {  	v2 =	vsel vm8, v10, v2;
	v7 =	vsel vm7, v57, v63;
	v22 =	vsel vm9, v5, v1;
	v21, v20, _ =	vpop (xrf1)  }
0x18a: {  	v10 =	vsel vm9, v7, v2;
	v6 =	vperm.xlane v18, v0;
	v13 =	vperm.xlane v21, v0  }
0x18b: {  	v1 =	vsel vm9, v1, v5;
	v2 =	vsel vm9, v2, v7;
	v9 =	vperm.xlane v19, v0  }
0x18c: {  	v23, v24, _ =	vpop (xrf1);
	v25 =	vperm.xlane v20, v0;
	vm11 =	vle.f32 v16, v6;
	vm10 =	vle.f32 v3, v13  }
0x18d: {  	(xrf1) =	vsort.ascd.msk.f32 $0xffff, v22, v10;
	v26, v27, _ =	vpop (xrf1);
	v6 =	vsel vm11, v16, v6;
	v3 =	vsel vm10, v3, v13  }
0x18e: {  	v29, v28, _ =	vpop (xrf1);
	v30 =	vsel vm11, v17, v9;
	v4 =	vsel vm10, v4, v25;
	vm12 =	vle.f32 v3, v6  }
0x18f: {  	(xrf1) =	vsort.ascd.msk.f32 $0xffff, v1, v2;
	v1, v2, _ =	vpop (xrf1);
	v11 =	vperm.xlane v29, v0;
	v12 =	vsel vm12, v4, v30  }
0x190: {  	v13 =	vperm.xlane v28, v0;
	v1 =	vperm.xlane v1, v0  }
0x191: {  	v2 =	vperm.xlane v2, v0;
	v31 =	vsel vm12, v3, v6;
	v4 =	vsel vm12, v30, v4  }
0x192: {  	v32, v33, _ =	vpop (xrf1);
	v3 =	vsel vm12, v6, v3;
	vm14 =	vle.f32 v26, v11;
	vm13 =	vle.f32 v23, v1  }
0x193: {  	(xrf1) =	vsort.ascd.msk.f32 $0xffff, v31, v12;
	v34 =	vsel vm14, v26, v11;
	v1 =	vsel vm13, v23, v1;
	v9, v12, _ =	vpop (xrf1)  }
0x194: {  	v35 =	vsel vm14, v27, v13;
	vm15 =	vle.f32 v1, v34;
	v10, v11, _ =	vpop (xrf1)  }
0x195: {  	(xrf1) =	vsort.ascd.msk.f32 $0xffff, v3, v4;
	v2 =	vsel vm13, v24, v2;
	v36 =	vsel vm15, v1, v34;
	v3, v4, _ =	vpop (xrf1)  }
0x196: {  	v14 =	vsel vm15, v2, v35;
	v10 =	vperm.xlane v10, v0;
	v3 =	vperm.xlane v3, v0  }
0x197: {  	v1 =	vsel vm15, v34, v1;
	v2 =	vsel vm15, v35, v2;
	v37 =	vperm.xlane v11, v0  }
0x198: {  	v4 =	vperm.xlane v4, v0;
	vm5 =	vle.f32 v9, v10;
	vm4 =	vle.f32 v32, v3  }
0x199: {  	(xrf1) =	vsort.ascd.msk.f32 $0xffff, v36, v14;
	v38 =	vsel vm5, v9, v10;
	v3 =	vsel vm4, v32, v3  }
0x19a: {  	v5 =	vsel vm5, v12, v37;
	v4 =	vsel vm4, v33, v4;
	vm6 =	vle.f32 v3, v38  }
0x19b: {  	(xrf1) =	vsort.ascd.msk.f32 $0xffff, v1, v2;
	v39 =	vsel vm6, v3, v38;
	v40 =	vsel vm6, v4, v5  }
0x19c: {  	v3 =	vsel vm6, v38, v3;
	v4 =	vsel vm6, v5, v4;
	(xrf1) =	vsort.ascd.msk.f32 $0xffff, v39, v40  }
0x19d: {  	(xrf1) =	vsort.ascd.msk.f32 $0xffff, v3, v4;
	_ =	sdelay $0x4  }
0x19e: {  	v1, v2, _ =	vpop (xrf1)  }
0x19f: {  	v3, v4, _ =	vpop (xrf1)  }
0x1a0: {  	v42, v41, _ =	vpop (xrf1)  }
0x1a1: {  	v43, v44, _ =	vpop (xrf1)  }
0x1a2: {  	v5 =	vperm.xlane v42, v0;
	v7 =	vperm.xlane v43, v0;
	_ =	sdelay $0x1  }
0x1a3: {  	v6 =	vperm.xlane v41, v0;
	v9, v10, _ =	vpop (xrf1);
	vm8 =	vle.f32 v3, v5;
	vm7 =	vle.f32 v1, v7  }
0x1a4: {  	v8 =	vperm.xlane v44, v0;
	v45, v46, _ =	vpop (xrf1);
	v3 =	vsel vm8, v3, v5;
	v1 =	vsel vm7, v1, v7  }
0x1a5: {  	vm9 =	vle.f32 v1, v3;
	v48, v47, _ =	vpop (xrf1)  }
0x1a6: {  	v4 =	vsel vm8, v4, v6;
	v2 =	vsel vm7, v2, v8;
	v49 =	vsel vm9, v1, v3;
	v13, v14, _ =	vpop (xrf1)  }
0x1a7: {  	v8 =	vsel vm9, v2, v4;
	v5 =	vperm.xlane v48, v0;
	v13 =	vperm.xlane v13, v0  }
0x1a8: {  	v1 =	vsel vm9, v3, v1;
	v2 =	vsel vm9, v4, v2;
	v51 =	vperm.xlane v47, v0  }
0x1a9: {  	v50 =	vperm.xlane v14, v0;
	vm11 =	vle.f32 v45, v5;
	vm10 =	vle.f32 v9, v13  }
0x1aa: {  	(xrf1) =	vsort.ascd.msk.f32 $0xffff, v49, v8;
	v5 =	vsel vm11, v45, v5;
	v52 =	vsel vm10, v9, v13  }
0x1ab: {  	v6 =	vsel vm11, v46, v51;
	v3 =	vsel vm10, v10, v50;
	vm12 =	vle.f32 v52, v5  }
0x1ac: {  	(xrf1) =	vsort.ascd.msk.f32 $0xffff, v1, v2;
	v53 =	vsel vm12, v52, v5;
	v54 =	vsel vm12, v3, v6  }
0x1ad: {  	v4 =	vsel vm12, v5, v52;
	v3 =	vsel vm12, v6, v3;
	(xrf1) =	vsort.ascd.msk.f32 $0xffff, v53, v54  }
0x1ae: {  	(xrf1) =	vsort.ascd.msk.f32 $0xffff, v4, v3;
	_ =	sdelay $0xa  }
0x1af: {  	v1, v2, _ =	vpop (xrf1)  }
0x1b0: {  	v3, v4, _ =	vpop (xrf1)  }
0x1b1: {  	v55, v56, _ =	vpop (xrf1)  }
0x1b2: {  	v58, v57, _ =	vpop (xrf1)  }
0x1b3: {  	v5 =	vperm.xlane v55, v0;
	v7 =	vperm.xlane v58, v0  }
0x1b4: {  	v8 =	vperm.xlane v57, v0  }
0x1b5: {  	v0 =	vperm.xlane v56, v0;
	vm14 =	vle.f32 v3, v5;
	vm13 =	vle.f32 v1, v7  }
0x1b6: {  	v3 =	vsel vm14, v3, v5;
	v1 =	vsel vm13, v1, v7  }
0x1b7: {  	v0 =	vsel vm14, v4, v0;
	v2 =	vsel vm13, v2, v8;
	vm15 =	vle.f32 v1, v3  }
0x1b8: {  	v59 =	vsel vm15, v1, v3;
	v60 =	vsel vm15, v2, v0  }
0x1b9: {  	v1 =	vsel vm15, v3, v1;
	v0 =	vsel vm15, v0, v2;
	(xrf1) =	vsort.ascd.msk.f32 $0xffff, v59, v60  }
0x1ba: {  	(xrf1) =	vsort.ascd.msk.f32 $0xffff, v1, v0;
	_ =	sdelay $0xc  }
0x1bb: {  	_, v61, _ =	vpop (xrf1)  }
0x1bc: {  	s26 =	simm.s32 $0x20;
	s30 =	simm.s32 $0x3;
	vm0 =	vmxor vm15, vm15;
	[tilespmem:$0xA000] =	vst v61;
	_, v62, _ =	vpop (xrf1)  }
0x1bd: {  	s28 =	simm.s32 $0xA000;
	s0 =	rddreg [dreg:$0x3];
	s29 =	simm.s32 $0xA080;
	v63 =	vmctz.xlane vm0;
	[tilespmem:$0xA010] =	vst v62  }
0x1be: {  	[tilespmem:s29], [sflag:$0x3] =	stream.indirect.gather [hbm4b:s0+s26], $0x80, s28, s26, $0xb8;
	[tilespmem:$0xB280] =	vst v63  }
0x1bf: {  	v0 =	vxor.u32 $0x80000000, v63;
	_ =	swait.ge [sflag:s30], $0x1000  }
0x1c0: {  	(xrf0) =	vmax.scan.msk.u32 $0xffff, v0;
	_ =	sdelay $0x5  }
0x1c1: {  	v0, _, _ =	vpop (xrf0)  }
0x1c2: {  	(v2sf) =	vpush v0, $0xF;
	_ =	sdelay $0xd  }
0x1c3: {  	[sflag:s30] =	ssyncset.done $0x0  }
0x1c4: {  	[sflag:s30] =	ssyncadd.s32 $0xFFFFF000;
	s31 =	spop (v2sf)  }
.LBB2_6:
.Ltmp4:
0x1c5: {  	(pc) =	sbr.rel .LBB2_6-.Ltmp4, $1  }
0x1c6: {  	_ =	sdelay $0x3  }
.Lfunc_end2:
_tile_overlayer_lowered:
.L_overlay_start_2:
0x1c7: {  	(tag) =	ssettag $0x2  }
0x1c8: {  	s0 =	rddreg [dreg:$0x0];
	s2 =	stileid.u32  }
0x1c9: {  	s1 =	rddreg [dreg:$0x1];
	p0 =	sne.s32 s2, $0x0  }
0x1ca: {  	s3 =	rddreg [dreg:$0x2];
	[bflag:$0x3] =	sbarrier.arrive $0xFFFF;
	s2 =	simm.s32 @!p0 $0x1C04  }
0x1cb: {  	[timem:s3], [sflag:s2] =	dma.local @!p0 [hbm:s0], s1  }
0x1cc: {  	s0 =	simm.s32 @!p0 $0x4  }
0x1cd: {  	_ =	swait.ge @!p0 [sflag:s0], s1  }
0x1ce: {  	s1 =	ssub.s32 @!p0 $0x0, s1;
	[sflag:s0] =	ssyncset.done @!p0 $0x0  }
0x1cf: {  	[sflag:s0] =	ssyncadd.s32 @!p0 s1  }
0x1d0: {  	[bflag:$0x3] =	sbarrier.arrive $0xFFFF  }
0x1d1: {  	_ =	shalt  }

</sc_bundles>
